<compile_context>
chip_gen: v7x
topology: tpu7x:2x2x1
jax: 0.10.2.dev20260603
libtpu: 0.0.44.dev20260713+nightly
codegen_flags: <defaults>
</compile_context>

<pallas_src>
import functools

import jax
import jax.numpy as jnp
from jax import lax
from jax.experimental import pallas as pl
from jax.experimental.pallas import tpu as pltpu
from jax.experimental.pallas import tpu_sc as plsc

VOCAB_SIZE = 100000
EMB = 16
BATCH = 1024
CTX_LEN = 20

_NC = 2
_NS = 16
_NW = _NC * _NS
_ROWS_PER_W = BATCH // _NW
_NBATCHBLK = _ROWS_PER_W // 16
_IDX_PER_W = _ROWS_PER_W * CTX_LEN
_CHUNK = 128
_NCHUNK = _IDX_PER_W // _CHUNK

_VBLK = 4096
_NBLK = -(-VOCAB_SIZE // _VBLK)


def _sc_gather_pool(ctx_flat, targets, tab_flat, w_flat):
    mesh = plsc.VectorSubcoreMesh(core_axis_name="c", subcore_axis_name="s")

    @functools.partial(
        pl.kernel,
        mesh=mesh,
        out_type=(
            jax.ShapeDtypeStruct((_NW, EMB, _ROWS_PER_W), jnp.float32),
            jax.ShapeDtypeStruct((_NW, EMB, _ROWS_PER_W), jnp.float32),
        ),
        scratch_types=[
            pltpu.VMEM((_IDX_PER_W,), jnp.int32),
            pltpu.VMEM((_ROWS_PER_W,), jnp.int32),
            pltpu.VMEM((EMB, _IDX_PER_W), jnp.float32),
            pltpu.VMEM((EMB, _ROWS_PER_W), jnp.float32),
            pltpu.VMEM((EMB, _ROWS_PER_W), jnp.float32),
            pltpu.SemaphoreType.DMA,
        ],
        compiler_params=pltpu.CompilerParams(needs_layout_passes=False,
                                             disable_bounds_checks=True),
    )
    def k(ctx_hbm, tgt_hbm, tab_hbm, w_hbm,
          hid_out, trow_out,
          idx_v, tidx_v, ev_v, tev_v, hid_v, sem):
        wid = lax.axis_index("s") * _NC + lax.axis_index("c")
        ibase = wid * _IDX_PER_W
        rbase = wid * _ROWS_PER_W
        lane = lax.iota(jnp.int32, 16)

        pltpu.sync_copy(ctx_hbm.at[pl.ds(ibase, _IDX_PER_W)], idx_v)
        pltpu.sync_copy(tgt_hbm.at[pl.ds(rbase, _ROWS_PER_W)], tidx_v)

        copies = []
        for e in range(EMB):
            tab_e = tab_hbm.at[pl.ds(e * VOCAB_SIZE, VOCAB_SIZE)]
            w_e = w_hbm.at[pl.ds(e * VOCAB_SIZE, VOCAB_SIZE)]
            for c in range(_NCHUNK):
                copies.append(pltpu.async_copy(
                    tab_e.at[idx_v.at[pl.ds(c * _CHUNK, _CHUNK)]],
                    ev_v.at[e, pl.ds(c * _CHUNK, _CHUNK)], sem))
            copies.append(pltpu.async_copy(
                w_e.at[tidx_v], tev_v.at[e], sem))
        for cp in copies:
            cp.wait()

        def pool_body(i, carry):
            blk = i & 1
            e = lax.shift_right_logical(i, 1)
            pos0 = lane * CTX_LEN + blk * (16 * CTX_LEN)
            e_vec = lane * 0 + e
            acc = plsc.load_gather(ev_v, [e_vec, pos0])
            for l in range(1, CTX_LEN):
                acc = acc + plsc.load_gather(ev_v, [e_vec, pos0 + l])
            plsc.store_scatter(hid_v, [e_vec, blk * 16 + lane], acc)
            return carry

        lax.fori_loop(0, _NBATCHBLK * EMB, pool_body, 0)

        pltpu.sync_copy(hid_v, hid_out.at[wid])
        pltpu.sync_copy(tev_v, trow_out.at[wid])

    return k(ctx_flat, targets, tab_flat, w_flat)


_LOG2E = 1.4426950408889634


def _tc_loss_body(ht_ref, trow_ref, w_ref, out_ref, hb2_ref, s_ref):
    k = pl.program_id(0)

    @pl.when(k == 0)
    def _init():
        hb2_ref[...] = (ht_ref[...] * _LOG2E).astype(jnp.bfloat16)
        s_ref[...] = jnp.zeros((1, BATCH), jnp.float32)

    s2 = lax.dot_general(
        w_ref[...].astype(jnp.bfloat16), hb2_ref[...],
        dimension_numbers=(((0,), (0,)), ((), ())),
        preferred_element_type=jnp.float32)

    @pl.when(k < _NBLK - 1)
    def _full():
        s_ref[...] += jnp.sum(jnp.exp2(s2), axis=0, keepdims=True)

    @pl.when(k == _NBLK - 1)
    def _tail():
        row = (lax.broadcasted_iota(jnp.int32, (_VBLK, BATCH), 0) + k * _VBLK)
        s_ref[...] += jnp.sum(jnp.exp2(jnp.where(row < VOCAB_SIZE, s2, -1e30)),
                              axis=0, keepdims=True)
        lse = jnp.log(s_ref[...])
        tgt = jnp.sum(ht_ref[...] * trow_ref[...], axis=0, keepdims=True)
        out_ref[0, 0] = jnp.sum(lse - tgt) * (1.0 / BATCH)


def _tc_loss(hidden_t, tgt_rows_t, out_weight):
    return pl.pallas_call(
        _tc_loss_body,
        grid=(_NBLK,),
        in_specs=[
            pl.BlockSpec((EMB, BATCH), lambda k: (0, 0)),
            pl.BlockSpec((EMB, BATCH), lambda k: (0, 0)),
            pl.BlockSpec((EMB, _VBLK), lambda k: (0, k)),
        ],
        out_specs=pl.BlockSpec((1, 1), lambda k: (0, 0),
                               memory_space=pltpu.SMEM),
        out_shape=jax.ShapeDtypeStruct((1, 1), jnp.float32),
        scratch_shapes=[
            pltpu.VMEM((EMB, BATCH), jnp.bfloat16),
            pltpu.VMEM((1, BATCH), jnp.float32),
        ],
        compiler_params=pltpu.CompilerParams(
            dimension_semantics=("arbitrary",)),
    )(hidden_t, tgt_rows_t, out_weight)


def kernel(contexts, targets, in_table, out_weight):
    ctx_flat = contexts.reshape(-1)
    tab_flat = in_table.T.reshape(-1)
    w_t = out_weight.T
    w_flat = w_t.reshape(-1)
    hid_blocks, trow_blocks = _sc_gather_pool(ctx_flat, targets,
                                              tab_flat, w_flat)
    hidden_t = hid_blocks.transpose(1, 0, 2).reshape(EMB, BATCH)
    tgt_rows_t = trow_blocks.transpose(1, 0, 2).reshape(EMB, BATCH)
    loss = _tc_loss(hidden_t, tgt_rows_t, w_t)
    return loss[0, 0]

# --- scband reference (transcript-rebuilt; emitter-appended) ---
"""Pipeline reference for scband-embedding-model-15504831939246 (READ-ONLY COPY).

The authoritative reference and input builder live on the scoring server;
editing this copy changes nothing except your own understanding.
"""

import jax, jax.numpy as jnp
import numpy as np

VOCAB = 100000
EMBED = 16
PAD_ID = 0


def setup_inputs(seed: int = 0) -> dict:
    key = jax.random.key(seed)
    k1, k2, k3, k4 = jax.random.split(key, 4)
    contexts = jax.random.randint(k1, (1024, 20), 0, VOCAB, dtype=jnp.int32)
    targets = jax.random.randint(k2, (1024,), 0, VOCAB, dtype=jnp.int32)
    # torch.nn.Embedding default init: N(0,1); padding row zeroed at init
    in_table = jax.random.normal(k3, (VOCAB, EMBED), dtype=jnp.float32)
    in_table = in_table.at[PAD_ID].set(0.0)
    # torch.nn.Linear(embed_size, vocab_size, bias=False): weight shape [vocab, embed],
    # kaiming-uniform init ~ U(-1/sqrt(embed), 1/sqrt(embed))
    bound = 1.0 / np.sqrt(EMBED)
    out_weight = jax.random.uniform(k4, (VOCAB, EMBED), dtype=jnp.float32, minval=-bound, maxval=bound)
    return {"contexts": contexts, "targets": targets, "in_table": in_table, "out_weight": out_weight}


def reference(contexts, targets, in_table, out_weight):
    # Embedding lookup with padding_idx semantics (padding rows contribute zero)
    pad_mask = (contexts != PAD_ID).astype(in_table.dtype)[..., None]  # [B, L, 1]
    ctx_emb = jnp.take(in_table, contexts, axis=0) * pad_mask          # [B, L, E]
    hidden = jnp.sum(ctx_emb, axis=1)                                  # [B, E]
    score = hidden @ out_weight.T                                      # [B, V]
    # CrossEntropyLoss(reduction='mean')
    lse = jax.nn.logsumexp(score, axis=-1)                             # [B]
    tgt_score = jnp.take_along_axis(score, targets[:, None].astype(jnp.int32), axis=1)[:, 0]
    loss = jnp.mean(lse - tgt_score)
    return loss

if __name__ == "__main__":
    import jax
    _d = setup_inputs()
    print(jax.jit(kernel)(*tuple(_d.values())))

</pallas_src>

<mosaic_0001>
#map = affine_map<(d0, d1) -> (0)>
#map1 = affine_map<(d0, d1) -> (0, 0, 0)>
module attributes {stable_mosaic.version = 14 : i64} {
  func.func @k(%arg0: i32, %arg1: i32, %arg2: memref<20480xi32, #tpu.memory_space<hbm>>, %arg3: memref<1024xi32, #tpu.memory_space<hbm>>, %arg4: memref<1600000xf32, #tpu.memory_space<hbm>>, %arg5: memref<1600000xf32, #tpu.memory_space<hbm>>, %arg6: memref<32x16x32xf32, #tpu.memory_space<hbm>>, %arg7: memref<32x16x32xf32, #tpu.memory_space<hbm>>, %arg8: memref<640xi32, #tpu.memory_space<vmem>>, %arg9: memref<32xi32, #tpu.memory_space<vmem>>, %arg10: memref<16x640xf32, #tpu.memory_space<vmem>>, %arg11: memref<16x32xf32, #tpu.memory_space<vmem>>, %arg12: memref<16x32xf32, #tpu.memory_space<vmem>>, %arg13: memref<!tpu.dma_semaphore, #tpu.memory_space<semaphore_mem>>) attributes {dimension_semantics = [#tpu.dimension_semantics<core_parallel>, #tpu.dimension_semantics<subcore_parallel>], iteration_bounds = array<i64: 2, 16>, scalar_prefetch = 0 : i64, scratch_operands = 6 : i64, tpu.core_type = #tpu.core_type<sc_vector_subcore>, window_params = [{transform_indices = #map}, {transform_indices = #map}, {transform_indices = #map}, {transform_indices = #map}, {transform_indices = #map1}, {transform_indices = #map1}]} {
    %mul3A = arith.constant 2 : i32
    %mul3A_0 = arith.muli %arg1, %mul3A : i32
    %add3A = arith.addi %mul3A_0, %arg0 : i32
    %mul3A_1 = arith.constant 640 : i32
    %mul3A_2 = arith.muli %add3A, %mul3A_1 : i32
    %mul3A_3 = arith.constant 32 : i32
    %mul3A_4 = arith.muli %add3A, %mul3A_3 : i32
    %iota3A = tpu.iota {dimensions = array<i32: 0>} : vector<16xi32>
    "tpu.region"() ({
      %run_scoped3A = tpu.sem_alloc : memref<!tpu.dma_semaphore, #tpu.memory_space<semaphore_mem>>
      %dma_start3A_1864 = tpu.memref_slice %arg2[%mul3A_2] : memref<20480xi32, #tpu.memory_space<hbm>> -> memref<640xi32, #tpu.memory_space<hbm>>
      %dma_start3A_1865 = tpu.memref_slice %arg2[%mul3A_2] : memref<20480xi32, #tpu.memory_space<hbm>> -> memref<640xi32, #tpu.memory_space<hbm>>
      tpu.enqueue_dma source(%dma_start3A_1865 : memref<640xi32, #tpu.memory_space<hbm>>) target(%arg8 : memref<640xi32, #tpu.memory_space<vmem>>) target_semaphore(%run_scoped3A : memref<!tpu.dma_semaphore, #tpu.memory_space<semaphore_mem>>)
      %dma_wait3A_1866 = tpu.memref_slice %arg2[%mul3A_2] : memref<20480xi32, #tpu.memory_space<hbm>> -> memref<640xi32, #tpu.memory_space<hbm>>
      %dma_wait3A_1867 = tpu.memref_slice %arg2[%mul3A_2] : memref<20480xi32, #tpu.memory_space<hbm>> -> memref<640xi32, #tpu.memory_space<hbm>>
      tpu.wait_dma2 semaphore(%run_scoped3A : memref<!tpu.dma_semaphore, #tpu.memory_space<semaphore_mem>>) src(%dma_wait3A_1867 : memref<640xi32, #tpu.memory_space<hbm>>) dst(%arg8 : memref<640xi32, #tpu.memory_space<vmem>>)
      tpu.yield
    }) : () -> ()
    "tpu.region"() ({
      %run_scoped3A = tpu.sem_alloc : memref<!tpu.dma_semaphore, #tpu.memory_space<semaphore_mem>>
      %dma_start3A_1864 = tpu.memref_slice %arg3[%mul3A_4] : memref<1024xi32, #tpu.memory_space<hbm>> -> memref<32xi32, #tpu.memory_space<hbm>>
      %dma_start3A_1865 = tpu.memref_slice %arg3[%mul3A_4] : memref<1024xi32, #tpu.memory_space<hbm>> -> memref<32xi32, #tpu.memory_space<hbm>>
      tpu.enqueue_dma source(%dma_start3A_1865 : memref<32xi32, #tpu.memory_space<hbm>>) target(%arg9 : memref<32xi32, #tpu.memory_space<vmem>>) target_semaphore(%run_scoped3A : memref<!tpu.dma_semaphore, #tpu.memory_space<semaphore_mem>>)
      %dma_wait3A_1866 = tpu.memref_slice %arg3[%mul3A_4] : memref<1024xi32, #tpu.memory_space<hbm>> -> memref<32xi32, #tpu.memory_space<hbm>>
      %dma_wait3A_1867 = tpu.memref_slice %arg3[%mul3A_4] : memref<1024xi32, #tpu.memory_space<hbm>> -> memref<32xi32, #tpu.memory_space<hbm>>
      tpu.wait_dma2 semaphore(%run_scoped3A : memref<!tpu.dma_semaphore, #tpu.memory_space<semaphore_mem>>) src(%dma_wait3A_1867 : memref<32xi32, #tpu.memory_space<hbm>>) dst(%arg9 : memref<32xi32, #tpu.memory_space<vmem>>)
      tpu.yield
    }) : () -> ()
    %dma_start3A = arith.constant 0 : i32
    %dma_start3A_5 = arith.constant 0 : i32
    %dma_start3A_6 = tpu.memref_slice %arg10[%dma_start3A, %dma_start3A_5] : memref<16x640xf32, #tpu.memory_space<vmem>> -> memref<1x128xf32, #tpu.memory_space<vmem>>
    %dma_start3A_7 = tpu.memref_squeeze %dma_start3A_6 : memref<1x128xf32, #tpu.memory_space<vmem>> -> memref<128xf32, #tpu.memory_space<vmem>>
    %dma_start3A_8 = arith.constant 0 : i32
    %dma_start3A_9 = tpu.memref_slice %arg8[%dma_start3A_8] : memref<640xi32, #tpu.memory_space<vmem>> -> memref<128xi32, #tpu.memory_space<vmem>>
    %dma_start3A_10 = arith.constant 0 : i32
    %dma_start3A_11 = tpu.memref_slice %arg4[%dma_start3A_10] : memref<1600000xf32, #tpu.memory_space<hbm>> -> memref<100000xf32, #tpu.memory_space<hbm>>
    %dma_start3A_12 = arith.constant 0 : i32
    %dma_start3A_13 = tpu.memref_slice %dma_start3A_11[%dma_start3A_12] : memref<100000xf32, #tpu.memory_space<hbm>> -> memref<100000xf32, #tpu.memory_space<hbm>>
    tpu.enqueue_indirect_dma source(%dma_start3A_13 : memref<100000xf32, #tpu.memory_space<hbm>>) target(%dma_start3A_7 : memref<128xf32, #tpu.memory_space<vmem>>) offsets(%dma_start3A_9 : memref<128xi32, #tpu.memory_space<vmem>>) semaphore(%arg13 : memref<!tpu.dma_semaphore, #tpu.memory_space<semaphore_mem>>)
    %dma_start3A_14 = arith.constant 0 : i32
    %dma_start3A_15 = arith.constant 128 : i32
    %dma_start3A_16 = tpu.memref_slice %arg10[%dma_start3A_14, %dma_start3A_15] : memref<16x640xf32, #tpu.memory_space<vmem>> -> memref<1x128xf32, #tpu.memory_space<vmem>>
    %dma_start3A_17 = tpu.memref_squeeze %dma_start3A_16 : memref<1x128xf32, #tpu.memory_space<vmem>> -> memref<128xf32, #tpu.memory_space<vmem>>
    %dma_start3A_18 = arith.constant 128 : i32
    %dma_start3A_19 = tpu.memref_slice %arg8[%dma_start3A_18] : memref<640xi32, #tpu.memory_space<vmem>> -> memref<128xi32, #tpu.memory_space<vmem>>
    %dma_start3A_20 = arith.constant 0 : i32
    %dma_start3A_21 = tpu.memref_slice %arg4[%dma_start3A_20] : memref<1600000xf32, #tpu.memory_space<hbm>> -> memref<100000xf32, #tpu.memory_space<hbm>>
    %dma_start3A_22 = arith.constant 0 : i32
    %dma_start3A_23 = tpu.memref_slice %dma_start3A_21[%dma_start3A_22] : memref<100000xf32, #tpu.memory_space<hbm>> -> memref<100000xf32, #tpu.memory_space<hbm>>
    tpu.enqueue_indirect_dma source(%dma_start3A_23 : memref<100000xf32, #tpu.memory_space<hbm>>) target(%dma_start3A_17 : memref<128xf32, #tpu.memory_space<vmem>>) offsets(%dma_start3A_19 : memref<128xi32, #tpu.memory_space<vmem>>) semaphore(%arg13 : memref<!tpu.dma_semaphore, #tpu.memory_space<semaphore_mem>>)
    %dma_start3A_24 = arith.constant 0 : i32
    %dma_start3A_25 = arith.constant 256 : i32
    %dma_start3A_26 = tpu.memref_slice %arg10[%dma_start3A_24, %dma_start3A_25] : memref<16x640xf32, #tpu.memory_space<vmem>> -> memref<1x128xf32, #tpu.memory_space<vmem>>
    %dma_start3A_27 = tpu.memref_squeeze %dma_start3A_26 : memref<1x128xf32, #tpu.memory_space<vmem>> -> memref<128xf32, #tpu.memory_space<vmem>>
    %dma_start3A_28 = arith.constant 256 : i32
    %dma_start3A_29 = tpu.memref_slice %arg8[%dma_start3A_28] : memref<640xi32, #tpu.memory_space<vmem>> -> memref<128xi32, #tpu.memory_space<vmem>>
    %dma_start3A_30 = arith.constant 0 : i32
    %dma_start3A_31 = tpu.memref_slice %arg4[%dma_start3A_30] : memref<1600000xf32, #tpu.memory_space<hbm>> -> memref<100000xf32, #tpu.memory_space<hbm>>
    %dma_start3A_32 = arith.constant 0 : i32
    %dma_start3A_33 = tpu.memref_slice %dma_start3A_31[%dma_start3A_32] : memref<100000xf32, #tpu.memory_space<hbm>> -> memref<100000xf32, #tpu.memory_space<hbm>>
    tpu.enqueue_indirect_dma source(%dma_start3A_33 : memref<100000xf32, #tpu.memory_space<hbm>>) target(%dma_start3A_27 : memref<128xf32, #tpu.memory_space<vmem>>) offsets(%dma_start3A_29 : memref<128xi32, #tpu.memory_space<vmem>>) semaphore(%arg13 : memref<!tpu.dma_semaphore, #tpu.memory_space<semaphore_mem>>)
    %dma_start3A_34 = arith.constant 0 : i32
    %dma_start3A_35 = arith.constant 384 : i32
    %dma_start3A_36 = tpu.memref_slice %arg10[%dma_start3A_34, %dma_start3A_35] : memref<16x640xf32, #tpu.memory_space<vmem>> -> memref<1x128xf32, #tpu.memory_space<vmem>>
    %dma_start3A_37 = tpu.memref_squeeze %dma_start3A_36 : memref<1x128xf32, #tpu.memory_space<vmem>> -> memref<128xf32, #tpu.memory_space<vmem>>
    %dma_start3A_38 = arith.constant 384 : i32
    %dma_start3A_39 = tpu.memref_slice %arg8[%dma_start3A_38] : memref<640xi32, #tpu.memory_space<vmem>> -> memref<128xi32, #tpu.memory_space<vmem>>
    %dma_start3A_40 = arith.constant 0 : i32
    %dma_start3A_41 = tpu.memref_slice %arg4[%dma_start3A_40] : memref<1600000xf32, #tpu.memory_space<hbm>> -> memref<100000xf32, #tpu.memory_space<hbm>>
    %dma_start3A_42 = arith.constant 0 : i32
    %dma_start3A_43 = tpu.memref_slice %dma_start3A_41[%dma_start3A_42] : memref<100000xf32, #tpu.memory_space<hbm>> -> memref<100000xf32, #tpu.memory_space<hbm>>
    tpu.enqueue_indirect_dma source(%dma_start3A_43 : memref<100000xf32, #tpu.memory_space<hbm>>) target(%dma_start3A_37 : memref<128xf32, #tpu.memory_space<vmem>>) offsets(%dma_start3A_39 : memref<128xi32, #tpu.memory_space<vmem>>) semaphore(%arg13 : memref<!tpu.dma_semaphore, #tpu.memory_space<semaphore_mem>>)
    %dma_start3A_44 = arith.constant 0 : i32
    %dma_start3A_45 = arith.constant 512 : i32
    %dma_start3A_46 = tpu.memref_slice %arg10[%dma_start3A_44, %dma_start3A_45] : memref<16x640xf32, #tpu.memory_space<vmem>> -> memref<1x128xf32, #tpu.memory_space<vmem>>
    %dma_start3A_47 = tpu.memref_squeeze %dma_start3A_46 : memref<1x128xf32, #tpu.memory_space<vmem>> -> memref<128xf32, #tpu.memory_space<vmem>>
    %dma_start3A_48 = arith.constant 512 : i32
    %dma_start3A_49 = tpu.memref_slice %arg8[%dma_start3A_48] : memref<640xi32, #tpu.memory_space<vmem>> -> memref<128xi32, #tpu.memory_space<vmem>>
    %dma_start3A_50 = arith.constant 0 : i32
    %dma_start3A_51 = tpu.memref_slice %arg4[%dma_start3A_50] : memref<1600000xf32, #tpu.memory_space<hbm>> -> memref<100000xf32, #tpu.memory_space<hbm>>
    %dma_start3A_52 = arith.constant 0 : i32
    %dma_start3A_53 = tpu.memref_slice %dma_start3A_51[%dma_start3A_52] : memref<100000xf32, #tpu.memory_space<hbm>> -> memref<100000xf32, #tpu.memory_space<hbm>>
    tpu.enqueue_indirect_dma source(%dma_start3A_53 : memref<100000xf32, #tpu.memory_space<hbm>>) target(%dma_start3A_47 : memref<128xf32, #tpu.memory_space<vmem>>) offsets(%dma_start3A_49 : memref<128xi32, #tpu.memory_space<vmem>>) semaphore(%arg13 : memref<!tpu.dma_semaphore, #tpu.memory_space<semaphore_mem>>)
    %dma_start3A_54 = arith.constant 0 : i32
    %dma_start3A_55 = arith.constant 0 : i32
    %dma_start3A_56 = tpu.memref_slice %arg11[%dma_start3A_54, %dma_start3A_55] : memref<16x32xf32, #tpu.memory_space<vmem>> -> memref<1x32xf32, #tpu.memory_space<vmem>>
    %dma_start3A_57 = tpu.memref_squeeze %dma_start3A_56 : memref<1x32xf32, #tpu.memory_space<vmem>> -> memref<32xf32, #tpu.memory_space<vmem>>
    %dma_start3A_58 = arith.constant 0 : i32
    %dma_start3A_59 = tpu.memref_slice %arg5[%dma_start3A_58] : memref<1600000xf32, #tpu.memory_space<hbm>> -> memref<100000xf32, #tpu.memory_space<hbm>>
    %dma_start3A_60 = arith.constant 0 : i32
    %dma_start3A_61 = tpu.memref_slice %dma_start3A_59[%dma_start3A_60] : memref<100000xf32, #tpu.memory_space<hbm>> -> memref<100000xf32, #tpu.memory_space<hbm>>
    tpu.enqueue_indirect_dma source(%dma_start3A_61 : memref<100000xf32, #tpu.memory_space<hbm>>) target(%dma_start3A_57 : memref<32xf32, #tpu.memory_space<vmem>>) offsets(%arg9 : memref<32xi32, #tpu.memory_space<vmem>>) semaphore(%arg13 : memref<!tpu.dma_semaphore, #tpu.memory_space<semaphore_mem>>)
    %dma_start3A_62 = arith.constant 1 : i32
    %dma_start3A_63 = arith.constant 0 : i32
    %dma_start3A_64 = tpu.memref_slice %arg10[%dma_start3A_62, %dma_start3A_63] : memref<16x640xf32, #tpu.memory_space<vmem>> -> memref<1x128xf32, #tpu.memory_space<vmem>>
    %dma_start3A_65 = tpu.memref_squeeze %dma_start3A_64 : memref<1x128xf32, #tpu.memory_space<vmem>> -> memref<128xf32, #tpu.memory_space<vmem>>
    %dma_start3A_66 = arith.constant 0 : i32
    %dma_start3A_67 = tpu.memref_slice %arg8[%dma_start3A_66] : memref<640xi32, #tpu.memory_space<vmem>> -> memref<128xi32, #tpu.memory_space<vmem>>
    %dma_start3A_68 = arith.constant 100000 : i32
    %dma_start3A_69 = tpu.memref_slice %arg4[%dma_start3A_68] : memref<1600000xf32, #tpu.memory_space<hbm>> -> memref<100000xf32, #tpu.memory_space<hbm>>
    %dma_start3A_70 = arith.constant 0 : i32
    %dma_start3A_71 = tpu.memref_slice %dma_start3A_69[%dma_start3A_70] : memref<100000xf32, #tpu.memory_space<hbm>> -> memref<100000xf32, #tpu.memory_space<hbm>>
    tpu.enqueue_indirect_dma source(%dma_start3A_71 : memref<100000xf32, #tpu.memory_space<hbm>>) target(%dma_start3A_65 : memref<128xf32, #tpu.memory_space<vmem>>) offsets(%dma_start3A_67 : memref<128xi32, #tpu.memory_space<vmem>>) semaphore(%arg13 : memref<!tpu.dma_semaphore, #tpu.memory_space<semaphore_mem>>)
    %dma_start3A_72 = arith.constant 1 : i32
    %dma_start3A_73 = arith.constant 128 : i32
    %dma_start3A_74 = tpu.memref_slice %arg10[%dma_start3A_72, %dma_start3A_73] : memref<16x640xf32, #tpu.memory_space<vmem>> -> memref<1x128xf32, #tpu.memory_space<vmem>>
    %dma_start3A_75 = tpu.memref_squeeze %dma_start3A_74 : memref<1x128xf32, #tpu.memory_space<vmem>> -> memref<128xf32, #tpu.memory_space<vmem>>
    %dma_start3A_76 = arith.constant 128 : i32
    %dma_start3A_77 = tpu.memref_slice %arg8[%dma_start3A_76] : memref<640xi32, #tpu.memory_space<vmem>> -> memref<128xi32, #tpu.memory_space<vmem>>
    %dma_start3A_78 = arith.constant 100000 : i32
    %dma_start3A_79 = tpu.memref_slice %arg4[%dma_start3A_78] : memref<1600000xf32, #tpu.memory_space<hbm>> -> memref<100000xf32, #tpu.memory_space<hbm>>
    %dma_start3A_80 = arith.constant 0 : i32
    %dma_start3A_81 = tpu.memref_slice %dma_start3A_79[%dma_start3A_80] : memref<100000xf32, #tpu.memory_space<hbm>> -> memref<100000xf32, #tpu.memory_space<hbm>>
    tpu.enqueue_indirect_dma source(%dma_start3A_81 : memref<100000xf32, #tpu.memory_space<hbm>>) target(%dma_start3A_75 : memref<128xf32, #tpu.memory_space<vmem>>) offsets(%dma_start3A_77 : memref<128xi32, #tpu.memory_space<vmem>>) semaphore(%arg13 : memref<!tpu.dma_semaphore, #tpu.memory_space<semaphore_mem>>)
    %dma_start3A_82 = arith.constant 1 : i32
    %dma_start3A_83 = arith.constant 256 : i32
    %dma_start3A_84 = tpu.memref_slice %arg10[%dma_start3A_82, %dma_start3A_83] : memref<16x640xf32, #tpu.memory_space<vmem>> -> memref<1x128xf32, #tpu.memory_space<vmem>>
    %dma_start3A_85 = tpu.memref_squeeze %dma_start3A_84 : memref<1x128xf32, #tpu.memory_space<vmem>> -> memref<128xf32, #tpu.memory_space<vmem>>
    %dma_start3A_86 = arith.constant 256 : i32
    %dma_start3A_87 = tpu.memref_slice %arg8[%dma_start3A_86] : memref<640xi32, #tpu.memory_space<vmem>> -> memref<128xi32, #tpu.memory_space<vmem>>
    %dma_start3A_88 = arith.constant 100000 : i32
    %dma_start3A_89 = tpu.memref_slice %arg4[%dma_start3A_88] : memref<1600000xf32, #tpu.memory_space<hbm>> -> memref<100000xf32, #tpu.memory_space<hbm>>
    %dma_start3A_90 = arith.constant 0 : i32
    %dma_start3A_91 = tpu.memref_slice %dma_start3A_89[%dma_start3A_90] : memref<100000xf32, #tpu.memory_space<hbm>> -> memref<100000xf32, #tpu.memory_space<hbm>>
    tpu.enqueue_indirect_dma source(%dma_start3A_91 : memref<100000xf32, #tpu.memory_space<hbm>>) target(%dma_start3A_85 : memref<128xf32, #tpu.memory_space<vmem>>) offsets(%dma_start3A_87 : memref<128xi32, #tpu.memory_space<vmem>>) semaphore(%arg13 : memref<!tpu.dma_semaphore, #tpu.memory_space<semaphore_mem>>)
    %dma_start3A_92 = arith.constant 1 : i32
    %dma_start3A_93 = arith.constant 384 : i32
    %dma_start3A_94 = tpu.memref_slice %arg10[%dma_start3A_92, %dma_start3A_93] : memref<16x640xf32, #tpu.memory_space<vmem>> -> memref<1x128xf32, #tpu.memory_space<vmem>>
    %dma_start3A_95 = tpu.memref_squeeze %dma_start3A_94 : memref<1x128xf32, #tpu.memory_space<vmem>> -> memref<128xf32, #tpu.memory_space<vmem>>
    %dma_start3A_96 = arith.constant 384 : i32
    %dma_start3A_97 = tpu.memref_slice %arg8[%dma_start3A_96] : memref<640xi32, #tpu.memory_space<vmem>> -> memref<128xi32, #tpu.memory_space<vmem>>
    %dma_start3A_98 = arith.constant 100000 : i32
    %dma_start3A_99 = tpu.memref_slice %arg4[%dma_start3A_98] : memref<1600000xf32, #tpu.memory_space<hbm>> -> memref<100000xf32, #tpu.memory_space<hbm>>
    %dma_start3A_100 = arith.constant 0 : i32
    %dma_start3A_101 = tpu.memref_slice %dma_start3A_99[%dma_start3A_100] : memref<100000xf32, #tpu.memory_space<hbm>> -> memref<100000xf32, #tpu.memory_space<hbm>>
    tpu.enqueue_indirect_dma source(%dma_start3A_101 : memref<100000xf32, #tpu.memory_space<hbm>>) target(%dma_start3A_95 : memref<128xf32, #tpu.memory_space<vmem>>) offsets(%dma_start3A_97 : memref<128xi32, #tpu.memory_space<vmem>>) semaphore(%arg13 : memref<!tpu.dma_semaphore, #tpu.memory_space<semaphore_mem>>)
    %dma_start3A_102 = arith.constant 1 : i32
    %dma_start3A_103 = arith.constant 512 : i32
    %dma_start3A_104 = tpu.memref_slice %arg10[%dma_start3A_102, %dma_start3A_103] : memref<16x640xf32, #tpu.memory_space<vmem>> -> memref<1x128xf32, #tpu.memory_space<vmem>>
    %dma_start3A_105 = tpu.memref_squeeze %dma_start3A_104 : memref<1x128xf32, #tpu.memory_space<vmem>> -> memref<128xf32, #tpu.memory_space<vmem>>
    %dma_start3A_106 = arith.constant 512 : i32
    %dma_start3A_107 = tpu.memref_slice %arg8[%dma_start3A_106] : memref<640xi32, #tpu.memory_space<vmem>> -> memref<128xi32, #tpu.memory_space<vmem>>
    %dma_start3A_108 = arith.constant 100000 : i32
    %dma_start3A_109 = tpu.memref_slice %arg4[%dma_start3A_108] : memref<1600000xf32, #tpu.memory_space<hbm>> -> memref<100000xf32, #tpu.memory_space<hbm>>
    %dma_start3A_110 = arith.constant 0 : i32
    %dma_start3A_111 = tpu.memref_slice %dma_start3A_109[%dma_start3A_110] : memref<100000xf32, #tpu.memory_space<hbm>> -> memref<100000xf32, #tpu.memory_space<hbm>>
    tpu.enqueue_indirect_dma source(%dma_start3A_111 : memref<100000xf32, #tpu.memory_space<hbm>>) target(%dma_start3A_105 : memref<128xf32, #tpu.memory_space<vmem>>) offsets(%dma_start3A_107 : memref<128xi32, #tpu.memory_space<vmem>>) semaphore(%arg13 : memref<!tpu.dma_semaphore, #tpu.memory_space<semaphore_mem>>)
    %dma_start3A_112 = arith.constant 1 : i32
    %dma_start3A_113 = arith.constant 0 : i32
    %dma_start3A_114 = tpu.memref_slice %arg11[%dma_start3A_112, %dma_start3A_113] : memref<16x32xf32, #tpu.memory_space<vmem>> -> memref<1x32xf32, #tpu.memory_space<vmem>>
    %dma_start3A_115 = tpu.memref_squeeze %dma_start3A_114 : memref<1x32xf32, #tpu.memory_space<vmem>> -> memref<32xf32, #tpu.memory_space<vmem>>
    %dma_start3A_116 = arith.constant 100000 : i32
    %dma_start3A_117 = tpu.memref_slice %arg5[%dma_start3A_116] : memref<1600000xf32, #tpu.memory_space<hbm>> -> memref<100000xf32, #tpu.memory_space<hbm>>
    %dma_start3A_118 = arith.constant 0 : i32
    %dma_start3A_119 = tpu.memref_slice %dma_start3A_117[%dma_start3A_118] : memref<100000xf32, #tpu.memory_space<hbm>> -> memref<100000xf32, #tpu.memory_space<hbm>>
    tpu.enqueue_indirect_dma source(%dma_start3A_119 : memref<100000xf32, #tpu.memory_space<hbm>>) target(%dma_start3A_115 : memref<32xf32, #tpu.memory_space<vmem>>) offsets(%arg9 : memref<32xi32, #tpu.memory_space<vmem>>) semaphore(%arg13 : memref<!tpu.dma_semaphore, #tpu.memory_space<semaphore_mem>>)
    %dma_start3A_120 = arith.constant 2 : i32
    %dma_start3A_121 = arith.constant 0 : i32
    %dma_start3A_122 = tpu.memref_slice %arg10[%dma_start3A_120, %dma_start3A_121] : memref<16x640xf32, #tpu.memory_space<vmem>> -> memref<1x128xf32, #tpu.memory_space<vmem>>
    %dma_start3A_123 = tpu.memref_squeeze %dma_start3A_122 : memref<1x128xf32, #tpu.memory_space<vmem>> -> memref<128xf32, #tpu.memory_space<vmem>>
    %dma_start3A_124 = arith.constant 0 : i32
    %dma_start3A_125 = tpu.memref_slice %arg8[%dma_start3A_124] : memref<640xi32, #tpu.memory_space<vmem>> -> memref<128xi32, #tpu.memory_space<vmem>>
    %dma_start3A_126 = arith.constant 200000 : i32
    %dma_start3A_127 = tpu.memref_slice %arg4[%dma_start3A_126] : memref<1600000xf32, #tpu.memory_space<hbm>> -> memref<100000xf32, #tpu.memory_space<hbm>>
    %dma_start3A_128 = arith.constant 0 : i32
    %dma_start3A_129 = tpu.memref_slice %dma_start3A_127[%dma_start3A_128] : memref<100000xf32, #tpu.memory_space<hbm>> -> memref<100000xf32, #tpu.memory_space<hbm>>
    tpu.enqueue_indirect_dma source(%dma_start3A_129 : memref<100000xf32, #tpu.memory_space<hbm>>) target(%dma_start3A_123 : memref<128xf32, #tpu.memory_space<vmem>>) offsets(%dma_start3A_125 : memref<128xi32, #tpu.memory_space<vmem>>) semaphore(%arg13 : memref<!tpu.dma_semaphore, #tpu.memory_space<semaphore_mem>>)
    %dma_start3A_130 = arith.constant 2 : i32
    %dma_start3A_131 = arith.constant 128 : i32
    %dma_start3A_132 = tpu.memref_slice %arg10[%dma_start3A_130, %dma_start3A_131] : memref<16x640xf32, #tpu.memory_space<vmem>> -> memref<1x128xf32, #tpu.memory_space<vmem>>
    %dma_start3A_133 = tpu.memref_squeeze %dma_start3A_132 : memref<1x128xf32, #tpu.memory_space<vmem>> -> memref<128xf32, #tpu.memory_space<vmem>>
    %dma_start3A_134 = arith.constant 128 : i32
    %dma_start3A_135 = tpu.memref_slice %arg8[%dma_start3A_134] : memref<640xi32, #tpu.memory_space<vmem>> -> memref<128xi32, #tpu.memory_space<vmem>>
    %dma_start3A_136 = arith.constant 200000 : i32
    %dma_start3A_137 = tpu.memref_slice %arg4[%dma_start3A_136] : memref<1600000xf32, #tpu.memory_space<hbm>> -> memref<100000xf32, #tpu.memory_space<hbm>>
    %dma_start3A_138 = arith.constant 0 : i32
    %dma_start3A_139 = tpu.memref_slice %dma_start3A_137[%dma_start3A_138] : memref<100000xf32, #tpu.memory_space<hbm>> -> memref<100000xf32, #tpu.memory_space<hbm>>
    tpu.enqueue_indirect_dma source(%dma_start3A_139 : memref<100000xf32, #tpu.memory_space<hbm>>) target(%dma_start3A_133 : memref<128xf32, #tpu.memory_space<vmem>>) offsets(%dma_start3A_135 : memref<128xi32, #tpu.memory_space<vmem>>) semaphore(%arg13 : memref<!tpu.dma_semaphore, #tpu.memory_space<semaphore_mem>>)
    %dma_start3A_140 = arith.constant 2 : i32
    %dma_start3A_141 = arith.constant 256 : i32
    %dma_start3A_142 = tpu.memref_slice %arg10[%dma_start3A_140, %dma_start3A_141] : memref<16x640xf32, #tpu.memory_space<vmem>> -> memref<1x128xf32, #tpu.memory_space<vmem>>
    %dma_start3A_143 = tpu.memref_squeeze %dma_start3A_142 : memref<1x128xf32, #tpu.memory_space<vmem>> -> memref<128xf32, #tpu.memory_space<vmem>>
    %dma_start3A_144 = arith.constant 256 : i32
    %dma_start3A_145 = tpu.memref_slice %arg8[%dma_start3A_144] : memref<640xi32, #tpu.memory_space<vmem>> -> memref<128xi32, #tpu.memory_space<vmem>>
    %dma_start3A_146 = arith.constant 200000 : i32
    %dma_start3A_147 = tpu.memref_slice %arg4[%dma_start3A_146] : memref<1600000xf32, #tpu.memory_space<hbm>> -> memref<100000xf32, #tpu.memory_space<hbm>>
    %dma_start3A_148 = arith.constant 0 : i32
    %dma_start3A_149 = tpu.memref_slice %dma_start3A_147[%dma_start3A_148] : memref<100000xf32, #tpu.memory_space<hbm>> -> memref<100000xf32, #tpu.memory_space<hbm>>
    tpu.enqueue_indirect_dma source(%dma_start3A_149 : memref<100000xf32, #tpu.memory_space<hbm>>) target(%dma_start3A_143 : memref<128xf32, #tpu.memory_space<vmem>>) offsets(%dma_start3A_145 : memref<128xi32, #tpu.memory_space<vmem>>) semaphore(%arg13 : memref<!tpu.dma_semaphore, #tpu.memory_space<semaphore_mem>>)
    %dma_start3A_150 = arith.constant 2 : i32
    %dma_start3A_151 = arith.constant 384 : i32
    %dma_start3A_152 = tpu.memref_slice %arg10[%dma_start3A_150, %dma_start3A_151] : memref<16x640xf32, #tpu.memory_space<vmem>> -> memref<1x128xf32, #tpu.memory_space<vmem>>
    %dma_start3A_153 = tpu.memref_squeeze %dma_start3A_152 : memref<1x128xf32, #tpu.memory_space<vmem>> -> memref<128xf32, #tpu.memory_space<vmem>>
    %dma_start3A_154 = arith.constant 384 : i32
    %dma_start3A_155 = tpu.memref_slice %arg8[%dma_start3A_154] : memref<640xi32, #tpu.memory_space<vmem>> -> memref<128xi32, #tpu.memory_space<vmem>>
    %dma_start3A_156 = arith.constant 200000 : i32
    %dma_start3A_157 = tpu.memref_slice %arg4[%dma_start3A_156] : memref<1600000xf32, #tpu.memory_space<hbm>> -> memref<100000xf32, #tpu.memory_space<hbm>>
    %dma_start3A_158 = arith.constant 0 : i32
    %dma_start3A_159 = tpu.memref_slice %dma_start3A_157[%dma_start3A_158] : memref<100000xf32, #tpu.memory_space<hbm>> -> memref<100000xf32, #tpu.memory_space<hbm>>
    tpu.enqueue_indirect_dma source(%dma_start3A_159 : memref<100000xf32, #tpu.memory_space<hbm>>) target(%dma_start3A_153 : memref<128xf32, #tpu.memory_space<vmem>>) offsets(%dma_start3A_155 : memref<128xi32, #tpu.memory_space<vmem>>) semaphore(%arg13 : memref<!tpu.dma_semaphore, #tpu.memory_space<semaphore_mem>>)
    %dma_start3A_160 = arith.constant 2 : i32
    %dma_start3A_161 = arith.constant 512 : i32
    %dma_start3A_162 = tpu.memref_slice %arg10[%dma_start3A_160, %dma_start3A_161] : memref<16x640xf32, #tpu.memory_space<vmem>> -> memref<1x128xf32, #tpu.memory_space<vmem>>
    %dma_start3A_163 = tpu.memref_squeeze %dma_start3A_162 : memref<1x128xf32, #tpu.memory_space<vmem>> -> memref<128xf32, #tpu.memory_space<vmem>>
    %dma_start3A_164 = arith.constant 512 : i32
    %dma_start3A_165 = tpu.memref_slice %arg8[%dma_start3A_164] : memref<640xi32, #tpu.memory_space<vmem>> -> memref<128xi32, #tpu.memory_space<vmem>>
    %dma_start3A_166 = arith.constant 200000 : i32
    %dma_start3A_167 = tpu.memref_slice %arg4[%dma_start3A_166] : memref<1600000xf32, #tpu.memory_space<hbm>> -> memref<100000xf32, #tpu.memory_space<hbm>>
    %dma_start3A_168 = arith.constant 0 : i32
    %dma_start3A_169 = tpu.memref_slice %dma_start3A_167[%dma_start3A_168] : memref<100000xf32, #tpu.memory_space<hbm>> -> memref<100000xf32, #tpu.memory_space<hbm>>
    tpu.enqueue_indirect_dma source(%dma_start3A_169 : memref<100000xf32, #tpu.memory_space<hbm>>) target(%dma_start3A_163 : memref<128xf32, #tpu.memory_space<vmem>>) offsets(%dma_start3A_165 : memref<128xi32, #tpu.memory_space<vmem>>) semaphore(%arg13 : memref<!tpu.dma_semaphore, #tpu.memory_space<semaphore_mem>>)
    %dma_start3A_170 = arith.constant 2 : i32
    %dma_start3A_171 = arith.constant 0 : i32
    %dma_start3A_172 = tpu.memref_slice %arg11[%dma_start3A_170, %dma_start3A_171] : memref<16x32xf32, #tpu.memory_space<vmem>> -> memref<1x32xf32, #tpu.memory_space<vmem>>
    %dma_start3A_173 = tpu.memref_squeeze %dma_start3A_172 : memref<1x32xf32, #tpu.memory_space<vmem>> -> memref<32xf32, #tpu.memory_space<vmem>>
    %dma_start3A_174 = arith.constant 200000 : i32
    %dma_start3A_175 = tpu.memref_slice %arg5[%dma_start3A_174] : memref<1600000xf32, #tpu.memory_space<hbm>> -> memref<100000xf32, #tpu.memory_space<hbm>>
    %dma_start3A_176 = arith.constant 0 : i32
    %dma_start3A_177 = tpu.memref_slice %dma_start3A_175[%dma_start3A_176] : memref<100000xf32, #tpu.memory_space<hbm>> -> memref<100000xf32, #tpu.memory_space<hbm>>
    tpu.enqueue_indirect_dma source(%dma_start3A_177 : memref<100000xf32, #tpu.memory_space<hbm>>) target(%dma_start3A_173 : memref<32xf32, #tpu.memory_space<vmem>>) offsets(%arg9 : memref<32xi32, #tpu.memory_space<vmem>>) semaphore(%arg13 : memref<!tpu.dma_semaphore, #tpu.memory_space<semaphore_mem>>)
    %dma_start3A_178 = arith.constant 3 : i32
    %dma_start3A_179 = arith.constant 0 : i32
    %dma_start3A_180 = tpu.memref_slice %arg10[%dma_start3A_178, %dma_start3A_179] : memref<16x640xf32, #tpu.memory_space<vmem>> -> memref<1x128xf32, #tpu.memory_space<vmem>>
    %dma_start3A_181 = tpu.memref_squeeze %dma_start3A_180 : memref<1x128xf32, #tpu.memory_space<vmem>> -> memref<128xf32, #tpu.memory_space<vmem>>
    %dma_start3A_182 = arith.constant 0 : i32
    %dma_start3A_183 = tpu.memref_slice %arg8[%dma_start3A_182] : memref<640xi32, #tpu.memory_space<vmem>> -> memref<128xi32, #tpu.memory_space<vmem>>
    %dma_start3A_184 = arith.constant 300000 : i32
    %dma_start3A_185 = tpu.memref_slice %arg4[%dma_start3A_184] : memref<1600000xf32, #tpu.memory_space<hbm>> -> memref<100000xf32, #tpu.memory_space<hbm>>
    %dma_start3A_186 = arith.constant 0 : i32
    %dma_start3A_187 = tpu.memref_slice %dma_start3A_185[%dma_start3A_186] : memref<100000xf32, #tpu.memory_space<hbm>> -> memref<100000xf32, #tpu.memory_space<hbm>>
    tpu.enqueue_indirect_dma source(%dma_start3A_187 : memref<100000xf32, #tpu.memory_space<hbm>>) target(%dma_start3A_181 : memref<128xf32, #tpu.memory_space<vmem>>) offsets(%dma_start3A_183 : memref<128xi32, #tpu.memory_space<vmem>>) semaphore(%arg13 : memref<!tpu.dma_semaphore, #tpu.memory_space<semaphore_mem>>)
    %dma_start3A_188 = arith.constant 3 : i32
    %dma_start3A_189 = arith.constant 128 : i32
    %dma_start3A_190 = tpu.memref_slice %arg10[%dma_start3A_188, %dma_start3A_189] : memref<16x640xf32, #tpu.memory_space<vmem>> -> memref<1x128xf32, #tpu.memory_space<vmem>>
    %dma_start3A_191 = tpu.memref_squeeze %dma_start3A_190 : memref<1x128xf32, #tpu.memory_space<vmem>> -> memref<128xf32, #tpu.memory_space<vmem>>
    %dma_start3A_192 = arith.constant 128 : i32
    %dma_start3A_193 = tpu.memref_slice %arg8[%dma_start3A_192] : memref<640xi32, #tpu.memory_space<vmem>> -> memref<128xi32, #tpu.memory_space<vmem>>
    %dma_start3A_194 = arith.constant 300000 : i32
    %dma_start3A_195 = tpu.memref_slice %arg4[%dma_start3A_194] : memref<1600000xf32, #tpu.memory_space<hbm>> -> memref<100000xf32, #tpu.memory_space<hbm>>
    %dma_start3A_196 = arith.constant 0 : i32
    %dma_start3A_197 = tpu.memref_slice %dma_start3A_195[%dma_start3A_196] : memref<100000xf32, #tpu.memory_space<hbm>> -> memref<100000xf32, #tpu.memory_space<hbm>>
    tpu.enqueue_indirect_dma source(%dma_start3A_197 : memref<100000xf32, #tpu.memory_space<hbm>>) target(%dma_start3A_191 : memref<128xf32, #tpu.memory_space<vmem>>) offsets(%dma_start3A_193 : memref<128xi32, #tpu.memory_space<vmem>>) semaphore(%arg13 : memref<!tpu.dma_semaphore, #tpu.memory_space<semaphore_mem>>)
    %dma_start3A_198 = arith.constant 3 : i32
    %dma_start3A_199 = arith.constant 256 : i32
    %dma_start3A_200 = tpu.memref_slice %arg10[%dma_start3A_198, %dma_start3A_199] : memref<16x640xf32, #tpu.memory_space<vmem>> -> memref<1x128xf32, #tpu.memory_space<vmem>>
    %dma_start3A_201 = tpu.memref_squeeze %dma_start3A_200 : memref<1x128xf32, #tpu.memory_space<vmem>> -> memref<128xf32, #tpu.memory_space<vmem>>
    %dma_start3A_202 = arith.constant 256 : i32
    %dma_start3A_203 = tpu.memref_slice %arg8[%dma_start3A_202] : memref<640xi32, #tpu.memory_space<vmem>> -> memref<128xi32, #tpu.memory_space<vmem>>
    %dma_start3A_204 = arith.constant 300000 : i32
    %dma_start3A_205 = tpu.memref_slice %arg4[%dma_start3A_204] : memref<1600000xf32, #tpu.memory_space<hbm>> -> memref<100000xf32, #tpu.memory_space<hbm>>
    %dma_start3A_206 = arith.constant 0 : i32
    %dma_start3A_207 = tpu.memref_slice %dma_start3A_205[%dma_start3A_206] : memref<100000xf32, #tpu.memory_space<hbm>> -> memref<100000xf32, #tpu.memory_space<hbm>>
    tpu.enqueue_indirect_dma source(%dma_start3A_207 : memref<100000xf32, #tpu.memory_space<hbm>>) target(%dma_start3A_201 : memref<128xf32, #tpu.memory_space<vmem>>) offsets(%dma_start3A_203 : memref<128xi32, #tpu.memory_space<vmem>>) semaphore(%arg13 : memref<!tpu.dma_semaphore, #tpu.memory_space<semaphore_mem>>)
    %dma_start3A_208 = arith.constant 3 : i32
    %dma_start3A_209 = arith.constant 384 : i32
    %dma_start3A_210 = tpu.memref_slice %arg10[%dma_start3A_208, %dma_start3A_209] : memref<16x640xf32, #tpu.memory_space<vmem>> -> memref<1x128xf32, #tpu.memory_space<vmem>>
    %dma_start3A_211 = tpu.memref_squeeze %dma_start3A_210 : memref<1x128xf32, #tpu.memory_space<vmem>> -> memref<128xf32, #tpu.memory_space<vmem>>
    %dma_start3A_212 = arith.constant 384 : i32
    %dma_start3A_213 = tpu.memref_slice %arg8[%dma_start3A_212] : memref<640xi32, #tpu.memory_space<vmem>> -> memref<128xi32, #tpu.memory_space<vmem>>
    %dma_start3A_214 = arith.constant 300000 : i32
    %dma_start3A_215 = tpu.memref_slice %arg4[%dma_start3A_214] : memref<1600000xf32, #tpu.memory_space<hbm>> -> memref<100000xf32, #tpu.memory_space<hbm>>
    %dma_start3A_216 = arith.constant 0 : i32
    %dma_start3A_217 = tpu.memref_slice %dma_start3A_215[%dma_start3A_216] : memref<100000xf32, #tpu.memory_space<hbm>> -> memref<100000xf32, #tpu.memory_space<hbm>>
    tpu.enqueue_indirect_dma source(%dma_start3A_217 : memref<100000xf32, #tpu.memory_space<hbm>>) target(%dma_start3A_211 : memref<128xf32, #tpu.memory_space<vmem>>) offsets(%dma_start3A_213 : memref<128xi32, #tpu.memory_space<vmem>>) semaphore(%arg13 : memref<!tpu.dma_semaphore, #tpu.memory_space<semaphore_mem>>)
    %dma_start3A_218 = arith.constant 3 : i32
    %dma_start3A_219 = arith.constant 512 : i32
    %dma_start3A_220 = tpu.memref_slice %arg10[%dma_start3A_218, %dma_start3A_219] : memref<16x640xf32, #tpu.memory_space<vmem>> -> memref<1x128xf32, #tpu.memory_space<vmem>>
    %dma_start3A_221 = tpu.memref_squeeze %dma_start3A_220 : memref<1x128xf32, #tpu.memory_space<vmem>> -> memref<128xf32, #tpu.memory_space<vmem>>
    %dma_start3A_222 = arith.constant 512 : i32
    %dma_start3A_223 = tpu.memref_slice %arg8[%dma_start3A_222] : memref<640xi32, #tpu.memory_space<vmem>> -> memref<128xi32, #tpu.memory_space<vmem>>
    %dma_start3A_224 = arith.constant 300000 : i32
    %dma_start3A_225 = tpu.memref_slice %arg4[%dma_start3A_224] : memref<1600000xf32, #tpu.memory_space<hbm>> -> memref<100000xf32, #tpu.memory_space<hbm>>
    %dma_start3A_226 = arith.constant 0 : i32
    %dma_start3A_227 = tpu.memref_slice %dma_start3A_225[%dma_start3A_226] : memref<100000xf32, #tpu.memory_space<hbm>> -> memref<100000xf32, #tpu.memory_space<hbm>>
    tpu.enqueue_indirect_dma source(%dma_start3A_227 : memref<100000xf32, #tpu.memory_space<hbm>>) target(%dma_start3A_221 : memref<128xf32, #tpu.memory_space<vmem>>) offsets(%dma_start3A_223 : memref<128xi32, #tpu.memory_space<vmem>>) semaphore(%arg13 : memref<!tpu.dma_semaphore, #tpu.memory_space<semaphore_mem>>)
    %dma_start3A_228 = arith.constant 3 : i32
    %dma_start3A_229 = arith.constant 0 : i32
    %dma_start3A_230 = tpu.memref_slice %arg11[%dma_start3A_228, %dma_start3A_229] : memref<16x32xf32, #tpu.memory_space<vmem>> -> memref<1x32xf32, #tpu.memory_space<vmem>>
    %dma_start3A_231 = tpu.memref_squeeze %dma_start3A_230 : memref<1x32xf32, #tpu.memory_space<vmem>> -> memref<32xf32, #tpu.memory_space<vmem>>
    %dma_start3A_232 = arith.constant 300000 : i32
    %dma_start3A_233 = tpu.memref_slice %arg5[%dma_start3A_232] : memref<1600000xf32, #tpu.memory_space<hbm>> -> memref<100000xf32, #tpu.memory_space<hbm>>
    %dma_start3A_234 = arith.constant 0 : i32
    %dma_start3A_235 = tpu.memref_slice %dma_start3A_233[%dma_start3A_234] : memref<100000xf32, #tpu.memory_space<hbm>> -> memref<100000xf32, #tpu.memory_space<hbm>>
    tpu.enqueue_indirect_dma source(%dma_start3A_235 : memref<100000xf32, #tpu.memory_space<hbm>>) target(%dma_start3A_231 : memref<32xf32, #tpu.memory_space<vmem>>) offsets(%arg9 : memref<32xi32, #tpu.memory_space<vmem>>) semaphore(%arg13 : memref<!tpu.dma_semaphore, #tpu.memory_space<semaphore_mem>>)
    %dma_start3A_236 = arith.constant 4 : i32
    %dma_start3A_237 = arith.constant 0 : i32
    %dma_start3A_238 = tpu.memref_slice %arg10[%dma_start3A_236, %dma_start3A_237] : memref<16x640xf32, #tpu.memory_space<vmem>> -> memref<1x128xf32, #tpu.memory_space<vmem>>
    %dma_start3A_239 = tpu.memref_squeeze %dma_start3A_238 : memref<1x128xf32, #tpu.memory_space<vmem>> -> memref<128xf32, #tpu.memory_space<vmem>>
    %dma_start3A_240 = arith.constant 0 : i32
    %dma_start3A_241 = tpu.memref_slice %arg8[%dma_start3A_240] : memref<640xi32, #tpu.memory_space<vmem>> -> memref<128xi32, #tpu.memory_space<vmem>>
    %dma_start3A_242 = arith.constant 400000 : i32
    %dma_start3A_243 = tpu.memref_slice %arg4[%dma_start3A_242] : memref<1600000xf32, #tpu.memory_space<hbm>> -> memref<100000xf32, #tpu.memory_space<hbm>>
    %dma_start3A_244 = arith.constant 0 : i32
    %dma_start3A_245 = tpu.memref_slice %dma_start3A_243[%dma_start3A_244] : memref<100000xf32, #tpu.memory_space<hbm>> -> memref<100000xf32, #tpu.memory_space<hbm>>
    tpu.enqueue_indirect_dma source(%dma_start3A_245 : memref<100000xf32, #tpu.memory_space<hbm>>) target(%dma_start3A_239 : memref<128xf32, #tpu.memory_space<vmem>>) offsets(%dma_start3A_241 : memref<128xi32, #tpu.memory_space<vmem>>) semaphore(%arg13 : memref<!tpu.dma_semaphore, #tpu.memory_space<semaphore_mem>>)
    %dma_start3A_246 = arith.constant 4 : i32
    %dma_start3A_247 = arith.constant 128 : i32
    %dma_start3A_248 = tpu.memref_slice %arg10[%dma_start3A_246, %dma_start3A_247] : memref<16x640xf32, #tpu.memory_space<vmem>> -> memref<1x128xf32, #tpu.memory_space<vmem>>
    %dma_start3A_249 = tpu.memref_squeeze %dma_start3A_248 : memref<1x128xf32, #tpu.memory_space<vmem>> -> memref<128xf32, #tpu.memory_space<vmem>>
    %dma_start3A_250 = arith.constant 128 : i32
    %dma_start3A_251 = tpu.memref_slice %arg8[%dma_start3A_250] : memref<640xi32, #tpu.memory_space<vmem>> -> memref<128xi32, #tpu.memory_space<vmem>>
    %dma_start3A_252 = arith.constant 400000 : i32
    %dma_start3A_253 = tpu.memref_slice %arg4[%dma_start3A_252] : memref<1600000xf32, #tpu.memory_space<hbm>> -> memref<100000xf32, #tpu.memory_space<hbm>>
    %dma_start3A_254 = arith.constant 0 : i32
    %dma_start3A_255 = tpu.memref_slice %dma_start3A_253[%dma_start3A_254] : memref<100000xf32, #tpu.memory_space<hbm>> -> memref<100000xf32, #tpu.memory_space<hbm>>
    tpu.enqueue_indirect_dma source(%dma_start3A_255 : memref<100000xf32, #tpu.memory_space<hbm>>) target(%dma_start3A_249 : memref<128xf32, #tpu.memory_space<vmem>>) offsets(%dma_start3A_251 : memref<128xi32, #tpu.memory_space<vmem>>) semaphore(%arg13 : memref<!tpu.dma_semaphore, #tpu.memory_space<semaphore_mem>>)
    %dma_start3A_256 = arith.constant 4 : i32
    %dma_start3A_257 = arith.constant 256 : i32
    %dma_start3A_258 = tpu.memref_slice %arg10[%dma_start3A_256, %dma_start3A_257] : memref<16x640xf32, #tpu.memory_space<vmem>> -> memref<1x128xf32, #tpu.memory_space<vmem>>
    %dma_start3A_259 = tpu.memref_squeeze %dma_start3A_258 : memref<1x128xf32, #tpu.memory_space<vmem>> -> memref<128xf32, #tpu.memory_space<vmem>>
    %dma_start3A_260 = arith.constant 256 : i32
    %dma_start3A_261 = tpu.memref_slice %arg8[%dma_start3A_260] : memref<640xi32, #tpu.memory_space<vmem>> -> memref<128xi32, #tpu.memory_space<vmem>>
    %dma_start3A_262 = arith.constant 400000 : i32
    %dma_start3A_263 = tpu.memref_slice %arg4[%dma_start3A_262] : memref<1600000xf32, #tpu.memory_space<hbm>> -> memref<100000xf32, #tpu.memory_space<hbm>>
    %dma_start3A_264 = arith.constant 0 : i32
    %dma_start3A_265 = tpu.memref_slice %dma_start3A_263[%dma_start3A_264] : memref<100000xf32, #tpu.memory_space<hbm>> -> memref<100000xf32, #tpu.memory_space<hbm>>
    tpu.enqueue_indirect_dma source(%dma_start3A_265 : memref<100000xf32, #tpu.memory_space<hbm>>) target(%dma_start3A_259 : memref<128xf32, #tpu.memory_space<vmem>>) offsets(%dma_start3A_261 : memref<128xi32, #tpu.memory_space<vmem>>) semaphore(%arg13 : memref<!tpu.dma_semaphore, #tpu.memory_space<semaphore_mem>>)
    %dma_start3A_266 = arith.constant 4 : i32
    %dma_start3A_267 = arith.constant 384 : i32
    %dma_start3A_268 = tpu.memref_slice %arg10[%dma_start3A_266, %dma_start3A_267] : memref<16x640xf32, #tpu.memory_space<vmem>> -> memref<1x128xf32, #tpu.memory_space<vmem>>
    %dma_start3A_269 = tpu.memref_squeeze %dma_start3A_268 : memref<1x128xf32, #tpu.memory_space<vmem>> -> memref<128xf32, #tpu.memory_space<vmem>>
    %dma_start3A_270 = arith.constant 384 : i32
    %dma_start3A_271 = tpu.memref_slice %arg8[%dma_start3A_270] : memref<640xi32, #tpu.memory_space<vmem>> -> memref<128xi32, #tpu.memory_space<vmem>>
    %dma_start3A_272 = arith.constant 400000 : i32
    %dma_start3A_273 = tpu.memref_slice %arg4[%dma_start3A_272] : memref<1600000xf32, #tpu.memory_space<hbm>> -> memref<100000xf32, #tpu.memory_space<hbm>>
    %dma_start3A_274 = arith.constant 0 : i32
    %dma_start3A_275 = tpu.memref_slice %dma_start3A_273[%dma_start3A_274] : memref<100000xf32, #tpu.memory_space<hbm>> -> memref<100000xf32, #tpu.memory_space<hbm>>
    tpu.enqueue_indirect_dma source(%dma_start3A_275 : memref<100000xf32, #tpu.memory_space<hbm>>) target(%dma_start3A_269 : memref<128xf32, #tpu.memory_space<vmem>>) offsets(%dma_start3A_271 : memref<128xi32, #tpu.memory_space<vmem>>) semaphore(%arg13 : memref<!tpu.dma_semaphore, #tpu.memory_space<semaphore_mem>>)
    %dma_start3A_276 = arith.constant 4 : i32
    %dma_start3A_277 = arith.constant 512 : i32
    %dma_start3A_278 = tpu.memref_slice %arg10[%dma_start3A_276, %dma_start3A_277] : memref<16x640xf32, #tpu.memory_space<vmem>> -> memref<1x128xf32, #tpu.memory_space<vmem>>
    %dma_start3A_279 = tpu.memref_squeeze %dma_start3A_278 : memref<1x128xf32, #tpu.memory_space<vmem>> -> memref<128xf32, #tpu.memory_space<vmem>>
    %dma_start3A_280 = arith.constant 512 : i32
    %dma_start3A_281 = tpu.memref_slice %arg8[%dma_start3A_280] : memref<640xi32, #tpu.memory_space<vmem>> -> memref<128xi32, #tpu.memory_space<vmem>>
    %dma_start3A_282 = arith.constant 400000 : i32
    %dma_start3A_283 = tpu.memref_slice %arg4[%dma_start3A_282] : memref<1600000xf32, #tpu.memory_space<hbm>> -> memref<100000xf32, #tpu.memory_space<hbm>>
    %dma_start3A_284 = arith.constant 0 : i32
    %dma_start3A_285 = tpu.memref_slice %dma_start3A_283[%dma_start3A_284] : memref<100000xf32, #tpu.memory_space<hbm>> -> memref<100000xf32, #tpu.memory_space<hbm>>
    tpu.enqueue_indirect_dma source(%dma_start3A_285 : memref<100000xf32, #tpu.memory_space<hbm>>) target(%dma_start3A_279 : memref<128xf32, #tpu.memory_space<vmem>>) offsets(%dma_start3A_281 : memref<128xi32, #tpu.memory_space<vmem>>) semaphore(%arg13 : memref<!tpu.dma_semaphore, #tpu.memory_space<semaphore_mem>>)
    %dma_start3A_286 = arith.constant 4 : i32
    %dma_start3A_287 = arith.constant 0 : i32
    %dma_start3A_288 = tpu.memref_slice %arg11[%dma_start3A_286, %dma_start3A_287] : memref<16x32xf32, #tpu.memory_space<vmem>> -> memref<1x32xf32, #tpu.memory_space<vmem>>
    %dma_start3A_289 = tpu.memref_squeeze %dma_start3A_288 : memref<1x32xf32, #tpu.memory_space<vmem>> -> memref<32xf32, #tpu.memory_space<vmem>>
    %dma_start3A_290 = arith.constant 400000 : i32
    %dma_start3A_291 = tpu.memref_slice %arg5[%dma_start3A_290] : memref<1600000xf32, #tpu.memory_space<hbm>> -> memref<100000xf32, #tpu.memory_space<hbm>>
    %dma_start3A_292 = arith.constant 0 : i32
    %dma_start3A_293 = tpu.memref_slice %dma_start3A_291[%dma_start3A_292] : memref<100000xf32, #tpu.memory_space<hbm>> -> memref<100000xf32, #tpu.memory_space<hbm>>
    tpu.enqueue_indirect_dma source(%dma_start3A_293 : memref<100000xf32, #tpu.memory_space<hbm>>) target(%dma_start3A_289 : memref<32xf32, #tpu.memory_space<vmem>>) offsets(%arg9 : memref<32xi32, #tpu.memory_space<vmem>>) semaphore(%arg13 : memref<!tpu.dma_semaphore, #tpu.memory_space<semaphore_mem>>)
    %dma_start3A_294 = arith.constant 5 : i32
    %dma_start3A_295 = arith.constant 0 : i32
    %dma_start3A_296 = tpu.memref_slice %arg10[%dma_start3A_294, %dma_start3A_295] : memref<16x640xf32, #tpu.memory_space<vmem>> -> memref<1x128xf32, #tpu.memory_space<vmem>>
    %dma_start3A_297 = tpu.memref_squeeze %dma_start3A_296 : memref<1x128xf32, #tpu.memory_space<vmem>> -> memref<128xf32, #tpu.memory_space<vmem>>
    %dma_start3A_298 = arith.constant 0 : i32
    %dma_start3A_299 = tpu.memref_slice %arg8[%dma_start3A_298] : memref<640xi32, #tpu.memory_space<vmem>> -> memref<128xi32, #tpu.memory_space<vmem>>
    %dma_start3A_300 = arith.constant 500000 : i32
    %dma_start3A_301 = tpu.memref_slice %arg4[%dma_start3A_300] : memref<1600000xf32, #tpu.memory_space<hbm>> -> memref<100000xf32, #tpu.memory_space<hbm>>
    %dma_start3A_302 = arith.constant 0 : i32
    %dma_start3A_303 = tpu.memref_slice %dma_start3A_301[%dma_start3A_302] : memref<100000xf32, #tpu.memory_space<hbm>> -> memref<100000xf32, #tpu.memory_space<hbm>>
    tpu.enqueue_indirect_dma source(%dma_start3A_303 : memref<100000xf32, #tpu.memory_space<hbm>>) target(%dma_start3A_297 : memref<128xf32, #tpu.memory_space<vmem>>) offsets(%dma_start3A_299 : memref<128xi32, #tpu.memory_space<vmem>>) semaphore(%arg13 : memref<!tpu.dma_semaphore, #tpu.memory_space<semaphore_mem>>)
    %dma_start3A_304 = arith.constant 5 : i32
    %dma_start3A_305 = arith.constant 128 : i32
    %dma_start3A_306 = tpu.memref_slice %arg10[%dma_start3A_304, %dma_start3A_305] : memref<16x640xf32, #tpu.memory_space<vmem>> -> memref<1x128xf32, #tpu.memory_space<vmem>>
    %dma_start3A_307 = tpu.memref_squeeze %dma_start3A_306 : memref<1x128xf32, #tpu.memory_space<vmem>> -> memref<128xf32, #tpu.memory_space<vmem>>
    %dma_start3A_308 = arith.constant 128 : i32
    %dma_start3A_309 = tpu.memref_slice %arg8[%dma_start3A_308] : memref<640xi32, #tpu.memory_space<vmem>> -> memref<128xi32, #tpu.memory_space<vmem>>
    %dma_start3A_310 = arith.constant 500000 : i32
    %dma_start3A_311 = tpu.memref_slice %arg4[%dma_start3A_310] : memref<1600000xf32, #tpu.memory_space<hbm>> -> memref<100000xf32, #tpu.memory_space<hbm>>
    %dma_start3A_312 = arith.constant 0 : i32
    %dma_start3A_313 = tpu.memref_slice %dma_start3A_311[%dma_start3A_312] : memref<100000xf32, #tpu.memory_space<hbm>> -> memref<100000xf32, #tpu.memory_space<hbm>>
    tpu.enqueue_indirect_dma source(%dma_start3A_313 : memref<100000xf32, #tpu.memory_space<hbm>>) target(%dma_start3A_307 : memref<128xf32, #tpu.memory_space<vmem>>) offsets(%dma_start3A_309 : memref<128xi32, #tpu.memory_space<vmem>>) semaphore(%arg13 : memref<!tpu.dma_semaphore, #tpu.memory_space<semaphore_mem>>)
    %dma_start3A_314 = arith.constant 5 : i32
    %dma_start3A_315 = arith.constant 256 : i32
    %dma_start3A_316 = tpu.memref_slice %arg10[%dma_start3A_314, %dma_start3A_315] : memref<16x640xf32, #tpu.memory_space<vmem>> -> memref<1x128xf32, #tpu.memory_space<vmem>>
    %dma_start3A_317 = tpu.memref_squeeze %dma_start3A_316 : memref<1x128xf32, #tpu.memory_space<vmem>> -> memref<128xf32, #tpu.memory_space<vmem>>
    %dma_start3A_318 = arith.constant 256 : i32
    %dma_start3A_319 = tpu.memref_slice %arg8[%dma_start3A_318] : memref<640xi32, #tpu.memory_space<vmem>> -> memref<128xi32, #tpu.memory_space<vmem>>
    %dma_start3A_320 = arith.constant 500000 : i32
    %dma_start3A_321 = tpu.memref_slice %arg4[%dma_start3A_320] : memref<1600000xf32, #tpu.memory_space<hbm>> -> memref<100000xf32, #tpu.memory_space<hbm>>
    %dma_start3A_322 = arith.constant 0 : i32
    %dma_start3A_323 = tpu.memref_slice %dma_start3A_321[%dma_start3A_322] : memref<100000xf32, #tpu.memory_space<hbm>> -> memref<100000xf32, #tpu.memory_space<hbm>>
    tpu.enqueue_indirect_dma source(%dma_start3A_323 : memref<100000xf32, #tpu.memory_space<hbm>>) target(%dma_start3A_317 : memref<128xf32, #tpu.memory_space<vmem>>) offsets(%dma_start3A_319 : memref<128xi32, #tpu.memory_space<vmem>>) semaphore(%arg13 : memref<!tpu.dma_semaphore, #tpu.memory_space<semaphore_mem>>)
    %dma_start3A_324 = arith.constant 5 : i32
    %dma_start3A_325 = arith.constant 384 : i32
    %dma_start3A_326 = tpu.memref_slice %arg10[%dma_start3A_324, %dma_start3A_325] : memref<16x640xf32, #tpu.memory_space<vmem>> -> memref<1x128xf32, #tpu.memory_space<vmem>>
    %dma_start3A_327 = tpu.memref_squeeze %dma_start3A_326 : memref<1x128xf32, #tpu.memory_space<vmem>> -> memref<128xf32, #tpu.memory_space<vmem>>
    %dma_start3A_328 = arith.constant 384 : i32
    %dma_start3A_329 = tpu.memref_slice %arg8[%dma_start3A_328] : memref<640xi32, #tpu.memory_space<vmem>> -> memref<128xi32, #tpu.memory_space<vmem>>
    %dma_start3A_330 = arith.constant 500000 : i32
    %dma_start3A_331 = tpu.memref_slice %arg4[%dma_start3A_330] : memref<1600000xf32, #tpu.memory_space<hbm>> -> memref<100000xf32, #tpu.memory_space<hbm>>
    %dma_start3A_332 = arith.constant 0 : i32
    %dma_start3A_333 = tpu.memref_slice %dma_start3A_331[%dma_start3A_332] : memref<100000xf32, #tpu.memory_space<hbm>> -> memref<100000xf32, #tpu.memory_space<hbm>>
    tpu.enqueue_indirect_dma source(%dma_start3A_333 : memref<100000xf32, #tpu.memory_space<hbm>>) target(%dma_start3A_327 : memref<128xf32, #tpu.memory_space<vmem>>) offsets(%dma_start3A_329 : memref<128xi32, #tpu.memory_space<vmem>>) semaphore(%arg13 : memref<!tpu.dma_semaphore, #tpu.memory_space<semaphore_mem>>)
    %dma_start3A_334 = arith.constant 5 : i32
    %dma_start3A_335 = arith.constant 512 : i32
    %dma_start3A_336 = tpu.memref_slice %arg10[%dma_start3A_334, %dma_start3A_335] : memref<16x640xf32, #tpu.memory_space<vmem>> -> memref<1x128xf32, #tpu.memory_space<vmem>>
    %dma_start3A_337 = tpu.memref_squeeze %dma_start3A_336 : memref<1x128xf32, #tpu.memory_space<vmem>> -> memref<128xf32, #tpu.memory_space<vmem>>
    %dma_start3A_338 = arith.constant 512 : i32
    %dma_start3A_339 = tpu.memref_slice %arg8[%dma_start3A_338] : memref<640xi32, #tpu.memory_space<vmem>> -> memref<128xi32, #tpu.memory_space<vmem>>
    %dma_start3A_340 = arith.constant 500000 : i32
    %dma_start3A_341 = tpu.memref_slice %arg4[%dma_start3A_340] : memref<1600000xf32, #tpu.memory_space<hbm>> -> memref<100000xf32, #tpu.memory_space<hbm>>
    %dma_start3A_342 = arith.constant 0 : i32
    %dma_start3A_343 = tpu.memref_slice %dma_start3A_341[%dma_start3A_342] : memref<100000xf32, #tpu.memory_space<hbm>> -> memref<100000xf32, #tpu.memory_space<hbm>>
    tpu.enqueue_indirect_dma source(%dma_start3A_343 : memref<100000xf32, #tpu.memory_space<hbm>>) target(%dma_start3A_337 : memref<128xf32, #tpu.memory_space<vmem>>) offsets(%dma_start3A_339 : memref<128xi32, #tpu.memory_space<vmem>>) semaphore(%arg13 : memref<!tpu.dma_semaphore, #tpu.memory_space<semaphore_mem>>)
    %dma_start3A_344 = arith.constant 5 : i32
    %dma_start3A_345 = arith.constant 0 : i32
    %dma_start3A_346 = tpu.memref_slice %arg11[%dma_start3A_344, %dma_start3A_345] : memref<16x32xf32, #tpu.memory_space<vmem>> -> memref<1x32xf32, #tpu.memory_space<vmem>>
    %dma_start3A_347 = tpu.memref_squeeze %dma_start3A_346 : memref<1x32xf32, #tpu.memory_space<vmem>> -> memref<32xf32, #tpu.memory_space<vmem>>
    %dma_start3A_348 = arith.constant 500000 : i32
    %dma_start3A_349 = tpu.memref_slice %arg5[%dma_start3A_348] : memref<1600000xf32, #tpu.memory_space<hbm>> -> memref<100000xf32, #tpu.memory_space<hbm>>
    %dma_start3A_350 = arith.constant 0 : i32
    %dma_start3A_351 = tpu.memref_slice %dma_start3A_349[%dma_start3A_350] : memref<100000xf32, #tpu.memory_space<hbm>> -> memref<100000xf32, #tpu.memory_space<hbm>>
    tpu.enqueue_indirect_dma source(%dma_start3A_351 : memref<100000xf32, #tpu.memory_space<hbm>>) target(%dma_start3A_347 : memref<32xf32, #tpu.memory_space<vmem>>) offsets(%arg9 : memref<32xi32, #tpu.memory_space<vmem>>) semaphore(%arg13 : memref<!tpu.dma_semaphore, #tpu.memory_space<semaphore_mem>>)
    %dma_start3A_352 = arith.constant 6 : i32
    %dma_start3A_353 = arith.constant 0 : i32
    %dma_start3A_354 = tpu.memref_slice %arg10[%dma_start3A_352, %dma_start3A_353] : memref<16x640xf32, #tpu.memory_space<vmem>> -> memref<1x128xf32, #tpu.memory_space<vmem>>
    %dma_start3A_355 = tpu.memref_squeeze %dma_start3A_354 : memref<1x128xf32, #tpu.memory_space<vmem>> -> memref<128xf32, #tpu.memory_space<vmem>>
    %dma_start3A_356 = arith.constant 0 : i32
    %dma_start3A_357 = tpu.memref_slice %arg8[%dma_start3A_356] : memref<640xi32, #tpu.memory_space<vmem>> -> memref<128xi32, #tpu.memory_space<vmem>>
    %dma_start3A_358 = arith.constant 600000 : i32
    %dma_start3A_359 = tpu.memref_slice %arg4[%dma_start3A_358] : memref<1600000xf32, #tpu.memory_space<hbm>> -> memref<100000xf32, #tpu.memory_space<hbm>>
    %dma_start3A_360 = arith.constant 0 : i32
    %dma_start3A_361 = tpu.memref_slice %dma_start3A_359[%dma_start3A_360] : memref<100000xf32, #tpu.memory_space<hbm>> -> memref<100000xf32, #tpu.memory_space<hbm>>
    tpu.enqueue_indirect_dma source(%dma_start3A_361 : memref<100000xf32, #tpu.memory_space<hbm>>) target(%dma_start3A_355 : memref<128xf32, #tpu.memory_space<vmem>>) offsets(%dma_start3A_357 : memref<128xi32, #tpu.memory_space<vmem>>) semaphore(%arg13 : memref<!tpu.dma_semaphore, #tpu.memory_space<semaphore_mem>>)
    %dma_start3A_362 = arith.constant 6 : i32
    %dma_start3A_363 = arith.constant 128 : i32
    %dma_start3A_364 = tpu.memref_slice %arg10[%dma_start3A_362, %dma_start3A_363] : memref<16x640xf32, #tpu.memory_space<vmem>> -> memref<1x128xf32, #tpu.memory_space<vmem>>
    %dma_start3A_365 = tpu.memref_squeeze %dma_start3A_364 : memref<1x128xf32, #tpu.memory_space<vmem>> -> memref<128xf32, #tpu.memory_space<vmem>>
    %dma_start3A_366 = arith.constant 128 : i32
    %dma_start3A_367 = tpu.memref_slice %arg8[%dma_start3A_366] : memref<640xi32, #tpu.memory_space<vmem>> -> memref<128xi32, #tpu.memory_space<vmem>>
    %dma_start3A_368 = arith.constant 600000 : i32
    %dma_start3A_369 = tpu.memref_slice %arg4[%dma_start3A_368] : memref<1600000xf32, #tpu.memory_space<hbm>> -> memref<100000xf32, #tpu.memory_space<hbm>>
    %dma_start3A_370 = arith.constant 0 : i32
    %dma_start3A_371 = tpu.memref_slice %dma_start3A_369[%dma_start3A_370] : memref<100000xf32, #tpu.memory_space<hbm>> -> memref<100000xf32, #tpu.memory_space<hbm>>
    tpu.enqueue_indirect_dma source(%dma_start3A_371 : memref<100000xf32, #tpu.memory_space<hbm>>) target(%dma_start3A_365 : memref<128xf32, #tpu.memory_space<vmem>>) offsets(%dma_start3A_367 : memref<128xi32, #tpu.memory_space<vmem>>) semaphore(%arg13 : memref<!tpu.dma_semaphore, #tpu.memory_space<semaphore_mem>>)
    %dma_start3A_372 = arith.constant 6 : i32
    %dma_start3A_373 = arith.constant 256 : i32
    %dma_start3A_374 = tpu.memref_slice %arg10[%dma_start3A_372, %dma_start3A_373] : memref<16x640xf32, #tpu.memory_space<vmem>> -> memref<1x128xf32, #tpu.memory_space<vmem>>
    %dma_start3A_375 = tpu.memref_squeeze %dma_start3A_374 : memref<1x128xf32, #tpu.memory_space<vmem>> -> memref<128xf32, #tpu.memory_space<vmem>>
    %dma_start3A_376 = arith.constant 256 : i32
    %dma_start3A_377 = tpu.memref_slice %arg8[%dma_start3A_376] : memref<640xi32, #tpu.memory_space<vmem>> -> memref<128xi32, #tpu.memory_space<vmem>>
    %dma_start3A_378 = arith.constant 600000 : i32
    %dma_start3A_379 = tpu.memref_slice %arg4[%dma_start3A_378] : memref<1600000xf32, #tpu.memory_space<hbm>> -> memref<100000xf32, #tpu.memory_space<hbm>>
    %dma_start3A_380 = arith.constant 0 : i32
    %dma_start3A_381 = tpu.memref_slice %dma_start3A_379[%dma_start3A_380] : memref<100000xf32, #tpu.memory_space<hbm>> -> memref<100000xf32, #tpu.memory_space<hbm>>
    tpu.enqueue_indirect_dma source(%dma_start3A_381 : memref<100000xf32, #tpu.memory_space<hbm>>) target(%dma_start3A_375 : memref<128xf32, #tpu.memory_space<vmem>>) offsets(%dma_start3A_377 : memref<128xi32, #tpu.memory_space<vmem>>) semaphore(%arg13 : memref<!tpu.dma_semaphore, #tpu.memory_space<semaphore_mem>>)
    %dma_start3A_382 = arith.constant 6 : i32
    %dma_start3A_383 = arith.constant 384 : i32
    %dma_start3A_384 = tpu.memref_slice %arg10[%dma_start3A_382, %dma_start3A_383] : memref<16x640xf32, #tpu.memory_space<vmem>> -> memref<1x128xf32, #tpu.memory_space<vmem>>
    %dma_start3A_385 = tpu.memref_squeeze %dma_start3A_384 : memref<1x128xf32, #tpu.memory_space<vmem>> -> memref<128xf32, #tpu.memory_space<vmem>>
    %dma_start3A_386 = arith.constant 384 : i32
    %dma_start3A_387 = tpu.memref_slice %arg8[%dma_start3A_386] : memref<640xi32, #tpu.memory_space<vmem>> -> memref<128xi32, #tpu.memory_space<vmem>>
    %dma_start3A_388 = arith.constant 600000 : i32
    %dma_start3A_389 = tpu.memref_slice %arg4[%dma_start3A_388] : memref<1600000xf32, #tpu.memory_space<hbm>> -> memref<100000xf32, #tpu.memory_space<hbm>>
    %dma_start3A_390 = arith.constant 0 : i32
    %dma_start3A_391 = tpu.memref_slice %dma_start3A_389[%dma_start3A_390] : memref<100000xf32, #tpu.memory_space<hbm>> -> memref<100000xf32, #tpu.memory_space<hbm>>
    tpu.enqueue_indirect_dma source(%dma_start3A_391 : memref<100000xf32, #tpu.memory_space<hbm>>) target(%dma_start3A_385 : memref<128xf32, #tpu.memory_space<vmem>>) offsets(%dma_start3A_387 : memref<128xi32, #tpu.memory_space<vmem>>) semaphore(%arg13 : memref<!tpu.dma_semaphore, #tpu.memory_space<semaphore_mem>>)
    %dma_start3A_392 = arith.constant 6 : i32
    %dma_start3A_393 = arith.constant 512 : i32
    %dma_start3A_394 = tpu.memref_slice %arg10[%dma_start3A_392, %dma_start3A_393] : memref<16x640xf32, #tpu.memory_space<vmem>> -> memref<1x128xf32, #tpu.memory_space<vmem>>
    %dma_start3A_395 = tpu.memref_squeeze %dma_start3A_394 : memref<1x128xf32, #tpu.memory_space<vmem>> -> memref<128xf32, #tpu.memory_space<vmem>>
    %dma_start3A_396 = arith.constant 512 : i32
    %dma_start3A_397 = tpu.memref_slice %arg8[%dma_start3A_396] : memref<640xi32, #tpu.memory_space<vmem>> -> memref<128xi32, #tpu.memory_space<vmem>>
    %dma_start3A_398 = arith.constant 600000 : i32
    %dma_start3A_399 = tpu.memref_slice %arg4[%dma_start3A_398] : memref<1600000xf32, #tpu.memory_space<hbm>> -> memref<100000xf32, #tpu.memory_space<hbm>>
    %dma_start3A_400 = arith.constant 0 : i32
    %dma_start3A_401 = tpu.memref_slice %dma_start3A_399[%dma_start3A_400] : memref<100000xf32, #tpu.memory_space<hbm>> -> memref<100000xf32, #tpu.memory_space<hbm>>
    tpu.enqueue_indirect_dma source(%dma_start3A_401 : memref<100000xf32, #tpu.memory_space<hbm>>) target(%dma_start3A_395 : memref<128xf32, #tpu.memory_space<vmem>>) offsets(%dma_start3A_397 : memref<128xi32, #tpu.memory_space<vmem>>) semaphore(%arg13 : memref<!tpu.dma_semaphore, #tpu.memory_space<semaphore_mem>>)
    %dma_start3A_402 = arith.constant 6 : i32
    %dma_start3A_403 = arith.constant 0 : i32
    %dma_start3A_404 = tpu.memref_slice %arg11[%dma_start3A_402, %dma_start3A_403] : memref<16x32xf32, #tpu.memory_space<vmem>> -> memref<1x32xf32, #tpu.memory_space<vmem>>
    %dma_start3A_405 = tpu.memref_squeeze %dma_start3A_404 : memref<1x32xf32, #tpu.memory_space<vmem>> -> memref<32xf32, #tpu.memory_space<vmem>>
    %dma_start3A_406 = arith.constant 600000 : i32
    %dma_start3A_407 = tpu.memref_slice %arg5[%dma_start3A_406] : memref<1600000xf32, #tpu.memory_space<hbm>> -> memref<100000xf32, #tpu.memory_space<hbm>>
    %dma_start3A_408 = arith.constant 0 : i32
    %dma_start3A_409 = tpu.memref_slice %dma_start3A_407[%dma_start3A_408] : memref<100000xf32, #tpu.memory_space<hbm>> -> memref<100000xf32, #tpu.memory_space<hbm>>
    tpu.enqueue_indirect_dma source(%dma_start3A_409 : memref<100000xf32, #tpu.memory_space<hbm>>) target(%dma_start3A_405 : memref<32xf32, #tpu.memory_space<vmem>>) offsets(%arg9 : memref<32xi32, #tpu.memory_space<vmem>>) semaphore(%arg13 : memref<!tpu.dma_semaphore, #tpu.memory_space<semaphore_mem>>)
    %dma_start3A_410 = arith.constant 7 : i32
    %dma_start3A_411 = arith.constant 0 : i32
    %dma_start3A_412 = tpu.memref_slice %arg10[%dma_start3A_410, %dma_start3A_411] : memref<16x640xf32, #tpu.memory_space<vmem>> -> memref<1x128xf32, #tpu.memory_space<vmem>>
    %dma_start3A_413 = tpu.memref_squeeze %dma_start3A_412 : memref<1x128xf32, #tpu.memory_space<vmem>> -> memref<128xf32, #tpu.memory_space<vmem>>
    %dma_start3A_414 = arith.constant 0 : i32
    %dma_start3A_415 = tpu.memref_slice %arg8[%dma_start3A_414] : memref<640xi32, #tpu.memory_space<vmem>> -> memref<128xi32, #tpu.memory_space<vmem>>
    %dma_start3A_416 = arith.constant 700000 : i32
    %dma_start3A_417 = tpu.memref_slice %arg4[%dma_start3A_416] : memref<1600000xf32, #tpu.memory_space<hbm>> -> memref<100000xf32, #tpu.memory_space<hbm>>
    %dma_start3A_418 = arith.constant 0 : i32
    %dma_start3A_419 = tpu.memref_slice %dma_start3A_417[%dma_start3A_418] : memref<100000xf32, #tpu.memory_space<hbm>> -> memref<100000xf32, #tpu.memory_space<hbm>>
    tpu.enqueue_indirect_dma source(%dma_start3A_419 : memref<100000xf32, #tpu.memory_space<hbm>>) target(%dma_start3A_413 : memref<128xf32, #tpu.memory_space<vmem>>) offsets(%dma_start3A_415 : memref<128xi32, #tpu.memory_space<vmem>>) semaphore(%arg13 : memref<!tpu.dma_semaphore, #tpu.memory_space<semaphore_mem>>)
    %dma_start3A_420 = arith.constant 7 : i32
    %dma_start3A_421 = arith.constant 128 : i32
    %dma_start3A_422 = tpu.memref_slice %arg10[%dma_start3A_420, %dma_start3A_421] : memref<16x640xf32, #tpu.memory_space<vmem>> -> memref<1x128xf32, #tpu.memory_space<vmem>>
    %dma_start3A_423 = tpu.memref_squeeze %dma_start3A_422 : memref<1x128xf32, #tpu.memory_space<vmem>> -> memref<128xf32, #tpu.memory_space<vmem>>
    %dma_start3A_424 = arith.constant 128 : i32
    %dma_start3A_425 = tpu.memref_slice %arg8[%dma_start3A_424] : memref<640xi32, #tpu.memory_space<vmem>> -> memref<128xi32, #tpu.memory_space<vmem>>
    %dma_start3A_426 = arith.constant 700000 : i32
    %dma_start3A_427 = tpu.memref_slice %arg4[%dma_start3A_426] : memref<1600000xf32, #tpu.memory_space<hbm>> -> memref<100000xf32, #tpu.memory_space<hbm>>
    %dma_start3A_428 = arith.constant 0 : i32
    %dma_start3A_429 = tpu.memref_slice %dma_start3A_427[%dma_start3A_428] : memref<100000xf32, #tpu.memory_space<hbm>> -> memref<100000xf32, #tpu.memory_space<hbm>>
    tpu.enqueue_indirect_dma source(%dma_start3A_429 : memref<100000xf32, #tpu.memory_space<hbm>>) target(%dma_start3A_423 : memref<128xf32, #tpu.memory_space<vmem>>) offsets(%dma_start3A_425 : memref<128xi32, #tpu.memory_space<vmem>>) semaphore(%arg13 : memref<!tpu.dma_semaphore, #tpu.memory_space<semaphore_mem>>)
    %dma_start3A_430 = arith.constant 7 : i32
    %dma_start3A_431 = arith.constant 256 : i32
    %dma_start3A_432 = tpu.memref_slice %arg10[%dma_start3A_430, %dma_start3A_431] : memref<16x640xf32, #tpu.memory_space<vmem>> -> memref<1x128xf32, #tpu.memory_space<vmem>>
    %dma_start3A_433 = tpu.memref_squeeze %dma_start3A_432 : memref<1x128xf32, #tpu.memory_space<vmem>> -> memref<128xf32, #tpu.memory_space<vmem>>
    %dma_start3A_434 = arith.constant 256 : i32
    %dma_start3A_435 = tpu.memref_slice %arg8[%dma_start3A_434] : memref<640xi32, #tpu.memory_space<vmem>> -> memref<128xi32, #tpu.memory_space<vmem>>
    %dma_start3A_436 = arith.constant 700000 : i32
    %dma_start3A_437 = tpu.memref_slice %arg4[%dma_start3A_436] : memref<1600000xf32, #tpu.memory_space<hbm>> -> memref<100000xf32, #tpu.memory_space<hbm>>
    %dma_start3A_438 = arith.constant 0 : i32
    %dma_start3A_439 = tpu.memref_slice %dma_start3A_437[%dma_start3A_438] : memref<100000xf32, #tpu.memory_space<hbm>> -> memref<100000xf32, #tpu.memory_space<hbm>>
    tpu.enqueue_indirect_dma source(%dma_start3A_439 : memref<100000xf32, #tpu.memory_space<hbm>>) target(%dma_start3A_433 : memref<128xf32, #tpu.memory_space<vmem>>) offsets(%dma_start3A_435 : memref<128xi32, #tpu.memory_space<vmem>>) semaphore(%arg13 : memref<!tpu.dma_semaphore, #tpu.memory_space<semaphore_mem>>)
    %dma_start3A_440 = arith.constant 7 : i32
    %dma_start3A_441 = arith.constant 384 : i32
    %dma_start3A_442 = tpu.memref_slice %arg10[%dma_start3A_440, %dma_start3A_441] : memref<16x640xf32, #tpu.memory_space<vmem>> -> memref<1x128xf32, #tpu.memory_space<vmem>>
    %dma_start3A_443 = tpu.memref_squeeze %dma_start3A_442 : memref<1x128xf32, #tpu.memory_space<vmem>> -> memref<128xf32, #tpu.memory_space<vmem>>
    %dma_start3A_444 = arith.constant 384 : i32
    %dma_start3A_445 = tpu.memref_slice %arg8[%dma_start3A_444] : memref<640xi32, #tpu.memory_space<vmem>> -> memref<128xi32, #tpu.memory_space<vmem>>
    %dma_start3A_446 = arith.constant 700000 : i32
    %dma_start3A_447 = tpu.memref_slice %arg4[%dma_start3A_446] : memref<1600000xf32, #tpu.memory_space<hbm>> -> memref<100000xf32, #tpu.memory_space<hbm>>
    %dma_start3A_448 = arith.constant 0 : i32
    %dma_start3A_449 = tpu.memref_slice %dma_start3A_447[%dma_start3A_448] : memref<100000xf32, #tpu.memory_space<hbm>> -> memref<100000xf32, #tpu.memory_space<hbm>>
    tpu.enqueue_indirect_dma source(%dma_start3A_449 : memref<100000xf32, #tpu.memory_space<hbm>>) target(%dma_start3A_443 : memref<128xf32, #tpu.memory_space<vmem>>) offsets(%dma_start3A_445 : memref<128xi32, #tpu.memory_space<vmem>>) semaphore(%arg13 : memref<!tpu.dma_semaphore, #tpu.memory_space<semaphore_mem>>)
    %dma_start3A_450 = arith.constant 7 : i32
    %dma_start3A_451 = arith.constant 512 : i32
    %dma_start3A_452 = tpu.memref_slice %arg10[%dma_start3A_450, %dma_start3A_451] : memref<16x640xf32, #tpu.memory_space<vmem>> -> memref<1x128xf32, #tpu.memory_space<vmem>>
    %dma_start3A_453 = tpu.memref_squeeze %dma_start3A_452 : memref<1x128xf32, #tpu.memory_space<vmem>> -> memref<128xf32, #tpu.memory_space<vmem>>
    %dma_start3A_454 = arith.constant 512 : i32
    %dma_start3A_455 = tpu.memref_slice %arg8[%dma_start3A_454] : memref<640xi32, #tpu.memory_space<vmem>> -> memref<128xi32, #tpu.memory_space<vmem>>
    %dma_start3A_456 = arith.constant 700000 : i32
    %dma_start3A_457 = tpu.memref_slice %arg4[%dma_start3A_456] : memref<1600000xf32, #tpu.memory_space<hbm>> -> memref<100000xf32, #tpu.memory_space<hbm>>
    %dma_start3A_458 = arith.constant 0 : i32
    %dma_start3A_459 = tpu.memref_slice %dma_start3A_457[%dma_start3A_458] : memref<100000xf32, #tpu.memory_space<hbm>> -> memref<100000xf32, #tpu.memory_space<hbm>>
    tpu.enqueue_indirect_dma source(%dma_start3A_459 : memref<100000xf32, #tpu.memory_space<hbm>>) target(%dma_start3A_453 : memref<128xf32, #tpu.memory_space<vmem>>) offsets(%dma_start3A_455 : memref<128xi32, #tpu.memory_space<vmem>>) semaphore(%arg13 : memref<!tpu.dma_semaphore, #tpu.memory_space<semaphore_mem>>)
    %dma_start3A_460 = arith.constant 7 : i32
    %dma_start3A_461 = arith.constant 0 : i32
    %dma_start3A_462 = tpu.memref_slice %arg11[%dma_start3A_460, %dma_start3A_461] : memref<16x32xf32, #tpu.memory_space<vmem>> -> memref<1x32xf32, #tpu.memory_space<vmem>>
    %dma_start3A_463 = tpu.memref_squeeze %dma_start3A_462 : memref<1x32xf32, #tpu.memory_space<vmem>> -> memref<32xf32, #tpu.memory_space<vmem>>
    %dma_start3A_464 = arith.constant 700000 : i32
    %dma_start3A_465 = tpu.memref_slice %arg5[%dma_start3A_464] : memref<1600000xf32, #tpu.memory_space<hbm>> -> memref<100000xf32, #tpu.memory_space<hbm>>
    %dma_start3A_466 = arith.constant 0 : i32
    %dma_start3A_467 = tpu.memref_slice %dma_start3A_465[%dma_start3A_466] : memref<100000xf32, #tpu.memory_space<hbm>> -> memref<100000xf32, #tpu.memory_space<hbm>>
    tpu.enqueue_indirect_dma source(%dma_start3A_467 : memref<100000xf32, #tpu.memory_space<hbm>>) target(%dma_start3A_463 : memref<32xf32, #tpu.memory_space<vmem>>) offsets(%arg9 : memref<32xi32, #tpu.memory_space<vmem>>) semaphore(%arg13 : memref<!tpu.dma_semaphore, #tpu.memory_space<semaphore_mem>>)
    %dma_start3A_468 = arith.constant 8 : i32
    %dma_start3A_469 = arith.constant 0 : i32
    %dma_start3A_470 = tpu.memref_slice %arg10[%dma_start3A_468, %dma_start3A_469] : memref<16x640xf32, #tpu.memory_space<vmem>> -> memref<1x128xf32, #tpu.memory_space<vmem>>
    %dma_start3A_471 = tpu.memref_squeeze %dma_start3A_470 : memref<1x128xf32, #tpu.memory_space<vmem>> -> memref<128xf32, #tpu.memory_space<vmem>>
    %dma_start3A_472 = arith.constant 0 : i32
    %dma_start3A_473 = tpu.memref_slice %arg8[%dma_start3A_472] : memref<640xi32, #tpu.memory_space<vmem>> -> memref<128xi32, #tpu.memory_space<vmem>>
    %dma_start3A_474 = arith.constant 800000 : i32
    %dma_start3A_475 = tpu.memref_slice %arg4[%dma_start3A_474] : memref<1600000xf32, #tpu.memory_space<hbm>> -> memref<100000xf32, #tpu.memory_space<hbm>>
    %dma_start3A_476 = arith.constant 0 : i32
    %dma_start3A_477 = tpu.memref_slice %dma_start3A_475[%dma_start3A_476] : memref<100000xf32, #tpu.memory_space<hbm>> -> memref<100000xf32, #tpu.memory_space<hbm>>
    tpu.enqueue_indirect_dma source(%dma_start3A_477 : memref<100000xf32, #tpu.memory_space<hbm>>) target(%dma_start3A_471 : memref<128xf32, #tpu.memory_space<vmem>>) offsets(%dma_start3A_473 : memref<128xi32, #tpu.memory_space<vmem>>) semaphore(%arg13 : memref<!tpu.dma_semaphore, #tpu.memory_space<semaphore_mem>>)
    %dma_start3A_478 = arith.constant 8 : i32
    %dma_start3A_479 = arith.constant 128 : i32
    %dma_start3A_480 = tpu.memref_slice %arg10[%dma_start3A_478, %dma_start3A_479] : memref<16x640xf32, #tpu.memory_space<vmem>> -> memref<1x128xf32, #tpu.memory_space<vmem>>
    %dma_start3A_481 = tpu.memref_squeeze %dma_start3A_480 : memref<1x128xf32, #tpu.memory_space<vmem>> -> memref<128xf32, #tpu.memory_space<vmem>>
    %dma_start3A_482 = arith.constant 128 : i32
    %dma_start3A_483 = tpu.memref_slice %arg8[%dma_start3A_482] : memref<640xi32, #tpu.memory_space<vmem>> -> memref<128xi32, #tpu.memory_space<vmem>>
    %dma_start3A_484 = arith.constant 800000 : i32
    %dma_start3A_485 = tpu.memref_slice %arg4[%dma_start3A_484] : memref<1600000xf32, #tpu.memory_space<hbm>> -> memref<100000xf32, #tpu.memory_space<hbm>>
    %dma_start3A_486 = arith.constant 0 : i32
    %dma_start3A_487 = tpu.memref_slice %dma_start3A_485[%dma_start3A_486] : memref<100000xf32, #tpu.memory_space<hbm>> -> memref<100000xf32, #tpu.memory_space<hbm>>
    tpu.enqueue_indirect_dma source(%dma_start3A_487 : memref<100000xf32, #tpu.memory_space<hbm>>) target(%dma_start3A_481 : memref<128xf32, #tpu.memory_space<vmem>>) offsets(%dma_start3A_483 : memref<128xi32, #tpu.memory_space<vmem>>) semaphore(%arg13 : memref<!tpu.dma_semaphore, #tpu.memory_space<semaphore_mem>>)
    %dma_start3A_488 = arith.constant 8 : i32
    %dma_start3A_489 = arith.constant 256 : i32
    %dma_start3A_490 = tpu.memref_slice %arg10[%dma_start3A_488, %dma_start3A_489] : memref<16x640xf32, #tpu.memory_space<vmem>> -> memref<1x128xf32, #tpu.memory_space<vmem>>
    %dma_start3A_491 = tpu.memref_squeeze %dma_start3A_490 : memref<1x128xf32, #tpu.memory_space<vmem>> -> memref<128xf32, #tpu.memory_space<vmem>>
    %dma_start3A_492 = arith.constant 256 : i32
    %dma_start3A_493 = tpu.memref_slice %arg8[%dma_start3A_492] : memref<640xi32, #tpu.memory_space<vmem>> -> memref<128xi32, #tpu.memory_space<vmem>>
    %dma_start3A_494 = arith.constant 800000 : i32
    %dma_start3A_495 = tpu.memref_slice %arg4[%dma_start3A_494] : memref<1600000xf32, #tpu.memory_space<hbm>> -> memref<100000xf32, #tpu.memory_space<hbm>>
    %dma_start3A_496 = arith.constant 0 : i32
    %dma_start3A_497 = tpu.memref_slice %dma_start3A_495[%dma_start3A_496] : memref<100000xf32, #tpu.memory_space<hbm>> -> memref<100000xf32, #tpu.memory_space<hbm>>
    tpu.enqueue_indirect_dma source(%dma_start3A_497 : memref<100000xf32, #tpu.memory_space<hbm>>) target(%dma_start3A_491 : memref<128xf32, #tpu.memory_space<vmem>>) offsets(%dma_start3A_493 : memref<128xi32, #tpu.memory_space<vmem>>) semaphore(%arg13 : memref<!tpu.dma_semaphore, #tpu.memory_space<semaphore_mem>>)
    %dma_start3A_498 = arith.constant 8 : i32
    %dma_start3A_499 = arith.constant 384 : i32
    %dma_start3A_500 = tpu.memref_slice %arg10[%dma_start3A_498, %dma_start3A_499] : memref<16x640xf32, #tpu.memory_space<vmem>> -> memref<1x128xf32, #tpu.memory_space<vmem>>
    %dma_start3A_501 = tpu.memref_squeeze %dma_start3A_500 : memref<1x128xf32, #tpu.memory_space<vmem>> -> memref<128xf32, #tpu.memory_space<vmem>>
    %dma_start3A_502 = arith.constant 384 : i32
    %dma_start3A_503 = tpu.memref_slice %arg8[%dma_start3A_502] : memref<640xi32, #tpu.memory_space<vmem>> -> memref<128xi32, #tpu.memory_space<vmem>>
    %dma_start3A_504 = arith.constant 800000 : i32
    %dma_start3A_505 = tpu.memref_slice %arg4[%dma_start3A_504] : memref<1600000xf32, #tpu.memory_space<hbm>> -> memref<100000xf32, #tpu.memory_space<hbm>>
    %dma_start3A_506 = arith.constant 0 : i32
    %dma_start3A_507 = tpu.memref_slice %dma_start3A_505[%dma_start3A_506] : memref<100000xf32, #tpu.memory_space<hbm>> -> memref<100000xf32, #tpu.memory_space<hbm>>
    tpu.enqueue_indirect_dma source(%dma_start3A_507 : memref<100000xf32, #tpu.memory_space<hbm>>) target(%dma_start3A_501 : memref<128xf32, #tpu.memory_space<vmem>>) offsets(%dma_start3A_503 : memref<128xi32, #tpu.memory_space<vmem>>) semaphore(%arg13 : memref<!tpu.dma_semaphore, #tpu.memory_space<semaphore_mem>>)
    %dma_start3A_508 = arith.constant 8 : i32
    %dma_start3A_509 = arith.constant 512 : i32
    %dma_start3A_510 = tpu.memref_slice %arg10[%dma_start3A_508, %dma_start3A_509] : memref<16x640xf32, #tpu.memory_space<vmem>> -> memref<1x128xf32, #tpu.memory_space<vmem>>
    %dma_start3A_511 = tpu.memref_squeeze %dma_start3A_510 : memref<1x128xf32, #tpu.memory_space<vmem>> -> memref<128xf32, #tpu.memory_space<vmem>>
    %dma_start3A_512 = arith.constant 512 : i32
    %dma_start3A_513 = tpu.memref_slice %arg8[%dma_start3A_512] : memref<640xi32, #tpu.memory_space<vmem>> -> memref<128xi32, #tpu.memory_space<vmem>>
    %dma_start3A_514 = arith.constant 800000 : i32
    %dma_start3A_515 = tpu.memref_slice %arg4[%dma_start3A_514] : memref<1600000xf32, #tpu.memory_space<hbm>> -> memref<100000xf32, #tpu.memory_space<hbm>>
    %dma_start3A_516 = arith.constant 0 : i32
    %dma_start3A_517 = tpu.memref_slice %dma_start3A_515[%dma_start3A_516] : memref<100000xf32, #tpu.memory_space<hbm>> -> memref<100000xf32, #tpu.memory_space<hbm>>
    tpu.enqueue_indirect_dma source(%dma_start3A_517 : memref<100000xf32, #tpu.memory_space<hbm>>) target(%dma_start3A_511 : memref<128xf32, #tpu.memory_space<vmem>>) offsets(%dma_start3A_513 : memref<128xi32, #tpu.memory_space<vmem>>) semaphore(%arg13 : memref<!tpu.dma_semaphore, #tpu.memory_space<semaphore_mem>>)
    %dma_start3A_518 = arith.constant 8 : i32
    %dma_start3A_519 = arith.constant 0 : i32
    %dma_start3A_520 = tpu.memref_slice %arg11[%dma_start3A_518, %dma_start3A_519] : memref<16x32xf32, #tpu.memory_space<vmem>> -> memref<1x32xf32, #tpu.memory_space<vmem>>
    %dma_start3A_521 = tpu.memref_squeeze %dma_start3A_520 : memref<1x32xf32, #tpu.memory_space<vmem>> -> memref<32xf32, #tpu.memory_space<vmem>>
    %dma_start3A_522 = arith.constant 800000 : i32
    %dma_start3A_523 = tpu.memref_slice %arg5[%dma_start3A_522] : memref<1600000xf32, #tpu.memory_space<hbm>> -> memref<100000xf32, #tpu.memory_space<hbm>>
    %dma_start3A_524 = arith.constant 0 : i32
    %dma_start3A_525 = tpu.memref_slice %dma_start3A_523[%dma_start3A_524] : memref<100000xf32, #tpu.memory_space<hbm>> -> memref<100000xf32, #tpu.memory_space<hbm>>
    tpu.enqueue_indirect_dma source(%dma_start3A_525 : memref<100000xf32, #tpu.memory_space<hbm>>) target(%dma_start3A_521 : memref<32xf32, #tpu.memory_space<vmem>>) offsets(%arg9 : memref<32xi32, #tpu.memory_space<vmem>>) semaphore(%arg13 : memref<!tpu.dma_semaphore, #tpu.memory_space<semaphore_mem>>)
    %dma_start3A_526 = arith.constant 9 : i32
    %dma_start3A_527 = arith.constant 0 : i32
    %dma_start3A_528 = tpu.memref_slice %arg10[%dma_start3A_526, %dma_start3A_527] : memref<16x640xf32, #tpu.memory_space<vmem>> -> memref<1x128xf32, #tpu.memory_space<vmem>>
    %dma_start3A_529 = tpu.memref_squeeze %dma_start3A_528 : memref<1x128xf32, #tpu.memory_space<vmem>> -> memref<128xf32, #tpu.memory_space<vmem>>
    %dma_start3A_530 = arith.constant 0 : i32
    %dma_start3A_531 = tpu.memref_slice %arg8[%dma_start3A_530] : memref<640xi32, #tpu.memory_space<vmem>> -> memref<128xi32, #tpu.memory_space<vmem>>
    %dma_start3A_532 = arith.constant 900000 : i32
    %dma_start3A_533 = tpu.memref_slice %arg4[%dma_start3A_532] : memref<1600000xf32, #tpu.memory_space<hbm>> -> memref<100000xf32, #tpu.memory_space<hbm>>
    %dma_start3A_534 = arith.constant 0 : i32
    %dma_start3A_535 = tpu.memref_slice %dma_start3A_533[%dma_start3A_534] : memref<100000xf32, #tpu.memory_space<hbm>> -> memref<100000xf32, #tpu.memory_space<hbm>>
    tpu.enqueue_indirect_dma source(%dma_start3A_535 : memref<100000xf32, #tpu.memory_space<hbm>>) target(%dma_start3A_529 : memref<128xf32, #tpu.memory_space<vmem>>) offsets(%dma_start3A_531 : memref<128xi32, #tpu.memory_space<vmem>>) semaphore(%arg13 : memref<!tpu.dma_semaphore, #tpu.memory_space<semaphore_mem>>)
    %dma_start3A_536 = arith.constant 9 : i32
    %dma_start3A_537 = arith.constant 128 : i32
    %dma_start3A_538 = tpu.memref_slice %arg10[%dma_start3A_536, %dma_start3A_537] : memref<16x640xf32, #tpu.memory_space<vmem>> -> memref<1x128xf32, #tpu.memory_space<vmem>>
    %dma_start3A_539 = tpu.memref_squeeze %dma_start3A_538 : memref<1x128xf32, #tpu.memory_space<vmem>> -> memref<128xf32, #tpu.memory_space<vmem>>
    %dma_start3A_540 = arith.constant 128 : i32
    %dma_start3A_541 = tpu.memref_slice %arg8[%dma_start3A_540] : memref<640xi32, #tpu.memory_space<vmem>> -> memref<128xi32, #tpu.memory_space<vmem>>
    %dma_start3A_542 = arith.constant 900000 : i32
    %dma_start3A_543 = tpu.memref_slice %arg4[%dma_start3A_542] : memref<1600000xf32, #tpu.memory_space<hbm>> -> memref<100000xf32, #tpu.memory_space<hbm>>
    %dma_start3A_544 = arith.constant 0 : i32
    %dma_start3A_545 = tpu.memref_slice %dma_start3A_543[%dma_start3A_544] : memref<100000xf32, #tpu.memory_space<hbm>> -> memref<100000xf32, #tpu.memory_space<hbm>>
    tpu.enqueue_indirect_dma source(%dma_start3A_545 : memref<100000xf32, #tpu.memory_space<hbm>>) target(%dma_start3A_539 : memref<128xf32, #tpu.memory_space<vmem>>) offsets(%dma_start3A_541 : memref<128xi32, #tpu.memory_space<vmem>>) semaphore(%arg13 : memref<!tpu.dma_semaphore, #tpu.memory_space<semaphore_mem>>)
    %dma_start3A_546 = arith.constant 9 : i32
    %dma_start3A_547 = arith.constant 256 : i32
    %dma_start3A_548 = tpu.memref_slice %arg10[%dma_start3A_546, %dma_start3A_547] : memref<16x640xf32, #tpu.memory_space<vmem>> -> memref<1x128xf32, #tpu.memory_space<vmem>>
    %dma_start3A_549 = tpu.memref_squeeze %dma_start3A_548 : memref<1x128xf32, #tpu.memory_space<vmem>> -> memref<128xf32, #tpu.memory_space<vmem>>
    %dma_start3A_550 = arith.constant 256 : i32
    %dma_start3A_551 = tpu.memref_slice %arg8[%dma_start3A_550] : memref<640xi32, #tpu.memory_space<vmem>> -> memref<128xi32, #tpu.memory_space<vmem>>
    %dma_start3A_552 = arith.constant 900000 : i32
    %dma_start3A_553 = tpu.memref_slice %arg4[%dma_start3A_552] : memref<1600000xf32, #tpu.memory_space<hbm>> -> memref<100000xf32, #tpu.memory_space<hbm>>
    %dma_start3A_554 = arith.constant 0 : i32
    %dma_start3A_555 = tpu.memref_slice %dma_start3A_553[%dma_start3A_554] : memref<100000xf32, #tpu.memory_space<hbm>> -> memref<100000xf32, #tpu.memory_space<hbm>>
    tpu.enqueue_indirect_dma source(%dma_start3A_555 : memref<100000xf32, #tpu.memory_space<hbm>>) target(%dma_start3A_549 : memref<128xf32, #tpu.memory_space<vmem>>) offsets(%dma_start3A_551 : memref<128xi32, #tpu.memory_space<vmem>>) semaphore(%arg13 : memref<!tpu.dma_semaphore, #tpu.memory_space<semaphore_mem>>)
    %dma_start3A_556 = arith.constant 9 : i32
    %dma_start3A_557 = arith.constant 384 : i32
    %dma_start3A_558 = tpu.memref_slice %arg10[%dma_start3A_556, %dma_start3A_557] : memref<16x640xf32, #tpu.memory_space<vmem>> -> memref<1x128xf32, #tpu.memory_space<vmem>>
    %dma_start3A_559 = tpu.memref_squeeze %dma_start3A_558 : memref<1x128xf32, #tpu.memory_space<vmem>> -> memref<128xf32, #tpu.memory_space<vmem>>
    %dma_start3A_560 = arith.constant 384 : i32
    %dma_start3A_561 = tpu.memref_slice %arg8[%dma_start3A_560] : memref<640xi32, #tpu.memory_space<vmem>> -> memref<128xi32, #tpu.memory_space<vmem>>
    %dma_start3A_562 = arith.constant 900000 : i32
    %dma_start3A_563 = tpu.memref_slice %arg4[%dma_start3A_562] : memref<1600000xf32, #tpu.memory_space<hbm>> -> memref<100000xf32, #tpu.memory_space<hbm>>
    %dma_start3A_564 = arith.constant 0 : i32
    %dma_start3A_565 = tpu.memref_slice %dma_start3A_563[%dma_start3A_564] : memref<100000xf32, #tpu.memory_space<hbm>> -> memref<100000xf32, #tpu.memory_space<hbm>>
    tpu.enqueue_indirect_dma source(%dma_start3A_565 : memref<100000xf32, #tpu.memory_space<hbm>>) target(%dma_start3A_559 : memref<128xf32, #tpu.memory_space<vmem>>) offsets(%dma_start3A_561 : memref<128xi32, #tpu.memory_space<vmem>>) semaphore(%arg13 : memref<!tpu.dma_semaphore, #tpu.memory_space<semaphore_mem>>)
    %dma_start3A_566 = arith.constant 9 : i32
    %dma_start3A_567 = arith.constant 512 : i32
    %dma_start3A_568 = tpu.memref_slice %arg10[%dma_start3A_566, %dma_start3A_567] : memref<16x640xf32, #tpu.memory_space<vmem>> -> memref<1x128xf32, #tpu.memory_space<vmem>>
    %dma_start3A_569 = tpu.memref_squeeze %dma_start3A_568 : memref<1x128xf32, #tpu.memory_space<vmem>> -> memref<128xf32, #tpu.memory_space<vmem>>
    %dma_start3A_570 = arith.constant 512 : i32
    %dma_start3A_571 = tpu.memref_slice %arg8[%dma_start3A_570] : memref<640xi32, #tpu.memory_space<vmem>> -> memref<128xi32, #tpu.memory_space<vmem>>
    %dma_start3A_572 = arith.constant 900000 : i32
    %dma_start3A_573 = tpu.memref_slice %arg4[%dma_start3A_572] : memref<1600000xf32, #tpu.memory_space<hbm>> -> memref<100000xf32, #tpu.memory_space<hbm>>
    %dma_start3A_574 = arith.constant 0 : i32
    %dma_start3A_575 = tpu.memref_slice %dma_start3A_573[%dma_start3A_574] : memref<100000xf32, #tpu.memory_space<hbm>> -> memref<100000xf32, #tpu.memory_space<hbm>>
    tpu.enqueue_indirect_dma source(%dma_start3A_575 : memref<100000xf32, #tpu.memory_space<hbm>>) target(%dma_start3A_569 : memref<128xf32, #tpu.memory_space<vmem>>) offsets(%dma_start3A_571 : memref<128xi32, #tpu.memory_space<vmem>>) semaphore(%arg13 : memref<!tpu.dma_semaphore, #tpu.memory_space<semaphore_mem>>)
    %dma_start3A_576 = arith.constant 9 : i32
    %dma_start3A_577 = arith.constant 0 : i32
    %dma_start3A_578 = tpu.memref_slice %arg11[%dma_start3A_576, %dma_start3A_577] : memref<16x32xf32, #tpu.memory_space<vmem>> -> memref<1x32xf32, #tpu.memory_space<vmem>>
    %dma_start3A_579 = tpu.memref_squeeze %dma_start3A_578 : memref<1x32xf32, #tpu.memory_space<vmem>> -> memref<32xf32, #tpu.memory_space<vmem>>
    %dma_start3A_580 = arith.constant 900000 : i32
    %dma_start3A_581 = tpu.memref_slice %arg5[%dma_start3A_580] : memref<1600000xf32, #tpu.memory_space<hbm>> -> memref<100000xf32, #tpu.memory_space<hbm>>
    %dma_start3A_582 = arith.constant 0 : i32
    %dma_start3A_583 = tpu.memref_slice %dma_start3A_581[%dma_start3A_582] : memref<100000xf32, #tpu.memory_space<hbm>> -> memref<100000xf32, #tpu.memory_space<hbm>>
    tpu.enqueue_indirect_dma source(%dma_start3A_583 : memref<100000xf32, #tpu.memory_space<hbm>>) target(%dma_start3A_579 : memref<32xf32, #tpu.memory_space<vmem>>) offsets(%arg9 : memref<32xi32, #tpu.memory_space<vmem>>) semaphore(%arg13 : memref<!tpu.dma_semaphore, #tpu.memory_space<semaphore_mem>>)
    %dma_start3A_584 = arith.constant 10 : i32
    %dma_start3A_585 = arith.constant 0 : i32
    %dma_start3A_586 = tpu.memref_slice %arg10[%dma_start3A_584, %dma_start3A_585] : memref<16x640xf32, #tpu.memory_space<vmem>> -> memref<1x128xf32, #tpu.memory_space<vmem>>
    %dma_start3A_587 = tpu.memref_squeeze %dma_start3A_586 : memref<1x128xf32, #tpu.memory_space<vmem>> -> memref<128xf32, #tpu.memory_space<vmem>>
    %dma_start3A_588 = arith.constant 0 : i32
    %dma_start3A_589 = tpu.memref_slice %arg8[%dma_start3A_588] : memref<640xi32, #tpu.memory_space<vmem>> -> memref<128xi32, #tpu.memory_space<vmem>>
    %dma_start3A_590 = arith.constant 1000000 : i32
    %dma_start3A_591 = tpu.memref_slice %arg4[%dma_start3A_590] : memref<1600000xf32, #tpu.memory_space<hbm>> -> memref<100000xf32, #tpu.memory_space<hbm>>
    %dma_start3A_592 = arith.constant 0 : i32
    %dma_start3A_593 = tpu.memref_slice %dma_start3A_591[%dma_start3A_592] : memref<100000xf32, #tpu.memory_space<hbm>> -> memref<100000xf32, #tpu.memory_space<hbm>>
    tpu.enqueue_indirect_dma source(%dma_start3A_593 : memref<100000xf32, #tpu.memory_space<hbm>>) target(%dma_start3A_587 : memref<128xf32, #tpu.memory_space<vmem>>) offsets(%dma_start3A_589 : memref<128xi32, #tpu.memory_space<vmem>>) semaphore(%arg13 : memref<!tpu.dma_semaphore, #tpu.memory_space<semaphore_mem>>)
    %dma_start3A_594 = arith.constant 10 : i32
    %dma_start3A_595 = arith.constant 128 : i32
    %dma_start3A_596 = tpu.memref_slice %arg10[%dma_start3A_594, %dma_start3A_595] : memref<16x640xf32, #tpu.memory_space<vmem>> -> memref<1x128xf32, #tpu.memory_space<vmem>>
    %dma_start3A_597 = tpu.memref_squeeze %dma_start3A_596 : memref<1x128xf32, #tpu.memory_space<vmem>> -> memref<128xf32, #tpu.memory_space<vmem>>
    %dma_start3A_598 = arith.constant 128 : i32
    %dma_start3A_599 = tpu.memref_slice %arg8[%dma_start3A_598] : memref<640xi32, #tpu.memory_space<vmem>> -> memref<128xi32, #tpu.memory_space<vmem>>
    %dma_start3A_600 = arith.constant 1000000 : i32
    %dma_start3A_601 = tpu.memref_slice %arg4[%dma_start3A_600] : memref<1600000xf32, #tpu.memory_space<hbm>> -> memref<100000xf32, #tpu.memory_space<hbm>>
    %dma_start3A_602 = arith.constant 0 : i32
    %dma_start3A_603 = tpu.memref_slice %dma_start3A_601[%dma_start3A_602] : memref<100000xf32, #tpu.memory_space<hbm>> -> memref<100000xf32, #tpu.memory_space<hbm>>
    tpu.enqueue_indirect_dma source(%dma_start3A_603 : memref<100000xf32, #tpu.memory_space<hbm>>) target(%dma_start3A_597 : memref<128xf32, #tpu.memory_space<vmem>>) offsets(%dma_start3A_599 : memref<128xi32, #tpu.memory_space<vmem>>) semaphore(%arg13 : memref<!tpu.dma_semaphore, #tpu.memory_space<semaphore_mem>>)
    %dma_start3A_604 = arith.constant 10 : i32
    %dma_start3A_605 = arith.constant 256 : i32
    %dma_start3A_606 = tpu.memref_slice %arg10[%dma_start3A_604, %dma_start3A_605] : memref<16x640xf32, #tpu.memory_space<vmem>> -> memref<1x128xf32, #tpu.memory_space<vmem>>
    %dma_start3A_607 = tpu.memref_squeeze %dma_start3A_606 : memref<1x128xf32, #tpu.memory_space<vmem>> -> memref<128xf32, #tpu.memory_space<vmem>>
    %dma_start3A_608 = arith.constant 256 : i32
    %dma_start3A_609 = tpu.memref_slice %arg8[%dma_start3A_608] : memref<640xi32, #tpu.memory_space<vmem>> -> memref<128xi32, #tpu.memory_space<vmem>>
    %dma_start3A_610 = arith.constant 1000000 : i32
    %dma_start3A_611 = tpu.memref_slice %arg4[%dma_start3A_610] : memref<1600000xf32, #tpu.memory_space<hbm>> -> memref<100000xf32, #tpu.memory_space<hbm>>
    %dma_start3A_612 = arith.constant 0 : i32
    %dma_start3A_613 = tpu.memref_slice %dma_start3A_611[%dma_start3A_612] : memref<100000xf32, #tpu.memory_space<hbm>> -> memref<100000xf32, #tpu.memory_space<hbm>>
    tpu.enqueue_indirect_dma source(%dma_start3A_613 : memref<100000xf32, #tpu.memory_space<hbm>>) target(%dma_start3A_607 : memref<128xf32, #tpu.memory_space<vmem>>) offsets(%dma_start3A_609 : memref<128xi32, #tpu.memory_space<vmem>>) semaphore(%arg13 : memref<!tpu.dma_semaphore, #tpu.memory_space<semaphore_mem>>)
    %dma_start3A_614 = arith.constant 10 : i32
    %dma_start3A_615 = arith.constant 384 : i32
    %dma_start3A_616 = tpu.memref_slice %arg10[%dma_start3A_614, %dma_start3A_615] : memref<16x640xf32, #tpu.memory_space<vmem>> -> memref<1x128xf32, #tpu.memory_space<vmem>>
    %dma_start3A_617 = tpu.memref_squeeze %dma_start3A_616 : memref<1x128xf32, #tpu.memory_space<vmem>> -> memref<128xf32, #tpu.memory_space<vmem>>
    %dma_start3A_618 = arith.constant 384 : i32
    %dma_start3A_619 = tpu.memref_slice %arg8[%dma_start3A_618] : memref<640xi32, #tpu.memory_space<vmem>> -> memref<128xi32, #tpu.memory_space<vmem>>
    %dma_start3A_620 = arith.constant 1000000 : i32
    %dma_start3A_621 = tpu.memref_slice %arg4[%dma_start3A_620] : memref<1600000xf32, #tpu.memory_space<hbm>> -> memref<100000xf32, #tpu.memory_space<hbm>>
    %dma_start3A_622 = arith.constant 0 : i32
    %dma_start3A_623 = tpu.memref_slice %dma_start3A_621[%dma_start3A_622] : memref<100000xf32, #tpu.memory_space<hbm>> -> memref<100000xf32, #tpu.memory_space<hbm>>
    tpu.enqueue_indirect_dma source(%dma_start3A_623 : memref<100000xf32, #tpu.memory_space<hbm>>) target(%dma_start3A_617 : memref<128xf32, #tpu.memory_space<vmem>>) offsets(%dma_start3A_619 : memref<128xi32, #tpu.memory_space<vmem>>) semaphore(%arg13 : memref<!tpu.dma_semaphore, #tpu.memory_space<semaphore_mem>>)
    %dma_start3A_624 = arith.constant 10 : i32
    %dma_start3A_625 = arith.constant 512 : i32
    %dma_start3A_626 = tpu.memref_slice %arg10[%dma_start3A_624, %dma_start3A_625] : memref<16x640xf32, #tpu.memory_space<vmem>> -> memref<1x128xf32, #tpu.memory_space<vmem>>
    %dma_start3A_627 = tpu.memref_squeeze %dma_start3A_626 : memref<1x128xf32, #tpu.memory_space<vmem>> -> memref<128xf32, #tpu.memory_space<vmem>>
    %dma_start3A_628 = arith.constant 512 : i32
    %dma_start3A_629 = tpu.memref_slice %arg8[%dma_start3A_628] : memref<640xi32, #tpu.memory_space<vmem>> -> memref<128xi32, #tpu.memory_space<vmem>>
    %dma_start3A_630 = arith.constant 1000000 : i32
    %dma_start3A_631 = tpu.memref_slice %arg4[%dma_start3A_630] : memref<1600000xf32, #tpu.memory_space<hbm>> -> memref<100000xf32, #tpu.memory_space<hbm>>
    %dma_start3A_632 = arith.constant 0 : i32
    %dma_start3A_633 = tpu.memref_slice %dma_start3A_631[%dma_start3A_632] : memref<100000xf32, #tpu.memory_space<hbm>> -> memref<100000xf32, #tpu.memory_space<hbm>>
    tpu.enqueue_indirect_dma source(%dma_start3A_633 : memref<100000xf32, #tpu.memory_space<hbm>>) target(%dma_start3A_627 : memref<128xf32, #tpu.memory_space<vmem>>) offsets(%dma_start3A_629 : memref<128xi32, #tpu.memory_space<vmem>>) semaphore(%arg13 : memref<!tpu.dma_semaphore, #tpu.memory_space<semaphore_mem>>)
    %dma_start3A_634 = arith.constant 10 : i32
    %dma_start3A_635 = arith.constant 0 : i32
    %dma_start3A_636 = tpu.memref_slice %arg11[%dma_start3A_634, %dma_start3A_635] : memref<16x32xf32, #tpu.memory_space<vmem>> -> memref<1x32xf32, #tpu.memory_space<vmem>>
    %dma_start3A_637 = tpu.memref_squeeze %dma_start3A_636 : memref<1x32xf32, #tpu.memory_space<vmem>> -> memref<32xf32, #tpu.memory_space<vmem>>
    %dma_start3A_638 = arith.constant 1000000 : i32
    %dma_start3A_639 = tpu.memref_slice %arg5[%dma_start3A_638] : memref<1600000xf32, #tpu.memory_space<hbm>> -> memref<100000xf32, #tpu.memory_space<hbm>>
    %dma_start3A_640 = arith.constant 0 : i32
    %dma_start3A_641 = tpu.memref_slice %dma_start3A_639[%dma_start3A_640] : memref<100000xf32, #tpu.memory_space<hbm>> -> memref<100000xf32, #tpu.memory_space<hbm>>
    tpu.enqueue_indirect_dma source(%dma_start3A_641 : memref<100000xf32, #tpu.memory_space<hbm>>) target(%dma_start3A_637 : memref<32xf32, #tpu.memory_space<vmem>>) offsets(%arg9 : memref<32xi32, #tpu.memory_space<vmem>>) semaphore(%arg13 : memref<!tpu.dma_semaphore, #tpu.memory_space<semaphore_mem>>)
    %dma_start3A_642 = arith.constant 11 : i32
    %dma_start3A_643 = arith.constant 0 : i32
    %dma_start3A_644 = tpu.memref_slice %arg10[%dma_start3A_642, %dma_start3A_643] : memref<16x640xf32, #tpu.memory_space<vmem>> -> memref<1x128xf32, #tpu.memory_space<vmem>>
    %dma_start3A_645 = tpu.memref_squeeze %dma_start3A_644 : memref<1x128xf32, #tpu.memory_space<vmem>> -> memref<128xf32, #tpu.memory_space<vmem>>
    %dma_start3A_646 = arith.constant 0 : i32
    %dma_start3A_647 = tpu.memref_slice %arg8[%dma_start3A_646] : memref<640xi32, #tpu.memory_space<vmem>> -> memref<128xi32, #tpu.memory_space<vmem>>
    %dma_start3A_648 = arith.constant 1100000 : i32
    %dma_start3A_649 = tpu.memref_slice %arg4[%dma_start3A_648] : memref<1600000xf32, #tpu.memory_space<hbm>> -> memref<100000xf32, #tpu.memory_space<hbm>>
    %dma_start3A_650 = arith.constant 0 : i32
    %dma_start3A_651 = tpu.memref_slice %dma_start3A_649[%dma_start3A_650] : memref<100000xf32, #tpu.memory_space<hbm>> -> memref<100000xf32, #tpu.memory_space<hbm>>
    tpu.enqueue_indirect_dma source(%dma_start3A_651 : memref<100000xf32, #tpu.memory_space<hbm>>) target(%dma_start3A_645 : memref<128xf32, #tpu.memory_space<vmem>>) offsets(%dma_start3A_647 : memref<128xi32, #tpu.memory_space<vmem>>) semaphore(%arg13 : memref<!tpu.dma_semaphore, #tpu.memory_space<semaphore_mem>>)
    %dma_start3A_652 = arith.constant 11 : i32
    %dma_start3A_653 = arith.constant 128 : i32
    %dma_start3A_654 = tpu.memref_slice %arg10[%dma_start3A_652, %dma_start3A_653] : memref<16x640xf32, #tpu.memory_space<vmem>> -> memref<1x128xf32, #tpu.memory_space<vmem>>
    %dma_start3A_655 = tpu.memref_squeeze %dma_start3A_654 : memref<1x128xf32, #tpu.memory_space<vmem>> -> memref<128xf32, #tpu.memory_space<vmem>>
    %dma_start3A_656 = arith.constant 128 : i32
    %dma_start3A_657 = tpu.memref_slice %arg8[%dma_start3A_656] : memref<640xi32, #tpu.memory_space<vmem>> -> memref<128xi32, #tpu.memory_space<vmem>>
    %dma_start3A_658 = arith.constant 1100000 : i32
    %dma_start3A_659 = tpu.memref_slice %arg4[%dma_start3A_658] : memref<1600000xf32, #tpu.memory_space<hbm>> -> memref<100000xf32, #tpu.memory_space<hbm>>
    %dma_start3A_660 = arith.constant 0 : i32
    %dma_start3A_661 = tpu.memref_slice %dma_start3A_659[%dma_start3A_660] : memref<100000xf32, #tpu.memory_space<hbm>> -> memref<100000xf32, #tpu.memory_space<hbm>>
    tpu.enqueue_indirect_dma source(%dma_start3A_661 : memref<100000xf32, #tpu.memory_space<hbm>>) target(%dma_start3A_655 : memref<128xf32, #tpu.memory_space<vmem>>) offsets(%dma_start3A_657 : memref<128xi32, #tpu.memory_space<vmem>>) semaphore(%arg13 : memref<!tpu.dma_semaphore, #tpu.memory_space<semaphore_mem>>)
    %dma_start3A_662 = arith.constant 11 : i32
    %dma_start3A_663 = arith.constant 256 : i32
    %dma_start3A_664 = tpu.memref_slice %arg10[%dma_start3A_662, %dma_start3A_663] : memref<16x640xf32, #tpu.memory_space<vmem>> -> memref<1x128xf32, #tpu.memory_space<vmem>>
    %dma_start3A_665 = tpu.memref_squeeze %dma_start3A_664 : memref<1x128xf32, #tpu.memory_space<vmem>> -> memref<128xf32, #tpu.memory_space<vmem>>
    %dma_start3A_666 = arith.constant 256 : i32
    %dma_start3A_667 = tpu.memref_slice %arg8[%dma_start3A_666] : memref<640xi32, #tpu.memory_space<vmem>> -> memref<128xi32, #tpu.memory_space<vmem>>
    %dma_start3A_668 = arith.constant 1100000 : i32
    %dma_start3A_669 = tpu.memref_slice %arg4[%dma_start3A_668] : memref<1600000xf32, #tpu.memory_space<hbm>> -> memref<100000xf32, #tpu.memory_space<hbm>>
    %dma_start3A_670 = arith.constant 0 : i32
    %dma_start3A_671 = tpu.memref_slice %dma_start3A_669[%dma_start3A_670] : memref<100000xf32, #tpu.memory_space<hbm>> -> memref<100000xf32, #tpu.memory_space<hbm>>
    tpu.enqueue_indirect_dma source(%dma_start3A_671 : memref<100000xf32, #tpu.memory_space<hbm>>) target(%dma_start3A_665 : memref<128xf32, #tpu.memory_space<vmem>>) offsets(%dma_start3A_667 : memref<128xi32, #tpu.memory_space<vmem>>) semaphore(%arg13 : memref<!tpu.dma_semaphore, #tpu.memory_space<semaphore_mem>>)
    %dma_start3A_672 = arith.constant 11 : i32
    %dma_start3A_673 = arith.constant 384 : i32
    %dma_start3A_674 = tpu.memref_slice %arg10[%dma_start3A_672, %dma_start3A_673] : memref<16x640xf32, #tpu.memory_space<vmem>> -> memref<1x128xf32, #tpu.memory_space<vmem>>
    %dma_start3A_675 = tpu.memref_squeeze %dma_start3A_674 : memref<1x128xf32, #tpu.memory_space<vmem>> -> memref<128xf32, #tpu.memory_space<vmem>>
    %dma_start3A_676 = arith.constant 384 : i32
    %dma_start3A_677 = tpu.memref_slice %arg8[%dma_start3A_676] : memref<640xi32, #tpu.memory_space<vmem>> -> memref<128xi32, #tpu.memory_space<vmem>>
    %dma_start3A_678 = arith.constant 1100000 : i32
    %dma_start3A_679 = tpu.memref_slice %arg4[%dma_start3A_678] : memref<1600000xf32, #tpu.memory_space<hbm>> -> memref<100000xf32, #tpu.memory_space<hbm>>
    %dma_start3A_680 = arith.constant 0 : i32
    %dma_start3A_681 = tpu.memref_slice %dma_start3A_679[%dma_start3A_680] : memref<100000xf32, #tpu.memory_space<hbm>> -> memref<100000xf32, #tpu.memory_space<hbm>>
    tpu.enqueue_indirect_dma source(%dma_start3A_681 : memref<100000xf32, #tpu.memory_space<hbm>>) target(%dma_start3A_675 : memref<128xf32, #tpu.memory_space<vmem>>) offsets(%dma_start3A_677 : memref<128xi32, #tpu.memory_space<vmem>>) semaphore(%arg13 : memref<!tpu.dma_semaphore, #tpu.memory_space<semaphore_mem>>)
    %dma_start3A_682 = arith.constant 11 : i32
    %dma_start3A_683 = arith.constant 512 : i32
    %dma_start3A_684 = tpu.memref_slice %arg10[%dma_start3A_682, %dma_start3A_683] : memref<16x640xf32, #tpu.memory_space<vmem>> -> memref<1x128xf32, #tpu.memory_space<vmem>>
    %dma_start3A_685 = tpu.memref_squeeze %dma_start3A_684 : memref<1x128xf32, #tpu.memory_space<vmem>> -> memref<128xf32, #tpu.memory_space<vmem>>
    %dma_start3A_686 = arith.constant 512 : i32
    %dma_start3A_687 = tpu.memref_slice %arg8[%dma_start3A_686] : memref<640xi32, #tpu.memory_space<vmem>> -> memref<128xi32, #tpu.memory_space<vmem>>
    %dma_start3A_688 = arith.constant 1100000 : i32
    %dma_start3A_689 = tpu.memref_slice %arg4[%dma_start3A_688] : memref<1600000xf32, #tpu.memory_space<hbm>> -> memref<100000xf32, #tpu.memory_space<hbm>>
    %dma_start3A_690 = arith.constant 0 : i32
    %dma_start3A_691 = tpu.memref_slice %dma_start3A_689[%dma_start3A_690] : memref<100000xf32, #tpu.memory_space<hbm>> -> memref<100000xf32, #tpu.memory_space<hbm>>
    tpu.enqueue_indirect_dma source(%dma_start3A_691 : memref<100000xf32, #tpu.memory_space<hbm>>) target(%dma_start3A_685 : memref<128xf32, #tpu.memory_space<vmem>>) offsets(%dma_start3A_687 : memref<128xi32, #tpu.memory_space<vmem>>) semaphore(%arg13 : memref<!tpu.dma_semaphore, #tpu.memory_space<semaphore_mem>>)
    %dma_start3A_692 = arith.constant 11 : i32
    %dma_start3A_693 = arith.constant 0 : i32
    %dma_start3A_694 = tpu.memref_slice %arg11[%dma_start3A_692, %dma_start3A_693] : memref<16x32xf32, #tpu.memory_space<vmem>> -> memref<1x32xf32, #tpu.memory_space<vmem>>
    %dma_start3A_695 = tpu.memref_squeeze %dma_start3A_694 : memref<1x32xf32, #tpu.memory_space<vmem>> -> memref<32xf32, #tpu.memory_space<vmem>>
    %dma_start3A_696 = arith.constant 1100000 : i32
    %dma_start3A_697 = tpu.memref_slice %arg5[%dma_start3A_696] : memref<1600000xf32, #tpu.memory_space<hbm>> -> memref<100000xf32, #tpu.memory_space<hbm>>
    %dma_start3A_698 = arith.constant 0 : i32
    %dma_start3A_699 = tpu.memref_slice %dma_start3A_697[%dma_start3A_698] : memref<100000xf32, #tpu.memory_space<hbm>> -> memref<100000xf32, #tpu.memory_space<hbm>>
    tpu.enqueue_indirect_dma source(%dma_start3A_699 : memref<100000xf32, #tpu.memory_space<hbm>>) target(%dma_start3A_695 : memref<32xf32, #tpu.memory_space<vmem>>) offsets(%arg9 : memref<32xi32, #tpu.memory_space<vmem>>) semaphore(%arg13 : memref<!tpu.dma_semaphore, #tpu.memory_space<semaphore_mem>>)
    %dma_start3A_700 = arith.constant 12 : i32
    %dma_start3A_701 = arith.constant 0 : i32
    %dma_start3A_702 = tpu.memref_slice %arg10[%dma_start3A_700, %dma_start3A_701] : memref<16x640xf32, #tpu.memory_space<vmem>> -> memref<1x128xf32, #tpu.memory_space<vmem>>
    %dma_start3A_703 = tpu.memref_squeeze %dma_start3A_702 : memref<1x128xf32, #tpu.memory_space<vmem>> -> memref<128xf32, #tpu.memory_space<vmem>>
    %dma_start3A_704 = arith.constant 0 : i32
    %dma_start3A_705 = tpu.memref_slice %arg8[%dma_start3A_704] : memref<640xi32, #tpu.memory_space<vmem>> -> memref<128xi32, #tpu.memory_space<vmem>>
    %dma_start3A_706 = arith.constant 1200000 : i32
    %dma_start3A_707 = tpu.memref_slice %arg4[%dma_start3A_706] : memref<1600000xf32, #tpu.memory_space<hbm>> -> memref<100000xf32, #tpu.memory_space<hbm>>
    %dma_start3A_708 = arith.constant 0 : i32
    %dma_start3A_709 = tpu.memref_slice %dma_start3A_707[%dma_start3A_708] : memref<100000xf32, #tpu.memory_space<hbm>> -> memref<100000xf32, #tpu.memory_space<hbm>>
    tpu.enqueue_indirect_dma source(%dma_start3A_709 : memref<100000xf32, #tpu.memory_space<hbm>>) target(%dma_start3A_703 : memref<128xf32, #tpu.memory_space<vmem>>) offsets(%dma_start3A_705 : memref<128xi32, #tpu.memory_space<vmem>>) semaphore(%arg13 : memref<!tpu.dma_semaphore, #tpu.memory_space<semaphore_mem>>)
    %dma_start3A_710 = arith.constant 12 : i32
    %dma_start3A_711 = arith.constant 128 : i32
    %dma_start3A_712 = tpu.memref_slice %arg10[%dma_start3A_710, %dma_start3A_711] : memref<16x640xf32, #tpu.memory_space<vmem>> -> memref<1x128xf32, #tpu.memory_space<vmem>>
    %dma_start3A_713 = tpu.memref_squeeze %dma_start3A_712 : memref<1x128xf32, #tpu.memory_space<vmem>> -> memref<128xf32, #tpu.memory_space<vmem>>
    %dma_start3A_714 = arith.constant 128 : i32
    %dma_start3A_715 = tpu.memref_slice %arg8[%dma_start3A_714] : memref<640xi32, #tpu.memory_space<vmem>> -> memref<128xi32, #tpu.memory_space<vmem>>
    %dma_start3A_716 = arith.constant 1200000 : i32
    %dma_start3A_717 = tpu.memref_slice %arg4[%dma_start3A_716] : memref<1600000xf32, #tpu.memory_space<hbm>> -> memref<100000xf32, #tpu.memory_space<hbm>>
    %dma_start3A_718 = arith.constant 0 : i32
    %dma_start3A_719 = tpu.memref_slice %dma_start3A_717[%dma_start3A_718] : memref<100000xf32, #tpu.memory_space<hbm>> -> memref<100000xf32, #tpu.memory_space<hbm>>
    tpu.enqueue_indirect_dma source(%dma_start3A_719 : memref<100000xf32, #tpu.memory_space<hbm>>) target(%dma_start3A_713 : memref<128xf32, #tpu.memory_space<vmem>>) offsets(%dma_start3A_715 : memref<128xi32, #tpu.memory_space<vmem>>) semaphore(%arg13 : memref<!tpu.dma_semaphore, #tpu.memory_space<semaphore_mem>>)
    %dma_start3A_720 = arith.constant 12 : i32
    %dma_start3A_721 = arith.constant 256 : i32
    %dma_start3A_722 = tpu.memref_slice %arg10[%dma_start3A_720, %dma_start3A_721] : memref<16x640xf32, #tpu.memory_space<vmem>> -> memref<1x128xf32, #tpu.memory_space<vmem>>
    %dma_start3A_723 = tpu.memref_squeeze %dma_start3A_722 : memref<1x128xf32, #tpu.memory_space<vmem>> -> memref<128xf32, #tpu.memory_space<vmem>>
    %dma_start3A_724 = arith.constant 256 : i32
    %dma_start3A_725 = tpu.memref_slice %arg8[%dma_start3A_724] : memref<640xi32, #tpu.memory_space<vmem>> -> memref<128xi32, #tpu.memory_space<vmem>>
    %dma_start3A_726 = arith.constant 1200000 : i32
    %dma_start3A_727 = tpu.memref_slice %arg4[%dma_start3A_726] : memref<1600000xf32, #tpu.memory_space<hbm>> -> memref<100000xf32, #tpu.memory_space<hbm>>
    %dma_start3A_728 = arith.constant 0 : i32
    %dma_start3A_729 = tpu.memref_slice %dma_start3A_727[%dma_start3A_728] : memref<100000xf32, #tpu.memory_space<hbm>> -> memref<100000xf32, #tpu.memory_space<hbm>>
    tpu.enqueue_indirect_dma source(%dma_start3A_729 : memref<100000xf32, #tpu.memory_space<hbm>>) target(%dma_start3A_723 : memref<128xf32, #tpu.memory_space<vmem>>) offsets(%dma_start3A_725 : memref<128xi32, #tpu.memory_space<vmem>>) semaphore(%arg13 : memref<!tpu.dma_semaphore, #tpu.memory_space<semaphore_mem>>)
    %dma_start3A_730 = arith.constant 12 : i32
    %dma_start3A_731 = arith.constant 384 : i32
    %dma_start3A_732 = tpu.memref_slice %arg10[%dma_start3A_730, %dma_start3A_731] : memref<16x640xf32, #tpu.memory_space<vmem>> -> memref<1x128xf32, #tpu.memory_space<vmem>>
    %dma_start3A_733 = tpu.memref_squeeze %dma_start3A_732 : memref<1x128xf32, #tpu.memory_space<vmem>> -> memref<128xf32, #tpu.memory_space<vmem>>
    %dma_start3A_734 = arith.constant 384 : i32
    %dma_start3A_735 = tpu.memref_slice %arg8[%dma_start3A_734] : memref<640xi32, #tpu.memory_space<vmem>> -> memref<128xi32, #tpu.memory_space<vmem>>
    %dma_start3A_736 = arith.constant 1200000 : i32
    %dma_start3A_737 = tpu.memref_slice %arg4[%dma_start3A_736] : memref<1600000xf32, #tpu.memory_space<hbm>> -> memref<100000xf32, #tpu.memory_space<hbm>>
    %dma_start3A_738 = arith.constant 0 : i32
    %dma_start3A_739 = tpu.memref_slice %dma_start3A_737[%dma_start3A_738] : memref<100000xf32, #tpu.memory_space<hbm>> -> memref<100000xf32, #tpu.memory_space<hbm>>
    tpu.enqueue_indirect_dma source(%dma_start3A_739 : memref<100000xf32, #tpu.memory_space<hbm>>) target(%dma_start3A_733 : memref<128xf32, #tpu.memory_space<vmem>>) offsets(%dma_start3A_735 : memref<128xi32, #tpu.memory_space<vmem>>) semaphore(%arg13 : memref<!tpu.dma_semaphore, #tpu.memory_space<semaphore_mem>>)
    %dma_start3A_740 = arith.constant 12 : i32
    %dma_start3A_741 = arith.constant 512 : i32
    %dma_start3A_742 = tpu.memref_slice %arg10[%dma_start3A_740, %dma_start3A_741] : memref<16x640xf32, #tpu.memory_space<vmem>> -> memref<1x128xf32, #tpu.memory_space<vmem>>
    %dma_start3A_743 = tpu.memref_squeeze %dma_start3A_742 : memref<1x128xf32, #tpu.memory_space<vmem>> -> memref<128xf32, #tpu.memory_space<vmem>>
    %dma_start3A_744 = arith.constant 512 : i32
    %dma_start3A_745 = tpu.memref_slice %arg8[%dma_start3A_744] : memref<640xi32, #tpu.memory_space<vmem>> -> memref<128xi32, #tpu.memory_space<vmem>>
    %dma_start3A_746 = arith.constant 1200000 : i32
    %dma_start3A_747 = tpu.memref_slice %arg4[%dma_start3A_746] : memref<1600000xf32, #tpu.memory_space<hbm>> -> memref<100000xf32, #tpu.memory_space<hbm>>
    %dma_start3A_748 = arith.constant 0 : i32
    %dma_start3A_749 = tpu.memref_slice %dma_start3A_747[%dma_start3A_748] : memref<100000xf32, #tpu.memory_space<hbm>> -> memref<100000xf32, #tpu.memory_space<hbm>>
    tpu.enqueue_indirect_dma source(%dma_start3A_749 : memref<100000xf32, #tpu.memory_space<hbm>>) target(%dma_start3A_743 : memref<128xf32, #tpu.memory_space<vmem>>) offsets(%dma_start3A_745 : memref<128xi32, #tpu.memory_space<vmem>>) semaphore(%arg13 : memref<!tpu.dma_semaphore, #tpu.memory_space<semaphore_mem>>)
    %dma_start3A_750 = arith.constant 12 : i32
    %dma_start3A_751 = arith.constant 0 : i32
    %dma_start3A_752 = tpu.memref_slice %arg11[%dma_start3A_750, %dma_start3A_751] : memref<16x32xf32, #tpu.memory_space<vmem>> -> memref<1x32xf32, #tpu.memory_space<vmem>>
    %dma_start3A_753 = tpu.memref_squeeze %dma_start3A_752 : memref<1x32xf32, #tpu.memory_space<vmem>> -> memref<32xf32, #tpu.memory_space<vmem>>
    %dma_start3A_754 = arith.constant 1200000 : i32
    %dma_start3A_755 = tpu.memref_slice %arg5[%dma_start3A_754] : memref<1600000xf32, #tpu.memory_space<hbm>> -> memref<100000xf32, #tpu.memory_space<hbm>>
    %dma_start3A_756 = arith.constant 0 : i32
    %dma_start3A_757 = tpu.memref_slice %dma_start3A_755[%dma_start3A_756] : memref<100000xf32, #tpu.memory_space<hbm>> -> memref<100000xf32, #tpu.memory_space<hbm>>
    tpu.enqueue_indirect_dma source(%dma_start3A_757 : memref<100000xf32, #tpu.memory_space<hbm>>) target(%dma_start3A_753 : memref<32xf32, #tpu.memory_space<vmem>>) offsets(%arg9 : memref<32xi32, #tpu.memory_space<vmem>>) semaphore(%arg13 : memref<!tpu.dma_semaphore, #tpu.memory_space<semaphore_mem>>)
    %dma_start3A_758 = arith.constant 13 : i32
    %dma_start3A_759 = arith.constant 0 : i32
    %dma_start3A_760 = tpu.memref_slice %arg10[%dma_start3A_758, %dma_start3A_759] : memref<16x640xf32, #tpu.memory_space<vmem>> -> memref<1x128xf32, #tpu.memory_space<vmem>>
    %dma_start3A_761 = tpu.memref_squeeze %dma_start3A_760 : memref<1x128xf32, #tpu.memory_space<vmem>> -> memref<128xf32, #tpu.memory_space<vmem>>
    %dma_start3A_762 = arith.constant 0 : i32
    %dma_start3A_763 = tpu.memref_slice %arg8[%dma_start3A_762] : memref<640xi32, #tpu.memory_space<vmem>> -> memref<128xi32, #tpu.memory_space<vmem>>
    %dma_start3A_764 = arith.constant 1300000 : i32
    %dma_start3A_765 = tpu.memref_slice %arg4[%dma_start3A_764] : memref<1600000xf32, #tpu.memory_space<hbm>> -> memref<100000xf32, #tpu.memory_space<hbm>>
    %dma_start3A_766 = arith.constant 0 : i32
    %dma_start3A_767 = tpu.memref_slice %dma_start3A_765[%dma_start3A_766] : memref<100000xf32, #tpu.memory_space<hbm>> -> memref<100000xf32, #tpu.memory_space<hbm>>
    tpu.enqueue_indirect_dma source(%dma_start3A_767 : memref<100000xf32, #tpu.memory_space<hbm>>) target(%dma_start3A_761 : memref<128xf32, #tpu.memory_space<vmem>>) offsets(%dma_start3A_763 : memref<128xi32, #tpu.memory_space<vmem>>) semaphore(%arg13 : memref<!tpu.dma_semaphore, #tpu.memory_space<semaphore_mem>>)
    %dma_start3A_768 = arith.constant 13 : i32
    %dma_start3A_769 = arith.constant 128 : i32
    %dma_start3A_770 = tpu.memref_slice %arg10[%dma_start3A_768, %dma_start3A_769] : memref<16x640xf32, #tpu.memory_space<vmem>> -> memref<1x128xf32, #tpu.memory_space<vmem>>
    %dma_start3A_771 = tpu.memref_squeeze %dma_start3A_770 : memref<1x128xf32, #tpu.memory_space<vmem>> -> memref<128xf32, #tpu.memory_space<vmem>>
    %dma_start3A_772 = arith.constant 128 : i32
    %dma_start3A_773 = tpu.memref_slice %arg8[%dma_start3A_772] : memref<640xi32, #tpu.memory_space<vmem>> -> memref<128xi32, #tpu.memory_space<vmem>>
    %dma_start3A_774 = arith.constant 1300000 : i32
    %dma_start3A_775 = tpu.memref_slice %arg4[%dma_start3A_774] : memref<1600000xf32, #tpu.memory_space<hbm>> -> memref<100000xf32, #tpu.memory_space<hbm>>
    %dma_start3A_776 = arith.constant 0 : i32
    %dma_start3A_777 = tpu.memref_slice %dma_start3A_775[%dma_start3A_776] : memref<100000xf32, #tpu.memory_space<hbm>> -> memref<100000xf32, #tpu.memory_space<hbm>>
    tpu.enqueue_indirect_dma source(%dma_start3A_777 : memref<100000xf32, #tpu.memory_space<hbm>>) target(%dma_start3A_771 : memref<128xf32, #tpu.memory_space<vmem>>) offsets(%dma_start3A_773 : memref<128xi32, #tpu.memory_space<vmem>>) semaphore(%arg13 : memref<!tpu.dma_semaphore, #tpu.memory_space<semaphore_mem>>)
    %dma_start3A_778 = arith.constant 13 : i32
    %dma_start3A_779 = arith.constant 256 : i32
    %dma_start3A_780 = tpu.memref_slice %arg10[%dma_start3A_778, %dma_start3A_779] : memref<16x640xf32, #tpu.memory_space<vmem>> -> memref<1x128xf32, #tpu.memory_space<vmem>>
    %dma_start3A_781 = tpu.memref_squeeze %dma_start3A_780 : memref<1x128xf32, #tpu.memory_space<vmem>> -> memref<128xf32, #tpu.memory_space<vmem>>
    %dma_start3A_782 = arith.constant 256 : i32
    %dma_start3A_783 = tpu.memref_slice %arg8[%dma_start3A_782] : memref<640xi32, #tpu.memory_space<vmem>> -> memref<128xi32, #tpu.memory_space<vmem>>
    %dma_start3A_784 = arith.constant 1300000 : i32
    %dma_start3A_785 = tpu.memref_slice %arg4[%dma_start3A_784] : memref<1600000xf32, #tpu.memory_space<hbm>> -> memref<100000xf32, #tpu.memory_space<hbm>>
    %dma_start3A_786 = arith.constant 0 : i32
    %dma_start3A_787 = tpu.memref_slice %dma_start3A_785[%dma_start3A_786] : memref<100000xf32, #tpu.memory_space<hbm>> -> memref<100000xf32, #tpu.memory_space<hbm>>
    tpu.enqueue_indirect_dma source(%dma_start3A_787 : memref<100000xf32, #tpu.memory_space<hbm>>) target(%dma_start3A_781 : memref<128xf32, #tpu.memory_space<vmem>>) offsets(%dma_start3A_783 : memref<128xi32, #tpu.memory_space<vmem>>) semaphore(%arg13 : memref<!tpu.dma_semaphore, #tpu.memory_space<semaphore_mem>>)
    %dma_start3A_788 = arith.constant 13 : i32
    %dma_start3A_789 = arith.constant 384 : i32
    %dma_start3A_790 = tpu.memref_slice %arg10[%dma_start3A_788, %dma_start3A_789] : memref<16x640xf32, #tpu.memory_space<vmem>> -> memref<1x128xf32, #tpu.memory_space<vmem>>
    %dma_start3A_791 = tpu.memref_squeeze %dma_start3A_790 : memref<1x128xf32, #tpu.memory_space<vmem>> -> memref<128xf32, #tpu.memory_space<vmem>>
    %dma_start3A_792 = arith.constant 384 : i32
    %dma_start3A_793 = tpu.memref_slice %arg8[%dma_start3A_792] : memref<640xi32, #tpu.memory_space<vmem>> -> memref<128xi32, #tpu.memory_space<vmem>>
    %dma_start3A_794 = arith.constant 1300000 : i32
    %dma_start3A_795 = tpu.memref_slice %arg4[%dma_start3A_794] : memref<1600000xf32, #tpu.memory_space<hbm>> -> memref<100000xf32, #tpu.memory_space<hbm>>
    %dma_start3A_796 = arith.constant 0 : i32
    %dma_start3A_797 = tpu.memref_slice %dma_start3A_795[%dma_start3A_796] : memref<100000xf32, #tpu.memory_space<hbm>> -> memref<100000xf32, #tpu.memory_space<hbm>>
    tpu.enqueue_indirect_dma source(%dma_start3A_797 : memref<100000xf32, #tpu.memory_space<hbm>>) target(%dma_start3A_791 : memref<128xf32, #tpu.memory_space<vmem>>) offsets(%dma_start3A_793 : memref<128xi32, #tpu.memory_space<vmem>>) semaphore(%arg13 : memref<!tpu.dma_semaphore, #tpu.memory_space<semaphore_mem>>)
    %dma_start3A_798 = arith.constant 13 : i32
    %dma_start3A_799 = arith.constant 512 : i32
    %dma_start3A_800 = tpu.memref_slice %arg10[%dma_start3A_798, %dma_start3A_799] : memref<16x640xf32, #tpu.memory_space<vmem>> -> memref<1x128xf32, #tpu.memory_space<vmem>>
    %dma_start3A_801 = tpu.memref_squeeze %dma_start3A_800 : memref<1x128xf32, #tpu.memory_space<vmem>> -> memref<128xf32, #tpu.memory_space<vmem>>
    %dma_start3A_802 = arith.constant 512 : i32
    %dma_start3A_803 = tpu.memref_slice %arg8[%dma_start3A_802] : memref<640xi32, #tpu.memory_space<vmem>> -> memref<128xi32, #tpu.memory_space<vmem>>
    %dma_start3A_804 = arith.constant 1300000 : i32
    %dma_start3A_805 = tpu.memref_slice %arg4[%dma_start3A_804] : memref<1600000xf32, #tpu.memory_space<hbm>> -> memref<100000xf32, #tpu.memory_space<hbm>>
    %dma_start3A_806 = arith.constant 0 : i32
    %dma_start3A_807 = tpu.memref_slice %dma_start3A_805[%dma_start3A_806] : memref<100000xf32, #tpu.memory_space<hbm>> -> memref<100000xf32, #tpu.memory_space<hbm>>
    tpu.enqueue_indirect_dma source(%dma_start3A_807 : memref<100000xf32, #tpu.memory_space<hbm>>) target(%dma_start3A_801 : memref<128xf32, #tpu.memory_space<vmem>>) offsets(%dma_start3A_803 : memref<128xi32, #tpu.memory_space<vmem>>) semaphore(%arg13 : memref<!tpu.dma_semaphore, #tpu.memory_space<semaphore_mem>>)
    %dma_start3A_808 = arith.constant 13 : i32
    %dma_start3A_809 = arith.constant 0 : i32
    %dma_start3A_810 = tpu.memref_slice %arg11[%dma_start3A_808, %dma_start3A_809] : memref<16x32xf32, #tpu.memory_space<vmem>> -> memref<1x32xf32, #tpu.memory_space<vmem>>
    %dma_start3A_811 = tpu.memref_squeeze %dma_start3A_810 : memref<1x32xf32, #tpu.memory_space<vmem>> -> memref<32xf32, #tpu.memory_space<vmem>>
    %dma_start3A_812 = arith.constant 1300000 : i32
    %dma_start3A_813 = tpu.memref_slice %arg5[%dma_start3A_812] : memref<1600000xf32, #tpu.memory_space<hbm>> -> memref<100000xf32, #tpu.memory_space<hbm>>
    %dma_start3A_814 = arith.constant 0 : i32
    %dma_start3A_815 = tpu.memref_slice %dma_start3A_813[%dma_start3A_814] : memref<100000xf32, #tpu.memory_space<hbm>> -> memref<100000xf32, #tpu.memory_space<hbm>>
    tpu.enqueue_indirect_dma source(%dma_start3A_815 : memref<100000xf32, #tpu.memory_space<hbm>>) target(%dma_start3A_811 : memref<32xf32, #tpu.memory_space<vmem>>) offsets(%arg9 : memref<32xi32, #tpu.memory_space<vmem>>) semaphore(%arg13 : memref<!tpu.dma_semaphore, #tpu.memory_space<semaphore_mem>>)
    %dma_start3A_816 = arith.constant 14 : i32
    %dma_start3A_817 = arith.constant 0 : i32
    %dma_start3A_818 = tpu.memref_slice %arg10[%dma_start3A_816, %dma_start3A_817] : memref<16x640xf32, #tpu.memory_space<vmem>> -> memref<1x128xf32, #tpu.memory_space<vmem>>
    %dma_start3A_819 = tpu.memref_squeeze %dma_start3A_818 : memref<1x128xf32, #tpu.memory_space<vmem>> -> memref<128xf32, #tpu.memory_space<vmem>>
    %dma_start3A_820 = arith.constant 0 : i32
    %dma_start3A_821 = tpu.memref_slice %arg8[%dma_start3A_820] : memref<640xi32, #tpu.memory_space<vmem>> -> memref<128xi32, #tpu.memory_space<vmem>>
    %dma_start3A_822 = arith.constant 1400000 : i32
    %dma_start3A_823 = tpu.memref_slice %arg4[%dma_start3A_822] : memref<1600000xf32, #tpu.memory_space<hbm>> -> memref<100000xf32, #tpu.memory_space<hbm>>
    %dma_start3A_824 = arith.constant 0 : i32
    %dma_start3A_825 = tpu.memref_slice %dma_start3A_823[%dma_start3A_824] : memref<100000xf32, #tpu.memory_space<hbm>> -> memref<100000xf32, #tpu.memory_space<hbm>>
    tpu.enqueue_indirect_dma source(%dma_start3A_825 : memref<100000xf32, #tpu.memory_space<hbm>>) target(%dma_start3A_819 : memref<128xf32, #tpu.memory_space<vmem>>) offsets(%dma_start3A_821 : memref<128xi32, #tpu.memory_space<vmem>>) semaphore(%arg13 : memref<!tpu.dma_semaphore, #tpu.memory_space<semaphore_mem>>)
    %dma_start3A_826 = arith.constant 14 : i32
    %dma_start3A_827 = arith.constant 128 : i32
    %dma_start3A_828 = tpu.memref_slice %arg10[%dma_start3A_826, %dma_start3A_827] : memref<16x640xf32, #tpu.memory_space<vmem>> -> memref<1x128xf32, #tpu.memory_space<vmem>>
    %dma_start3A_829 = tpu.memref_squeeze %dma_start3A_828 : memref<1x128xf32, #tpu.memory_space<vmem>> -> memref<128xf32, #tpu.memory_space<vmem>>
    %dma_start3A_830 = arith.constant 128 : i32
    %dma_start3A_831 = tpu.memref_slice %arg8[%dma_start3A_830] : memref<640xi32, #tpu.memory_space<vmem>> -> memref<128xi32, #tpu.memory_space<vmem>>
    %dma_start3A_832 = arith.constant 1400000 : i32
    %dma_start3A_833 = tpu.memref_slice %arg4[%dma_start3A_832] : memref<1600000xf32, #tpu.memory_space<hbm>> -> memref<100000xf32, #tpu.memory_space<hbm>>
    %dma_start3A_834 = arith.constant 0 : i32
    %dma_start3A_835 = tpu.memref_slice %dma_start3A_833[%dma_start3A_834] : memref<100000xf32, #tpu.memory_space<hbm>> -> memref<100000xf32, #tpu.memory_space<hbm>>
    tpu.enqueue_indirect_dma source(%dma_start3A_835 : memref<100000xf32, #tpu.memory_space<hbm>>) target(%dma_start3A_829 : memref<128xf32, #tpu.memory_space<vmem>>) offsets(%dma_start3A_831 : memref<128xi32, #tpu.memory_space<vmem>>) semaphore(%arg13 : memref<!tpu.dma_semaphore, #tpu.memory_space<semaphore_mem>>)
    %dma_start3A_836 = arith.constant 14 : i32
    %dma_start3A_837 = arith.constant 256 : i32
    %dma_start3A_838 = tpu.memref_slice %arg10[%dma_start3A_836, %dma_start3A_837] : memref<16x640xf32, #tpu.memory_space<vmem>> -> memref<1x128xf32, #tpu.memory_space<vmem>>
    %dma_start3A_839 = tpu.memref_squeeze %dma_start3A_838 : memref<1x128xf32, #tpu.memory_space<vmem>> -> memref<128xf32, #tpu.memory_space<vmem>>
    %dma_start3A_840 = arith.constant 256 : i32
    %dma_start3A_841 = tpu.memref_slice %arg8[%dma_start3A_840] : memref<640xi32, #tpu.memory_space<vmem>> -> memref<128xi32, #tpu.memory_space<vmem>>
    %dma_start3A_842 = arith.constant 1400000 : i32
    %dma_start3A_843 = tpu.memref_slice %arg4[%dma_start3A_842] : memref<1600000xf32, #tpu.memory_space<hbm>> -> memref<100000xf32, #tpu.memory_space<hbm>>
    %dma_start3A_844 = arith.constant 0 : i32
    %dma_start3A_845 = tpu.memref_slice %dma_start3A_843[%dma_start3A_844] : memref<100000xf32, #tpu.memory_space<hbm>> -> memref<100000xf32, #tpu.memory_space<hbm>>
    tpu.enqueue_indirect_dma source(%dma_start3A_845 : memref<100000xf32, #tpu.memory_space<hbm>>) target(%dma_start3A_839 : memref<128xf32, #tpu.memory_space<vmem>>) offsets(%dma_start3A_841 : memref<128xi32, #tpu.memory_space<vmem>>) semaphore(%arg13 : memref<!tpu.dma_semaphore, #tpu.memory_space<semaphore_mem>>)
    %dma_start3A_846 = arith.constant 14 : i32
    %dma_start3A_847 = arith.constant 384 : i32
    %dma_start3A_848 = tpu.memref_slice %arg10[%dma_start3A_846, %dma_start3A_847] : memref<16x640xf32, #tpu.memory_space<vmem>> -> memref<1x128xf32, #tpu.memory_space<vmem>>
    %dma_start3A_849 = tpu.memref_squeeze %dma_start3A_848 : memref<1x128xf32, #tpu.memory_space<vmem>> -> memref<128xf32, #tpu.memory_space<vmem>>
    %dma_start3A_850 = arith.constant 384 : i32
    %dma_start3A_851 = tpu.memref_slice %arg8[%dma_start3A_850] : memref<640xi32, #tpu.memory_space<vmem>> -> memref<128xi32, #tpu.memory_space<vmem>>
    %dma_start3A_852 = arith.constant 1400000 : i32
    %dma_start3A_853 = tpu.memref_slice %arg4[%dma_start3A_852] : memref<1600000xf32, #tpu.memory_space<hbm>> -> memref<100000xf32, #tpu.memory_space<hbm>>
    %dma_start3A_854 = arith.constant 0 : i32
    %dma_start3A_855 = tpu.memref_slice %dma_start3A_853[%dma_start3A_854] : memref<100000xf32, #tpu.memory_space<hbm>> -> memref<100000xf32, #tpu.memory_space<hbm>>
    tpu.enqueue_indirect_dma source(%dma_start3A_855 : memref<100000xf32, #tpu.memory_space<hbm>>) target(%dma_start3A_849 : memref<128xf32, #tpu.memory_space<vmem>>) offsets(%dma_start3A_851 : memref<128xi32, #tpu.memory_space<vmem>>) semaphore(%arg13 : memref<!tpu.dma_semaphore, #tpu.memory_space<semaphore_mem>>)
    %dma_start3A_856 = arith.constant 14 : i32
    %dma_start3A_857 = arith.constant 512 : i32
    %dma_start3A_858 = tpu.memref_slice %arg10[%dma_start3A_856, %dma_start3A_857] : memref<16x640xf32, #tpu.memory_space<vmem>> -> memref<1x128xf32, #tpu.memory_space<vmem>>
    %dma_start3A_859 = tpu.memref_squeeze %dma_start3A_858 : memref<1x128xf32, #tpu.memory_space<vmem>> -> memref<128xf32, #tpu.memory_space<vmem>>
    %dma_start3A_860 = arith.constant 512 : i32
    %dma_start3A_861 = tpu.memref_slice %arg8[%dma_start3A_860] : memref<640xi32, #tpu.memory_space<vmem>> -> memref<128xi32, #tpu.memory_space<vmem>>
    %dma_start3A_862 = arith.constant 1400000 : i32
    %dma_start3A_863 = tpu.memref_slice %arg4[%dma_start3A_862] : memref<1600000xf32, #tpu.memory_space<hbm>> -> memref<100000xf32, #tpu.memory_space<hbm>>
    %dma_start3A_864 = arith.constant 0 : i32
    %dma_start3A_865 = tpu.memref_slice %dma_start3A_863[%dma_start3A_864] : memref<100000xf32, #tpu.memory_space<hbm>> -> memref<100000xf32, #tpu.memory_space<hbm>>
    tpu.enqueue_indirect_dma source(%dma_start3A_865 : memref<100000xf32, #tpu.memory_space<hbm>>) target(%dma_start3A_859 : memref<128xf32, #tpu.memory_space<vmem>>) offsets(%dma_start3A_861 : memref<128xi32, #tpu.memory_space<vmem>>) semaphore(%arg13 : memref<!tpu.dma_semaphore, #tpu.memory_space<semaphore_mem>>)
    %dma_start3A_866 = arith.constant 14 : i32
    %dma_start3A_867 = arith.constant 0 : i32
    %dma_start3A_868 = tpu.memref_slice %arg11[%dma_start3A_866, %dma_start3A_867] : memref<16x32xf32, #tpu.memory_space<vmem>> -> memref<1x32xf32, #tpu.memory_space<vmem>>
    %dma_start3A_869 = tpu.memref_squeeze %dma_start3A_868 : memref<1x32xf32, #tpu.memory_space<vmem>> -> memref<32xf32, #tpu.memory_space<vmem>>
    %dma_start3A_870 = arith.constant 1400000 : i32
    %dma_start3A_871 = tpu.memref_slice %arg5[%dma_start3A_870] : memref<1600000xf32, #tpu.memory_space<hbm>> -> memref<100000xf32, #tpu.memory_space<hbm>>
    %dma_start3A_872 = arith.constant 0 : i32
    %dma_start3A_873 = tpu.memref_slice %dma_start3A_871[%dma_start3A_872] : memref<100000xf32, #tpu.memory_space<hbm>> -> memref<100000xf32, #tpu.memory_space<hbm>>
    tpu.enqueue_indirect_dma source(%dma_start3A_873 : memref<100000xf32, #tpu.memory_space<hbm>>) target(%dma_start3A_869 : memref<32xf32, #tpu.memory_space<vmem>>) offsets(%arg9 : memref<32xi32, #tpu.memory_space<vmem>>) semaphore(%arg13 : memref<!tpu.dma_semaphore, #tpu.memory_space<semaphore_mem>>)
    %dma_start3A_874 = arith.constant 15 : i32
    %dma_start3A_875 = arith.constant 0 : i32
    %dma_start3A_876 = tpu.memref_slice %arg10[%dma_start3A_874, %dma_start3A_875] : memref<16x640xf32, #tpu.memory_space<vmem>> -> memref<1x128xf32, #tpu.memory_space<vmem>>
    %dma_start3A_877 = tpu.memref_squeeze %dma_start3A_876 : memref<1x128xf32, #tpu.memory_space<vmem>> -> memref<128xf32, #tpu.memory_space<vmem>>
    %dma_start3A_878 = arith.constant 0 : i32
    %dma_start3A_879 = tpu.memref_slice %arg8[%dma_start3A_878] : memref<640xi32, #tpu.memory_space<vmem>> -> memref<128xi32, #tpu.memory_space<vmem>>
    %dma_start3A_880 = arith.constant 1500000 : i32
    %dma_start3A_881 = tpu.memref_slice %arg4[%dma_start3A_880] : memref<1600000xf32, #tpu.memory_space<hbm>> -> memref<100000xf32, #tpu.memory_space<hbm>>
    %dma_start3A_882 = arith.constant 0 : i32
    %dma_start3A_883 = tpu.memref_slice %dma_start3A_881[%dma_start3A_882] : memref<100000xf32, #tpu.memory_space<hbm>> -> memref<100000xf32, #tpu.memory_space<hbm>>
    tpu.enqueue_indirect_dma source(%dma_start3A_883 : memref<100000xf32, #tpu.memory_space<hbm>>) target(%dma_start3A_877 : memref<128xf32, #tpu.memory_space<vmem>>) offsets(%dma_start3A_879 : memref<128xi32, #tpu.memory_space<vmem>>) semaphore(%arg13 : memref<!tpu.dma_semaphore, #tpu.memory_space<semaphore_mem>>)
    %dma_start3A_884 = arith.constant 15 : i32
    %dma_start3A_885 = arith.constant 128 : i32
    %dma_start3A_886 = tpu.memref_slice %arg10[%dma_start3A_884, %dma_start3A_885] : memref<16x640xf32, #tpu.memory_space<vmem>> -> memref<1x128xf32, #tpu.memory_space<vmem>>
    %dma_start3A_887 = tpu.memref_squeeze %dma_start3A_886 : memref<1x128xf32, #tpu.memory_space<vmem>> -> memref<128xf32, #tpu.memory_space<vmem>>
    %dma_start3A_888 = arith.constant 128 : i32
    %dma_start3A_889 = tpu.memref_slice %arg8[%dma_start3A_888] : memref<640xi32, #tpu.memory_space<vmem>> -> memref<128xi32, #tpu.memory_space<vmem>>
    %dma_start3A_890 = arith.constant 1500000 : i32
    %dma_start3A_891 = tpu.memref_slice %arg4[%dma_start3A_890] : memref<1600000xf32, #tpu.memory_space<hbm>> -> memref<100000xf32, #tpu.memory_space<hbm>>
    %dma_start3A_892 = arith.constant 0 : i32
    %dma_start3A_893 = tpu.memref_slice %dma_start3A_891[%dma_start3A_892] : memref<100000xf32, #tpu.memory_space<hbm>> -> memref<100000xf32, #tpu.memory_space<hbm>>
    tpu.enqueue_indirect_dma source(%dma_start3A_893 : memref<100000xf32, #tpu.memory_space<hbm>>) target(%dma_start3A_887 : memref<128xf32, #tpu.memory_space<vmem>>) offsets(%dma_start3A_889 : memref<128xi32, #tpu.memory_space<vmem>>) semaphore(%arg13 : memref<!tpu.dma_semaphore, #tpu.memory_space<semaphore_mem>>)
    %dma_start3A_894 = arith.constant 15 : i32
    %dma_start3A_895 = arith.constant 256 : i32
    %dma_start3A_896 = tpu.memref_slice %arg10[%dma_start3A_894, %dma_start3A_895] : memref<16x640xf32, #tpu.memory_space<vmem>> -> memref<1x128xf32, #tpu.memory_space<vmem>>
    %dma_start3A_897 = tpu.memref_squeeze %dma_start3A_896 : memref<1x128xf32, #tpu.memory_space<vmem>> -> memref<128xf32, #tpu.memory_space<vmem>>
    %dma_start3A_898 = arith.constant 256 : i32
    %dma_start3A_899 = tpu.memref_slice %arg8[%dma_start3A_898] : memref<640xi32, #tpu.memory_space<vmem>> -> memref<128xi32, #tpu.memory_space<vmem>>
    %dma_start3A_900 = arith.constant 1500000 : i32
    %dma_start3A_901 = tpu.memref_slice %arg4[%dma_start3A_900] : memref<1600000xf32, #tpu.memory_space<hbm>> -> memref<100000xf32, #tpu.memory_space<hbm>>
    %dma_start3A_902 = arith.constant 0 : i32
    %dma_start3A_903 = tpu.memref_slice %dma_start3A_901[%dma_start3A_902] : memref<100000xf32, #tpu.memory_space<hbm>> -> memref<100000xf32, #tpu.memory_space<hbm>>
    tpu.enqueue_indirect_dma source(%dma_start3A_903 : memref<100000xf32, #tpu.memory_space<hbm>>) target(%dma_start3A_897 : memref<128xf32, #tpu.memory_space<vmem>>) offsets(%dma_start3A_899 : memref<128xi32, #tpu.memory_space<vmem>>) semaphore(%arg13 : memref<!tpu.dma_semaphore, #tpu.memory_space<semaphore_mem>>)
    %dma_start3A_904 = arith.constant 15 : i32
    %dma_start3A_905 = arith.constant 384 : i32
    %dma_start3A_906 = tpu.memref_slice %arg10[%dma_start3A_904, %dma_start3A_905] : memref<16x640xf32, #tpu.memory_space<vmem>> -> memref<1x128xf32, #tpu.memory_space<vmem>>
    %dma_start3A_907 = tpu.memref_squeeze %dma_start3A_906 : memref<1x128xf32, #tpu.memory_space<vmem>> -> memref<128xf32, #tpu.memory_space<vmem>>
    %dma_start3A_908 = arith.constant 384 : i32
    %dma_start3A_909 = tpu.memref_slice %arg8[%dma_start3A_908] : memref<640xi32, #tpu.memory_space<vmem>> -> memref<128xi32, #tpu.memory_space<vmem>>
    %dma_start3A_910 = arith.constant 1500000 : i32
    %dma_start3A_911 = tpu.memref_slice %arg4[%dma_start3A_910] : memref<1600000xf32, #tpu.memory_space<hbm>> -> memref<100000xf32, #tpu.memory_space<hbm>>
    %dma_start3A_912 = arith.constant 0 : i32
    %dma_start3A_913 = tpu.memref_slice %dma_start3A_911[%dma_start3A_912] : memref<100000xf32, #tpu.memory_space<hbm>> -> memref<100000xf32, #tpu.memory_space<hbm>>
    tpu.enqueue_indirect_dma source(%dma_start3A_913 : memref<100000xf32, #tpu.memory_space<hbm>>) target(%dma_start3A_907 : memref<128xf32, #tpu.memory_space<vmem>>) offsets(%dma_start3A_909 : memref<128xi32, #tpu.memory_space<vmem>>) semaphore(%arg13 : memref<!tpu.dma_semaphore, #tpu.memory_space<semaphore_mem>>)
    %dma_start3A_914 = arith.constant 15 : i32
    %dma_start3A_915 = arith.constant 512 : i32
    %dma_start3A_916 = tpu.memref_slice %arg10[%dma_start3A_914, %dma_start3A_915] : memref<16x640xf32, #tpu.memory_space<vmem>> -> memref<1x128xf32, #tpu.memory_space<vmem>>
    %dma_start3A_917 = tpu.memref_squeeze %dma_start3A_916 : memref<1x128xf32, #tpu.memory_space<vmem>> -> memref<128xf32, #tpu.memory_space<vmem>>
    %dma_start3A_918 = arith.constant 512 : i32
    %dma_start3A_919 = tpu.memref_slice %arg8[%dma_start3A_918] : memref<640xi32, #tpu.memory_space<vmem>> -> memref<128xi32, #tpu.memory_space<vmem>>
    %dma_start3A_920 = arith.constant 1500000 : i32
    %dma_start3A_921 = tpu.memref_slice %arg4[%dma_start3A_920] : memref<1600000xf32, #tpu.memory_space<hbm>> -> memref<100000xf32, #tpu.memory_space<hbm>>
    %dma_start3A_922 = arith.constant 0 : i32
    %dma_start3A_923 = tpu.memref_slice %dma_start3A_921[%dma_start3A_922] : memref<100000xf32, #tpu.memory_space<hbm>> -> memref<100000xf32, #tpu.memory_space<hbm>>
    tpu.enqueue_indirect_dma source(%dma_start3A_923 : memref<100000xf32, #tpu.memory_space<hbm>>) target(%dma_start3A_917 : memref<128xf32, #tpu.memory_space<vmem>>) offsets(%dma_start3A_919 : memref<128xi32, #tpu.memory_space<vmem>>) semaphore(%arg13 : memref<!tpu.dma_semaphore, #tpu.memory_space<semaphore_mem>>)
    %dma_start3A_924 = arith.constant 15 : i32
    %dma_start3A_925 = arith.constant 0 : i32
    %dma_start3A_926 = tpu.memref_slice %arg11[%dma_start3A_924, %dma_start3A_925] : memref<16x32xf32, #tpu.memory_space<vmem>> -> memref<1x32xf32, #tpu.memory_space<vmem>>
    %dma_start3A_927 = tpu.memref_squeeze %dma_start3A_926 : memref<1x32xf32, #tpu.memory_space<vmem>> -> memref<32xf32, #tpu.memory_space<vmem>>
    %dma_start3A_928 = arith.constant 1500000 : i32
    %dma_start3A_929 = tpu.memref_slice %arg5[%dma_start3A_928] : memref<1600000xf32, #tpu.memory_space<hbm>> -> memref<100000xf32, #tpu.memory_space<hbm>>
    %dma_start3A_930 = arith.constant 0 : i32
    %dma_start3A_931 = tpu.memref_slice %dma_start3A_929[%dma_start3A_930] : memref<100000xf32, #tpu.memory_space<hbm>> -> memref<100000xf32, #tpu.memory_space<hbm>>
    tpu.enqueue_indirect_dma source(%dma_start3A_931 : memref<100000xf32, #tpu.memory_space<hbm>>) target(%dma_start3A_927 : memref<32xf32, #tpu.memory_space<vmem>>) offsets(%arg9 : memref<32xi32, #tpu.memory_space<vmem>>) semaphore(%arg13 : memref<!tpu.dma_semaphore, #tpu.memory_space<semaphore_mem>>)
    %dma_wait3A = arith.constant 0 : i32
    %dma_wait3A_932 = arith.constant 0 : i32
    %dma_wait3A_933 = tpu.memref_slice %arg10[%dma_wait3A, %dma_wait3A_932] : memref<16x640xf32, #tpu.memory_space<vmem>> -> memref<1x128xf32, #tpu.memory_space<vmem>>
    %dma_wait3A_934 = tpu.memref_squeeze %dma_wait3A_933 : memref<1x128xf32, #tpu.memory_space<vmem>> -> memref<128xf32, #tpu.memory_space<vmem>>
    %dma_wait3A_935 = arith.constant 0 : i32
    %dma_wait3A_936 = tpu.memref_slice %arg8[%dma_wait3A_935] : memref<640xi32, #tpu.memory_space<vmem>> -> memref<128xi32, #tpu.memory_space<vmem>>
    %dma_wait3A_937 = arith.constant 0 : i32
    %dma_wait3A_938 = tpu.memref_slice %arg4[%dma_wait3A_937] : memref<1600000xf32, #tpu.memory_space<hbm>> -> memref<100000xf32, #tpu.memory_space<hbm>>
    %dma_wait3A_939 = arith.constant 0 : i32
    %dma_wait3A_940 = tpu.memref_slice %dma_wait3A_938[%dma_wait3A_939] : memref<100000xf32, #tpu.memory_space<hbm>> -> memref<100000xf32, #tpu.memory_space<hbm>>
    tpu.wait_indirect_dma semaphore(%arg13 : memref<!tpu.dma_semaphore, #tpu.memory_space<semaphore_mem>>) src(%dma_wait3A_940 : memref<100000xf32, #tpu.memory_space<hbm>>) dst(%dma_wait3A_934 : memref<128xf32, #tpu.memory_space<vmem>>)
    %dma_wait3A_941 = arith.constant 0 : i32
    %dma_wait3A_942 = arith.constant 128 : i32
    %dma_wait3A_943 = tpu.memref_slice %arg10[%dma_wait3A_941, %dma_wait3A_942] : memref<16x640xf32, #tpu.memory_space<vmem>> -> memref<1x128xf32, #tpu.memory_space<vmem>>
    %dma_wait3A_944 = tpu.memref_squeeze %dma_wait3A_943 : memref<1x128xf32, #tpu.memory_space<vmem>> -> memref<128xf32, #tpu.memory_space<vmem>>
    %dma_wait3A_945 = arith.constant 128 : i32
    %dma_wait3A_946 = tpu.memref_slice %arg8[%dma_wait3A_945] : memref<640xi32, #tpu.memory_space<vmem>> -> memref<128xi32, #tpu.memory_space<vmem>>
    %dma_wait3A_947 = arith.constant 0 : i32
    %dma_wait3A_948 = tpu.memref_slice %arg4[%dma_wait3A_947] : memref<1600000xf32, #tpu.memory_space<hbm>> -> memref<100000xf32, #tpu.memory_space<hbm>>
    %dma_wait3A_949 = arith.constant 0 : i32
    %dma_wait3A_950 = tpu.memref_slice %dma_wait3A_948[%dma_wait3A_949] : memref<100000xf32, #tpu.memory_space<hbm>> -> memref<100000xf32, #tpu.memory_space<hbm>>
    tpu.wait_indirect_dma semaphore(%arg13 : memref<!tpu.dma_semaphore, #tpu.memory_space<semaphore_mem>>) src(%dma_wait3A_950 : memref<100000xf32, #tpu.memory_space<hbm>>) dst(%dma_wait3A_944 : memref<128xf32, #tpu.memory_space<vmem>>)
    %dma_wait3A_951 = arith.constant 0 : i32
    %dma_wait3A_952 = arith.constant 256 : i32
    %dma_wait3A_953 = tpu.memref_slice %arg10[%dma_wait3A_951, %dma_wait3A_952] : memref<16x640xf32, #tpu.memory_space<vmem>> -> memref<1x128xf32, #tpu.memory_space<vmem>>
    %dma_wait3A_954 = tpu.memref_squeeze %dma_wait3A_953 : memref<1x128xf32, #tpu.memory_space<vmem>> -> memref<128xf32, #tpu.memory_space<vmem>>
    %dma_wait3A_955 = arith.constant 256 : i32
    %dma_wait3A_956 = tpu.memref_slice %arg8[%dma_wait3A_955] : memref<640xi32, #tpu.memory_space<vmem>> -> memref<128xi32, #tpu.memory_space<vmem>>
    %dma_wait3A_957 = arith.constant 0 : i32
    %dma_wait3A_958 = tpu.memref_slice %arg4[%dma_wait3A_957] : memref<1600000xf32, #tpu.memory_space<hbm>> -> memref<100000xf32, #tpu.memory_space<hbm>>
    %dma_wait3A_959 = arith.constant 0 : i32
    %dma_wait3A_960 = tpu.memref_slice %dma_wait3A_958[%dma_wait3A_959] : memref<100000xf32, #tpu.memory_space<hbm>> -> memref<100000xf32, #tpu.memory_space<hbm>>
    tpu.wait_indirect_dma semaphore(%arg13 : memref<!tpu.dma_semaphore, #tpu.memory_space<semaphore_mem>>) src(%dma_wait3A_960 : memref<100000xf32, #tpu.memory_space<hbm>>) dst(%dma_wait3A_954 : memref<128xf32, #tpu.memory_space<vmem>>)
    %dma_wait3A_961 = arith.constant 0 : i32
    %dma_wait3A_962 = arith.constant 384 : i32
    %dma_wait3A_963 = tpu.memref_slice %arg10[%dma_wait3A_961, %dma_wait3A_962] : memref<16x640xf32, #tpu.memory_space<vmem>> -> memref<1x128xf32, #tpu.memory_space<vmem>>
    %dma_wait3A_964 = tpu.memref_squeeze %dma_wait3A_963 : memref<1x128xf32, #tpu.memory_space<vmem>> -> memref<128xf32, #tpu.memory_space<vmem>>
    %dma_wait3A_965 = arith.constant 384 : i32
    %dma_wait3A_966 = tpu.memref_slice %arg8[%dma_wait3A_965] : memref<640xi32, #tpu.memory_space<vmem>> -> memref<128xi32, #tpu.memory_space<vmem>>
    %dma_wait3A_967 = arith.constant 0 : i32
    %dma_wait3A_968 = tpu.memref_slice %arg4[%dma_wait3A_967] : memref<1600000xf32, #tpu.memory_space<hbm>> -> memref<100000xf32, #tpu.memory_space<hbm>>
    %dma_wait3A_969 = arith.constant 0 : i32
    %dma_wait3A_970 = tpu.memref_slice %dma_wait3A_968[%dma_wait3A_969] : memref<100000xf32, #tpu.memory_space<hbm>> -> memref<100000xf32, #tpu.memory_space<hbm>>
    tpu.wait_indirect_dma semaphore(%arg13 : memref<!tpu.dma_semaphore, #tpu.memory_space<semaphore_mem>>) src(%dma_wait3A_970 : memref<100000xf32, #tpu.memory_space<hbm>>) dst(%dma_wait3A_964 : memref<128xf32, #tpu.memory_space<vmem>>)
    %dma_wait3A_971 = arith.constant 0 : i32
    %dma_wait3A_972 = arith.constant 512 : i32
    %dma_wait3A_973 = tpu.memref_slice %arg10[%dma_wait3A_971, %dma_wait3A_972] : memref<16x640xf32, #tpu.memory_space<vmem>> -> memref<1x128xf32, #tpu.memory_space<vmem>>
    %dma_wait3A_974 = tpu.memref_squeeze %dma_wait3A_973 : memref<1x128xf32, #tpu.memory_space<vmem>> -> memref<128xf32, #tpu.memory_space<vmem>>
    %dma_wait3A_975 = arith.constant 512 : i32
    %dma_wait3A_976 = tpu.memref_slice %arg8[%dma_wait3A_975] : memref<640xi32, #tpu.memory_space<vmem>> -> memref<128xi32, #tpu.memory_space<vmem>>
    %dma_wait3A_977 = arith.constant 0 : i32
    %dma_wait3A_978 = tpu.memref_slice %arg4[%dma_wait3A_977] : memref<1600000xf32, #tpu.memory_space<hbm>> -> memref<100000xf32, #tpu.memory_space<hbm>>
    %dma_wait3A_979 = arith.constant 0 : i32
    %dma_wait3A_980 = tpu.memref_slice %dma_wait3A_978[%dma_wait3A_979] : memref<100000xf32, #tpu.memory_space<hbm>> -> memref<100000xf32, #tpu.memory_space<hbm>>
    tpu.wait_indirect_dma semaphore(%arg13 : memref<!tpu.dma_semaphore, #tpu.memory_space<semaphore_mem>>) src(%dma_wait3A_980 : memref<100000xf32, #tpu.memory_space<hbm>>) dst(%dma_wait3A_974 : memref<128xf32, #tpu.memory_space<vmem>>)
    %dma_wait3A_981 = arith.constant 0 : i32
    %dma_wait3A_982 = arith.constant 0 : i32
    %dma_wait3A_983 = tpu.memref_slice %arg11[%dma_wait3A_981, %dma_wait3A_982] : memref<16x32xf32, #tpu.memory_space<vmem>> -> memref<1x32xf32, #tpu.memory_space<vmem>>
    %dma_wait3A_984 = tpu.memref_squeeze %dma_wait3A_983 : memref<1x32xf32, #tpu.memory_space<vmem>> -> memref<32xf32, #tpu.memory_space<vmem>>
    %dma_wait3A_985 = arith.constant 0 : i32
    %dma_wait3A_986 = tpu.memref_slice %arg5[%dma_wait3A_985] : memref<1600000xf32, #tpu.memory_space<hbm>> -> memref<100000xf32, #tpu.memory_space<hbm>>
    %dma_wait3A_987 = arith.constant 0 : i32
    %dma_wait3A_988 = tpu.memref_slice %dma_wait3A_986[%dma_wait3A_987] : memref<100000xf32, #tpu.memory_space<hbm>> -> memref<100000xf32, #tpu.memory_space<hbm>>
    tpu.wait_indirect_dma semaphore(%arg13 : memref<!tpu.dma_semaphore, #tpu.memory_space<semaphore_mem>>) src(%dma_wait3A_988 : memref<100000xf32, #tpu.memory_space<hbm>>) dst(%dma_wait3A_984 : memref<32xf32, #tpu.memory_space<vmem>>)
    %dma_wait3A_989 = arith.constant 1 : i32
    %dma_wait3A_990 = arith.constant 0 : i32
    %dma_wait3A_991 = tpu.memref_slice %arg10[%dma_wait3A_989, %dma_wait3A_990] : memref<16x640xf32, #tpu.memory_space<vmem>> -> memref<1x128xf32, #tpu.memory_space<vmem>>
    %dma_wait3A_992 = tpu.memref_squeeze %dma_wait3A_991 : memref<1x128xf32, #tpu.memory_space<vmem>> -> memref<128xf32, #tpu.memory_space<vmem>>
    %dma_wait3A_993 = arith.constant 0 : i32
    %dma_wait3A_994 = tpu.memref_slice %arg8[%dma_wait3A_993] : memref<640xi32, #tpu.memory_space<vmem>> -> memref<128xi32, #tpu.memory_space<vmem>>
    %dma_wait3A_995 = arith.constant 100000 : i32
    %dma_wait3A_996 = tpu.memref_slice %arg4[%dma_wait3A_995] : memref<1600000xf32, #tpu.memory_space<hbm>> -> memref<100000xf32, #tpu.memory_space<hbm>>
    %dma_wait3A_997 = arith.constant 0 : i32
    %dma_wait3A_998 = tpu.memref_slice %dma_wait3A_996[%dma_wait3A_997] : memref<100000xf32, #tpu.memory_space<hbm>> -> memref<100000xf32, #tpu.memory_space<hbm>>
    tpu.wait_indirect_dma semaphore(%arg13 : memref<!tpu.dma_semaphore, #tpu.memory_space<semaphore_mem>>) src(%dma_wait3A_998 : memref<100000xf32, #tpu.memory_space<hbm>>) dst(%dma_wait3A_992 : memref<128xf32, #tpu.memory_space<vmem>>)
    %dma_wait3A_999 = arith.constant 1 : i32
    %dma_wait3A_1000 = arith.constant 128 : i32
    %dma_wait3A_1001 = tpu.memref_slice %arg10[%dma_wait3A_999, %dma_wait3A_1000] : memref<16x640xf32, #tpu.memory_space<vmem>> -> memref<1x128xf32, #tpu.memory_space<vmem>>
    %dma_wait3A_1002 = tpu.memref_squeeze %dma_wait3A_1001 : memref<1x128xf32, #tpu.memory_space<vmem>> -> memref<128xf32, #tpu.memory_space<vmem>>
    %dma_wait3A_1003 = arith.constant 128 : i32
    %dma_wait3A_1004 = tpu.memref_slice %arg8[%dma_wait3A_1003] : memref<640xi32, #tpu.memory_space<vmem>> -> memref<128xi32, #tpu.memory_space<vmem>>
    %dma_wait3A_1005 = arith.constant 100000 : i32
    %dma_wait3A_1006 = tpu.memref_slice %arg4[%dma_wait3A_1005] : memref<1600000xf32, #tpu.memory_space<hbm>> -> memref<100000xf32, #tpu.memory_space<hbm>>
    %dma_wait3A_1007 = arith.constant 0 : i32
    %dma_wait3A_1008 = tpu.memref_slice %dma_wait3A_1006[%dma_wait3A_1007] : memref<100000xf32, #tpu.memory_space<hbm>> -> memref<100000xf32, #tpu.memory_space<hbm>>
    tpu.wait_indirect_dma semaphore(%arg13 : memref<!tpu.dma_semaphore, #tpu.memory_space<semaphore_mem>>) src(%dma_wait3A_1008 : memref<100000xf32, #tpu.memory_space<hbm>>) dst(%dma_wait3A_1002 : memref<128xf32, #tpu.memory_space<vmem>>)
    %dma_wait3A_1009 = arith.constant 1 : i32
    %dma_wait3A_1010 = arith.constant 256 : i32
    %dma_wait3A_1011 = tpu.memref_slice %arg10[%dma_wait3A_1009, %dma_wait3A_1010] : memref<16x640xf32, #tpu.memory_space<vmem>> -> memref<1x128xf32, #tpu.memory_space<vmem>>
    %dma_wait3A_1012 = tpu.memref_squeeze %dma_wait3A_1011 : memref<1x128xf32, #tpu.memory_space<vmem>> -> memref<128xf32, #tpu.memory_space<vmem>>
    %dma_wait3A_1013 = arith.constant 256 : i32
    %dma_wait3A_1014 = tpu.memref_slice %arg8[%dma_wait3A_1013] : memref<640xi32, #tpu.memory_space<vmem>> -> memref<128xi32, #tpu.memory_space<vmem>>
    %dma_wait3A_1015 = arith.constant 100000 : i32
    %dma_wait3A_1016 = tpu.memref_slice %arg4[%dma_wait3A_1015] : memref<1600000xf32, #tpu.memory_space<hbm>> -> memref<100000xf32, #tpu.memory_space<hbm>>
    %dma_wait3A_1017 = arith.constant 0 : i32
    %dma_wait3A_1018 = tpu.memref_slice %dma_wait3A_1016[%dma_wait3A_1017] : memref<100000xf32, #tpu.memory_space<hbm>> -> memref<100000xf32, #tpu.memory_space<hbm>>
    tpu.wait_indirect_dma semaphore(%arg13 : memref<!tpu.dma_semaphore, #tpu.memory_space<semaphore_mem>>) src(%dma_wait3A_1018 : memref<100000xf32, #tpu.memory_space<hbm>>) dst(%dma_wait3A_1012 : memref<128xf32, #tpu.memory_space<vmem>>)
    %dma_wait3A_1019 = arith.constant 1 : i32
    %dma_wait3A_1020 = arith.constant 384 : i32
    %dma_wait3A_1021 = tpu.memref_slice %arg10[%dma_wait3A_1019, %dma_wait3A_1020] : memref<16x640xf32, #tpu.memory_space<vmem>> -> memref<1x128xf32, #tpu.memory_space<vmem>>
    %dma_wait3A_1022 = tpu.memref_squeeze %dma_wait3A_1021 : memref<1x128xf32, #tpu.memory_space<vmem>> -> memref<128xf32, #tpu.memory_space<vmem>>
    %dma_wait3A_1023 = arith.constant 384 : i32
    %dma_wait3A_1024 = tpu.memref_slice %arg8[%dma_wait3A_1023] : memref<640xi32, #tpu.memory_space<vmem>> -> memref<128xi32, #tpu.memory_space<vmem>>
    %dma_wait3A_1025 = arith.constant 100000 : i32
    %dma_wait3A_1026 = tpu.memref_slice %arg4[%dma_wait3A_1025] : memref<1600000xf32, #tpu.memory_space<hbm>> -> memref<100000xf32, #tpu.memory_space<hbm>>
    %dma_wait3A_1027 = arith.constant 0 : i32
    %dma_wait3A_1028 = tpu.memref_slice %dma_wait3A_1026[%dma_wait3A_1027] : memref<100000xf32, #tpu.memory_space<hbm>> -> memref<100000xf32, #tpu.memory_space<hbm>>
    tpu.wait_indirect_dma semaphore(%arg13 : memref<!tpu.dma_semaphore, #tpu.memory_space<semaphore_mem>>) src(%dma_wait3A_1028 : memref<100000xf32, #tpu.memory_space<hbm>>) dst(%dma_wait3A_1022 : memref<128xf32, #tpu.memory_space<vmem>>)
    %dma_wait3A_1029 = arith.constant 1 : i32
    %dma_wait3A_1030 = arith.constant 512 : i32
    %dma_wait3A_1031 = tpu.memref_slice %arg10[%dma_wait3A_1029, %dma_wait3A_1030] : memref<16x640xf32, #tpu.memory_space<vmem>> -> memref<1x128xf32, #tpu.memory_space<vmem>>
    %dma_wait3A_1032 = tpu.memref_squeeze %dma_wait3A_1031 : memref<1x128xf32, #tpu.memory_space<vmem>> -> memref<128xf32, #tpu.memory_space<vmem>>
    %dma_wait3A_1033 = arith.constant 512 : i32
    %dma_wait3A_1034 = tpu.memref_slice %arg8[%dma_wait3A_1033] : memref<640xi32, #tpu.memory_space<vmem>> -> memref<128xi32, #tpu.memory_space<vmem>>
    %dma_wait3A_1035 = arith.constant 100000 : i32
    %dma_wait3A_1036 = tpu.memref_slice %arg4[%dma_wait3A_1035] : memref<1600000xf32, #tpu.memory_space<hbm>> -> memref<100000xf32, #tpu.memory_space<hbm>>
    %dma_wait3A_1037 = arith.constant 0 : i32
    %dma_wait3A_1038 = tpu.memref_slice %dma_wait3A_1036[%dma_wait3A_1037] : memref<100000xf32, #tpu.memory_space<hbm>> -> memref<100000xf32, #tpu.memory_space<hbm>>
    tpu.wait_indirect_dma semaphore(%arg13 : memref<!tpu.dma_semaphore, #tpu.memory_space<semaphore_mem>>) src(%dma_wait3A_1038 : memref<100000xf32, #tpu.memory_space<hbm>>) dst(%dma_wait3A_1032 : memref<128xf32, #tpu.memory_space<vmem>>)
    %dma_wait3A_1039 = arith.constant 1 : i32
    %dma_wait3A_1040 = arith.constant 0 : i32
    %dma_wait3A_1041 = tpu.memref_slice %arg11[%dma_wait3A_1039, %dma_wait3A_1040] : memref<16x32xf32, #tpu.memory_space<vmem>> -> memref<1x32xf32, #tpu.memory_space<vmem>>
    %dma_wait3A_1042 = tpu.memref_squeeze %dma_wait3A_1041 : memref<1x32xf32, #tpu.memory_space<vmem>> -> memref<32xf32, #tpu.memory_space<vmem>>
    %dma_wait3A_1043 = arith.constant 100000 : i32
    %dma_wait3A_1044 = tpu.memref_slice %arg5[%dma_wait3A_1043] : memref<1600000xf32, #tpu.memory_space<hbm>> -> memref<100000xf32, #tpu.memory_space<hbm>>
    %dma_wait3A_1045 = arith.constant 0 : i32
    %dma_wait3A_1046 = tpu.memref_slice %dma_wait3A_1044[%dma_wait3A_1045] : memref<100000xf32, #tpu.memory_space<hbm>> -> memref<100000xf32, #tpu.memory_space<hbm>>
    tpu.wait_indirect_dma semaphore(%arg13 : memref<!tpu.dma_semaphore, #tpu.memory_space<semaphore_mem>>) src(%dma_wait3A_1046 : memref<100000xf32, #tpu.memory_space<hbm>>) dst(%dma_wait3A_1042 : memref<32xf32, #tpu.memory_space<vmem>>)
    %dma_wait3A_1047 = arith.constant 2 : i32
    %dma_wait3A_1048 = arith.constant 0 : i32
    %dma_wait3A_1049 = tpu.memref_slice %arg10[%dma_wait3A_1047, %dma_wait3A_1048] : memref<16x640xf32, #tpu.memory_space<vmem>> -> memref<1x128xf32, #tpu.memory_space<vmem>>
    %dma_wait3A_1050 = tpu.memref_squeeze %dma_wait3A_1049 : memref<1x128xf32, #tpu.memory_space<vmem>> -> memref<128xf32, #tpu.memory_space<vmem>>
    %dma_wait3A_1051 = arith.constant 0 : i32
    %dma_wait3A_1052 = tpu.memref_slice %arg8[%dma_wait3A_1051] : memref<640xi32, #tpu.memory_space<vmem>> -> memref<128xi32, #tpu.memory_space<vmem>>
    %dma_wait3A_1053 = arith.constant 200000 : i32
    %dma_wait3A_1054 = tpu.memref_slice %arg4[%dma_wait3A_1053] : memref<1600000xf32, #tpu.memory_space<hbm>> -> memref<100000xf32, #tpu.memory_space<hbm>>
    %dma_wait3A_1055 = arith.constant 0 : i32
    %dma_wait3A_1056 = tpu.memref_slice %dma_wait3A_1054[%dma_wait3A_1055] : memref<100000xf32, #tpu.memory_space<hbm>> -> memref<100000xf32, #tpu.memory_space<hbm>>
    tpu.wait_indirect_dma semaphore(%arg13 : memref<!tpu.dma_semaphore, #tpu.memory_space<semaphore_mem>>) src(%dma_wait3A_1056 : memref<100000xf32, #tpu.memory_space<hbm>>) dst(%dma_wait3A_1050 : memref<128xf32, #tpu.memory_space<vmem>>)
    %dma_wait3A_1057 = arith.constant 2 : i32
    %dma_wait3A_1058 = arith.constant 128 : i32
    %dma_wait3A_1059 = tpu.memref_slice %arg10[%dma_wait3A_1057, %dma_wait3A_1058] : memref<16x640xf32, #tpu.memory_space<vmem>> -> memref<1x128xf32, #tpu.memory_space<vmem>>
    %dma_wait3A_1060 = tpu.memref_squeeze %dma_wait3A_1059 : memref<1x128xf32, #tpu.memory_space<vmem>> -> memref<128xf32, #tpu.memory_space<vmem>>
    %dma_wait3A_1061 = arith.constant 128 : i32
    %dma_wait3A_1062 = tpu.memref_slice %arg8[%dma_wait3A_1061] : memref<640xi32, #tpu.memory_space<vmem>> -> memref<128xi32, #tpu.memory_space<vmem>>
    %dma_wait3A_1063 = arith.constant 200000 : i32
    %dma_wait3A_1064 = tpu.memref_slice %arg4[%dma_wait3A_1063] : memref<1600000xf32, #tpu.memory_space<hbm>> -> memref<100000xf32, #tpu.memory_space<hbm>>
    %dma_wait3A_1065 = arith.constant 0 : i32
    %dma_wait3A_1066 = tpu.memref_slice %dma_wait3A_1064[%dma_wait3A_1065] : memref<100000xf32, #tpu.memory_space<hbm>> -> memref<100000xf32, #tpu.memory_space<hbm>>
    tpu.wait_indirect_dma semaphore(%arg13 : memref<!tpu.dma_semaphore, #tpu.memory_space<semaphore_mem>>) src(%dma_wait3A_1066 : memref<100000xf32, #tpu.memory_space<hbm>>) dst(%dma_wait3A_1060 : memref<128xf32, #tpu.memory_space<vmem>>)
    %dma_wait3A_1067 = arith.constant 2 : i32
    %dma_wait3A_1068 = arith.constant 256 : i32
    %dma_wait3A_1069 = tpu.memref_slice %arg10[%dma_wait3A_1067, %dma_wait3A_1068] : memref<16x640xf32, #tpu.memory_space<vmem>> -> memref<1x128xf32, #tpu.memory_space<vmem>>
    %dma_wait3A_1070 = tpu.memref_squeeze %dma_wait3A_1069 : memref<1x128xf32, #tpu.memory_space<vmem>> -> memref<128xf32, #tpu.memory_space<vmem>>
    %dma_wait3A_1071 = arith.constant 256 : i32
    %dma_wait3A_1072 = tpu.memref_slice %arg8[%dma_wait3A_1071] : memref<640xi32, #tpu.memory_space<vmem>> -> memref<128xi32, #tpu.memory_space<vmem>>
    %dma_wait3A_1073 = arith.constant 200000 : i32
    %dma_wait3A_1074 = tpu.memref_slice %arg4[%dma_wait3A_1073] : memref<1600000xf32, #tpu.memory_space<hbm>> -> memref<100000xf32, #tpu.memory_space<hbm>>
    %dma_wait3A_1075 = arith.constant 0 : i32
    %dma_wait3A_1076 = tpu.memref_slice %dma_wait3A_1074[%dma_wait3A_1075] : memref<100000xf32, #tpu.memory_space<hbm>> -> memref<100000xf32, #tpu.memory_space<hbm>>
    tpu.wait_indirect_dma semaphore(%arg13 : memref<!tpu.dma_semaphore, #tpu.memory_space<semaphore_mem>>) src(%dma_wait3A_1076 : memref<100000xf32, #tpu.memory_space<hbm>>) dst(%dma_wait3A_1070 : memref<128xf32, #tpu.memory_space<vmem>>)
    %dma_wait3A_1077 = arith.constant 2 : i32
    %dma_wait3A_1078 = arith.constant 384 : i32
    %dma_wait3A_1079 = tpu.memref_slice %arg10[%dma_wait3A_1077, %dma_wait3A_1078] : memref<16x640xf32, #tpu.memory_space<vmem>> -> memref<1x128xf32, #tpu.memory_space<vmem>>
    %dma_wait3A_1080 = tpu.memref_squeeze %dma_wait3A_1079 : memref<1x128xf32, #tpu.memory_space<vmem>> -> memref<128xf32, #tpu.memory_space<vmem>>
    %dma_wait3A_1081 = arith.constant 384 : i32
    %dma_wait3A_1082 = tpu.memref_slice %arg8[%dma_wait3A_1081] : memref<640xi32, #tpu.memory_space<vmem>> -> memref<128xi32, #tpu.memory_space<vmem>>
    %dma_wait3A_1083 = arith.constant 200000 : i32
    %dma_wait3A_1084 = tpu.memref_slice %arg4[%dma_wait3A_1083] : memref<1600000xf32, #tpu.memory_space<hbm>> -> memref<100000xf32, #tpu.memory_space<hbm>>
    %dma_wait3A_1085 = arith.constant 0 : i32
    %dma_wait3A_1086 = tpu.memref_slice %dma_wait3A_1084[%dma_wait3A_1085] : memref<100000xf32, #tpu.memory_space<hbm>> -> memref<100000xf32, #tpu.memory_space<hbm>>
    tpu.wait_indirect_dma semaphore(%arg13 : memref<!tpu.dma_semaphore, #tpu.memory_space<semaphore_mem>>) src(%dma_wait3A_1086 : memref<100000xf32, #tpu.memory_space<hbm>>) dst(%dma_wait3A_1080 : memref<128xf32, #tpu.memory_space<vmem>>)
    %dma_wait3A_1087 = arith.constant 2 : i32
    %dma_wait3A_1088 = arith.constant 512 : i32
    %dma_wait3A_1089 = tpu.memref_slice %arg10[%dma_wait3A_1087, %dma_wait3A_1088] : memref<16x640xf32, #tpu.memory_space<vmem>> -> memref<1x128xf32, #tpu.memory_space<vmem>>
    %dma_wait3A_1090 = tpu.memref_squeeze %dma_wait3A_1089 : memref<1x128xf32, #tpu.memory_space<vmem>> -> memref<128xf32, #tpu.memory_space<vmem>>
    %dma_wait3A_1091 = arith.constant 512 : i32
    %dma_wait3A_1092 = tpu.memref_slice %arg8[%dma_wait3A_1091] : memref<640xi32, #tpu.memory_space<vmem>> -> memref<128xi32, #tpu.memory_space<vmem>>
    %dma_wait3A_1093 = arith.constant 200000 : i32
    %dma_wait3A_1094 = tpu.memref_slice %arg4[%dma_wait3A_1093] : memref<1600000xf32, #tpu.memory_space<hbm>> -> memref<100000xf32, #tpu.memory_space<hbm>>
    %dma_wait3A_1095 = arith.constant 0 : i32
    %dma_wait3A_1096 = tpu.memref_slice %dma_wait3A_1094[%dma_wait3A_1095] : memref<100000xf32, #tpu.memory_space<hbm>> -> memref<100000xf32, #tpu.memory_space<hbm>>
    tpu.wait_indirect_dma semaphore(%arg13 : memref<!tpu.dma_semaphore, #tpu.memory_space<semaphore_mem>>) src(%dma_wait3A_1096 : memref<100000xf32, #tpu.memory_space<hbm>>) dst(%dma_wait3A_1090 : memref<128xf32, #tpu.memory_space<vmem>>)
    %dma_wait3A_1097 = arith.constant 2 : i32
    %dma_wait3A_1098 = arith.constant 0 : i32
    %dma_wait3A_1099 = tpu.memref_slice %arg11[%dma_wait3A_1097, %dma_wait3A_1098] : memref<16x32xf32, #tpu.memory_space<vmem>> -> memref<1x32xf32, #tpu.memory_space<vmem>>
    %dma_wait3A_1100 = tpu.memref_squeeze %dma_wait3A_1099 : memref<1x32xf32, #tpu.memory_space<vmem>> -> memref<32xf32, #tpu.memory_space<vmem>>
    %dma_wait3A_1101 = arith.constant 200000 : i32
    %dma_wait3A_1102 = tpu.memref_slice %arg5[%dma_wait3A_1101] : memref<1600000xf32, #tpu.memory_space<hbm>> -> memref<100000xf32, #tpu.memory_space<hbm>>
    %dma_wait3A_1103 = arith.constant 0 : i32
    %dma_wait3A_1104 = tpu.memref_slice %dma_wait3A_1102[%dma_wait3A_1103] : memref<100000xf32, #tpu.memory_space<hbm>> -> memref<100000xf32, #tpu.memory_space<hbm>>
    tpu.wait_indirect_dma semaphore(%arg13 : memref<!tpu.dma_semaphore, #tpu.memory_space<semaphore_mem>>) src(%dma_wait3A_1104 : memref<100000xf32, #tpu.memory_space<hbm>>) dst(%dma_wait3A_1100 : memref<32xf32, #tpu.memory_space<vmem>>)
    %dma_wait3A_1105 = arith.constant 3 : i32
    %dma_wait3A_1106 = arith.constant 0 : i32
    %dma_wait3A_1107 = tpu.memref_slice %arg10[%dma_wait3A_1105, %dma_wait3A_1106] : memref<16x640xf32, #tpu.memory_space<vmem>> -> memref<1x128xf32, #tpu.memory_space<vmem>>
    %dma_wait3A_1108 = tpu.memref_squeeze %dma_wait3A_1107 : memref<1x128xf32, #tpu.memory_space<vmem>> -> memref<128xf32, #tpu.memory_space<vmem>>
    %dma_wait3A_1109 = arith.constant 0 : i32
    %dma_wait3A_1110 = tpu.memref_slice %arg8[%dma_wait3A_1109] : memref<640xi32, #tpu.memory_space<vmem>> -> memref<128xi32, #tpu.memory_space<vmem>>
    %dma_wait3A_1111 = arith.constant 300000 : i32
    %dma_wait3A_1112 = tpu.memref_slice %arg4[%dma_wait3A_1111] : memref<1600000xf32, #tpu.memory_space<hbm>> -> memref<100000xf32, #tpu.memory_space<hbm>>
    %dma_wait3A_1113 = arith.constant 0 : i32
    %dma_wait3A_1114 = tpu.memref_slice %dma_wait3A_1112[%dma_wait3A_1113] : memref<100000xf32, #tpu.memory_space<hbm>> -> memref<100000xf32, #tpu.memory_space<hbm>>
    tpu.wait_indirect_dma semaphore(%arg13 : memref<!tpu.dma_semaphore, #tpu.memory_space<semaphore_mem>>) src(%dma_wait3A_1114 : memref<100000xf32, #tpu.memory_space<hbm>>) dst(%dma_wait3A_1108 : memref<128xf32, #tpu.memory_space<vmem>>)
    %dma_wait3A_1115 = arith.constant 3 : i32
    %dma_wait3A_1116 = arith.constant 128 : i32
    %dma_wait3A_1117 = tpu.memref_slice %arg10[%dma_wait3A_1115, %dma_wait3A_1116] : memref<16x640xf32, #tpu.memory_space<vmem>> -> memref<1x128xf32, #tpu.memory_space<vmem>>
    %dma_wait3A_1118 = tpu.memref_squeeze %dma_wait3A_1117 : memref<1x128xf32, #tpu.memory_space<vmem>> -> memref<128xf32, #tpu.memory_space<vmem>>
    %dma_wait3A_1119 = arith.constant 128 : i32
    %dma_wait3A_1120 = tpu.memref_slice %arg8[%dma_wait3A_1119] : memref<640xi32, #tpu.memory_space<vmem>> -> memref<128xi32, #tpu.memory_space<vmem>>
    %dma_wait3A_1121 = arith.constant 300000 : i32
    %dma_wait3A_1122 = tpu.memref_slice %arg4[%dma_wait3A_1121] : memref<1600000xf32, #tpu.memory_space<hbm>> -> memref<100000xf32, #tpu.memory_space<hbm>>
    %dma_wait3A_1123 = arith.constant 0 : i32
    %dma_wait3A_1124 = tpu.memref_slice %dma_wait3A_1122[%dma_wait3A_1123] : memref<100000xf32, #tpu.memory_space<hbm>> -> memref<100000xf32, #tpu.memory_space<hbm>>
    tpu.wait_indirect_dma semaphore(%arg13 : memref<!tpu.dma_semaphore, #tpu.memory_space<semaphore_mem>>) src(%dma_wait3A_1124 : memref<100000xf32, #tpu.memory_space<hbm>>) dst(%dma_wait3A_1118 : memref<128xf32, #tpu.memory_space<vmem>>)
    %dma_wait3A_1125 = arith.constant 3 : i32
    %dma_wait3A_1126 = arith.constant 256 : i32
    %dma_wait3A_1127 = tpu.memref_slice %arg10[%dma_wait3A_1125, %dma_wait3A_1126] : memref<16x640xf32, #tpu.memory_space<vmem>> -> memref<1x128xf32, #tpu.memory_space<vmem>>
    %dma_wait3A_1128 = tpu.memref_squeeze %dma_wait3A_1127 : memref<1x128xf32, #tpu.memory_space<vmem>> -> memref<128xf32, #tpu.memory_space<vmem>>
    %dma_wait3A_1129 = arith.constant 256 : i32
    %dma_wait3A_1130 = tpu.memref_slice %arg8[%dma_wait3A_1129] : memref<640xi32, #tpu.memory_space<vmem>> -> memref<128xi32, #tpu.memory_space<vmem>>
    %dma_wait3A_1131 = arith.constant 300000 : i32
    %dma_wait3A_1132 = tpu.memref_slice %arg4[%dma_wait3A_1131] : memref<1600000xf32, #tpu.memory_space<hbm>> -> memref<100000xf32, #tpu.memory_space<hbm>>
    %dma_wait3A_1133 = arith.constant 0 : i32
    %dma_wait3A_1134 = tpu.memref_slice %dma_wait3A_1132[%dma_wait3A_1133] : memref<100000xf32, #tpu.memory_space<hbm>> -> memref<100000xf32, #tpu.memory_space<hbm>>
    tpu.wait_indirect_dma semaphore(%arg13 : memref<!tpu.dma_semaphore, #tpu.memory_space<semaphore_mem>>) src(%dma_wait3A_1134 : memref<100000xf32, #tpu.memory_space<hbm>>) dst(%dma_wait3A_1128 : memref<128xf32, #tpu.memory_space<vmem>>)
    %dma_wait3A_1135 = arith.constant 3 : i32
    %dma_wait3A_1136 = arith.constant 384 : i32
    %dma_wait3A_1137 = tpu.memref_slice %arg10[%dma_wait3A_1135, %dma_wait3A_1136] : memref<16x640xf32, #tpu.memory_space<vmem>> -> memref<1x128xf32, #tpu.memory_space<vmem>>
    %dma_wait3A_1138 = tpu.memref_squeeze %dma_wait3A_1137 : memref<1x128xf32, #tpu.memory_space<vmem>> -> memref<128xf32, #tpu.memory_space<vmem>>
    %dma_wait3A_1139 = arith.constant 384 : i32
    %dma_wait3A_1140 = tpu.memref_slice %arg8[%dma_wait3A_1139] : memref<640xi32, #tpu.memory_space<vmem>> -> memref<128xi32, #tpu.memory_space<vmem>>
    %dma_wait3A_1141 = arith.constant 300000 : i32
    %dma_wait3A_1142 = tpu.memref_slice %arg4[%dma_wait3A_1141] : memref<1600000xf32, #tpu.memory_space<hbm>> -> memref<100000xf32, #tpu.memory_space<hbm>>
    %dma_wait3A_1143 = arith.constant 0 : i32
    %dma_wait3A_1144 = tpu.memref_slice %dma_wait3A_1142[%dma_wait3A_1143] : memref<100000xf32, #tpu.memory_space<hbm>> -> memref<100000xf32, #tpu.memory_space<hbm>>
    tpu.wait_indirect_dma semaphore(%arg13 : memref<!tpu.dma_semaphore, #tpu.memory_space<semaphore_mem>>) src(%dma_wait3A_1144 : memref<100000xf32, #tpu.memory_space<hbm>>) dst(%dma_wait3A_1138 : memref<128xf32, #tpu.memory_space<vmem>>)
    %dma_wait3A_1145 = arith.constant 3 : i32
    %dma_wait3A_1146 = arith.constant 512 : i32
    %dma_wait3A_1147 = tpu.memref_slice %arg10[%dma_wait3A_1145, %dma_wait3A_1146] : memref<16x640xf32, #tpu.memory_space<vmem>> -> memref<1x128xf32, #tpu.memory_space<vmem>>
    %dma_wait3A_1148 = tpu.memref_squeeze %dma_wait3A_1147 : memref<1x128xf32, #tpu.memory_space<vmem>> -> memref<128xf32, #tpu.memory_space<vmem>>
    %dma_wait3A_1149 = arith.constant 512 : i32
    %dma_wait3A_1150 = tpu.memref_slice %arg8[%dma_wait3A_1149] : memref<640xi32, #tpu.memory_space<vmem>> -> memref<128xi32, #tpu.memory_space<vmem>>
    %dma_wait3A_1151 = arith.constant 300000 : i32
    %dma_wait3A_1152 = tpu.memref_slice %arg4[%dma_wait3A_1151] : memref<1600000xf32, #tpu.memory_space<hbm>> -> memref<100000xf32, #tpu.memory_space<hbm>>
    %dma_wait3A_1153 = arith.constant 0 : i32
    %dma_wait3A_1154 = tpu.memref_slice %dma_wait3A_1152[%dma_wait3A_1153] : memref<100000xf32, #tpu.memory_space<hbm>> -> memref<100000xf32, #tpu.memory_space<hbm>>
    tpu.wait_indirect_dma semaphore(%arg13 : memref<!tpu.dma_semaphore, #tpu.memory_space<semaphore_mem>>) src(%dma_wait3A_1154 : memref<100000xf32, #tpu.memory_space<hbm>>) dst(%dma_wait3A_1148 : memref<128xf32, #tpu.memory_space<vmem>>)
    %dma_wait3A_1155 = arith.constant 3 : i32
    %dma_wait3A_1156 = arith.constant 0 : i32
    %dma_wait3A_1157 = tpu.memref_slice %arg11[%dma_wait3A_1155, %dma_wait3A_1156] : memref<16x32xf32, #tpu.memory_space<vmem>> -> memref<1x32xf32, #tpu.memory_space<vmem>>
    %dma_wait3A_1158 = tpu.memref_squeeze %dma_wait3A_1157 : memref<1x32xf32, #tpu.memory_space<vmem>> -> memref<32xf32, #tpu.memory_space<vmem>>
    %dma_wait3A_1159 = arith.constant 300000 : i32
    %dma_wait3A_1160 = tpu.memref_slice %arg5[%dma_wait3A_1159] : memref<1600000xf32, #tpu.memory_space<hbm>> -> memref<100000xf32, #tpu.memory_space<hbm>>
    %dma_wait3A_1161 = arith.constant 0 : i32
    %dma_wait3A_1162 = tpu.memref_slice %dma_wait3A_1160[%dma_wait3A_1161] : memref<100000xf32, #tpu.memory_space<hbm>> -> memref<100000xf32, #tpu.memory_space<hbm>>
    tpu.wait_indirect_dma semaphore(%arg13 : memref<!tpu.dma_semaphore, #tpu.memory_space<semaphore_mem>>) src(%dma_wait3A_1162 : memref<100000xf32, #tpu.memory_space<hbm>>) dst(%dma_wait3A_1158 : memref<32xf32, #tpu.memory_space<vmem>>)
    %dma_wait3A_1163 = arith.constant 4 : i32
    %dma_wait3A_1164 = arith.constant 0 : i32
    %dma_wait3A_1165 = tpu.memref_slice %arg10[%dma_wait3A_1163, %dma_wait3A_1164] : memref<16x640xf32, #tpu.memory_space<vmem>> -> memref<1x128xf32, #tpu.memory_space<vmem>>
    %dma_wait3A_1166 = tpu.memref_squeeze %dma_wait3A_1165 : memref<1x128xf32, #tpu.memory_space<vmem>> -> memref<128xf32, #tpu.memory_space<vmem>>
    %dma_wait3A_1167 = arith.constant 0 : i32
    %dma_wait3A_1168 = tpu.memref_slice %arg8[%dma_wait3A_1167] : memref<640xi32, #tpu.memory_space<vmem>> -> memref<128xi32, #tpu.memory_space<vmem>>
    %dma_wait3A_1169 = arith.constant 400000 : i32
    %dma_wait3A_1170 = tpu.memref_slice %arg4[%dma_wait3A_1169] : memref<1600000xf32, #tpu.memory_space<hbm>> -> memref<100000xf32, #tpu.memory_space<hbm>>
    %dma_wait3A_1171 = arith.constant 0 : i32
    %dma_wait3A_1172 = tpu.memref_slice %dma_wait3A_1170[%dma_wait3A_1171] : memref<100000xf32, #tpu.memory_space<hbm>> -> memref<100000xf32, #tpu.memory_space<hbm>>
    tpu.wait_indirect_dma semaphore(%arg13 : memref<!tpu.dma_semaphore, #tpu.memory_space<semaphore_mem>>) src(%dma_wait3A_1172 : memref<100000xf32, #tpu.memory_space<hbm>>) dst(%dma_wait3A_1166 : memref<128xf32, #tpu.memory_space<vmem>>)
    %dma_wait3A_1173 = arith.constant 4 : i32
    %dma_wait3A_1174 = arith.constant 128 : i32
    %dma_wait3A_1175 = tpu.memref_slice %arg10[%dma_wait3A_1173, %dma_wait3A_1174] : memref<16x640xf32, #tpu.memory_space<vmem>> -> memref<1x128xf32, #tpu.memory_space<vmem>>
    %dma_wait3A_1176 = tpu.memref_squeeze %dma_wait3A_1175 : memref<1x128xf32, #tpu.memory_space<vmem>> -> memref<128xf32, #tpu.memory_space<vmem>>
    %dma_wait3A_1177 = arith.constant 128 : i32
    %dma_wait3A_1178 = tpu.memref_slice %arg8[%dma_wait3A_1177] : memref<640xi32, #tpu.memory_space<vmem>> -> memref<128xi32, #tpu.memory_space<vmem>>
    %dma_wait3A_1179 = arith.constant 400000 : i32
    %dma_wait3A_1180 = tpu.memref_slice %arg4[%dma_wait3A_1179] : memref<1600000xf32, #tpu.memory_space<hbm>> -> memref<100000xf32, #tpu.memory_space<hbm>>
    %dma_wait3A_1181 = arith.constant 0 : i32
    %dma_wait3A_1182 = tpu.memref_slice %dma_wait3A_1180[%dma_wait3A_1181] : memref<100000xf32, #tpu.memory_space<hbm>> -> memref<100000xf32, #tpu.memory_space<hbm>>
    tpu.wait_indirect_dma semaphore(%arg13 : memref<!tpu.dma_semaphore, #tpu.memory_space<semaphore_mem>>) src(%dma_wait3A_1182 : memref<100000xf32, #tpu.memory_space<hbm>>) dst(%dma_wait3A_1176 : memref<128xf32, #tpu.memory_space<vmem>>)
    %dma_wait3A_1183 = arith.constant 4 : i32
    %dma_wait3A_1184 = arith.constant 256 : i32
    %dma_wait3A_1185 = tpu.memref_slice %arg10[%dma_wait3A_1183, %dma_wait3A_1184] : memref<16x640xf32, #tpu.memory_space<vmem>> -> memref<1x128xf32, #tpu.memory_space<vmem>>
    %dma_wait3A_1186 = tpu.memref_squeeze %dma_wait3A_1185 : memref<1x128xf32, #tpu.memory_space<vmem>> -> memref<128xf32, #tpu.memory_space<vmem>>
    %dma_wait3A_1187 = arith.constant 256 : i32
    %dma_wait3A_1188 = tpu.memref_slice %arg8[%dma_wait3A_1187] : memref<640xi32, #tpu.memory_space<vmem>> -> memref<128xi32, #tpu.memory_space<vmem>>
    %dma_wait3A_1189 = arith.constant 400000 : i32
    %dma_wait3A_1190 = tpu.memref_slice %arg4[%dma_wait3A_1189] : memref<1600000xf32, #tpu.memory_space<hbm>> -> memref<100000xf32, #tpu.memory_space<hbm>>
    %dma_wait3A_1191 = arith.constant 0 : i32
    %dma_wait3A_1192 = tpu.memref_slice %dma_wait3A_1190[%dma_wait3A_1191] : memref<100000xf32, #tpu.memory_space<hbm>> -> memref<100000xf32, #tpu.memory_space<hbm>>
    tpu.wait_indirect_dma semaphore(%arg13 : memref<!tpu.dma_semaphore, #tpu.memory_space<semaphore_mem>>) src(%dma_wait3A_1192 : memref<100000xf32, #tpu.memory_space<hbm>>) dst(%dma_wait3A_1186 : memref<128xf32, #tpu.memory_space<vmem>>)
    %dma_wait3A_1193 = arith.constant 4 : i32
    %dma_wait3A_1194 = arith.constant 384 : i32
    %dma_wait3A_1195 = tpu.memref_slice %arg10[%dma_wait3A_1193, %dma_wait3A_1194] : memref<16x640xf32, #tpu.memory_space<vmem>> -> memref<1x128xf32, #tpu.memory_space<vmem>>
    %dma_wait3A_1196 = tpu.memref_squeeze %dma_wait3A_1195 : memref<1x128xf32, #tpu.memory_space<vmem>> -> memref<128xf32, #tpu.memory_space<vmem>>
    %dma_wait3A_1197 = arith.constant 384 : i32
    %dma_wait3A_1198 = tpu.memref_slice %arg8[%dma_wait3A_1197] : memref<640xi32, #tpu.memory_space<vmem>> -> memref<128xi32, #tpu.memory_space<vmem>>
    %dma_wait3A_1199 = arith.constant 400000 : i32
    %dma_wait3A_1200 = tpu.memref_slice %arg4[%dma_wait3A_1199] : memref<1600000xf32, #tpu.memory_space<hbm>> -> memref<100000xf32, #tpu.memory_space<hbm>>
    %dma_wait3A_1201 = arith.constant 0 : i32
    %dma_wait3A_1202 = tpu.memref_slice %dma_wait3A_1200[%dma_wait3A_1201] : memref<100000xf32, #tpu.memory_space<hbm>> -> memref<100000xf32, #tpu.memory_space<hbm>>
    tpu.wait_indirect_dma semaphore(%arg13 : memref<!tpu.dma_semaphore, #tpu.memory_space<semaphore_mem>>) src(%dma_wait3A_1202 : memref<100000xf32, #tpu.memory_space<hbm>>) dst(%dma_wait3A_1196 : memref<128xf32, #tpu.memory_space<vmem>>)
    %dma_wait3A_1203 = arith.constant 4 : i32
    %dma_wait3A_1204 = arith.constant 512 : i32
    %dma_wait3A_1205 = tpu.memref_slice %arg10[%dma_wait3A_1203, %dma_wait3A_1204] : memref<16x640xf32, #tpu.memory_space<vmem>> -> memref<1x128xf32, #tpu.memory_space<vmem>>
    %dma_wait3A_1206 = tpu.memref_squeeze %dma_wait3A_1205 : memref<1x128xf32, #tpu.memory_space<vmem>> -> memref<128xf32, #tpu.memory_space<vmem>>
    %dma_wait3A_1207 = arith.constant 512 : i32
    %dma_wait3A_1208 = tpu.memref_slice %arg8[%dma_wait3A_1207] : memref<640xi32, #tpu.memory_space<vmem>> -> memref<128xi32, #tpu.memory_space<vmem>>
    %dma_wait3A_1209 = arith.constant 400000 : i32
    %dma_wait3A_1210 = tpu.memref_slice %arg4[%dma_wait3A_1209] : memref<1600000xf32, #tpu.memory_space<hbm>> -> memref<100000xf32, #tpu.memory_space<hbm>>
    %dma_wait3A_1211 = arith.constant 0 : i32
    %dma_wait3A_1212 = tpu.memref_slice %dma_wait3A_1210[%dma_wait3A_1211] : memref<100000xf32, #tpu.memory_space<hbm>> -> memref<100000xf32, #tpu.memory_space<hbm>>
    tpu.wait_indirect_dma semaphore(%arg13 : memref<!tpu.dma_semaphore, #tpu.memory_space<semaphore_mem>>) src(%dma_wait3A_1212 : memref<100000xf32, #tpu.memory_space<hbm>>) dst(%dma_wait3A_1206 : memref<128xf32, #tpu.memory_space<vmem>>)
    %dma_wait3A_1213 = arith.constant 4 : i32
    %dma_wait3A_1214 = arith.constant 0 : i32
    %dma_wait3A_1215 = tpu.memref_slice %arg11[%dma_wait3A_1213, %dma_wait3A_1214] : memref<16x32xf32, #tpu.memory_space<vmem>> -> memref<1x32xf32, #tpu.memory_space<vmem>>
    %dma_wait3A_1216 = tpu.memref_squeeze %dma_wait3A_1215 : memref<1x32xf32, #tpu.memory_space<vmem>> -> memref<32xf32, #tpu.memory_space<vmem>>
    %dma_wait3A_1217 = arith.constant 400000 : i32
    %dma_wait3A_1218 = tpu.memref_slice %arg5[%dma_wait3A_1217] : memref<1600000xf32, #tpu.memory_space<hbm>> -> memref<100000xf32, #tpu.memory_space<hbm>>
    %dma_wait3A_1219 = arith.constant 0 : i32
    %dma_wait3A_1220 = tpu.memref_slice %dma_wait3A_1218[%dma_wait3A_1219] : memref<100000xf32, #tpu.memory_space<hbm>> -> memref<100000xf32, #tpu.memory_space<hbm>>
    tpu.wait_indirect_dma semaphore(%arg13 : memref<!tpu.dma_semaphore, #tpu.memory_space<semaphore_mem>>) src(%dma_wait3A_1220 : memref<100000xf32, #tpu.memory_space<hbm>>) dst(%dma_wait3A_1216 : memref<32xf32, #tpu.memory_space<vmem>>)
    %dma_wait3A_1221 = arith.constant 5 : i32
    %dma_wait3A_1222 = arith.constant 0 : i32
    %dma_wait3A_1223 = tpu.memref_slice %arg10[%dma_wait3A_1221, %dma_wait3A_1222] : memref<16x640xf32, #tpu.memory_space<vmem>> -> memref<1x128xf32, #tpu.memory_space<vmem>>
    %dma_wait3A_1224 = tpu.memref_squeeze %dma_wait3A_1223 : memref<1x128xf32, #tpu.memory_space<vmem>> -> memref<128xf32, #tpu.memory_space<vmem>>
    %dma_wait3A_1225 = arith.constant 0 : i32
    %dma_wait3A_1226 = tpu.memref_slice %arg8[%dma_wait3A_1225] : memref<640xi32, #tpu.memory_space<vmem>> -> memref<128xi32, #tpu.memory_space<vmem>>
    %dma_wait3A_1227 = arith.constant 500000 : i32
    %dma_wait3A_1228 = tpu.memref_slice %arg4[%dma_wait3A_1227] : memref<1600000xf32, #tpu.memory_space<hbm>> -> memref<100000xf32, #tpu.memory_space<hbm>>
    %dma_wait3A_1229 = arith.constant 0 : i32
    %dma_wait3A_1230 = tpu.memref_slice %dma_wait3A_1228[%dma_wait3A_1229] : memref<100000xf32, #tpu.memory_space<hbm>> -> memref<100000xf32, #tpu.memory_space<hbm>>
    tpu.wait_indirect_dma semaphore(%arg13 : memref<!tpu.dma_semaphore, #tpu.memory_space<semaphore_mem>>) src(%dma_wait3A_1230 : memref<100000xf32, #tpu.memory_space<hbm>>) dst(%dma_wait3A_1224 : memref<128xf32, #tpu.memory_space<vmem>>)
    %dma_wait3A_1231 = arith.constant 5 : i32
    %dma_wait3A_1232 = arith.constant 128 : i32
    %dma_wait3A_1233 = tpu.memref_slice %arg10[%dma_wait3A_1231, %dma_wait3A_1232] : memref<16x640xf32, #tpu.memory_space<vmem>> -> memref<1x128xf32, #tpu.memory_space<vmem>>
    %dma_wait3A_1234 = tpu.memref_squeeze %dma_wait3A_1233 : memref<1x128xf32, #tpu.memory_space<vmem>> -> memref<128xf32, #tpu.memory_space<vmem>>
    %dma_wait3A_1235 = arith.constant 128 : i32
    %dma_wait3A_1236 = tpu.memref_slice %arg8[%dma_wait3A_1235] : memref<640xi32, #tpu.memory_space<vmem>> -> memref<128xi32, #tpu.memory_space<vmem>>
    %dma_wait3A_1237 = arith.constant 500000 : i32
    %dma_wait3A_1238 = tpu.memref_slice %arg4[%dma_wait3A_1237] : memref<1600000xf32, #tpu.memory_space<hbm>> -> memref<100000xf32, #tpu.memory_space<hbm>>
    %dma_wait3A_1239 = arith.constant 0 : i32
    %dma_wait3A_1240 = tpu.memref_slice %dma_wait3A_1238[%dma_wait3A_1239] : memref<100000xf32, #tpu.memory_space<hbm>> -> memref<100000xf32, #tpu.memory_space<hbm>>
    tpu.wait_indirect_dma semaphore(%arg13 : memref<!tpu.dma_semaphore, #tpu.memory_space<semaphore_mem>>) src(%dma_wait3A_1240 : memref<100000xf32, #tpu.memory_space<hbm>>) dst(%dma_wait3A_1234 : memref<128xf32, #tpu.memory_space<vmem>>)
    %dma_wait3A_1241 = arith.constant 5 : i32
    %dma_wait3A_1242 = arith.constant 256 : i32
    %dma_wait3A_1243 = tpu.memref_slice %arg10[%dma_wait3A_1241, %dma_wait3A_1242] : memref<16x640xf32, #tpu.memory_space<vmem>> -> memref<1x128xf32, #tpu.memory_space<vmem>>
    %dma_wait3A_1244 = tpu.memref_squeeze %dma_wait3A_1243 : memref<1x128xf32, #tpu.memory_space<vmem>> -> memref<128xf32, #tpu.memory_space<vmem>>
    %dma_wait3A_1245 = arith.constant 256 : i32
    %dma_wait3A_1246 = tpu.memref_slice %arg8[%dma_wait3A_1245] : memref<640xi32, #tpu.memory_space<vmem>> -> memref<128xi32, #tpu.memory_space<vmem>>
    %dma_wait3A_1247 = arith.constant 500000 : i32
    %dma_wait3A_1248 = tpu.memref_slice %arg4[%dma_wait3A_1247] : memref<1600000xf32, #tpu.memory_space<hbm>> -> memref<100000xf32, #tpu.memory_space<hbm>>
    %dma_wait3A_1249 = arith.constant 0 : i32
    %dma_wait3A_1250 = tpu.memref_slice %dma_wait3A_1248[%dma_wait3A_1249] : memref<100000xf32, #tpu.memory_space<hbm>> -> memref<100000xf32, #tpu.memory_space<hbm>>
    tpu.wait_indirect_dma semaphore(%arg13 : memref<!tpu.dma_semaphore, #tpu.memory_space<semaphore_mem>>) src(%dma_wait3A_1250 : memref<100000xf32, #tpu.memory_space<hbm>>) dst(%dma_wait3A_1244 : memref<128xf32, #tpu.memory_space<vmem>>)
    %dma_wait3A_1251 = arith.constant 5 : i32
    %dma_wait3A_1252 = arith.constant 384 : i32
    %dma_wait3A_1253 = tpu.memref_slice %arg10[%dma_wait3A_1251, %dma_wait3A_1252] : memref<16x640xf32, #tpu.memory_space<vmem>> -> memref<1x128xf32, #tpu.memory_space<vmem>>
    %dma_wait3A_1254 = tpu.memref_squeeze %dma_wait3A_1253 : memref<1x128xf32, #tpu.memory_space<vmem>> -> memref<128xf32, #tpu.memory_space<vmem>>
    %dma_wait3A_1255 = arith.constant 384 : i32
    %dma_wait3A_1256 = tpu.memref_slice %arg8[%dma_wait3A_1255] : memref<640xi32, #tpu.memory_space<vmem>> -> memref<128xi32, #tpu.memory_space<vmem>>
    %dma_wait3A_1257 = arith.constant 500000 : i32
    %dma_wait3A_1258 = tpu.memref_slice %arg4[%dma_wait3A_1257] : memref<1600000xf32, #tpu.memory_space<hbm>> -> memref<100000xf32, #tpu.memory_space<hbm>>
    %dma_wait3A_1259 = arith.constant 0 : i32
    %dma_wait3A_1260 = tpu.memref_slice %dma_wait3A_1258[%dma_wait3A_1259] : memref<100000xf32, #tpu.memory_space<hbm>> -> memref<100000xf32, #tpu.memory_space<hbm>>
    tpu.wait_indirect_dma semaphore(%arg13 : memref<!tpu.dma_semaphore, #tpu.memory_space<semaphore_mem>>) src(%dma_wait3A_1260 : memref<100000xf32, #tpu.memory_space<hbm>>) dst(%dma_wait3A_1254 : memref<128xf32, #tpu.memory_space<vmem>>)
    %dma_wait3A_1261 = arith.constant 5 : i32
    %dma_wait3A_1262 = arith.constant 512 : i32
    %dma_wait3A_1263 = tpu.memref_slice %arg10[%dma_wait3A_1261, %dma_wait3A_1262] : memref<16x640xf32, #tpu.memory_space<vmem>> -> memref<1x128xf32, #tpu.memory_space<vmem>>
    %dma_wait3A_1264 = tpu.memref_squeeze %dma_wait3A_1263 : memref<1x128xf32, #tpu.memory_space<vmem>> -> memref<128xf32, #tpu.memory_space<vmem>>
    %dma_wait3A_1265 = arith.constant 512 : i32
    %dma_wait3A_1266 = tpu.memref_slice %arg8[%dma_wait3A_1265] : memref<640xi32, #tpu.memory_space<vmem>> -> memref<128xi32, #tpu.memory_space<vmem>>
    %dma_wait3A_1267 = arith.constant 500000 : i32
    %dma_wait3A_1268 = tpu.memref_slice %arg4[%dma_wait3A_1267] : memref<1600000xf32, #tpu.memory_space<hbm>> -> memref<100000xf32, #tpu.memory_space<hbm>>
    %dma_wait3A_1269 = arith.constant 0 : i32
    %dma_wait3A_1270 = tpu.memref_slice %dma_wait3A_1268[%dma_wait3A_1269] : memref<100000xf32, #tpu.memory_space<hbm>> -> memref<100000xf32, #tpu.memory_space<hbm>>
    tpu.wait_indirect_dma semaphore(%arg13 : memref<!tpu.dma_semaphore, #tpu.memory_space<semaphore_mem>>) src(%dma_wait3A_1270 : memref<100000xf32, #tpu.memory_space<hbm>>) dst(%dma_wait3A_1264 : memref<128xf32, #tpu.memory_space<vmem>>)
    %dma_wait3A_1271 = arith.constant 5 : i32
    %dma_wait3A_1272 = arith.constant 0 : i32
    %dma_wait3A_1273 = tpu.memref_slice %arg11[%dma_wait3A_1271, %dma_wait3A_1272] : memref<16x32xf32, #tpu.memory_space<vmem>> -> memref<1x32xf32, #tpu.memory_space<vmem>>
    %dma_wait3A_1274 = tpu.memref_squeeze %dma_wait3A_1273 : memref<1x32xf32, #tpu.memory_space<vmem>> -> memref<32xf32, #tpu.memory_space<vmem>>
    %dma_wait3A_1275 = arith.constant 500000 : i32
    %dma_wait3A_1276 = tpu.memref_slice %arg5[%dma_wait3A_1275] : memref<1600000xf32, #tpu.memory_space<hbm>> -> memref<100000xf32, #tpu.memory_space<hbm>>
    %dma_wait3A_1277 = arith.constant 0 : i32
    %dma_wait3A_1278 = tpu.memref_slice %dma_wait3A_1276[%dma_wait3A_1277] : memref<100000xf32, #tpu.memory_space<hbm>> -> memref<100000xf32, #tpu.memory_space<hbm>>
    tpu.wait_indirect_dma semaphore(%arg13 : memref<!tpu.dma_semaphore, #tpu.memory_space<semaphore_mem>>) src(%dma_wait3A_1278 : memref<100000xf32, #tpu.memory_space<hbm>>) dst(%dma_wait3A_1274 : memref<32xf32, #tpu.memory_space<vmem>>)
    %dma_wait3A_1279 = arith.constant 6 : i32
    %dma_wait3A_1280 = arith.constant 0 : i32
    %dma_wait3A_1281 = tpu.memref_slice %arg10[%dma_wait3A_1279, %dma_wait3A_1280] : memref<16x640xf32, #tpu.memory_space<vmem>> -> memref<1x128xf32, #tpu.memory_space<vmem>>
    %dma_wait3A_1282 = tpu.memref_squeeze %dma_wait3A_1281 : memref<1x128xf32, #tpu.memory_space<vmem>> -> memref<128xf32, #tpu.memory_space<vmem>>
    %dma_wait3A_1283 = arith.constant 0 : i32
    %dma_wait3A_1284 = tpu.memref_slice %arg8[%dma_wait3A_1283] : memref<640xi32, #tpu.memory_space<vmem>> -> memref<128xi32, #tpu.memory_space<vmem>>
    %dma_wait3A_1285 = arith.constant 600000 : i32
    %dma_wait3A_1286 = tpu.memref_slice %arg4[%dma_wait3A_1285] : memref<1600000xf32, #tpu.memory_space<hbm>> -> memref<100000xf32, #tpu.memory_space<hbm>>
    %dma_wait3A_1287 = arith.constant 0 : i32
    %dma_wait3A_1288 = tpu.memref_slice %dma_wait3A_1286[%dma_wait3A_1287] : memref<100000xf32, #tpu.memory_space<hbm>> -> memref<100000xf32, #tpu.memory_space<hbm>>
    tpu.wait_indirect_dma semaphore(%arg13 : memref<!tpu.dma_semaphore, #tpu.memory_space<semaphore_mem>>) src(%dma_wait3A_1288 : memref<100000xf32, #tpu.memory_space<hbm>>) dst(%dma_wait3A_1282 : memref<128xf32, #tpu.memory_space<vmem>>)
    %dma_wait3A_1289 = arith.constant 6 : i32
    %dma_wait3A_1290 = arith.constant 128 : i32
    %dma_wait3A_1291 = tpu.memref_slice %arg10[%dma_wait3A_1289, %dma_wait3A_1290] : memref<16x640xf32, #tpu.memory_space<vmem>> -> memref<1x128xf32, #tpu.memory_space<vmem>>
    %dma_wait3A_1292 = tpu.memref_squeeze %dma_wait3A_1291 : memref<1x128xf32, #tpu.memory_space<vmem>> -> memref<128xf32, #tpu.memory_space<vmem>>
    %dma_wait3A_1293 = arith.constant 128 : i32
    %dma_wait3A_1294 = tpu.memref_slice %arg8[%dma_wait3A_1293] : memref<640xi32, #tpu.memory_space<vmem>> -> memref<128xi32, #tpu.memory_space<vmem>>
    %dma_wait3A_1295 = arith.constant 600000 : i32
    %dma_wait3A_1296 = tpu.memref_slice %arg4[%dma_wait3A_1295] : memref<1600000xf32, #tpu.memory_space<hbm>> -> memref<100000xf32, #tpu.memory_space<hbm>>
    %dma_wait3A_1297 = arith.constant 0 : i32
    %dma_wait3A_1298 = tpu.memref_slice %dma_wait3A_1296[%dma_wait3A_1297] : memref<100000xf32, #tpu.memory_space<hbm>> -> memref<100000xf32, #tpu.memory_space<hbm>>
    tpu.wait_indirect_dma semaphore(%arg13 : memref<!tpu.dma_semaphore, #tpu.memory_space<semaphore_mem>>) src(%dma_wait3A_1298 : memref<100000xf32, #tpu.memory_space<hbm>>) dst(%dma_wait3A_1292 : memref<128xf32, #tpu.memory_space<vmem>>)
    %dma_wait3A_1299 = arith.constant 6 : i32
    %dma_wait3A_1300 = arith.constant 256 : i32
    %dma_wait3A_1301 = tpu.memref_slice %arg10[%dma_wait3A_1299, %dma_wait3A_1300] : memref<16x640xf32, #tpu.memory_space<vmem>> -> memref<1x128xf32, #tpu.memory_space<vmem>>
    %dma_wait3A_1302 = tpu.memref_squeeze %dma_wait3A_1301 : memref<1x128xf32, #tpu.memory_space<vmem>> -> memref<128xf32, #tpu.memory_space<vmem>>
    %dma_wait3A_1303 = arith.constant 256 : i32
    %dma_wait3A_1304 = tpu.memref_slice %arg8[%dma_wait3A_1303] : memref<640xi32, #tpu.memory_space<vmem>> -> memref<128xi32, #tpu.memory_space<vmem>>
    %dma_wait3A_1305 = arith.constant 600000 : i32
    %dma_wait3A_1306 = tpu.memref_slice %arg4[%dma_wait3A_1305] : memref<1600000xf32, #tpu.memory_space<hbm>> -> memref<100000xf32, #tpu.memory_space<hbm>>
    %dma_wait3A_1307 = arith.constant 0 : i32
    %dma_wait3A_1308 = tpu.memref_slice %dma_wait3A_1306[%dma_wait3A_1307] : memref<100000xf32, #tpu.memory_space<hbm>> -> memref<100000xf32, #tpu.memory_space<hbm>>
    tpu.wait_indirect_dma semaphore(%arg13 : memref<!tpu.dma_semaphore, #tpu.memory_space<semaphore_mem>>) src(%dma_wait3A_1308 : memref<100000xf32, #tpu.memory_space<hbm>>) dst(%dma_wait3A_1302 : memref<128xf32, #tpu.memory_space<vmem>>)
    %dma_wait3A_1309 = arith.constant 6 : i32
    %dma_wait3A_1310 = arith.constant 384 : i32
    %dma_wait3A_1311 = tpu.memref_slice %arg10[%dma_wait3A_1309, %dma_wait3A_1310] : memref<16x640xf32, #tpu.memory_space<vmem>> -> memref<1x128xf32, #tpu.memory_space<vmem>>
    %dma_wait3A_1312 = tpu.memref_squeeze %dma_wait3A_1311 : memref<1x128xf32, #tpu.memory_space<vmem>> -> memref<128xf32, #tpu.memory_space<vmem>>
    %dma_wait3A_1313 = arith.constant 384 : i32
    %dma_wait3A_1314 = tpu.memref_slice %arg8[%dma_wait3A_1313] : memref<640xi32, #tpu.memory_space<vmem>> -> memref<128xi32, #tpu.memory_space<vmem>>
    %dma_wait3A_1315 = arith.constant 600000 : i32
    %dma_wait3A_1316 = tpu.memref_slice %arg4[%dma_wait3A_1315] : memref<1600000xf32, #tpu.memory_space<hbm>> -> memref<100000xf32, #tpu.memory_space<hbm>>
    %dma_wait3A_1317 = arith.constant 0 : i32
    %dma_wait3A_1318 = tpu.memref_slice %dma_wait3A_1316[%dma_wait3A_1317] : memref<100000xf32, #tpu.memory_space<hbm>> -> memref<100000xf32, #tpu.memory_space<hbm>>
    tpu.wait_indirect_dma semaphore(%arg13 : memref<!tpu.dma_semaphore, #tpu.memory_space<semaphore_mem>>) src(%dma_wait3A_1318 : memref<100000xf32, #tpu.memory_space<hbm>>) dst(%dma_wait3A_1312 : memref<128xf32, #tpu.memory_space<vmem>>)
    %dma_wait3A_1319 = arith.constant 6 : i32
    %dma_wait3A_1320 = arith.constant 512 : i32
    %dma_wait3A_1321 = tpu.memref_slice %arg10[%dma_wait3A_1319, %dma_wait3A_1320] : memref<16x640xf32, #tpu.memory_space<vmem>> -> memref<1x128xf32, #tpu.memory_space<vmem>>
    %dma_wait3A_1322 = tpu.memref_squeeze %dma_wait3A_1321 : memref<1x128xf32, #tpu.memory_space<vmem>> -> memref<128xf32, #tpu.memory_space<vmem>>
    %dma_wait3A_1323 = arith.constant 512 : i32
    %dma_wait3A_1324 = tpu.memref_slice %arg8[%dma_wait3A_1323] : memref<640xi32, #tpu.memory_space<vmem>> -> memref<128xi32, #tpu.memory_space<vmem>>
    %dma_wait3A_1325 = arith.constant 600000 : i32
    %dma_wait3A_1326 = tpu.memref_slice %arg4[%dma_wait3A_1325] : memref<1600000xf32, #tpu.memory_space<hbm>> -> memref<100000xf32, #tpu.memory_space<hbm>>
    %dma_wait3A_1327 = arith.constant 0 : i32
    %dma_wait3A_1328 = tpu.memref_slice %dma_wait3A_1326[%dma_wait3A_1327] : memref<100000xf32, #tpu.memory_space<hbm>> -> memref<100000xf32, #tpu.memory_space<hbm>>
    tpu.wait_indirect_dma semaphore(%arg13 : memref<!tpu.dma_semaphore, #tpu.memory_space<semaphore_mem>>) src(%dma_wait3A_1328 : memref<100000xf32, #tpu.memory_space<hbm>>) dst(%dma_wait3A_1322 : memref<128xf32, #tpu.memory_space<vmem>>)
    %dma_wait3A_1329 = arith.constant 6 : i32
    %dma_wait3A_1330 = arith.constant 0 : i32
    %dma_wait3A_1331 = tpu.memref_slice %arg11[%dma_wait3A_1329, %dma_wait3A_1330] : memref<16x32xf32, #tpu.memory_space<vmem>> -> memref<1x32xf32, #tpu.memory_space<vmem>>
    %dma_wait3A_1332 = tpu.memref_squeeze %dma_wait3A_1331 : memref<1x32xf32, #tpu.memory_space<vmem>> -> memref<32xf32, #tpu.memory_space<vmem>>
    %dma_wait3A_1333 = arith.constant 600000 : i32
    %dma_wait3A_1334 = tpu.memref_slice %arg5[%dma_wait3A_1333] : memref<1600000xf32, #tpu.memory_space<hbm>> -> memref<100000xf32, #tpu.memory_space<hbm>>
    %dma_wait3A_1335 = arith.constant 0 : i32
    %dma_wait3A_1336 = tpu.memref_slice %dma_wait3A_1334[%dma_wait3A_1335] : memref<100000xf32, #tpu.memory_space<hbm>> -> memref<100000xf32, #tpu.memory_space<hbm>>
    tpu.wait_indirect_dma semaphore(%arg13 : memref<!tpu.dma_semaphore, #tpu.memory_space<semaphore_mem>>) src(%dma_wait3A_1336 : memref<100000xf32, #tpu.memory_space<hbm>>) dst(%dma_wait3A_1332 : memref<32xf32, #tpu.memory_space<vmem>>)
    %dma_wait3A_1337 = arith.constant 7 : i32
    %dma_wait3A_1338 = arith.constant 0 : i32
    %dma_wait3A_1339 = tpu.memref_slice %arg10[%dma_wait3A_1337, %dma_wait3A_1338] : memref<16x640xf32, #tpu.memory_space<vmem>> -> memref<1x128xf32, #tpu.memory_space<vmem>>
    %dma_wait3A_1340 = tpu.memref_squeeze %dma_wait3A_1339 : memref<1x128xf32, #tpu.memory_space<vmem>> -> memref<128xf32, #tpu.memory_space<vmem>>
    %dma_wait3A_1341 = arith.constant 0 : i32
    %dma_wait3A_1342 = tpu.memref_slice %arg8[%dma_wait3A_1341] : memref<640xi32, #tpu.memory_space<vmem>> -> memref<128xi32, #tpu.memory_space<vmem>>
    %dma_wait3A_1343 = arith.constant 700000 : i32
    %dma_wait3A_1344 = tpu.memref_slice %arg4[%dma_wait3A_1343] : memref<1600000xf32, #tpu.memory_space<hbm>> -> memref<100000xf32, #tpu.memory_space<hbm>>
    %dma_wait3A_1345 = arith.constant 0 : i32
    %dma_wait3A_1346 = tpu.memref_slice %dma_wait3A_1344[%dma_wait3A_1345] : memref<100000xf32, #tpu.memory_space<hbm>> -> memref<100000xf32, #tpu.memory_space<hbm>>
    tpu.wait_indirect_dma semaphore(%arg13 : memref<!tpu.dma_semaphore, #tpu.memory_space<semaphore_mem>>) src(%dma_wait3A_1346 : memref<100000xf32, #tpu.memory_space<hbm>>) dst(%dma_wait3A_1340 : memref<128xf32, #tpu.memory_space<vmem>>)
    %dma_wait3A_1347 = arith.constant 7 : i32
    %dma_wait3A_1348 = arith.constant 128 : i32
    %dma_wait3A_1349 = tpu.memref_slice %arg10[%dma_wait3A_1347, %dma_wait3A_1348] : memref<16x640xf32, #tpu.memory_space<vmem>> -> memref<1x128xf32, #tpu.memory_space<vmem>>
    %dma_wait3A_1350 = tpu.memref_squeeze %dma_wait3A_1349 : memref<1x128xf32, #tpu.memory_space<vmem>> -> memref<128xf32, #tpu.memory_space<vmem>>
    %dma_wait3A_1351 = arith.constant 128 : i32
    %dma_wait3A_1352 = tpu.memref_slice %arg8[%dma_wait3A_1351] : memref<640xi32, #tpu.memory_space<vmem>> -> memref<128xi32, #tpu.memory_space<vmem>>
    %dma_wait3A_1353 = arith.constant 700000 : i32
    %dma_wait3A_1354 = tpu.memref_slice %arg4[%dma_wait3A_1353] : memref<1600000xf32, #tpu.memory_space<hbm>> -> memref<100000xf32, #tpu.memory_space<hbm>>
    %dma_wait3A_1355 = arith.constant 0 : i32
    %dma_wait3A_1356 = tpu.memref_slice %dma_wait3A_1354[%dma_wait3A_1355] : memref<100000xf32, #tpu.memory_space<hbm>> -> memref<100000xf32, #tpu.memory_space<hbm>>
    tpu.wait_indirect_dma semaphore(%arg13 : memref<!tpu.dma_semaphore, #tpu.memory_space<semaphore_mem>>) src(%dma_wait3A_1356 : memref<100000xf32, #tpu.memory_space<hbm>>) dst(%dma_wait3A_1350 : memref<128xf32, #tpu.memory_space<vmem>>)
    %dma_wait3A_1357 = arith.constant 7 : i32
    %dma_wait3A_1358 = arith.constant 256 : i32
    %dma_wait3A_1359 = tpu.memref_slice %arg10[%dma_wait3A_1357, %dma_wait3A_1358] : memref<16x640xf32, #tpu.memory_space<vmem>> -> memref<1x128xf32, #tpu.memory_space<vmem>>
    %dma_wait3A_1360 = tpu.memref_squeeze %dma_wait3A_1359 : memref<1x128xf32, #tpu.memory_space<vmem>> -> memref<128xf32, #tpu.memory_space<vmem>>
    %dma_wait3A_1361 = arith.constant 256 : i32
    %dma_wait3A_1362 = tpu.memref_slice %arg8[%dma_wait3A_1361] : memref<640xi32, #tpu.memory_space<vmem>> -> memref<128xi32, #tpu.memory_space<vmem>>
    %dma_wait3A_1363 = arith.constant 700000 : i32
    %dma_wait3A_1364 = tpu.memref_slice %arg4[%dma_wait3A_1363] : memref<1600000xf32, #tpu.memory_space<hbm>> -> memref<100000xf32, #tpu.memory_space<hbm>>
    %dma_wait3A_1365 = arith.constant 0 : i32
    %dma_wait3A_1366 = tpu.memref_slice %dma_wait3A_1364[%dma_wait3A_1365] : memref<100000xf32, #tpu.memory_space<hbm>> -> memref<100000xf32, #tpu.memory_space<hbm>>
    tpu.wait_indirect_dma semaphore(%arg13 : memref<!tpu.dma_semaphore, #tpu.memory_space<semaphore_mem>>) src(%dma_wait3A_1366 : memref<100000xf32, #tpu.memory_space<hbm>>) dst(%dma_wait3A_1360 : memref<128xf32, #tpu.memory_space<vmem>>)
    %dma_wait3A_1367 = arith.constant 7 : i32
    %dma_wait3A_1368 = arith.constant 384 : i32
    %dma_wait3A_1369 = tpu.memref_slice %arg10[%dma_wait3A_1367, %dma_wait3A_1368] : memref<16x640xf32, #tpu.memory_space<vmem>> -> memref<1x128xf32, #tpu.memory_space<vmem>>
    %dma_wait3A_1370 = tpu.memref_squeeze %dma_wait3A_1369 : memref<1x128xf32, #tpu.memory_space<vmem>> -> memref<128xf32, #tpu.memory_space<vmem>>
    %dma_wait3A_1371 = arith.constant 384 : i32
    %dma_wait3A_1372 = tpu.memref_slice %arg8[%dma_wait3A_1371] : memref<640xi32, #tpu.memory_space<vmem>> -> memref<128xi32, #tpu.memory_space<vmem>>
    %dma_wait3A_1373 = arith.constant 700000 : i32
    %dma_wait3A_1374 = tpu.memref_slice %arg4[%dma_wait3A_1373] : memref<1600000xf32, #tpu.memory_space<hbm>> -> memref<100000xf32, #tpu.memory_space<hbm>>
    %dma_wait3A_1375 = arith.constant 0 : i32
    %dma_wait3A_1376 = tpu.memref_slice %dma_wait3A_1374[%dma_wait3A_1375] : memref<100000xf32, #tpu.memory_space<hbm>> -> memref<100000xf32, #tpu.memory_space<hbm>>
    tpu.wait_indirect_dma semaphore(%arg13 : memref<!tpu.dma_semaphore, #tpu.memory_space<semaphore_mem>>) src(%dma_wait3A_1376 : memref<100000xf32, #tpu.memory_space<hbm>>) dst(%dma_wait3A_1370 : memref<128xf32, #tpu.memory_space<vmem>>)
    %dma_wait3A_1377 = arith.constant 7 : i32
    %dma_wait3A_1378 = arith.constant 512 : i32
    %dma_wait3A_1379 = tpu.memref_slice %arg10[%dma_wait3A_1377, %dma_wait3A_1378] : memref<16x640xf32, #tpu.memory_space<vmem>> -> memref<1x128xf32, #tpu.memory_space<vmem>>
    %dma_wait3A_1380 = tpu.memref_squeeze %dma_wait3A_1379 : memref<1x128xf32, #tpu.memory_space<vmem>> -> memref<128xf32, #tpu.memory_space<vmem>>
    %dma_wait3A_1381 = arith.constant 512 : i32
    %dma_wait3A_1382 = tpu.memref_slice %arg8[%dma_wait3A_1381] : memref<640xi32, #tpu.memory_space<vmem>> -> memref<128xi32, #tpu.memory_space<vmem>>
    %dma_wait3A_1383 = arith.constant 700000 : i32
    %dma_wait3A_1384 = tpu.memref_slice %arg4[%dma_wait3A_1383] : memref<1600000xf32, #tpu.memory_space<hbm>> -> memref<100000xf32, #tpu.memory_space<hbm>>
    %dma_wait3A_1385 = arith.constant 0 : i32
    %dma_wait3A_1386 = tpu.memref_slice %dma_wait3A_1384[%dma_wait3A_1385] : memref<100000xf32, #tpu.memory_space<hbm>> -> memref<100000xf32, #tpu.memory_space<hbm>>
    tpu.wait_indirect_dma semaphore(%arg13 : memref<!tpu.dma_semaphore, #tpu.memory_space<semaphore_mem>>) src(%dma_wait3A_1386 : memref<100000xf32, #tpu.memory_space<hbm>>) dst(%dma_wait3A_1380 : memref<128xf32, #tpu.memory_space<vmem>>)
    %dma_wait3A_1387 = arith.constant 7 : i32
    %dma_wait3A_1388 = arith.constant 0 : i32
    %dma_wait3A_1389 = tpu.memref_slice %arg11[%dma_wait3A_1387, %dma_wait3A_1388] : memref<16x32xf32, #tpu.memory_space<vmem>> -> memref<1x32xf32, #tpu.memory_space<vmem>>
    %dma_wait3A_1390 = tpu.memref_squeeze %dma_wait3A_1389 : memref<1x32xf32, #tpu.memory_space<vmem>> -> memref<32xf32, #tpu.memory_space<vmem>>
    %dma_wait3A_1391 = arith.constant 700000 : i32
    %dma_wait3A_1392 = tpu.memref_slice %arg5[%dma_wait3A_1391] : memref<1600000xf32, #tpu.memory_space<hbm>> -> memref<100000xf32, #tpu.memory_space<hbm>>
    %dma_wait3A_1393 = arith.constant 0 : i32
    %dma_wait3A_1394 = tpu.memref_slice %dma_wait3A_1392[%dma_wait3A_1393] : memref<100000xf32, #tpu.memory_space<hbm>> -> memref<100000xf32, #tpu.memory_space<hbm>>
    tpu.wait_indirect_dma semaphore(%arg13 : memref<!tpu.dma_semaphore, #tpu.memory_space<semaphore_mem>>) src(%dma_wait3A_1394 : memref<100000xf32, #tpu.memory_space<hbm>>) dst(%dma_wait3A_1390 : memref<32xf32, #tpu.memory_space<vmem>>)
    %dma_wait3A_1395 = arith.constant 8 : i32
    %dma_wait3A_1396 = arith.constant 0 : i32
    %dma_wait3A_1397 = tpu.memref_slice %arg10[%dma_wait3A_1395, %dma_wait3A_1396] : memref<16x640xf32, #tpu.memory_space<vmem>> -> memref<1x128xf32, #tpu.memory_space<vmem>>
    %dma_wait3A_1398 = tpu.memref_squeeze %dma_wait3A_1397 : memref<1x128xf32, #tpu.memory_space<vmem>> -> memref<128xf32, #tpu.memory_space<vmem>>
    %dma_wait3A_1399 = arith.constant 0 : i32
    %dma_wait3A_1400 = tpu.memref_slice %arg8[%dma_wait3A_1399] : memref<640xi32, #tpu.memory_space<vmem>> -> memref<128xi32, #tpu.memory_space<vmem>>
    %dma_wait3A_1401 = arith.constant 800000 : i32
    %dma_wait3A_1402 = tpu.memref_slice %arg4[%dma_wait3A_1401] : memref<1600000xf32, #tpu.memory_space<hbm>> -> memref<100000xf32, #tpu.memory_space<hbm>>
    %dma_wait3A_1403 = arith.constant 0 : i32
    %dma_wait3A_1404 = tpu.memref_slice %dma_wait3A_1402[%dma_wait3A_1403] : memref<100000xf32, #tpu.memory_space<hbm>> -> memref<100000xf32, #tpu.memory_space<hbm>>
    tpu.wait_indirect_dma semaphore(%arg13 : memref<!tpu.dma_semaphore, #tpu.memory_space<semaphore_mem>>) src(%dma_wait3A_1404 : memref<100000xf32, #tpu.memory_space<hbm>>) dst(%dma_wait3A_1398 : memref<128xf32, #tpu.memory_space<vmem>>)
    %dma_wait3A_1405 = arith.constant 8 : i32
    %dma_wait3A_1406 = arith.constant 128 : i32
    %dma_wait3A_1407 = tpu.memref_slice %arg10[%dma_wait3A_1405, %dma_wait3A_1406] : memref<16x640xf32, #tpu.memory_space<vmem>> -> memref<1x128xf32, #tpu.memory_space<vmem>>
    %dma_wait3A_1408 = tpu.memref_squeeze %dma_wait3A_1407 : memref<1x128xf32, #tpu.memory_space<vmem>> -> memref<128xf32, #tpu.memory_space<vmem>>
    %dma_wait3A_1409 = arith.constant 128 : i32
    %dma_wait3A_1410 = tpu.memref_slice %arg8[%dma_wait3A_1409] : memref<640xi32, #tpu.memory_space<vmem>> -> memref<128xi32, #tpu.memory_space<vmem>>
    %dma_wait3A_1411 = arith.constant 800000 : i32
    %dma_wait3A_1412 = tpu.memref_slice %arg4[%dma_wait3A_1411] : memref<1600000xf32, #tpu.memory_space<hbm>> -> memref<100000xf32, #tpu.memory_space<hbm>>
    %dma_wait3A_1413 = arith.constant 0 : i32
    %dma_wait3A_1414 = tpu.memref_slice %dma_wait3A_1412[%dma_wait3A_1413] : memref<100000xf32, #tpu.memory_space<hbm>> -> memref<100000xf32, #tpu.memory_space<hbm>>
    tpu.wait_indirect_dma semaphore(%arg13 : memref<!tpu.dma_semaphore, #tpu.memory_space<semaphore_mem>>) src(%dma_wait3A_1414 : memref<100000xf32, #tpu.memory_space<hbm>>) dst(%dma_wait3A_1408 : memref<128xf32, #tpu.memory_space<vmem>>)
    %dma_wait3A_1415 = arith.constant 8 : i32
    %dma_wait3A_1416 = arith.constant 256 : i32
    %dma_wait3A_1417 = tpu.memref_slice %arg10[%dma_wait3A_1415, %dma_wait3A_1416] : memref<16x640xf32, #tpu.memory_space<vmem>> -> memref<1x128xf32, #tpu.memory_space<vmem>>
    %dma_wait3A_1418 = tpu.memref_squeeze %dma_wait3A_1417 : memref<1x128xf32, #tpu.memory_space<vmem>> -> memref<128xf32, #tpu.memory_space<vmem>>
    %dma_wait3A_1419 = arith.constant 256 : i32
    %dma_wait3A_1420 = tpu.memref_slice %arg8[%dma_wait3A_1419] : memref<640xi32, #tpu.memory_space<vmem>> -> memref<128xi32, #tpu.memory_space<vmem>>
    %dma_wait3A_1421 = arith.constant 800000 : i32
    %dma_wait3A_1422 = tpu.memref_slice %arg4[%dma_wait3A_1421] : memref<1600000xf32, #tpu.memory_space<hbm>> -> memref<100000xf32, #tpu.memory_space<hbm>>
    %dma_wait3A_1423 = arith.constant 0 : i32
    %dma_wait3A_1424 = tpu.memref_slice %dma_wait3A_1422[%dma_wait3A_1423] : memref<100000xf32, #tpu.memory_space<hbm>> -> memref<100000xf32, #tpu.memory_space<hbm>>
    tpu.wait_indirect_dma semaphore(%arg13 : memref<!tpu.dma_semaphore, #tpu.memory_space<semaphore_mem>>) src(%dma_wait3A_1424 : memref<100000xf32, #tpu.memory_space<hbm>>) dst(%dma_wait3A_1418 : memref<128xf32, #tpu.memory_space<vmem>>)
    %dma_wait3A_1425 = arith.constant 8 : i32
    %dma_wait3A_1426 = arith.constant 384 : i32
    %dma_wait3A_1427 = tpu.memref_slice %arg10[%dma_wait3A_1425, %dma_wait3A_1426] : memref<16x640xf32, #tpu.memory_space<vmem>> -> memref<1x128xf32, #tpu.memory_space<vmem>>
    %dma_wait3A_1428 = tpu.memref_squeeze %dma_wait3A_1427 : memref<1x128xf32, #tpu.memory_space<vmem>> -> memref<128xf32, #tpu.memory_space<vmem>>
    %dma_wait3A_1429 = arith.constant 384 : i32
    %dma_wait3A_1430 = tpu.memref_slice %arg8[%dma_wait3A_1429] : memref<640xi32, #tpu.memory_space<vmem>> -> memref<128xi32, #tpu.memory_space<vmem>>
    %dma_wait3A_1431 = arith.constant 800000 : i32
    %dma_wait3A_1432 = tpu.memref_slice %arg4[%dma_wait3A_1431] : memref<1600000xf32, #tpu.memory_space<hbm>> -> memref<100000xf32, #tpu.memory_space<hbm>>
    %dma_wait3A_1433 = arith.constant 0 : i32
    %dma_wait3A_1434 = tpu.memref_slice %dma_wait3A_1432[%dma_wait3A_1433] : memref<100000xf32, #tpu.memory_space<hbm>> -> memref<100000xf32, #tpu.memory_space<hbm>>
    tpu.wait_indirect_dma semaphore(%arg13 : memref<!tpu.dma_semaphore, #tpu.memory_space<semaphore_mem>>) src(%dma_wait3A_1434 : memref<100000xf32, #tpu.memory_space<hbm>>) dst(%dma_wait3A_1428 : memref<128xf32, #tpu.memory_space<vmem>>)
    %dma_wait3A_1435 = arith.constant 8 : i32
    %dma_wait3A_1436 = arith.constant 512 : i32
    %dma_wait3A_1437 = tpu.memref_slice %arg10[%dma_wait3A_1435, %dma_wait3A_1436] : memref<16x640xf32, #tpu.memory_space<vmem>> -> memref<1x128xf32, #tpu.memory_space<vmem>>
    %dma_wait3A_1438 = tpu.memref_squeeze %dma_wait3A_1437 : memref<1x128xf32, #tpu.memory_space<vmem>> -> memref<128xf32, #tpu.memory_space<vmem>>
    %dma_wait3A_1439 = arith.constant 512 : i32
    %dma_wait3A_1440 = tpu.memref_slice %arg8[%dma_wait3A_1439] : memref<640xi32, #tpu.memory_space<vmem>> -> memref<128xi32, #tpu.memory_space<vmem>>
    %dma_wait3A_1441 = arith.constant 800000 : i32
    %dma_wait3A_1442 = tpu.memref_slice %arg4[%dma_wait3A_1441] : memref<1600000xf32, #tpu.memory_space<hbm>> -> memref<100000xf32, #tpu.memory_space<hbm>>
    %dma_wait3A_1443 = arith.constant 0 : i32
    %dma_wait3A_1444 = tpu.memref_slice %dma_wait3A_1442[%dma_wait3A_1443] : memref<100000xf32, #tpu.memory_space<hbm>> -> memref<100000xf32, #tpu.memory_space<hbm>>
    tpu.wait_indirect_dma semaphore(%arg13 : memref<!tpu.dma_semaphore, #tpu.memory_space<semaphore_mem>>) src(%dma_wait3A_1444 : memref<100000xf32, #tpu.memory_space<hbm>>) dst(%dma_wait3A_1438 : memref<128xf32, #tpu.memory_space<vmem>>)
    %dma_wait3A_1445 = arith.constant 8 : i32
    %dma_wait3A_1446 = arith.constant 0 : i32
    %dma_wait3A_1447 = tpu.memref_slice %arg11[%dma_wait3A_1445, %dma_wait3A_1446] : memref<16x32xf32, #tpu.memory_space<vmem>> -> memref<1x32xf32, #tpu.memory_space<vmem>>
    %dma_wait3A_1448 = tpu.memref_squeeze %dma_wait3A_1447 : memref<1x32xf32, #tpu.memory_space<vmem>> -> memref<32xf32, #tpu.memory_space<vmem>>
    %dma_wait3A_1449 = arith.constant 800000 : i32
    %dma_wait3A_1450 = tpu.memref_slice %arg5[%dma_wait3A_1449] : memref<1600000xf32, #tpu.memory_space<hbm>> -> memref<100000xf32, #tpu.memory_space<hbm>>
    %dma_wait3A_1451 = arith.constant 0 : i32
    %dma_wait3A_1452 = tpu.memref_slice %dma_wait3A_1450[%dma_wait3A_1451] : memref<100000xf32, #tpu.memory_space<hbm>> -> memref<100000xf32, #tpu.memory_space<hbm>>
    tpu.wait_indirect_dma semaphore(%arg13 : memref<!tpu.dma_semaphore, #tpu.memory_space<semaphore_mem>>) src(%dma_wait3A_1452 : memref<100000xf32, #tpu.memory_space<hbm>>) dst(%dma_wait3A_1448 : memref<32xf32, #tpu.memory_space<vmem>>)
    %dma_wait3A_1453 = arith.constant 9 : i32
    %dma_wait3A_1454 = arith.constant 0 : i32
    %dma_wait3A_1455 = tpu.memref_slice %arg10[%dma_wait3A_1453, %dma_wait3A_1454] : memref<16x640xf32, #tpu.memory_space<vmem>> -> memref<1x128xf32, #tpu.memory_space<vmem>>
    %dma_wait3A_1456 = tpu.memref_squeeze %dma_wait3A_1455 : memref<1x128xf32, #tpu.memory_space<vmem>> -> memref<128xf32, #tpu.memory_space<vmem>>
    %dma_wait3A_1457 = arith.constant 0 : i32
    %dma_wait3A_1458 = tpu.memref_slice %arg8[%dma_wait3A_1457] : memref<640xi32, #tpu.memory_space<vmem>> -> memref<128xi32, #tpu.memory_space<vmem>>
    %dma_wait3A_1459 = arith.constant 900000 : i32
    %dma_wait3A_1460 = tpu.memref_slice %arg4[%dma_wait3A_1459] : memref<1600000xf32, #tpu.memory_space<hbm>> -> memref<100000xf32, #tpu.memory_space<hbm>>
    %dma_wait3A_1461 = arith.constant 0 : i32
    %dma_wait3A_1462 = tpu.memref_slice %dma_wait3A_1460[%dma_wait3A_1461] : memref<100000xf32, #tpu.memory_space<hbm>> -> memref<100000xf32, #tpu.memory_space<hbm>>
    tpu.wait_indirect_dma semaphore(%arg13 : memref<!tpu.dma_semaphore, #tpu.memory_space<semaphore_mem>>) src(%dma_wait3A_1462 : memref<100000xf32, #tpu.memory_space<hbm>>) dst(%dma_wait3A_1456 : memref<128xf32, #tpu.memory_space<vmem>>)
    %dma_wait3A_1463 = arith.constant 9 : i32
    %dma_wait3A_1464 = arith.constant 128 : i32
    %dma_wait3A_1465 = tpu.memref_slice %arg10[%dma_wait3A_1463, %dma_wait3A_1464] : memref<16x640xf32, #tpu.memory_space<vmem>> -> memref<1x128xf32, #tpu.memory_space<vmem>>
    %dma_wait3A_1466 = tpu.memref_squeeze %dma_wait3A_1465 : memref<1x128xf32, #tpu.memory_space<vmem>> -> memref<128xf32, #tpu.memory_space<vmem>>
    %dma_wait3A_1467 = arith.constant 128 : i32
    %dma_wait3A_1468 = tpu.memref_slice %arg8[%dma_wait3A_1467] : memref<640xi32, #tpu.memory_space<vmem>> -> memref<128xi32, #tpu.memory_space<vmem>>
    %dma_wait3A_1469 = arith.constant 900000 : i32
    %dma_wait3A_1470 = tpu.memref_slice %arg4[%dma_wait3A_1469] : memref<1600000xf32, #tpu.memory_space<hbm>> -> memref<100000xf32, #tpu.memory_space<hbm>>
    %dma_wait3A_1471 = arith.constant 0 : i32
    %dma_wait3A_1472 = tpu.memref_slice %dma_wait3A_1470[%dma_wait3A_1471] : memref<100000xf32, #tpu.memory_space<hbm>> -> memref<100000xf32, #tpu.memory_space<hbm>>
    tpu.wait_indirect_dma semaphore(%arg13 : memref<!tpu.dma_semaphore, #tpu.memory_space<semaphore_mem>>) src(%dma_wait3A_1472 : memref<100000xf32, #tpu.memory_space<hbm>>) dst(%dma_wait3A_1466 : memref<128xf32, #tpu.memory_space<vmem>>)
    %dma_wait3A_1473 = arith.constant 9 : i32
    %dma_wait3A_1474 = arith.constant 256 : i32
    %dma_wait3A_1475 = tpu.memref_slice %arg10[%dma_wait3A_1473, %dma_wait3A_1474] : memref<16x640xf32, #tpu.memory_space<vmem>> -> memref<1x128xf32, #tpu.memory_space<vmem>>
    %dma_wait3A_1476 = tpu.memref_squeeze %dma_wait3A_1475 : memref<1x128xf32, #tpu.memory_space<vmem>> -> memref<128xf32, #tpu.memory_space<vmem>>
    %dma_wait3A_1477 = arith.constant 256 : i32
    %dma_wait3A_1478 = tpu.memref_slice %arg8[%dma_wait3A_1477] : memref<640xi32, #tpu.memory_space<vmem>> -> memref<128xi32, #tpu.memory_space<vmem>>
    %dma_wait3A_1479 = arith.constant 900000 : i32
    %dma_wait3A_1480 = tpu.memref_slice %arg4[%dma_wait3A_1479] : memref<1600000xf32, #tpu.memory_space<hbm>> -> memref<100000xf32, #tpu.memory_space<hbm>>
    %dma_wait3A_1481 = arith.constant 0 : i32
    %dma_wait3A_1482 = tpu.memref_slice %dma_wait3A_1480[%dma_wait3A_1481] : memref<100000xf32, #tpu.memory_space<hbm>> -> memref<100000xf32, #tpu.memory_space<hbm>>
    tpu.wait_indirect_dma semaphore(%arg13 : memref<!tpu.dma_semaphore, #tpu.memory_space<semaphore_mem>>) src(%dma_wait3A_1482 : memref<100000xf32, #tpu.memory_space<hbm>>) dst(%dma_wait3A_1476 : memref<128xf32, #tpu.memory_space<vmem>>)
    %dma_wait3A_1483 = arith.constant 9 : i32
    %dma_wait3A_1484 = arith.constant 384 : i32
    %dma_wait3A_1485 = tpu.memref_slice %arg10[%dma_wait3A_1483, %dma_wait3A_1484] : memref<16x640xf32, #tpu.memory_space<vmem>> -> memref<1x128xf32, #tpu.memory_space<vmem>>
    %dma_wait3A_1486 = tpu.memref_squeeze %dma_wait3A_1485 : memref<1x128xf32, #tpu.memory_space<vmem>> -> memref<128xf32, #tpu.memory_space<vmem>>
    %dma_wait3A_1487 = arith.constant 384 : i32
    %dma_wait3A_1488 = tpu.memref_slice %arg8[%dma_wait3A_1487] : memref<640xi32, #tpu.memory_space<vmem>> -> memref<128xi32, #tpu.memory_space<vmem>>
    %dma_wait3A_1489 = arith.constant 900000 : i32
    %dma_wait3A_1490 = tpu.memref_slice %arg4[%dma_wait3A_1489] : memref<1600000xf32, #tpu.memory_space<hbm>> -> memref<100000xf32, #tpu.memory_space<hbm>>
    %dma_wait3A_1491 = arith.constant 0 : i32
    %dma_wait3A_1492 = tpu.memref_slice %dma_wait3A_1490[%dma_wait3A_1491] : memref<100000xf32, #tpu.memory_space<hbm>> -> memref<100000xf32, #tpu.memory_space<hbm>>
    tpu.wait_indirect_dma semaphore(%arg13 : memref<!tpu.dma_semaphore, #tpu.memory_space<semaphore_mem>>) src(%dma_wait3A_1492 : memref<100000xf32, #tpu.memory_space<hbm>>) dst(%dma_wait3A_1486 : memref<128xf32, #tpu.memory_space<vmem>>)
    %dma_wait3A_1493 = arith.constant 9 : i32
    %dma_wait3A_1494 = arith.constant 512 : i32
    %dma_wait3A_1495 = tpu.memref_slice %arg10[%dma_wait3A_1493, %dma_wait3A_1494] : memref<16x640xf32, #tpu.memory_space<vmem>> -> memref<1x128xf32, #tpu.memory_space<vmem>>
    %dma_wait3A_1496 = tpu.memref_squeeze %dma_wait3A_1495 : memref<1x128xf32, #tpu.memory_space<vmem>> -> memref<128xf32, #tpu.memory_space<vmem>>
    %dma_wait3A_1497 = arith.constant 512 : i32
    %dma_wait3A_1498 = tpu.memref_slice %arg8[%dma_wait3A_1497] : memref<640xi32, #tpu.memory_space<vmem>> -> memref<128xi32, #tpu.memory_space<vmem>>
    %dma_wait3A_1499 = arith.constant 900000 : i32
    %dma_wait3A_1500 = tpu.memref_slice %arg4[%dma_wait3A_1499] : memref<1600000xf32, #tpu.memory_space<hbm>> -> memref<100000xf32, #tpu.memory_space<hbm>>
    %dma_wait3A_1501 = arith.constant 0 : i32
    %dma_wait3A_1502 = tpu.memref_slice %dma_wait3A_1500[%dma_wait3A_1501] : memref<100000xf32, #tpu.memory_space<hbm>> -> memref<100000xf32, #tpu.memory_space<hbm>>
    tpu.wait_indirect_dma semaphore(%arg13 : memref<!tpu.dma_semaphore, #tpu.memory_space<semaphore_mem>>) src(%dma_wait3A_1502 : memref<100000xf32, #tpu.memory_space<hbm>>) dst(%dma_wait3A_1496 : memref<128xf32, #tpu.memory_space<vmem>>)
    %dma_wait3A_1503 = arith.constant 9 : i32
    %dma_wait3A_1504 = arith.constant 0 : i32
    %dma_wait3A_1505 = tpu.memref_slice %arg11[%dma_wait3A_1503, %dma_wait3A_1504] : memref<16x32xf32, #tpu.memory_space<vmem>> -> memref<1x32xf32, #tpu.memory_space<vmem>>
    %dma_wait3A_1506 = tpu.memref_squeeze %dma_wait3A_1505 : memref<1x32xf32, #tpu.memory_space<vmem>> -> memref<32xf32, #tpu.memory_space<vmem>>
    %dma_wait3A_1507 = arith.constant 900000 : i32
    %dma_wait3A_1508 = tpu.memref_slice %arg5[%dma_wait3A_1507] : memref<1600000xf32, #tpu.memory_space<hbm>> -> memref<100000xf32, #tpu.memory_space<hbm>>
    %dma_wait3A_1509 = arith.constant 0 : i32
    %dma_wait3A_1510 = tpu.memref_slice %dma_wait3A_1508[%dma_wait3A_1509] : memref<100000xf32, #tpu.memory_space<hbm>> -> memref<100000xf32, #tpu.memory_space<hbm>>
    tpu.wait_indirect_dma semaphore(%arg13 : memref<!tpu.dma_semaphore, #tpu.memory_space<semaphore_mem>>) src(%dma_wait3A_1510 : memref<100000xf32, #tpu.memory_space<hbm>>) dst(%dma_wait3A_1506 : memref<32xf32, #tpu.memory_space<vmem>>)
    %dma_wait3A_1511 = arith.constant 10 : i32
    %dma_wait3A_1512 = arith.constant 0 : i32
    %dma_wait3A_1513 = tpu.memref_slice %arg10[%dma_wait3A_1511, %dma_wait3A_1512] : memref<16x640xf32, #tpu.memory_space<vmem>> -> memref<1x128xf32, #tpu.memory_space<vmem>>
    %dma_wait3A_1514 = tpu.memref_squeeze %dma_wait3A_1513 : memref<1x128xf32, #tpu.memory_space<vmem>> -> memref<128xf32, #tpu.memory_space<vmem>>
    %dma_wait3A_1515 = arith.constant 0 : i32
    %dma_wait3A_1516 = tpu.memref_slice %arg8[%dma_wait3A_1515] : memref<640xi32, #tpu.memory_space<vmem>> -> memref<128xi32, #tpu.memory_space<vmem>>
    %dma_wait3A_1517 = arith.constant 1000000 : i32
    %dma_wait3A_1518 = tpu.memref_slice %arg4[%dma_wait3A_1517] : memref<1600000xf32, #tpu.memory_space<hbm>> -> memref<100000xf32, #tpu.memory_space<hbm>>
    %dma_wait3A_1519 = arith.constant 0 : i32
    %dma_wait3A_1520 = tpu.memref_slice %dma_wait3A_1518[%dma_wait3A_1519] : memref<100000xf32, #tpu.memory_space<hbm>> -> memref<100000xf32, #tpu.memory_space<hbm>>
    tpu.wait_indirect_dma semaphore(%arg13 : memref<!tpu.dma_semaphore, #tpu.memory_space<semaphore_mem>>) src(%dma_wait3A_1520 : memref<100000xf32, #tpu.memory_space<hbm>>) dst(%dma_wait3A_1514 : memref<128xf32, #tpu.memory_space<vmem>>)
    %dma_wait3A_1521 = arith.constant 10 : i32
    %dma_wait3A_1522 = arith.constant 128 : i32
    %dma_wait3A_1523 = tpu.memref_slice %arg10[%dma_wait3A_1521, %dma_wait3A_1522] : memref<16x640xf32, #tpu.memory_space<vmem>> -> memref<1x128xf32, #tpu.memory_space<vmem>>
    %dma_wait3A_1524 = tpu.memref_squeeze %dma_wait3A_1523 : memref<1x128xf32, #tpu.memory_space<vmem>> -> memref<128xf32, #tpu.memory_space<vmem>>
    %dma_wait3A_1525 = arith.constant 128 : i32
    %dma_wait3A_1526 = tpu.memref_slice %arg8[%dma_wait3A_1525] : memref<640xi32, #tpu.memory_space<vmem>> -> memref<128xi32, #tpu.memory_space<vmem>>
    %dma_wait3A_1527 = arith.constant 1000000 : i32
    %dma_wait3A_1528 = tpu.memref_slice %arg4[%dma_wait3A_1527] : memref<1600000xf32, #tpu.memory_space<hbm>> -> memref<100000xf32, #tpu.memory_space<hbm>>
    %dma_wait3A_1529 = arith.constant 0 : i32
    %dma_wait3A_1530 = tpu.memref_slice %dma_wait3A_1528[%dma_wait3A_1529] : memref<100000xf32, #tpu.memory_space<hbm>> -> memref<100000xf32, #tpu.memory_space<hbm>>
    tpu.wait_indirect_dma semaphore(%arg13 : memref<!tpu.dma_semaphore, #tpu.memory_space<semaphore_mem>>) src(%dma_wait3A_1530 : memref<100000xf32, #tpu.memory_space<hbm>>) dst(%dma_wait3A_1524 : memref<128xf32, #tpu.memory_space<vmem>>)
    %dma_wait3A_1531 = arith.constant 10 : i32
    %dma_wait3A_1532 = arith.constant 256 : i32
    %dma_wait3A_1533 = tpu.memref_slice %arg10[%dma_wait3A_1531, %dma_wait3A_1532] : memref<16x640xf32, #tpu.memory_space<vmem>> -> memref<1x128xf32, #tpu.memory_space<vmem>>
    %dma_wait3A_1534 = tpu.memref_squeeze %dma_wait3A_1533 : memref<1x128xf32, #tpu.memory_space<vmem>> -> memref<128xf32, #tpu.memory_space<vmem>>
    %dma_wait3A_1535 = arith.constant 256 : i32
    %dma_wait3A_1536 = tpu.memref_slice %arg8[%dma_wait3A_1535] : memref<640xi32, #tpu.memory_space<vmem>> -> memref<128xi32, #tpu.memory_space<vmem>>
    %dma_wait3A_1537 = arith.constant 1000000 : i32
    %dma_wait3A_1538 = tpu.memref_slice %arg4[%dma_wait3A_1537] : memref<1600000xf32, #tpu.memory_space<hbm>> -> memref<100000xf32, #tpu.memory_space<hbm>>
    %dma_wait3A_1539 = arith.constant 0 : i32
    %dma_wait3A_1540 = tpu.memref_slice %dma_wait3A_1538[%dma_wait3A_1539] : memref<100000xf32, #tpu.memory_space<hbm>> -> memref<100000xf32, #tpu.memory_space<hbm>>
    tpu.wait_indirect_dma semaphore(%arg13 : memref<!tpu.dma_semaphore, #tpu.memory_space<semaphore_mem>>) src(%dma_wait3A_1540 : memref<100000xf32, #tpu.memory_space<hbm>>) dst(%dma_wait3A_1534 : memref<128xf32, #tpu.memory_space<vmem>>)
    %dma_wait3A_1541 = arith.constant 10 : i32
    %dma_wait3A_1542 = arith.constant 384 : i32
    %dma_wait3A_1543 = tpu.memref_slice %arg10[%dma_wait3A_1541, %dma_wait3A_1542] : memref<16x640xf32, #tpu.memory_space<vmem>> -> memref<1x128xf32, #tpu.memory_space<vmem>>
    %dma_wait3A_1544 = tpu.memref_squeeze %dma_wait3A_1543 : memref<1x128xf32, #tpu.memory_space<vmem>> -> memref<128xf32, #tpu.memory_space<vmem>>
    %dma_wait3A_1545 = arith.constant 384 : i32
    %dma_wait3A_1546 = tpu.memref_slice %arg8[%dma_wait3A_1545] : memref<640xi32, #tpu.memory_space<vmem>> -> memref<128xi32, #tpu.memory_space<vmem>>
    %dma_wait3A_1547 = arith.constant 1000000 : i32
    %dma_wait3A_1548 = tpu.memref_slice %arg4[%dma_wait3A_1547] : memref<1600000xf32, #tpu.memory_space<hbm>> -> memref<100000xf32, #tpu.memory_space<hbm>>
    %dma_wait3A_1549 = arith.constant 0 : i32
    %dma_wait3A_1550 = tpu.memref_slice %dma_wait3A_1548[%dma_wait3A_1549] : memref<100000xf32, #tpu.memory_space<hbm>> -> memref<100000xf32, #tpu.memory_space<hbm>>
    tpu.wait_indirect_dma semaphore(%arg13 : memref<!tpu.dma_semaphore, #tpu.memory_space<semaphore_mem>>) src(%dma_wait3A_1550 : memref<100000xf32, #tpu.memory_space<hbm>>) dst(%dma_wait3A_1544 : memref<128xf32, #tpu.memory_space<vmem>>)
    %dma_wait3A_1551 = arith.constant 10 : i32
    %dma_wait3A_1552 = arith.constant 512 : i32
    %dma_wait3A_1553 = tpu.memref_slice %arg10[%dma_wait3A_1551, %dma_wait3A_1552] : memref<16x640xf32, #tpu.memory_space<vmem>> -> memref<1x128xf32, #tpu.memory_space<vmem>>
    %dma_wait3A_1554 = tpu.memref_squeeze %dma_wait3A_1553 : memref<1x128xf32, #tpu.memory_space<vmem>> -> memref<128xf32, #tpu.memory_space<vmem>>
    %dma_wait3A_1555 = arith.constant 512 : i32
    %dma_wait3A_1556 = tpu.memref_slice %arg8[%dma_wait3A_1555] : memref<640xi32, #tpu.memory_space<vmem>> -> memref<128xi32, #tpu.memory_space<vmem>>
    %dma_wait3A_1557 = arith.constant 1000000 : i32
    %dma_wait3A_1558 = tpu.memref_slice %arg4[%dma_wait3A_1557] : memref<1600000xf32, #tpu.memory_space<hbm>> -> memref<100000xf32, #tpu.memory_space<hbm>>
    %dma_wait3A_1559 = arith.constant 0 : i32
    %dma_wait3A_1560 = tpu.memref_slice %dma_wait3A_1558[%dma_wait3A_1559] : memref<100000xf32, #tpu.memory_space<hbm>> -> memref<100000xf32, #tpu.memory_space<hbm>>
    tpu.wait_indirect_dma semaphore(%arg13 : memref<!tpu.dma_semaphore, #tpu.memory_space<semaphore_mem>>) src(%dma_wait3A_1560 : memref<100000xf32, #tpu.memory_space<hbm>>) dst(%dma_wait3A_1554 : memref<128xf32, #tpu.memory_space<vmem>>)
    %dma_wait3A_1561 = arith.constant 10 : i32
    %dma_wait3A_1562 = arith.constant 0 : i32
    %dma_wait3A_1563 = tpu.memref_slice %arg11[%dma_wait3A_1561, %dma_wait3A_1562] : memref<16x32xf32, #tpu.memory_space<vmem>> -> memref<1x32xf32, #tpu.memory_space<vmem>>
    %dma_wait3A_1564 = tpu.memref_squeeze %dma_wait3A_1563 : memref<1x32xf32, #tpu.memory_space<vmem>> -> memref<32xf32, #tpu.memory_space<vmem>>
    %dma_wait3A_1565 = arith.constant 1000000 : i32
    %dma_wait3A_1566 = tpu.memref_slice %arg5[%dma_wait3A_1565] : memref<1600000xf32, #tpu.memory_space<hbm>> -> memref<100000xf32, #tpu.memory_space<hbm>>
    %dma_wait3A_1567 = arith.constant 0 : i32
    %dma_wait3A_1568 = tpu.memref_slice %dma_wait3A_1566[%dma_wait3A_1567] : memref<100000xf32, #tpu.memory_space<hbm>> -> memref<100000xf32, #tpu.memory_space<hbm>>
    tpu.wait_indirect_dma semaphore(%arg13 : memref<!tpu.dma_semaphore, #tpu.memory_space<semaphore_mem>>) src(%dma_wait3A_1568 : memref<100000xf32, #tpu.memory_space<hbm>>) dst(%dma_wait3A_1564 : memref<32xf32, #tpu.memory_space<vmem>>)
    %dma_wait3A_1569 = arith.constant 11 : i32
    %dma_wait3A_1570 = arith.constant 0 : i32
    %dma_wait3A_1571 = tpu.memref_slice %arg10[%dma_wait3A_1569, %dma_wait3A_1570] : memref<16x640xf32, #tpu.memory_space<vmem>> -> memref<1x128xf32, #tpu.memory_space<vmem>>
    %dma_wait3A_1572 = tpu.memref_squeeze %dma_wait3A_1571 : memref<1x128xf32, #tpu.memory_space<vmem>> -> memref<128xf32, #tpu.memory_space<vmem>>
    %dma_wait3A_1573 = arith.constant 0 : i32
    %dma_wait3A_1574 = tpu.memref_slice %arg8[%dma_wait3A_1573] : memref<640xi32, #tpu.memory_space<vmem>> -> memref<128xi32, #tpu.memory_space<vmem>>
    %dma_wait3A_1575 = arith.constant 1100000 : i32
    %dma_wait3A_1576 = tpu.memref_slice %arg4[%dma_wait3A_1575] : memref<1600000xf32, #tpu.memory_space<hbm>> -> memref<100000xf32, #tpu.memory_space<hbm>>
    %dma_wait3A_1577 = arith.constant 0 : i32
    %dma_wait3A_1578 = tpu.memref_slice %dma_wait3A_1576[%dma_wait3A_1577] : memref<100000xf32, #tpu.memory_space<hbm>> -> memref<100000xf32, #tpu.memory_space<hbm>>
    tpu.wait_indirect_dma semaphore(%arg13 : memref<!tpu.dma_semaphore, #tpu.memory_space<semaphore_mem>>) src(%dma_wait3A_1578 : memref<100000xf32, #tpu.memory_space<hbm>>) dst(%dma_wait3A_1572 : memref<128xf32, #tpu.memory_space<vmem>>)
    %dma_wait3A_1579 = arith.constant 11 : i32
    %dma_wait3A_1580 = arith.constant 128 : i32
    %dma_wait3A_1581 = tpu.memref_slice %arg10[%dma_wait3A_1579, %dma_wait3A_1580] : memref<16x640xf32, #tpu.memory_space<vmem>> -> memref<1x128xf32, #tpu.memory_space<vmem>>
    %dma_wait3A_1582 = tpu.memref_squeeze %dma_wait3A_1581 : memref<1x128xf32, #tpu.memory_space<vmem>> -> memref<128xf32, #tpu.memory_space<vmem>>
    %dma_wait3A_1583 = arith.constant 128 : i32
    %dma_wait3A_1584 = tpu.memref_slice %arg8[%dma_wait3A_1583] : memref<640xi32, #tpu.memory_space<vmem>> -> memref<128xi32, #tpu.memory_space<vmem>>
    %dma_wait3A_1585 = arith.constant 1100000 : i32
    %dma_wait3A_1586 = tpu.memref_slice %arg4[%dma_wait3A_1585] : memref<1600000xf32, #tpu.memory_space<hbm>> -> memref<100000xf32, #tpu.memory_space<hbm>>
    %dma_wait3A_1587 = arith.constant 0 : i32
    %dma_wait3A_1588 = tpu.memref_slice %dma_wait3A_1586[%dma_wait3A_1587] : memref<100000xf32, #tpu.memory_space<hbm>> -> memref<100000xf32, #tpu.memory_space<hbm>>
    tpu.wait_indirect_dma semaphore(%arg13 : memref<!tpu.dma_semaphore, #tpu.memory_space<semaphore_mem>>) src(%dma_wait3A_1588 : memref<100000xf32, #tpu.memory_space<hbm>>) dst(%dma_wait3A_1582 : memref<128xf32, #tpu.memory_space<vmem>>)
    %dma_wait3A_1589 = arith.constant 11 : i32
    %dma_wait3A_1590 = arith.constant 256 : i32
    %dma_wait3A_1591 = tpu.memref_slice %arg10[%dma_wait3A_1589, %dma_wait3A_1590] : memref<16x640xf32, #tpu.memory_space<vmem>> -> memref<1x128xf32, #tpu.memory_space<vmem>>
    %dma_wait3A_1592 = tpu.memref_squeeze %dma_wait3A_1591 : memref<1x128xf32, #tpu.memory_space<vmem>> -> memref<128xf32, #tpu.memory_space<vmem>>
    %dma_wait3A_1593 = arith.constant 256 : i32
    %dma_wait3A_1594 = tpu.memref_slice %arg8[%dma_wait3A_1593] : memref<640xi32, #tpu.memory_space<vmem>> -> memref<128xi32, #tpu.memory_space<vmem>>
    %dma_wait3A_1595 = arith.constant 1100000 : i32
    %dma_wait3A_1596 = tpu.memref_slice %arg4[%dma_wait3A_1595] : memref<1600000xf32, #tpu.memory_space<hbm>> -> memref<100000xf32, #tpu.memory_space<hbm>>
    %dma_wait3A_1597 = arith.constant 0 : i32
    %dma_wait3A_1598 = tpu.memref_slice %dma_wait3A_1596[%dma_wait3A_1597] : memref<100000xf32, #tpu.memory_space<hbm>> -> memref<100000xf32, #tpu.memory_space<hbm>>
    tpu.wait_indirect_dma semaphore(%arg13 : memref<!tpu.dma_semaphore, #tpu.memory_space<semaphore_mem>>) src(%dma_wait3A_1598 : memref<100000xf32, #tpu.memory_space<hbm>>) dst(%dma_wait3A_1592 : memref<128xf32, #tpu.memory_space<vmem>>)
    %dma_wait3A_1599 = arith.constant 11 : i32
    %dma_wait3A_1600 = arith.constant 384 : i32
    %dma_wait3A_1601 = tpu.memref_slice %arg10[%dma_wait3A_1599, %dma_wait3A_1600] : memref<16x640xf32, #tpu.memory_space<vmem>> -> memref<1x128xf32, #tpu.memory_space<vmem>>
    %dma_wait3A_1602 = tpu.memref_squeeze %dma_wait3A_1601 : memref<1x128xf32, #tpu.memory_space<vmem>> -> memref<128xf32, #tpu.memory_space<vmem>>
    %dma_wait3A_1603 = arith.constant 384 : i32
    %dma_wait3A_1604 = tpu.memref_slice %arg8[%dma_wait3A_1603] : memref<640xi32, #tpu.memory_space<vmem>> -> memref<128xi32, #tpu.memory_space<vmem>>
    %dma_wait3A_1605 = arith.constant 1100000 : i32
    %dma_wait3A_1606 = tpu.memref_slice %arg4[%dma_wait3A_1605] : memref<1600000xf32, #tpu.memory_space<hbm>> -> memref<100000xf32, #tpu.memory_space<hbm>>
    %dma_wait3A_1607 = arith.constant 0 : i32
    %dma_wait3A_1608 = tpu.memref_slice %dma_wait3A_1606[%dma_wait3A_1607] : memref<100000xf32, #tpu.memory_space<hbm>> -> memref<100000xf32, #tpu.memory_space<hbm>>
    tpu.wait_indirect_dma semaphore(%arg13 : memref<!tpu.dma_semaphore, #tpu.memory_space<semaphore_mem>>) src(%dma_wait3A_1608 : memref<100000xf32, #tpu.memory_space<hbm>>) dst(%dma_wait3A_1602 : memref<128xf32, #tpu.memory_space<vmem>>)
    %dma_wait3A_1609 = arith.constant 11 : i32
    %dma_wait3A_1610 = arith.constant 512 : i32
    %dma_wait3A_1611 = tpu.memref_slice %arg10[%dma_wait3A_1609, %dma_wait3A_1610] : memref<16x640xf32, #tpu.memory_space<vmem>> -> memref<1x128xf32, #tpu.memory_space<vmem>>
    %dma_wait3A_1612 = tpu.memref_squeeze %dma_wait3A_1611 : memref<1x128xf32, #tpu.memory_space<vmem>> -> memref<128xf32, #tpu.memory_space<vmem>>
    %dma_wait3A_1613 = arith.constant 512 : i32
    %dma_wait3A_1614 = tpu.memref_slice %arg8[%dma_wait3A_1613] : memref<640xi32, #tpu.memory_space<vmem>> -> memref<128xi32, #tpu.memory_space<vmem>>
    %dma_wait3A_1615 = arith.constant 1100000 : i32
    %dma_wait3A_1616 = tpu.memref_slice %arg4[%dma_wait3A_1615] : memref<1600000xf32, #tpu.memory_space<hbm>> -> memref<100000xf32, #tpu.memory_space<hbm>>
    %dma_wait3A_1617 = arith.constant 0 : i32
    %dma_wait3A_1618 = tpu.memref_slice %dma_wait3A_1616[%dma_wait3A_1617] : memref<100000xf32, #tpu.memory_space<hbm>> -> memref<100000xf32, #tpu.memory_space<hbm>>
    tpu.wait_indirect_dma semaphore(%arg13 : memref<!tpu.dma_semaphore, #tpu.memory_space<semaphore_mem>>) src(%dma_wait3A_1618 : memref<100000xf32, #tpu.memory_space<hbm>>) dst(%dma_wait3A_1612 : memref<128xf32, #tpu.memory_space<vmem>>)
    %dma_wait3A_1619 = arith.constant 11 : i32
    %dma_wait3A_1620 = arith.constant 0 : i32
    %dma_wait3A_1621 = tpu.memref_slice %arg11[%dma_wait3A_1619, %dma_wait3A_1620] : memref<16x32xf32, #tpu.memory_space<vmem>> -> memref<1x32xf32, #tpu.memory_space<vmem>>
    %dma_wait3A_1622 = tpu.memref_squeeze %dma_wait3A_1621 : memref<1x32xf32, #tpu.memory_space<vmem>> -> memref<32xf32, #tpu.memory_space<vmem>>
    %dma_wait3A_1623 = arith.constant 1100000 : i32
    %dma_wait3A_1624 = tpu.memref_slice %arg5[%dma_wait3A_1623] : memref<1600000xf32, #tpu.memory_space<hbm>> -> memref<100000xf32, #tpu.memory_space<hbm>>
    %dma_wait3A_1625 = arith.constant 0 : i32
    %dma_wait3A_1626 = tpu.memref_slice %dma_wait3A_1624[%dma_wait3A_1625] : memref<100000xf32, #tpu.memory_space<hbm>> -> memref<100000xf32, #tpu.memory_space<hbm>>
    tpu.wait_indirect_dma semaphore(%arg13 : memref<!tpu.dma_semaphore, #tpu.memory_space<semaphore_mem>>) src(%dma_wait3A_1626 : memref<100000xf32, #tpu.memory_space<hbm>>) dst(%dma_wait3A_1622 : memref<32xf32, #tpu.memory_space<vmem>>)
    %dma_wait3A_1627 = arith.constant 12 : i32
    %dma_wait3A_1628 = arith.constant 0 : i32
    %dma_wait3A_1629 = tpu.memref_slice %arg10[%dma_wait3A_1627, %dma_wait3A_1628] : memref<16x640xf32, #tpu.memory_space<vmem>> -> memref<1x128xf32, #tpu.memory_space<vmem>>
    %dma_wait3A_1630 = tpu.memref_squeeze %dma_wait3A_1629 : memref<1x128xf32, #tpu.memory_space<vmem>> -> memref<128xf32, #tpu.memory_space<vmem>>
    %dma_wait3A_1631 = arith.constant 0 : i32
    %dma_wait3A_1632 = tpu.memref_slice %arg8[%dma_wait3A_1631] : memref<640xi32, #tpu.memory_space<vmem>> -> memref<128xi32, #tpu.memory_space<vmem>>
    %dma_wait3A_1633 = arith.constant 1200000 : i32
    %dma_wait3A_1634 = tpu.memref_slice %arg4[%dma_wait3A_1633] : memref<1600000xf32, #tpu.memory_space<hbm>> -> memref<100000xf32, #tpu.memory_space<hbm>>
    %dma_wait3A_1635 = arith.constant 0 : i32
    %dma_wait3A_1636 = tpu.memref_slice %dma_wait3A_1634[%dma_wait3A_1635] : memref<100000xf32, #tpu.memory_space<hbm>> -> memref<100000xf32, #tpu.memory_space<hbm>>
    tpu.wait_indirect_dma semaphore(%arg13 : memref<!tpu.dma_semaphore, #tpu.memory_space<semaphore_mem>>) src(%dma_wait3A_1636 : memref<100000xf32, #tpu.memory_space<hbm>>) dst(%dma_wait3A_1630 : memref<128xf32, #tpu.memory_space<vmem>>)
    %dma_wait3A_1637 = arith.constant 12 : i32
    %dma_wait3A_1638 = arith.constant 128 : i32
    %dma_wait3A_1639 = tpu.memref_slice %arg10[%dma_wait3A_1637, %dma_wait3A_1638] : memref<16x640xf32, #tpu.memory_space<vmem>> -> memref<1x128xf32, #tpu.memory_space<vmem>>
    %dma_wait3A_1640 = tpu.memref_squeeze %dma_wait3A_1639 : memref<1x128xf32, #tpu.memory_space<vmem>> -> memref<128xf32, #tpu.memory_space<vmem>>
    %dma_wait3A_1641 = arith.constant 128 : i32
    %dma_wait3A_1642 = tpu.memref_slice %arg8[%dma_wait3A_1641] : memref<640xi32, #tpu.memory_space<vmem>> -> memref<128xi32, #tpu.memory_space<vmem>>
    %dma_wait3A_1643 = arith.constant 1200000 : i32
    %dma_wait3A_1644 = tpu.memref_slice %arg4[%dma_wait3A_1643] : memref<1600000xf32, #tpu.memory_space<hbm>> -> memref<100000xf32, #tpu.memory_space<hbm>>
    %dma_wait3A_1645 = arith.constant 0 : i32
    %dma_wait3A_1646 = tpu.memref_slice %dma_wait3A_1644[%dma_wait3A_1645] : memref<100000xf32, #tpu.memory_space<hbm>> -> memref<100000xf32, #tpu.memory_space<hbm>>
    tpu.wait_indirect_dma semaphore(%arg13 : memref<!tpu.dma_semaphore, #tpu.memory_space<semaphore_mem>>) src(%dma_wait3A_1646 : memref<100000xf32, #tpu.memory_space<hbm>>) dst(%dma_wait3A_1640 : memref<128xf32, #tpu.memory_space<vmem>>)
    %dma_wait3A_1647 = arith.constant 12 : i32
    %dma_wait3A_1648 = arith.constant 256 : i32
    %dma_wait3A_1649 = tpu.memref_slice %arg10[%dma_wait3A_1647, %dma_wait3A_1648] : memref<16x640xf32, #tpu.memory_space<vmem>> -> memref<1x128xf32, #tpu.memory_space<vmem>>
    %dma_wait3A_1650 = tpu.memref_squeeze %dma_wait3A_1649 : memref<1x128xf32, #tpu.memory_space<vmem>> -> memref<128xf32, #tpu.memory_space<vmem>>
    %dma_wait3A_1651 = arith.constant 256 : i32
    %dma_wait3A_1652 = tpu.memref_slice %arg8[%dma_wait3A_1651] : memref<640xi32, #tpu.memory_space<vmem>> -> memref<128xi32, #tpu.memory_space<vmem>>
    %dma_wait3A_1653 = arith.constant 1200000 : i32
    %dma_wait3A_1654 = tpu.memref_slice %arg4[%dma_wait3A_1653] : memref<1600000xf32, #tpu.memory_space<hbm>> -> memref<100000xf32, #tpu.memory_space<hbm>>
    %dma_wait3A_1655 = arith.constant 0 : i32
    %dma_wait3A_1656 = tpu.memref_slice %dma_wait3A_1654[%dma_wait3A_1655] : memref<100000xf32, #tpu.memory_space<hbm>> -> memref<100000xf32, #tpu.memory_space<hbm>>
    tpu.wait_indirect_dma semaphore(%arg13 : memref<!tpu.dma_semaphore, #tpu.memory_space<semaphore_mem>>) src(%dma_wait3A_1656 : memref<100000xf32, #tpu.memory_space<hbm>>) dst(%dma_wait3A_1650 : memref<128xf32, #tpu.memory_space<vmem>>)
    %dma_wait3A_1657 = arith.constant 12 : i32
    %dma_wait3A_1658 = arith.constant 384 : i32
    %dma_wait3A_1659 = tpu.memref_slice %arg10[%dma_wait3A_1657, %dma_wait3A_1658] : memref<16x640xf32, #tpu.memory_space<vmem>> -> memref<1x128xf32, #tpu.memory_space<vmem>>
    %dma_wait3A_1660 = tpu.memref_squeeze %dma_wait3A_1659 : memref<1x128xf32, #tpu.memory_space<vmem>> -> memref<128xf32, #tpu.memory_space<vmem>>
    %dma_wait3A_1661 = arith.constant 384 : i32
    %dma_wait3A_1662 = tpu.memref_slice %arg8[%dma_wait3A_1661] : memref<640xi32, #tpu.memory_space<vmem>> -> memref<128xi32, #tpu.memory_space<vmem>>
    %dma_wait3A_1663 = arith.constant 1200000 : i32
    %dma_wait3A_1664 = tpu.memref_slice %arg4[%dma_wait3A_1663] : memref<1600000xf32, #tpu.memory_space<hbm>> -> memref<100000xf32, #tpu.memory_space<hbm>>
    %dma_wait3A_1665 = arith.constant 0 : i32
    %dma_wait3A_1666 = tpu.memref_slice %dma_wait3A_1664[%dma_wait3A_1665] : memref<100000xf32, #tpu.memory_space<hbm>> -> memref<100000xf32, #tpu.memory_space<hbm>>
    tpu.wait_indirect_dma semaphore(%arg13 : memref<!tpu.dma_semaphore, #tpu.memory_space<semaphore_mem>>) src(%dma_wait3A_1666 : memref<100000xf32, #tpu.memory_space<hbm>>) dst(%dma_wait3A_1660 : memref<128xf32, #tpu.memory_space<vmem>>)
    %dma_wait3A_1667 = arith.constant 12 : i32
    %dma_wait3A_1668 = arith.constant 512 : i32
    %dma_wait3A_1669 = tpu.memref_slice %arg10[%dma_wait3A_1667, %dma_wait3A_1668] : memref<16x640xf32, #tpu.memory_space<vmem>> -> memref<1x128xf32, #tpu.memory_space<vmem>>
    %dma_wait3A_1670 = tpu.memref_squeeze %dma_wait3A_1669 : memref<1x128xf32, #tpu.memory_space<vmem>> -> memref<128xf32, #tpu.memory_space<vmem>>
    %dma_wait3A_1671 = arith.constant 512 : i32
    %dma_wait3A_1672 = tpu.memref_slice %arg8[%dma_wait3A_1671] : memref<640xi32, #tpu.memory_space<vmem>> -> memref<128xi32, #tpu.memory_space<vmem>>
    %dma_wait3A_1673 = arith.constant 1200000 : i32
    %dma_wait3A_1674 = tpu.memref_slice %arg4[%dma_wait3A_1673] : memref<1600000xf32, #tpu.memory_space<hbm>> -> memref<100000xf32, #tpu.memory_space<hbm>>
    %dma_wait3A_1675 = arith.constant 0 : i32
    %dma_wait3A_1676 = tpu.memref_slice %dma_wait3A_1674[%dma_wait3A_1675] : memref<100000xf32, #tpu.memory_space<hbm>> -> memref<100000xf32, #tpu.memory_space<hbm>>
    tpu.wait_indirect_dma semaphore(%arg13 : memref<!tpu.dma_semaphore, #tpu.memory_space<semaphore_mem>>) src(%dma_wait3A_1676 : memref<100000xf32, #tpu.memory_space<hbm>>) dst(%dma_wait3A_1670 : memref<128xf32, #tpu.memory_space<vmem>>)
    %dma_wait3A_1677 = arith.constant 12 : i32
    %dma_wait3A_1678 = arith.constant 0 : i32
    %dma_wait3A_1679 = tpu.memref_slice %arg11[%dma_wait3A_1677, %dma_wait3A_1678] : memref<16x32xf32, #tpu.memory_space<vmem>> -> memref<1x32xf32, #tpu.memory_space<vmem>>
    %dma_wait3A_1680 = tpu.memref_squeeze %dma_wait3A_1679 : memref<1x32xf32, #tpu.memory_space<vmem>> -> memref<32xf32, #tpu.memory_space<vmem>>
    %dma_wait3A_1681 = arith.constant 1200000 : i32
    %dma_wait3A_1682 = tpu.memref_slice %arg5[%dma_wait3A_1681] : memref<1600000xf32, #tpu.memory_space<hbm>> -> memref<100000xf32, #tpu.memory_space<hbm>>
    %dma_wait3A_1683 = arith.constant 0 : i32
    %dma_wait3A_1684 = tpu.memref_slice %dma_wait3A_1682[%dma_wait3A_1683] : memref<100000xf32, #tpu.memory_space<hbm>> -> memref<100000xf32, #tpu.memory_space<hbm>>
    tpu.wait_indirect_dma semaphore(%arg13 : memref<!tpu.dma_semaphore, #tpu.memory_space<semaphore_mem>>) src(%dma_wait3A_1684 : memref<100000xf32, #tpu.memory_space<hbm>>) dst(%dma_wait3A_1680 : memref<32xf32, #tpu.memory_space<vmem>>)
    %dma_wait3A_1685 = arith.constant 13 : i32
    %dma_wait3A_1686 = arith.constant 0 : i32
    %dma_wait3A_1687 = tpu.memref_slice %arg10[%dma_wait3A_1685, %dma_wait3A_1686] : memref<16x640xf32, #tpu.memory_space<vmem>> -> memref<1x128xf32, #tpu.memory_space<vmem>>
    %dma_wait3A_1688 = tpu.memref_squeeze %dma_wait3A_1687 : memref<1x128xf32, #tpu.memory_space<vmem>> -> memref<128xf32, #tpu.memory_space<vmem>>
    %dma_wait3A_1689 = arith.constant 0 : i32
    %dma_wait3A_1690 = tpu.memref_slice %arg8[%dma_wait3A_1689] : memref<640xi32, #tpu.memory_space<vmem>> -> memref<128xi32, #tpu.memory_space<vmem>>
    %dma_wait3A_1691 = arith.constant 1300000 : i32
    %dma_wait3A_1692 = tpu.memref_slice %arg4[%dma_wait3A_1691] : memref<1600000xf32, #tpu.memory_space<hbm>> -> memref<100000xf32, #tpu.memory_space<hbm>>
    %dma_wait3A_1693 = arith.constant 0 : i32
    %dma_wait3A_1694 = tpu.memref_slice %dma_wait3A_1692[%dma_wait3A_1693] : memref<100000xf32, #tpu.memory_space<hbm>> -> memref<100000xf32, #tpu.memory_space<hbm>>
    tpu.wait_indirect_dma semaphore(%arg13 : memref<!tpu.dma_semaphore, #tpu.memory_space<semaphore_mem>>) src(%dma_wait3A_1694 : memref<100000xf32, #tpu.memory_space<hbm>>) dst(%dma_wait3A_1688 : memref<128xf32, #tpu.memory_space<vmem>>)
    %dma_wait3A_1695 = arith.constant 13 : i32
    %dma_wait3A_1696 = arith.constant 128 : i32
    %dma_wait3A_1697 = tpu.memref_slice %arg10[%dma_wait3A_1695, %dma_wait3A_1696] : memref<16x640xf32, #tpu.memory_space<vmem>> -> memref<1x128xf32, #tpu.memory_space<vmem>>
    %dma_wait3A_1698 = tpu.memref_squeeze %dma_wait3A_1697 : memref<1x128xf32, #tpu.memory_space<vmem>> -> memref<128xf32, #tpu.memory_space<vmem>>
    %dma_wait3A_1699 = arith.constant 128 : i32
    %dma_wait3A_1700 = tpu.memref_slice %arg8[%dma_wait3A_1699] : memref<640xi32, #tpu.memory_space<vmem>> -> memref<128xi32, #tpu.memory_space<vmem>>
    %dma_wait3A_1701 = arith.constant 1300000 : i32
    %dma_wait3A_1702 = tpu.memref_slice %arg4[%dma_wait3A_1701] : memref<1600000xf32, #tpu.memory_space<hbm>> -> memref<100000xf32, #tpu.memory_space<hbm>>
    %dma_wait3A_1703 = arith.constant 0 : i32
    %dma_wait3A_1704 = tpu.memref_slice %dma_wait3A_1702[%dma_wait3A_1703] : memref<100000xf32, #tpu.memory_space<hbm>> -> memref<100000xf32, #tpu.memory_space<hbm>>
    tpu.wait_indirect_dma semaphore(%arg13 : memref<!tpu.dma_semaphore, #tpu.memory_space<semaphore_mem>>) src(%dma_wait3A_1704 : memref<100000xf32, #tpu.memory_space<hbm>>) dst(%dma_wait3A_1698 : memref<128xf32, #tpu.memory_space<vmem>>)
    %dma_wait3A_1705 = arith.constant 13 : i32
    %dma_wait3A_1706 = arith.constant 256 : i32
    %dma_wait3A_1707 = tpu.memref_slice %arg10[%dma_wait3A_1705, %dma_wait3A_1706] : memref<16x640xf32, #tpu.memory_space<vmem>> -> memref<1x128xf32, #tpu.memory_space<vmem>>
    %dma_wait3A_1708 = tpu.memref_squeeze %dma_wait3A_1707 : memref<1x128xf32, #tpu.memory_space<vmem>> -> memref<128xf32, #tpu.memory_space<vmem>>
    %dma_wait3A_1709 = arith.constant 256 : i32
    %dma_wait3A_1710 = tpu.memref_slice %arg8[%dma_wait3A_1709] : memref<640xi32, #tpu.memory_space<vmem>> -> memref<128xi32, #tpu.memory_space<vmem>>
    %dma_wait3A_1711 = arith.constant 1300000 : i32
    %dma_wait3A_1712 = tpu.memref_slice %arg4[%dma_wait3A_1711] : memref<1600000xf32, #tpu.memory_space<hbm>> -> memref<100000xf32, #tpu.memory_space<hbm>>
    %dma_wait3A_1713 = arith.constant 0 : i32
    %dma_wait3A_1714 = tpu.memref_slice %dma_wait3A_1712[%dma_wait3A_1713] : memref<100000xf32, #tpu.memory_space<hbm>> -> memref<100000xf32, #tpu.memory_space<hbm>>
    tpu.wait_indirect_dma semaphore(%arg13 : memref<!tpu.dma_semaphore, #tpu.memory_space<semaphore_mem>>) src(%dma_wait3A_1714 : memref<100000xf32, #tpu.memory_space<hbm>>) dst(%dma_wait3A_1708 : memref<128xf32, #tpu.memory_space<vmem>>)
    %dma_wait3A_1715 = arith.constant 13 : i32
    %dma_wait3A_1716 = arith.constant 384 : i32
    %dma_wait3A_1717 = tpu.memref_slice %arg10[%dma_wait3A_1715, %dma_wait3A_1716] : memref<16x640xf32, #tpu.memory_space<vmem>> -> memref<1x128xf32, #tpu.memory_space<vmem>>
    %dma_wait3A_1718 = tpu.memref_squeeze %dma_wait3A_1717 : memref<1x128xf32, #tpu.memory_space<vmem>> -> memref<128xf32, #tpu.memory_space<vmem>>
    %dma_wait3A_1719 = arith.constant 384 : i32
    %dma_wait3A_1720 = tpu.memref_slice %arg8[%dma_wait3A_1719] : memref<640xi32, #tpu.memory_space<vmem>> -> memref<128xi32, #tpu.memory_space<vmem>>
    %dma_wait3A_1721 = arith.constant 1300000 : i32
    %dma_wait3A_1722 = tpu.memref_slice %arg4[%dma_wait3A_1721] : memref<1600000xf32, #tpu.memory_space<hbm>> -> memref<100000xf32, #tpu.memory_space<hbm>>
    %dma_wait3A_1723 = arith.constant 0 : i32
    %dma_wait3A_1724 = tpu.memref_slice %dma_wait3A_1722[%dma_wait3A_1723] : memref<100000xf32, #tpu.memory_space<hbm>> -> memref<100000xf32, #tpu.memory_space<hbm>>
    tpu.wait_indirect_dma semaphore(%arg13 : memref<!tpu.dma_semaphore, #tpu.memory_space<semaphore_mem>>) src(%dma_wait3A_1724 : memref<100000xf32, #tpu.memory_space<hbm>>) dst(%dma_wait3A_1718 : memref<128xf32, #tpu.memory_space<vmem>>)
    %dma_wait3A_1725 = arith.constant 13 : i32
    %dma_wait3A_1726 = arith.constant 512 : i32
    %dma_wait3A_1727 = tpu.memref_slice %arg10[%dma_wait3A_1725, %dma_wait3A_1726] : memref<16x640xf32, #tpu.memory_space<vmem>> -> memref<1x128xf32, #tpu.memory_space<vmem>>
    %dma_wait3A_1728 = tpu.memref_squeeze %dma_wait3A_1727 : memref<1x128xf32, #tpu.memory_space<vmem>> -> memref<128xf32, #tpu.memory_space<vmem>>
    %dma_wait3A_1729 = arith.constant 512 : i32
    %dma_wait3A_1730 = tpu.memref_slice %arg8[%dma_wait3A_1729] : memref<640xi32, #tpu.memory_space<vmem>> -> memref<128xi32, #tpu.memory_space<vmem>>
    %dma_wait3A_1731 = arith.constant 1300000 : i32
    %dma_wait3A_1732 = tpu.memref_slice %arg4[%dma_wait3A_1731] : memref<1600000xf32, #tpu.memory_space<hbm>> -> memref<100000xf32, #tpu.memory_space<hbm>>
    %dma_wait3A_1733 = arith.constant 0 : i32
    %dma_wait3A_1734 = tpu.memref_slice %dma_wait3A_1732[%dma_wait3A_1733] : memref<100000xf32, #tpu.memory_space<hbm>> -> memref<100000xf32, #tpu.memory_space<hbm>>
    tpu.wait_indirect_dma semaphore(%arg13 : memref<!tpu.dma_semaphore, #tpu.memory_space<semaphore_mem>>) src(%dma_wait3A_1734 : memref<100000xf32, #tpu.memory_space<hbm>>) dst(%dma_wait3A_1728 : memref<128xf32, #tpu.memory_space<vmem>>)
    %dma_wait3A_1735 = arith.constant 13 : i32
    %dma_wait3A_1736 = arith.constant 0 : i32
    %dma_wait3A_1737 = tpu.memref_slice %arg11[%dma_wait3A_1735, %dma_wait3A_1736] : memref<16x32xf32, #tpu.memory_space<vmem>> -> memref<1x32xf32, #tpu.memory_space<vmem>>
    %dma_wait3A_1738 = tpu.memref_squeeze %dma_wait3A_1737 : memref<1x32xf32, #tpu.memory_space<vmem>> -> memref<32xf32, #tpu.memory_space<vmem>>
    %dma_wait3A_1739 = arith.constant 1300000 : i32
    %dma_wait3A_1740 = tpu.memref_slice %arg5[%dma_wait3A_1739] : memref<1600000xf32, #tpu.memory_space<hbm>> -> memref<100000xf32, #tpu.memory_space<hbm>>
    %dma_wait3A_1741 = arith.constant 0 : i32
    %dma_wait3A_1742 = tpu.memref_slice %dma_wait3A_1740[%dma_wait3A_1741] : memref<100000xf32, #tpu.memory_space<hbm>> -> memref<100000xf32, #tpu.memory_space<hbm>>
    tpu.wait_indirect_dma semaphore(%arg13 : memref<!tpu.dma_semaphore, #tpu.memory_space<semaphore_mem>>) src(%dma_wait3A_1742 : memref<100000xf32, #tpu.memory_space<hbm>>) dst(%dma_wait3A_1738 : memref<32xf32, #tpu.memory_space<vmem>>)
    %dma_wait3A_1743 = arith.constant 14 : i32
    %dma_wait3A_1744 = arith.constant 0 : i32
    %dma_wait3A_1745 = tpu.memref_slice %arg10[%dma_wait3A_1743, %dma_wait3A_1744] : memref<16x640xf32, #tpu.memory_space<vmem>> -> memref<1x128xf32, #tpu.memory_space<vmem>>
    %dma_wait3A_1746 = tpu.memref_squeeze %dma_wait3A_1745 : memref<1x128xf32, #tpu.memory_space<vmem>> -> memref<128xf32, #tpu.memory_space<vmem>>
    %dma_wait3A_1747 = arith.constant 0 : i32
    %dma_wait3A_1748 = tpu.memref_slice %arg8[%dma_wait3A_1747] : memref<640xi32, #tpu.memory_space<vmem>> -> memref<128xi32, #tpu.memory_space<vmem>>
    %dma_wait3A_1749 = arith.constant 1400000 : i32
    %dma_wait3A_1750 = tpu.memref_slice %arg4[%dma_wait3A_1749] : memref<1600000xf32, #tpu.memory_space<hbm>> -> memref<100000xf32, #tpu.memory_space<hbm>>
    %dma_wait3A_1751 = arith.constant 0 : i32
    %dma_wait3A_1752 = tpu.memref_slice %dma_wait3A_1750[%dma_wait3A_1751] : memref<100000xf32, #tpu.memory_space<hbm>> -> memref<100000xf32, #tpu.memory_space<hbm>>
    tpu.wait_indirect_dma semaphore(%arg13 : memref<!tpu.dma_semaphore, #tpu.memory_space<semaphore_mem>>) src(%dma_wait3A_1752 : memref<100000xf32, #tpu.memory_space<hbm>>) dst(%dma_wait3A_1746 : memref<128xf32, #tpu.memory_space<vmem>>)
    %dma_wait3A_1753 = arith.constant 14 : i32
    %dma_wait3A_1754 = arith.constant 128 : i32
    %dma_wait3A_1755 = tpu.memref_slice %arg10[%dma_wait3A_1753, %dma_wait3A_1754] : memref<16x640xf32, #tpu.memory_space<vmem>> -> memref<1x128xf32, #tpu.memory_space<vmem>>
    %dma_wait3A_1756 = tpu.memref_squeeze %dma_wait3A_1755 : memref<1x128xf32, #tpu.memory_space<vmem>> -> memref<128xf32, #tpu.memory_space<vmem>>
    %dma_wait3A_1757 = arith.constant 128 : i32
    %dma_wait3A_1758 = tpu.memref_slice %arg8[%dma_wait3A_1757] : memref<640xi32, #tpu.memory_space<vmem>> -> memref<128xi32, #tpu.memory_space<vmem>>
    %dma_wait3A_1759 = arith.constant 1400000 : i32
    %dma_wait3A_1760 = tpu.memref_slice %arg4[%dma_wait3A_1759] : memref<1600000xf32, #tpu.memory_space<hbm>> -> memref<100000xf32, #tpu.memory_space<hbm>>
    %dma_wait3A_1761 = arith.constant 0 : i32
    %dma_wait3A_1762 = tpu.memref_slice %dma_wait3A_1760[%dma_wait3A_1761] : memref<100000xf32, #tpu.memory_space<hbm>> -> memref<100000xf32, #tpu.memory_space<hbm>>
    tpu.wait_indirect_dma semaphore(%arg13 : memref<!tpu.dma_semaphore, #tpu.memory_space<semaphore_mem>>) src(%dma_wait3A_1762 : memref<100000xf32, #tpu.memory_space<hbm>>) dst(%dma_wait3A_1756 : memref<128xf32, #tpu.memory_space<vmem>>)
    %dma_wait3A_1763 = arith.constant 14 : i32
    %dma_wait3A_1764 = arith.constant 256 : i32
    %dma_wait3A_1765 = tpu.memref_slice %arg10[%dma_wait3A_1763, %dma_wait3A_1764] : memref<16x640xf32, #tpu.memory_space<vmem>> -> memref<1x128xf32, #tpu.memory_space<vmem>>
    %dma_wait3A_1766 = tpu.memref_squeeze %dma_wait3A_1765 : memref<1x128xf32, #tpu.memory_space<vmem>> -> memref<128xf32, #tpu.memory_space<vmem>>
    %dma_wait3A_1767 = arith.constant 256 : i32
    %dma_wait3A_1768 = tpu.memref_slice %arg8[%dma_wait3A_1767] : memref<640xi32, #tpu.memory_space<vmem>> -> memref<128xi32, #tpu.memory_space<vmem>>
    %dma_wait3A_1769 = arith.constant 1400000 : i32
    %dma_wait3A_1770 = tpu.memref_slice %arg4[%dma_wait3A_1769] : memref<1600000xf32, #tpu.memory_space<hbm>> -> memref<100000xf32, #tpu.memory_space<hbm>>
    %dma_wait3A_1771 = arith.constant 0 : i32
    %dma_wait3A_1772 = tpu.memref_slice %dma_wait3A_1770[%dma_wait3A_1771] : memref<100000xf32, #tpu.memory_space<hbm>> -> memref<100000xf32, #tpu.memory_space<hbm>>
    tpu.wait_indirect_dma semaphore(%arg13 : memref<!tpu.dma_semaphore, #tpu.memory_space<semaphore_mem>>) src(%dma_wait3A_1772 : memref<100000xf32, #tpu.memory_space<hbm>>) dst(%dma_wait3A_1766 : memref<128xf32, #tpu.memory_space<vmem>>)
    %dma_wait3A_1773 = arith.constant 14 : i32
    %dma_wait3A_1774 = arith.constant 384 : i32
    %dma_wait3A_1775 = tpu.memref_slice %arg10[%dma_wait3A_1773, %dma_wait3A_1774] : memref<16x640xf32, #tpu.memory_space<vmem>> -> memref<1x128xf32, #tpu.memory_space<vmem>>
    %dma_wait3A_1776 = tpu.memref_squeeze %dma_wait3A_1775 : memref<1x128xf32, #tpu.memory_space<vmem>> -> memref<128xf32, #tpu.memory_space<vmem>>
    %dma_wait3A_1777 = arith.constant 384 : i32
    %dma_wait3A_1778 = tpu.memref_slice %arg8[%dma_wait3A_1777] : memref<640xi32, #tpu.memory_space<vmem>> -> memref<128xi32, #tpu.memory_space<vmem>>
    %dma_wait3A_1779 = arith.constant 1400000 : i32
    %dma_wait3A_1780 = tpu.memref_slice %arg4[%dma_wait3A_1779] : memref<1600000xf32, #tpu.memory_space<hbm>> -> memref<100000xf32, #tpu.memory_space<hbm>>
    %dma_wait3A_1781 = arith.constant 0 : i32
    %dma_wait3A_1782 = tpu.memref_slice %dma_wait3A_1780[%dma_wait3A_1781] : memref<100000xf32, #tpu.memory_space<hbm>> -> memref<100000xf32, #tpu.memory_space<hbm>>
    tpu.wait_indirect_dma semaphore(%arg13 : memref<!tpu.dma_semaphore, #tpu.memory_space<semaphore_mem>>) src(%dma_wait3A_1782 : memref<100000xf32, #tpu.memory_space<hbm>>) dst(%dma_wait3A_1776 : memref<128xf32, #tpu.memory_space<vmem>>)
    %dma_wait3A_1783 = arith.constant 14 : i32
    %dma_wait3A_1784 = arith.constant 512 : i32
    %dma_wait3A_1785 = tpu.memref_slice %arg10[%dma_wait3A_1783, %dma_wait3A_1784] : memref<16x640xf32, #tpu.memory_space<vmem>> -> memref<1x128xf32, #tpu.memory_space<vmem>>
    %dma_wait3A_1786 = tpu.memref_squeeze %dma_wait3A_1785 : memref<1x128xf32, #tpu.memory_space<vmem>> -> memref<128xf32, #tpu.memory_space<vmem>>
    %dma_wait3A_1787 = arith.constant 512 : i32
    %dma_wait3A_1788 = tpu.memref_slice %arg8[%dma_wait3A_1787] : memref<640xi32, #tpu.memory_space<vmem>> -> memref<128xi32, #tpu.memory_space<vmem>>
    %dma_wait3A_1789 = arith.constant 1400000 : i32
    %dma_wait3A_1790 = tpu.memref_slice %arg4[%dma_wait3A_1789] : memref<1600000xf32, #tpu.memory_space<hbm>> -> memref<100000xf32, #tpu.memory_space<hbm>>
    %dma_wait3A_1791 = arith.constant 0 : i32
    %dma_wait3A_1792 = tpu.memref_slice %dma_wait3A_1790[%dma_wait3A_1791] : memref<100000xf32, #tpu.memory_space<hbm>> -> memref<100000xf32, #tpu.memory_space<hbm>>
    tpu.wait_indirect_dma semaphore(%arg13 : memref<!tpu.dma_semaphore, #tpu.memory_space<semaphore_mem>>) src(%dma_wait3A_1792 : memref<100000xf32, #tpu.memory_space<hbm>>) dst(%dma_wait3A_1786 : memref<128xf32, #tpu.memory_space<vmem>>)
    %dma_wait3A_1793 = arith.constant 14 : i32
    %dma_wait3A_1794 = arith.constant 0 : i32
    %dma_wait3A_1795 = tpu.memref_slice %arg11[%dma_wait3A_1793, %dma_wait3A_1794] : memref<16x32xf32, #tpu.memory_space<vmem>> -> memref<1x32xf32, #tpu.memory_space<vmem>>
    %dma_wait3A_1796 = tpu.memref_squeeze %dma_wait3A_1795 : memref<1x32xf32, #tpu.memory_space<vmem>> -> memref<32xf32, #tpu.memory_space<vmem>>
    %dma_wait3A_1797 = arith.constant 1400000 : i32
    %dma_wait3A_1798 = tpu.memref_slice %arg5[%dma_wait3A_1797] : memref<1600000xf32, #tpu.memory_space<hbm>> -> memref<100000xf32, #tpu.memory_space<hbm>>
    %dma_wait3A_1799 = arith.constant 0 : i32
    %dma_wait3A_1800 = tpu.memref_slice %dma_wait3A_1798[%dma_wait3A_1799] : memref<100000xf32, #tpu.memory_space<hbm>> -> memref<100000xf32, #tpu.memory_space<hbm>>
    tpu.wait_indirect_dma semaphore(%arg13 : memref<!tpu.dma_semaphore, #tpu.memory_space<semaphore_mem>>) src(%dma_wait3A_1800 : memref<100000xf32, #tpu.memory_space<hbm>>) dst(%dma_wait3A_1796 : memref<32xf32, #tpu.memory_space<vmem>>)
    %dma_wait3A_1801 = arith.constant 15 : i32
    %dma_wait3A_1802 = arith.constant 0 : i32
    %dma_wait3A_1803 = tpu.memref_slice %arg10[%dma_wait3A_1801, %dma_wait3A_1802] : memref<16x640xf32, #tpu.memory_space<vmem>> -> memref<1x128xf32, #tpu.memory_space<vmem>>
    %dma_wait3A_1804 = tpu.memref_squeeze %dma_wait3A_1803 : memref<1x128xf32, #tpu.memory_space<vmem>> -> memref<128xf32, #tpu.memory_space<vmem>>
    %dma_wait3A_1805 = arith.constant 0 : i32
    %dma_wait3A_1806 = tpu.memref_slice %arg8[%dma_wait3A_1805] : memref<640xi32, #tpu.memory_space<vmem>> -> memref<128xi32, #tpu.memory_space<vmem>>
    %dma_wait3A_1807 = arith.constant 1500000 : i32
    %dma_wait3A_1808 = tpu.memref_slice %arg4[%dma_wait3A_1807] : memref<1600000xf32, #tpu.memory_space<hbm>> -> memref<100000xf32, #tpu.memory_space<hbm>>
    %dma_wait3A_1809 = arith.constant 0 : i32
    %dma_wait3A_1810 = tpu.memref_slice %dma_wait3A_1808[%dma_wait3A_1809] : memref<100000xf32, #tpu.memory_space<hbm>> -> memref<100000xf32, #tpu.memory_space<hbm>>
    tpu.wait_indirect_dma semaphore(%arg13 : memref<!tpu.dma_semaphore, #tpu.memory_space<semaphore_mem>>) src(%dma_wait3A_1810 : memref<100000xf32, #tpu.memory_space<hbm>>) dst(%dma_wait3A_1804 : memref<128xf32, #tpu.memory_space<vmem>>)
    %dma_wait3A_1811 = arith.constant 15 : i32
    %dma_wait3A_1812 = arith.constant 128 : i32
    %dma_wait3A_1813 = tpu.memref_slice %arg10[%dma_wait3A_1811, %dma_wait3A_1812] : memref<16x640xf32, #tpu.memory_space<vmem>> -> memref<1x128xf32, #tpu.memory_space<vmem>>
    %dma_wait3A_1814 = tpu.memref_squeeze %dma_wait3A_1813 : memref<1x128xf32, #tpu.memory_space<vmem>> -> memref<128xf32, #tpu.memory_space<vmem>>
    %dma_wait3A_1815 = arith.constant 128 : i32
    %dma_wait3A_1816 = tpu.memref_slice %arg8[%dma_wait3A_1815] : memref<640xi32, #tpu.memory_space<vmem>> -> memref<128xi32, #tpu.memory_space<vmem>>
    %dma_wait3A_1817 = arith.constant 1500000 : i32
    %dma_wait3A_1818 = tpu.memref_slice %arg4[%dma_wait3A_1817] : memref<1600000xf32, #tpu.memory_space<hbm>> -> memref<100000xf32, #tpu.memory_space<hbm>>
    %dma_wait3A_1819 = arith.constant 0 : i32
    %dma_wait3A_1820 = tpu.memref_slice %dma_wait3A_1818[%dma_wait3A_1819] : memref<100000xf32, #tpu.memory_space<hbm>> -> memref<100000xf32, #tpu.memory_space<hbm>>
    tpu.wait_indirect_dma semaphore(%arg13 : memref<!tpu.dma_semaphore, #tpu.memory_space<semaphore_mem>>) src(%dma_wait3A_1820 : memref<100000xf32, #tpu.memory_space<hbm>>) dst(%dma_wait3A_1814 : memref<128xf32, #tpu.memory_space<vmem>>)
    %dma_wait3A_1821 = arith.constant 15 : i32
    %dma_wait3A_1822 = arith.constant 256 : i32
    %dma_wait3A_1823 = tpu.memref_slice %arg10[%dma_wait3A_1821, %dma_wait3A_1822] : memref<16x640xf32, #tpu.memory_space<vmem>> -> memref<1x128xf32, #tpu.memory_space<vmem>>
    %dma_wait3A_1824 = tpu.memref_squeeze %dma_wait3A_1823 : memref<1x128xf32, #tpu.memory_space<vmem>> -> memref<128xf32, #tpu.memory_space<vmem>>
    %dma_wait3A_1825 = arith.constant 256 : i32
    %dma_wait3A_1826 = tpu.memref_slice %arg8[%dma_wait3A_1825] : memref<640xi32, #tpu.memory_space<vmem>> -> memref<128xi32, #tpu.memory_space<vmem>>
    %dma_wait3A_1827 = arith.constant 1500000 : i32
    %dma_wait3A_1828 = tpu.memref_slice %arg4[%dma_wait3A_1827] : memref<1600000xf32, #tpu.memory_space<hbm>> -> memref<100000xf32, #tpu.memory_space<hbm>>
    %dma_wait3A_1829 = arith.constant 0 : i32
    %dma_wait3A_1830 = tpu.memref_slice %dma_wait3A_1828[%dma_wait3A_1829] : memref<100000xf32, #tpu.memory_space<hbm>> -> memref<100000xf32, #tpu.memory_space<hbm>>
    tpu.wait_indirect_dma semaphore(%arg13 : memref<!tpu.dma_semaphore, #tpu.memory_space<semaphore_mem>>) src(%dma_wait3A_1830 : memref<100000xf32, #tpu.memory_space<hbm>>) dst(%dma_wait3A_1824 : memref<128xf32, #tpu.memory_space<vmem>>)
    %dma_wait3A_1831 = arith.constant 15 : i32
    %dma_wait3A_1832 = arith.constant 384 : i32
    %dma_wait3A_1833 = tpu.memref_slice %arg10[%dma_wait3A_1831, %dma_wait3A_1832] : memref<16x640xf32, #tpu.memory_space<vmem>> -> memref<1x128xf32, #tpu.memory_space<vmem>>
    %dma_wait3A_1834 = tpu.memref_squeeze %dma_wait3A_1833 : memref<1x128xf32, #tpu.memory_space<vmem>> -> memref<128xf32, #tpu.memory_space<vmem>>
    %dma_wait3A_1835 = arith.constant 384 : i32
    %dma_wait3A_1836 = tpu.memref_slice %arg8[%dma_wait3A_1835] : memref<640xi32, #tpu.memory_space<vmem>> -> memref<128xi32, #tpu.memory_space<vmem>>
    %dma_wait3A_1837 = arith.constant 1500000 : i32
    %dma_wait3A_1838 = tpu.memref_slice %arg4[%dma_wait3A_1837] : memref<1600000xf32, #tpu.memory_space<hbm>> -> memref<100000xf32, #tpu.memory_space<hbm>>
    %dma_wait3A_1839 = arith.constant 0 : i32
    %dma_wait3A_1840 = tpu.memref_slice %dma_wait3A_1838[%dma_wait3A_1839] : memref<100000xf32, #tpu.memory_space<hbm>> -> memref<100000xf32, #tpu.memory_space<hbm>>
    tpu.wait_indirect_dma semaphore(%arg13 : memref<!tpu.dma_semaphore, #tpu.memory_space<semaphore_mem>>) src(%dma_wait3A_1840 : memref<100000xf32, #tpu.memory_space<hbm>>) dst(%dma_wait3A_1834 : memref<128xf32, #tpu.memory_space<vmem>>)
    %dma_wait3A_1841 = arith.constant 15 : i32
    %dma_wait3A_1842 = arith.constant 512 : i32
    %dma_wait3A_1843 = tpu.memref_slice %arg10[%dma_wait3A_1841, %dma_wait3A_1842] : memref<16x640xf32, #tpu.memory_space<vmem>> -> memref<1x128xf32, #tpu.memory_space<vmem>>
    %dma_wait3A_1844 = tpu.memref_squeeze %dma_wait3A_1843 : memref<1x128xf32, #tpu.memory_space<vmem>> -> memref<128xf32, #tpu.memory_space<vmem>>
    %dma_wait3A_1845 = arith.constant 512 : i32
    %dma_wait3A_1846 = tpu.memref_slice %arg8[%dma_wait3A_1845] : memref<640xi32, #tpu.memory_space<vmem>> -> memref<128xi32, #tpu.memory_space<vmem>>
    %dma_wait3A_1847 = arith.constant 1500000 : i32
    %dma_wait3A_1848 = tpu.memref_slice %arg4[%dma_wait3A_1847] : memref<1600000xf32, #tpu.memory_space<hbm>> -> memref<100000xf32, #tpu.memory_space<hbm>>
    %dma_wait3A_1849 = arith.constant 0 : i32
    %dma_wait3A_1850 = tpu.memref_slice %dma_wait3A_1848[%dma_wait3A_1849] : memref<100000xf32, #tpu.memory_space<hbm>> -> memref<100000xf32, #tpu.memory_space<hbm>>
    tpu.wait_indirect_dma semaphore(%arg13 : memref<!tpu.dma_semaphore, #tpu.memory_space<semaphore_mem>>) src(%dma_wait3A_1850 : memref<100000xf32, #tpu.memory_space<hbm>>) dst(%dma_wait3A_1844 : memref<128xf32, #tpu.memory_space<vmem>>)
    %dma_wait3A_1851 = arith.constant 15 : i32
    %dma_wait3A_1852 = arith.constant 0 : i32
    %dma_wait3A_1853 = tpu.memref_slice %arg11[%dma_wait3A_1851, %dma_wait3A_1852] : memref<16x32xf32, #tpu.memory_space<vmem>> -> memref<1x32xf32, #tpu.memory_space<vmem>>
    %dma_wait3A_1854 = tpu.memref_squeeze %dma_wait3A_1853 : memref<1x32xf32, #tpu.memory_space<vmem>> -> memref<32xf32, #tpu.memory_space<vmem>>
    %dma_wait3A_1855 = arith.constant 1500000 : i32
    %dma_wait3A_1856 = tpu.memref_slice %arg5[%dma_wait3A_1855] : memref<1600000xf32, #tpu.memory_space<hbm>> -> memref<100000xf32, #tpu.memory_space<hbm>>
    %dma_wait3A_1857 = arith.constant 0 : i32
    %dma_wait3A_1858 = tpu.memref_slice %dma_wait3A_1856[%dma_wait3A_1857] : memref<100000xf32, #tpu.memory_space<hbm>> -> memref<100000xf32, #tpu.memory_space<hbm>>
    tpu.wait_indirect_dma semaphore(%arg13 : memref<!tpu.dma_semaphore, #tpu.memory_space<semaphore_mem>>) src(%dma_wait3A_1858 : memref<100000xf32, #tpu.memory_space<hbm>>) dst(%dma_wait3A_1854 : memref<32xf32, #tpu.memory_space<vmem>>)
    %scan3A = arith.constant 0 : i32
    %scan3A_1859 = arith.constant 0 : i32
    %scan3A_1860 = arith.constant 32 : i32
    %scan3A_1861 = arith.addi %scan3A_1859, %scan3A_1860 : i32
    %scan3A_1862 = arith.constant 1 : i32
    scf.for %scan3A_1864 = %scan3A_1859 to %scan3A_1861 step %scan3A_1862  : i32 {
      %and3A = arith.constant 1 : i32
      %and3A_1865 = arith.andi %scan3A_1864, %and3A : i32
      %shift_right_logical3A = arith.constant 1 : i32
      %shift_right_logical3A_1866 = arith.shrui %scan3A_1864, %shift_right_logical3A : i32
      %mul3A_1867 = arith.constant 20 : i32
      %mul3A_1868 = vector.broadcast %mul3A_1867 : i32 to vector<16xi32>
      %mul3A_1869 = arith.muli %iota3A, %mul3A_1868 : vector<16xi32>
      %mul3A_1870 = arith.constant 320 : i32
      %mul3A_1871 = arith.muli %and3A_1865, %mul3A_1870 : i32
      %add3A_1872 = vector.broadcast %mul3A_1871 : i32 to vector<16xi32>
      %add3A_1873 = arith.addi %mul3A_1869, %add3A_1872 : vector<16xi32>
      %mul3A_1874 = arith.constant 0 : i32
      %mul3A_1875 = vector.broadcast %mul3A_1874 : i32 to vector<16xi32>
      %mul3A_1876 = arith.muli %iota3A, %mul3A_1875 : vector<16xi32>
      %add3A_1877 = vector.broadcast %shift_right_logical3A_1866 : i32 to vector<16xi32>
      %add3A_1878 = arith.addi %mul3A_1876, %add3A_1877 : vector<16xi32>
      %gather3A = tpu.vector_load_idx %arg10[%add3A_1878, %add3A_1873] : memref<16x640xf32, #tpu.memory_space<vmem>>[vector<16xi32>, vector<16xi32>], vector<16xf32>,
      %add3A_1879 = arith.constant 1 : i32
      %add3A_1880 = vector.broadcast %add3A_1879 : i32 to vector<16xi32>
      %add3A_1881 = arith.addi %add3A_1873, %add3A_1880 : vector<16xi32>
      %gather3A_1882 = tpu.vector_load_idx %arg10[%add3A_1878, %add3A_1881] : memref<16x640xf32, #tpu.memory_space<vmem>>[vector<16xi32>, vector<16xi32>], vector<16xf32>,
      %add3A_1883 = arith.addf %gather3A, %gather3A_1882 : vector<16xf32>
      %add3A_1884 = arith.constant 2 : i32
      %add3A_1885 = vector.broadcast %add3A_1884 : i32 to vector<16xi32>
      %add3A_1886 = arith.addi %add3A_1873, %add3A_1885 : vector<16xi32>
      %gather3A_1887 = tpu.vector_load_idx %arg10[%add3A_1878, %add3A_1886] : memref<16x640xf32, #tpu.memory_space<vmem>>[vector<16xi32>, vector<16xi32>], vector<16xf32>,
      %add3A_1888 = arith.addf %add3A_1883, %gather3A_1887 : vector<16xf32>
      %add3A_1889 = arith.constant 3 : i32
      %add3A_1890 = vector.broadcast %add3A_1889 : i32 to vector<16xi32>
      %add3A_1891 = arith.addi %add3A_1873, %add3A_1890 : vector<16xi32>
      %gather3A_1892 = tpu.vector_load_idx %arg10[%add3A_1878, %add3A_1891] : memref<16x640xf32, #tpu.memory_space<vmem>>[vector<16xi32>, vector<16xi32>], vector<16xf32>,
      %add3A_1893 = arith.addf %add3A_1888, %gather3A_1892 : vector<16xf32>
      %add3A_1894 = arith.constant 4 : i32
      %add3A_1895 = vector.broadcast %add3A_1894 : i32 to vector<16xi32>
      %add3A_1896 = arith.addi %add3A_1873, %add3A_1895 : vector<16xi32>
      %gather3A_1897 = tpu.vector_load_idx %arg10[%add3A_1878, %add3A_1896] : memref<16x640xf32, #tpu.memory_space<vmem>>[vector<16xi32>, vector<16xi32>], vector<16xf32>,
      %add3A_1898 = arith.addf %add3A_1893, %gather3A_1897 : vector<16xf32>
      %add3A_1899 = arith.constant 5 : i32
      %add3A_1900 = vector.broadcast %add3A_1899 : i32 to vector<16xi32>
      %add3A_1901 = arith.addi %add3A_1873, %add3A_1900 : vector<16xi32>
      %gather3A_1902 = tpu.vector_load_idx %arg10[%add3A_1878, %add3A_1901] : memref<16x640xf32, #tpu.memory_space<vmem>>[vector<16xi32>, vector<16xi32>], vector<16xf32>,
      %add3A_1903 = arith.addf %add3A_1898, %gather3A_1902 : vector<16xf32>
      %add3A_1904 = arith.constant 6 : i32
      %add3A_1905 = vector.broadcast %add3A_1904 : i32 to vector<16xi32>
      %add3A_1906 = arith.addi %add3A_1873, %add3A_1905 : vector<16xi32>
      %gather3A_1907 = tpu.vector_load_idx %arg10[%add3A_1878, %add3A_1906] : memref<16x640xf32, #tpu.memory_space<vmem>>[vector<16xi32>, vector<16xi32>], vector<16xf32>,
      %add3A_1908 = arith.addf %add3A_1903, %gather3A_1907 : vector<16xf32>
      %add3A_1909 = arith.constant 7 : i32
      %add3A_1910 = vector.broadcast %add3A_1909 : i32 to vector<16xi32>
      %add3A_1911 = arith.addi %add3A_1873, %add3A_1910 : vector<16xi32>
      %gather3A_1912 = tpu.vector_load_idx %arg10[%add3A_1878, %add3A_1911] : memref<16x640xf32, #tpu.memory_space<vmem>>[vector<16xi32>, vector<16xi32>], vector<16xf32>,
      %add3A_1913 = arith.addf %add3A_1908, %gather3A_1912 : vector<16xf32>
      %add3A_1914 = arith.constant 8 : i32
      %add3A_1915 = vector.broadcast %add3A_1914 : i32 to vector<16xi32>
      %add3A_1916 = arith.addi %add3A_1873, %add3A_1915 : vector<16xi32>
      %gather3A_1917 = tpu.vector_load_idx %arg10[%add3A_1878, %add3A_1916] : memref<16x640xf32, #tpu.memory_space<vmem>>[vector<16xi32>, vector<16xi32>], vector<16xf32>,
      %add3A_1918 = arith.addf %add3A_1913, %gather3A_1917 : vector<16xf32>
      %add3A_1919 = arith.constant 9 : i32
      %add3A_1920 = vector.broadcast %add3A_1919 : i32 to vector<16xi32>
      %add3A_1921 = arith.addi %add3A_1873, %add3A_1920 : vector<16xi32>
      %gather3A_1922 = tpu.vector_load_idx %arg10[%add3A_1878, %add3A_1921] : memref<16x640xf32, #tpu.memory_space<vmem>>[vector<16xi32>, vector<16xi32>], vector<16xf32>,
      %add3A_1923 = arith.addf %add3A_1918, %gather3A_1922 : vector<16xf32>
      %add3A_1924 = arith.constant 10 : i32
      %add3A_1925 = vector.broadcast %add3A_1924 : i32 to vector<16xi32>
      %add3A_1926 = arith.addi %add3A_1873, %add3A_1925 : vector<16xi32>
      %gather3A_1927 = tpu.vector_load_idx %arg10[%add3A_1878, %add3A_1926] : memref<16x640xf32, #tpu.memory_space<vmem>>[vector<16xi32>, vector<16xi32>], vector<16xf32>,
      %add3A_1928 = arith.addf %add3A_1923, %gather3A_1927 : vector<16xf32>
      %add3A_1929 = arith.constant 11 : i32
      %add3A_1930 = vector.broadcast %add3A_1929 : i32 to vector<16xi32>
      %add3A_1931 = arith.addi %add3A_1873, %add3A_1930 : vector<16xi32>
      %gather3A_1932 = tpu.vector_load_idx %arg10[%add3A_1878, %add3A_1931] : memref<16x640xf32, #tpu.memory_space<vmem>>[vector<16xi32>, vector<16xi32>], vector<16xf32>,
      %add3A_1933 = arith.addf %add3A_1928, %gather3A_1932 : vector<16xf32>
      %add3A_1934 = arith.constant 12 : i32
      %add3A_1935 = vector.broadcast %add3A_1934 : i32 to vector<16xi32>
      %add3A_1936 = arith.addi %add3A_1873, %add3A_1935 : vector<16xi32>
      %gather3A_1937 = tpu.vector_load_idx %arg10[%add3A_1878, %add3A_1936] : memref<16x640xf32, #tpu.memory_space<vmem>>[vector<16xi32>, vector<16xi32>], vector<16xf32>,
      %add3A_1938 = arith.addf %add3A_1933, %gather3A_1937 : vector<16xf32>
      %add3A_1939 = arith.constant 13 : i32
      %add3A_1940 = vector.broadcast %add3A_1939 : i32 to vector<16xi32>
      %add3A_1941 = arith.addi %add3A_1873, %add3A_1940 : vector<16xi32>
      %gather3A_1942 = tpu.vector_load_idx %arg10[%add3A_1878, %add3A_1941] : memref<16x640xf32, #tpu.memory_space<vmem>>[vector<16xi32>, vector<16xi32>], vector<16xf32>,
      %add3A_1943 = arith.addf %add3A_1938, %gather3A_1942 : vector<16xf32>
      %add3A_1944 = arith.constant 14 : i32
      %add3A_1945 = vector.broadcast %add3A_1944 : i32 to vector<16xi32>
      %add3A_1946 = arith.addi %add3A_1873, %add3A_1945 : vector<16xi32>
      %gather3A_1947 = tpu.vector_load_idx %arg10[%add3A_1878, %add3A_1946] : memref<16x640xf32, #tpu.memory_space<vmem>>[vector<16xi32>, vector<16xi32>], vector<16xf32>,
      %add3A_1948 = arith.addf %add3A_1943, %gather3A_1947 : vector<16xf32>
      %add3A_1949 = arith.constant 15 : i32
      %add3A_1950 = vector.broadcast %add3A_1949 : i32 to vector<16xi32>
      %add3A_1951 = arith.addi %add3A_1873, %add3A_1950 : vector<16xi32>
      %gather3A_1952 = tpu.vector_load_idx %arg10[%add3A_1878, %add3A_1951] : memref<16x640xf32, #tpu.memory_space<vmem>>[vector<16xi32>, vector<16xi32>], vector<16xf32>,
      %add3A_1953 = arith.addf %add3A_1948, %gather3A_1952 : vector<16xf32>
      %add3A_1954 = arith.constant 16 : i32
      %add3A_1955 = vector.broadcast %add3A_1954 : i32 to vector<16xi32>
      %add3A_1956 = arith.addi %add3A_1873, %add3A_1955 : vector<16xi32>
      %gather3A_1957 = tpu.vector_load_idx %arg10[%add3A_1878, %add3A_1956] : memref<16x640xf32, #tpu.memory_space<vmem>>[vector<16xi32>, vector<16xi32>], vector<16xf32>,
      %add3A_1958 = arith.addf %add3A_1953, %gather3A_1957 : vector<16xf32>
      %add3A_1959 = arith.constant 17 : i32
      %add3A_1960 = vector.broadcast %add3A_1959 : i32 to vector<16xi32>
      %add3A_1961 = arith.addi %add3A_1873, %add3A_1960 : vector<16xi32>
      %gather3A_1962 = tpu.vector_load_idx %arg10[%add3A_1878, %add3A_1961] : memref<16x640xf32, #tpu.memory_space<vmem>>[vector<16xi32>, vector<16xi32>], vector<16xf32>,
      %add3A_1963 = arith.addf %add3A_1958, %gather3A_1962 : vector<16xf32>
      %add3A_1964 = arith.constant 18 : i32
      %add3A_1965 = vector.broadcast %add3A_1964 : i32 to vector<16xi32>
      %add3A_1966 = arith.addi %add3A_1873, %add3A_1965 : vector<16xi32>
      %gather3A_1967 = tpu.vector_load_idx %arg10[%add3A_1878, %add3A_1966] : memref<16x640xf32, #tpu.memory_space<vmem>>[vector<16xi32>, vector<16xi32>], vector<16xf32>,
      %add3A_1968 = arith.addf %add3A_1963, %gather3A_1967 : vector<16xf32>
      %add3A_1969 = arith.constant 19 : i32
      %add3A_1970 = vector.broadcast %add3A_1969 : i32 to vector<16xi32>
      %add3A_1971 = arith.addi %add3A_1873, %add3A_1970 : vector<16xi32>
      %gather3A_1972 = tpu.vector_load_idx %arg10[%add3A_1878, %add3A_1971] : memref<16x640xf32, #tpu.memory_space<vmem>>[vector<16xi32>, vector<16xi32>], vector<16xf32>,
      %add3A_1973 = arith.addf %add3A_1968, %gather3A_1972 : vector<16xf32>
      %mul3A_1974 = arith.constant 16 : i32
      %mul3A_1975 = arith.muli %and3A_1865, %mul3A_1974 : i32
      %add3A_1976 = vector.broadcast %mul3A_1975 : i32 to vector<16xi32>
      %add3A_1977 = arith.addi %add3A_1976, %iota3A : vector<16xi32>
      tpu.vector_store_idx %arg12[%add3A_1878, %add3A_1977], %add3A_1973 : memref<16x32xf32, #tpu.memory_space<vmem>>[vector<16xi32>, vector<16xi32>], vector<16xf32>,
    }
    %scan3A_1863 = arith.constant 32 : i32
    "tpu.region"() ({
      %run_scoped3A = tpu.sem_alloc : memref<!tpu.dma_semaphore, #tpu.memory_space<semaphore_mem>>
      %dma_start3A_1864 = arith.constant 0 : i32
      %dma_start3A_1865 = arith.constant 0 : i32
      %dma_start3A_1866 = tpu.memref_slice %arg6[%add3A, %dma_start3A_1864, %dma_start3A_1865] : memref<32x16x32xf32, #tpu.memory_space<hbm>> -> memref<1x16x32xf32, #tpu.memory_space<hbm>>
      %dma_start3A_1867 = tpu.memref_squeeze %dma_start3A_1866 : memref<1x16x32xf32, #tpu.memory_space<hbm>> -> memref<16x32xf32, #tpu.memory_space<hbm>>
      %dma_start3A_1868 = arith.constant 0 : i32
      %dma_start3A_1869 = arith.constant 0 : i32
      %dma_start3A_1870 = tpu.memref_slice %arg6[%add3A, %dma_start3A_1868, %dma_start3A_1869] : memref<32x16x32xf32, #tpu.memory_space<hbm>> -> memref<1x16x32xf32, #tpu.memory_space<hbm>>
      %dma_start3A_1871 = tpu.memref_squeeze %dma_start3A_1870 : memref<1x16x32xf32, #tpu.memory_space<hbm>> -> memref<16x32xf32, #tpu.memory_space<hbm>>
      tpu.enqueue_dma source(%arg12 : memref<16x32xf32, #tpu.memory_space<vmem>>) target(%dma_start3A_1871 : memref<16x32xf32, #tpu.memory_space<hbm>>) target_semaphore(%run_scoped3A : memref<!tpu.dma_semaphore, #tpu.memory_space<semaphore_mem>>)
      %dma_wait3A_1872 = arith.constant 0 : i32
      %dma_wait3A_1873 = arith.constant 0 : i32
      %dma_wait3A_1874 = tpu.memref_slice %arg6[%add3A, %dma_wait3A_1872, %dma_wait3A_1873] : memref<32x16x32xf32, #tpu.memory_space<hbm>> -> memref<1x16x32xf32, #tpu.memory_space<hbm>>
      %dma_wait3A_1875 = tpu.memref_squeeze %dma_wait3A_1874 : memref<1x16x32xf32, #tpu.memory_space<hbm>> -> memref<16x32xf32, #tpu.memory_space<hbm>>
      %dma_wait3A_1876 = arith.constant 0 : i32
      %dma_wait3A_1877 = arith.constant 0 : i32
      %dma_wait3A_1878 = tpu.memref_slice %arg6[%add3A, %dma_wait3A_1876, %dma_wait3A_1877] : memref<32x16x32xf32, #tpu.memory_space<hbm>> -> memref<1x16x32xf32, #tpu.memory_space<hbm>>
      %dma_wait3A_1879 = tpu.memref_squeeze %dma_wait3A_1878 : memref<1x16x32xf32, #tpu.memory_space<hbm>> -> memref<16x32xf32, #tpu.memory_space<hbm>>
      tpu.wait_dma2 semaphore(%run_scoped3A : memref<!tpu.dma_semaphore, #tpu.memory_space<semaphore_mem>>) src(%arg12 : memref<16x32xf32, #tpu.memory_space<vmem>>) dst(%dma_wait3A_1879 : memref<16x32xf32, #tpu.memory_space<hbm>>)
      tpu.yield
    }) : () -> ()
    "tpu.region"() ({
      %run_scoped3A = tpu.sem_alloc : memref<!tpu.dma_semaphore, #tpu.memory_space<semaphore_mem>>
      %dma_start3A_1864 = arith.constant 0 : i32
      %dma_start3A_1865 = arith.constant 0 : i32
      %dma_start3A_1866 = tpu.memref_slice %arg7[%add3A, %dma_start3A_1864, %dma_start3A_1865] : memref<32x16x32xf32, #tpu.memory_space<hbm>> -> memref<1x16x32xf32, #tpu.memory_space<hbm>>
      %dma_start3A_1867 = tpu.memref_squeeze %dma_start3A_1866 : memref<1x16x32xf32, #tpu.memory_space<hbm>> -> memref<16x32xf32, #tpu.memory_space<hbm>>
      %dma_start3A_1868 = arith.constant 0 : i32
      %dma_start3A_1869 = arith.constant 0 : i32
      %dma_start3A_1870 = tpu.memref_slice %arg7[%add3A, %dma_start3A_1868, %dma_start3A_1869] : memref<32x16x32xf32, #tpu.memory_space<hbm>> -> memref<1x16x32xf32, #tpu.memory_space<hbm>>
      %dma_start3A_1871 = tpu.memref_squeeze %dma_start3A_1870 : memref<1x16x32xf32, #tpu.memory_space<hbm>> -> memref<16x32xf32, #tpu.memory_space<hbm>>
      tpu.enqueue_dma source(%arg11 : memref<16x32xf32, #tpu.memory_space<vmem>>) target(%dma_start3A_1871 : memref<16x32xf32, #tpu.memory_space<hbm>>) target_semaphore(%run_scoped3A : memref<!tpu.dma_semaphore, #tpu.memory_space<semaphore_mem>>)
      %dma_wait3A_1872 = arith.constant 0 : i32
      %dma_wait3A_1873 = arith.constant 0 : i32
      %dma_wait3A_1874 = tpu.memref_slice %arg7[%add3A, %dma_wait3A_1872, %dma_wait3A_1873] : memref<32x16x32xf32, #tpu.memory_space<hbm>> -> memref<1x16x32xf32, #tpu.memory_space<hbm>>
      %dma_wait3A_1875 = tpu.memref_squeeze %dma_wait3A_1874 : memref<1x16x32xf32, #tpu.memory_space<hbm>> -> memref<16x32xf32, #tpu.memory_space<hbm>>
      %dma_wait3A_1876 = arith.constant 0 : i32
      %dma_wait3A_1877 = arith.constant 0 : i32
      %dma_wait3A_1878 = tpu.memref_slice %arg7[%add3A, %dma_wait3A_1876, %dma_wait3A_1877] : memref<32x16x32xf32, #tpu.memory_space<hbm>> -> memref<1x16x32xf32, #tpu.memory_space<hbm>>
      %dma_wait3A_1879 = tpu.memref_squeeze %dma_wait3A_1878 : memref<1x16x32xf32, #tpu.memory_space<hbm>> -> memref<16x32xf32, #tpu.memory_space<hbm>>
      tpu.wait_dma2 semaphore(%run_scoped3A : memref<!tpu.dma_semaphore, #tpu.memory_space<semaphore_mem>>) src(%arg11 : memref<16x32xf32, #tpu.memory_space<vmem>>) dst(%dma_wait3A_1879 : memref<16x32xf32, #tpu.memory_space<hbm>>)
      tpu.yield
    }) : () -> ()
    return
  }
}

module attributes {stable_mosaic.version = 14 : i64} {
  func.func @_tc_loss_body(%arg0: i32, %arg1: memref<16x1024xf32, #tpu.memory_space<vmem>>, %arg2: memref<16x1024xf32, #tpu.memory_space<vmem>>, %arg3: memref<16x4096xf32, #tpu.memory_space<vmem>>, %arg4: memref<1x1xf32, #tpu.memory_space<smem>>, %arg5: memref<16x1024xbf16, #tpu.memory_space<vmem>>, %arg6: memref<1x1024xf32, #tpu.memory_space<vmem>>) attributes {dimension_semantics = [#tpu.dimension_semantics<arbitrary>], iteration_bounds = array<i64: 25>, scalar_prefetch = 0 : i64, scratch_operands = 2 : i64, tpu.core_type = #tpu.core_type<tc>, window_params = [{pipeline_mode = #tpu.pipeline_mode<synchronous>, transform_indices = @transform_0, window_bounds = array<i64: 16, 1024>}, {pipeline_mode = #tpu.pipeline_mode<synchronous>, transform_indices = @transform_1, window_bounds = array<i64: 16, 1024>}, {transform_indices = @transform_2, window_bounds = array<i64: 16, 4096>}, {transform_indices = @transform_3, window_bounds = array<i64: 1, 1>}]} {
    %eq3A = arith.constant 0 : i32
    %eq3A_0 = arith.cmpi eq, %arg0, %eq3A : i32
    %convert_element_type3A = arith.extui %eq3A_0 : i1 to i32
    %cond3A = arith.constant 0 : i32
    %cond3A_1 = arith.cmpi ne, %convert_element_type3A, %cond3A : i32
    scf.if %cond3A_1 {
      %get3A_18 = arith.constant 0 : index
      %get3A_19 = arith.constant 0 : index
      %get3A_20 = vector.load %arg1[%get3A_18, %get3A_19] : memref<16x1024xf32, #tpu.memory_space<vmem>>, vector<16x1024xf32>
      %mul3A = arith.constant 1.44269502 : f32
      %mul3A_21 = vector.broadcast %mul3A : f32 to vector<16x1024xf32>
      %mul3A_22 = arith.mulf %get3A_20, %mul3A_21 : vector<16x1024xf32>
      %convert_element_type3A_23 = arith.truncf %mul3A_22 : vector<16x1024xf32> to vector<16x1024xbf16>
      %swap3A = arith.constant 0 : index
      %swap3A_24 = arith.constant 0 : index
      %swap3A_25 = vector.load %arg5[%swap3A, %swap3A_24] : memref<16x1024xbf16, #tpu.memory_space<vmem>>, vector<16x1024xbf16>
      tpu.vector_store %arg5[%swap3A, %swap3A_24], %convert_element_type3A_23 {strides = array<i32>} : memref<16x1024xbf16, #tpu.memory_space<vmem>>, vector<16x1024xbf16>,
      %broadcast_in_dim3A = arith.constant 0.000000e+00 : f32
      %broadcast_in_dim3A_26 = vector.broadcast %broadcast_in_dim3A : f32 to vector<1x1024xf32>
      %swap3A_27 = arith.constant 0 : index
      %swap3A_28 = arith.constant 0 : index
      %swap3A_29 = vector.load %arg6[%swap3A_27, %swap3A_28] : memref<1x1024xf32, #tpu.memory_space<vmem>>, vector<1x1024xf32>
      tpu.vector_store %arg6[%swap3A_27, %swap3A_28], %broadcast_in_dim3A_26 {strides = array<i32>} : memref<1x1024xf32, #tpu.memory_space<vmem>>, vector<1x1024xf32>,
    } else {
    }
    %get3A = arith.constant 0 : index
    %get3A_2 = arith.constant 0 : index
    %get3A_3 = vector.load %arg3[%get3A, %get3A_2] : memref<16x4096xf32, #tpu.memory_space<vmem>>, vector<16x4096xf32>
    %convert_element_type3A_4 = arith.truncf %get3A_3 : vector<16x4096xf32> to vector<16x4096xbf16>
    %get3A_5 = arith.constant 0 : index
    %get3A_6 = arith.constant 0 : index
    %get3A_7 = vector.load %arg5[%get3A_5, %get3A_6] : memref<16x1024xbf16, #tpu.memory_space<vmem>>, vector<16x1024xbf16>
    %dot_general3A = arith.constant dense<0.000000e+00> : vector<4096x1024xf32>
    %dot_general3A_8 = tpu.matmul %convert_element_type3A_4, %get3A_7, %dot_general3A {dimension_numbers = #tpu.dot_dimension_numbers<[0], [0], [1], [1], [0, 1, 1, 1], [], []>, transpose_lhs_hint = false} : vector<16x4096xbf16>, vector<16x1024xbf16>, vector<4096x1024xf32> -> vector<4096x1024xf32>
    %lt3A = arith.constant 24 : i32
    %lt3A_9 = arith.cmpi slt, %arg0, %lt3A : i32
    %convert_element_type3A_10 = arith.extui %lt3A_9 : i1 to i32
    %cond3A_11 = arith.constant 0 : i32
    %cond3A_12 = arith.cmpi ne, %convert_element_type3A_10, %cond3A_11 : i32
    scf.if %cond3A_12 {
      %get3A_18 = arith.constant 0 : index
      %get3A_19 = arith.constant 0 : index
      %get3A_20 = vector.load %arg6[%get3A_18, %get3A_19] : memref<1x1024xf32, #tpu.memory_space<vmem>>, vector<1x1024xf32>
      %exp23A = math.exp2 %dot_general3A_8 : vector<4096x1024xf32>
      %reduce_sum3A = arith.constant dense<0.000000e+00> : vector<1024xf32>
      %reduce_sum3A_21 = vector.multi_reduction <add>, %exp23A, %reduce_sum3A [0] : vector<4096x1024xf32> to vector<1024xf32>
      %broadcast_in_dim3A = vector.shape_cast %reduce_sum3A_21 : vector<1024xf32> to vector<1x1024xf32>
      %add3A = arith.addf %get3A_20, %broadcast_in_dim3A : vector<1x1024xf32>
      %swap3A = arith.constant 0 : index
      %swap3A_22 = arith.constant 0 : index
      %swap3A_23 = vector.load %arg6[%swap3A, %swap3A_22] : memref<1x1024xf32, #tpu.memory_space<vmem>>, vector<1x1024xf32>
      tpu.vector_store %arg6[%swap3A, %swap3A_22], %add3A {strides = array<i32>} : memref<1x1024xf32, #tpu.memory_space<vmem>>, vector<1x1024xf32>,
    } else {
    }
    %eq3A_13 = arith.constant 24 : i32
    %eq3A_14 = arith.cmpi eq, %arg0, %eq3A_13 : i32
    %convert_element_type3A_15 = arith.extui %eq3A_14 : i1 to i32
    %cond3A_16 = arith.constant 0 : i32
    %cond3A_17 = arith.cmpi ne, %convert_element_type3A_15, %cond3A_16 : i32
    scf.if %cond3A_17 {
      %iota3A = tpu.iota {dimensions = array<i32: 0>} : vector<4096x1024xi32>
      %mul3A = arith.constant 4096 : i32
      %mul3A_18 = arith.muli %arg0, %mul3A : i32
      %add3A = vector.broadcast %mul3A_18 : i32 to vector<4096x1024xi32>
      %add3A_19 = arith.addi %iota3A, %add3A : vector<4096x1024xi32>
      %get3A_20 = arith.constant 0 : index
      %get3A_21 = arith.constant 0 : index
      %get3A_22 = vector.load %arg6[%get3A_20, %get3A_21] : memref<1x1024xf32, #tpu.memory_space<vmem>>, vector<1x1024xf32>
      %lt3A_23 = arith.constant 100000 : i32
      %lt3A_24 = vector.broadcast %lt3A_23 : i32 to vector<4096x1024xi32>
      %lt3A_25 = arith.cmpi slt, %add3A_19, %lt3A_24 : vector<4096x1024xi32>
      %jit3A = arith.constant -1.000000e+30 : f32
      %broadcast_in_dim3A = vector.broadcast %jit3A : f32 to vector<4096x1024xf32>
      %select_n3A = arith.select %lt3A_25, %dot_general3A_8, %broadcast_in_dim3A : vector<4096x1024xi1>, vector<4096x1024xf32>
      %exp23A = math.exp2 %select_n3A : vector<4096x1024xf32>
      %reduce_sum3A = arith.constant dense<0.000000e+00> : vector<1024xf32>
      %reduce_sum3A_26 = vector.multi_reduction <add>, %exp23A, %reduce_sum3A [0] : vector<4096x1024xf32> to vector<1024xf32>
      %broadcast_in_dim3A_27 = vector.shape_cast %reduce_sum3A_26 : vector<1024xf32> to vector<1x1024xf32>
      %add3A_28 = arith.addf %get3A_22, %broadcast_in_dim3A_27 : vector<1x1024xf32>
      %swap3A = arith.constant 0 : index
      %swap3A_29 = arith.constant 0 : index
      %swap3A_30 = vector.load %arg6[%swap3A, %swap3A_29] : memref<1x1024xf32, #tpu.memory_space<vmem>>, vector<1x1024xf32>
      tpu.vector_store %arg6[%swap3A, %swap3A_29], %add3A_28 {strides = array<i32>} : memref<1x1024xf32, #tpu.memory_space<vmem>>, vector<1x1024xf32>,
      %get3A_31 = arith.constant 0 : index
      %get3A_32 = arith.constant 0 : index
      %get3A_33 = vector.load %arg6[%get3A_31, %get3A_32] : memref<1x1024xf32, #tpu.memory_space<vmem>>, vector<1x1024xf32>
      %log3A = math.log %get3A_33 : vector<1x1024xf32>
      %get3A_34 = arith.constant 0 : index
      %get3A_35 = arith.constant 0 : index
      %get3A_36 = vector.load %arg1[%get3A_34, %get3A_35] : memref<16x1024xf32, #tpu.memory_space<vmem>>, vector<16x1024xf32>
      %get3A_37 = arith.constant 0 : index
      %get3A_38 = arith.constant 0 : index
      %get3A_39 = vector.load %arg2[%get3A_37, %get3A_38] : memref<16x1024xf32, #tpu.memory_space<vmem>>, vector<16x1024xf32>
      %mul3A_40 = arith.mulf %get3A_36, %get3A_39 : vector<16x1024xf32>
      %reduce_sum3A_41 = arith.constant dense<0.000000e+00> : vector<1024xf32>
      %reduce_sum3A_42 = vector.multi_reduction <add>, %mul3A_40, %reduce_sum3A_41 [0] : vector<16x1024xf32> to vector<1024xf32>
      %broadcast_in_dim3A_43 = vector.shape_cast %reduce_sum3A_42 : vector<1024xf32> to vector<1x1024xf32>
      %sub3A = arith.subf %log3A, %broadcast_in_dim3A_43 : vector<1x1024xf32>
      %reduce_sum3A_44 = vector.shape_cast %sub3A : vector<1x1024xf32> to vector<1x1x1024xf32>
      %reduce_sum3A_45 = arith.constant dense<0.000000e+00> : vector<1xf32>
      %reduce_sum3A_46 = vector.multi_reduction <add>, %reduce_sum3A_44, %reduce_sum3A_45 [1, 2] : vector<1x1x1024xf32> to vector<1xf32>
      %reduce_sum3A_47 = vector.shape_cast %reduce_sum3A_46 : vector<1xf32> to vector<1x1x1xf32>
      %reduce_sum3A_48 = vector.extract %reduce_sum3A_47[0, 0, 0] : f32 from vector<1x1x1xf32>
      %mul3A_49 = arith.constant 9.765625E-4 : f32
      %mul3A_50 = arith.mulf %reduce_sum3A_48, %mul3A_49 : f32
      %swap3A_51 = arith.constant 0 : index
      %swap3A_52 = arith.constant 0 : index
      %swap3A_53 = memref.load %arg4[%swap3A_51, %swap3A_52] : memref<1x1xf32, #tpu.memory_space<smem>>
      memref.store %mul3A_50, %arg4[%swap3A_51, %swap3A_52] : memref<1x1xf32, #tpu.memory_space<smem>>
    } else {
    }
    return
  }
  func.func @transform_0(%arg0: i32) -> (i32, i32) {
    %c0_i32 = arith.constant 0 : i32
    %c0_i32_0 = arith.constant 0 : i32
    %c0_i32_1 = arith.constant 0 : i32
    return %c0_i32, %c0_i32_0 : i32, i32
  }
  func.func @transform_1(%arg0: i32) -> (i32, i32) {
    %c0_i32 = arith.constant 0 : i32
    %c0_i32_0 = arith.constant 0 : i32
    %c0_i32_1 = arith.constant 0 : i32
    return %c0_i32, %c0_i32_0 : i32, i32
  }
  func.func @transform_2(%arg0: i32) -> (i32, i32) {
    %c0_i32 = arith.constant 0 : i32
    %c0_i32_0 = arith.constant 0 : i32
    return %c0_i32, %arg0 : i32, i32
  }
  func.func @transform_3(%arg0: i32) -> (i32, i32) {
    %c0_i32 = arith.constant 0 : i32
    %c0_i32_0 = arith.constant 0 : i32
    %c0_i32_1 = arith.constant 0 : i32
    return %c0_i32, %c0_i32_0 : i32, i32
  }
}

</mosaic_0001>

<sc_bundles>
// kernel: kernel.4.cloned.1.call-start
scs
__scs_entry_jumppad:
0x0: {  	(pc) =	sbr.rel $0x88, $3  }
0x1: {  	(tag) =	ssettag $0x0;
	lr =	simm.s32 $0x1  }
0x2: {  	[smem:$0x3F9D] =	sst lr;
	_ =	strace $0xD0000000  }
0x3: {  	_ = 	snop  }
0x4: {  	_ = 	snop  }
0x5: {  	_ = 	snop  }
0x6: {  	_ = 	snop  }
0x7: {  	_ = 	snop  }
__scs_overlays_trampoline_lowered:
0x8: {  	[smem:$0x3FAC] =	sst s0  }
0x9: {  	[smem:$0x3FAD] =	sst s1  }
0xa: {  	[smem:$0x3FAE] =	sst s2  }
0xb: {  	[smem:$0x3FAF] =	sst s3  }
0xc: {  	[smem:$0x3FB0] =	sst s4  }
0xd: {  	[smem:$0x3FB1] =	sst s5  }
0xe: {  	[smem:$0x3FB2] =	sst s6  }
0xf: {  	[smem:$0x3FB3] =	sst s7  }
0x10: {  	[smem:$0x3FB4] =	sst s8  }
0x11: {  	[smem:$0x3FB5] =	sst s9;
	s0 =	simm.s32 @!p0 $0x0  }
0x12: {  	s1 =	sld [smem:$0x3F9B];
	s0 =	simm.s32 @p0 $0x1  }
0x13: {  	[smem:$0x3FB6] =	sst s0;
	s0 =	simm.s32 @!p1 $0x0  }
0x14: {  	s2 =	sld [smem:$0x3F9A];
	s0 =	simm.s32 @p1 $0x1  }
0x15: {  	[smem:$0x3FB7] =	sst s0;
	s0 =	simm.s32 @!p2 $0x0  }
0x16: {  	s3 =	sld [smem:$0x3FDB];
	s0 =	simm.s32 @p2 $0x1  }
0x17: {  	s4 =	simm.s32 $0x1BF5;
	[smem:$0x3FB9] =	sst s0  }
0x18: {  	s0 =	sld [smem:$0x3F9C];
	_ =	swait.ge [sflag:s4], $0x0  }
0x19: {  	s7 =	sld [smem:$0x3F9D]  }
0x1a: {  	s8 =	sadd.s32 $0xFFFFE003, lr  }
0x1b: {  	s9 =	sadd.s32 $0xFFFFFEF7, lr;
	s5 =	simm.s32 $0xFFFFFFFF;
	p2 =	slt.u32 s8, $0xFFFFF086  }
0x1c: {  	p1 =	slt.u32 s9, $0xF7A;
	s5 =	simm.s32 @!p2 $0x0  }
0x1d: {  	s5 =	simm.s32 @p1 $0x1;
	p0 =	seq.s32 s7, s2  }
0x1e: {  	s7 =	smul.u32 @!p0 $0xF7A, s2;
	p2 =	seq.s32 @!p0 s5, $0x0  }
0x1f: {  	s9 =	smul.u32 $0xF7A, s1;
	s8 =	simm.s32 @!p0 $0x1BF5;
	p2 =	por !p2, p0  }
0x20: {  	[sflag:s8] =	ssyncset.s32 @!p0 $0xFFFFF086;
	s6 =	sadd.s32 @!p0 s3, s7;
	s7 =	simm.s32 @!p0 $0x108  }
0x21: {  	s3 =	sadd.s32 s3, s9;
	s6 =	sadd.s32 @!p0 $0x88, s6;
	s7 =	simm.s32 @p2 $0x1082  }
0x22: {  	[simem:s7], [sflag:s8] =	dma.local @!p0 [hbm:s6], $0xF7A  }
0x23: {  	s9 =	sor.u32 $0xD0000000, s2;
	s6 =	simm.s32 $0x108;
	_ =	swait.ge @!p0 [sflag:s8], $0x0  }
0x24: {  	s3 =	sadd.s32 $0x88, s3;
	s6 =	simm.s32 @!p1 $0x1082;
	[sflag:s4] =	ssyncset.s32 $0xFFFFF086  }
0x25: {  	[simem:s6], [sflag:s4] =	dma.local [hbm:s3], $0xF7A  }
0x26: {  	[smem:$0x3F9D] =	sst s1;
	(tag) =	ssettag s2;
	_ =	strace s9  }
0x27: {  	s1 =	sld [smem:$0x3FAD]  }
0x28: {  	s2 =	sld [smem:$0x3FAE]  }
0x29: {  	s4 =	sld [smem:$0x3FB0]  }
0x2a: {  	p0 =	seq.s32 s5, $0x0;
	s5 =	sld [smem:$0x3FB1]  }
0x2b: {  	s6 =	sld [smem:$0x3FB2]  }
0x2c: {  	s7 =	sld [smem:$0x3FB3]  }
0x2d: {  	s3 =	simm.s32 $0x108;
	s8 =	sld [smem:$0x3FB4]  }
0x2e: {  	s3 =	simm.s32 @!p0 $0x1082;
	s9 =	sld [smem:$0x3FB5]  }
0x2f: {  	lr =	sadd.s32 s0, s3;
	s0 =	sld [smem:$0x3FAC]  }
0x30: {  	s3 =	sld [smem:$0x3FAF]  }
0x31: {  	[smem:$0x3FB8] =	sst s10  }
0x32: {  	s10 =	sld [smem:$0x3FB6];
	_ =	sdelay $0x3  }
0x33: {  	p0 =	seq.s32 s10, $0x1;
	s10 =	sld [smem:$0x3FB8];
	_ =	sdelay $0x3  }
0x34: {  	[smem:$0x3FB8] =	sst s10  }
0x35: {  	s10 =	sld [smem:$0x3FB7];
	_ =	sdelay $0x3  }
0x36: {  	p1 =	seq.s32 s10, $0x1;
	s10 =	sld [smem:$0x3FB8];
	_ =	sdelay $0x3  }
0x37: {  	[smem:$0x3FB8] =	sst s10  }
0x38: {  	s10 =	sld [smem:$0x3FB9]  }
0x39: {  	_ = 	snop;
	(pc) =	sbr.ind lr, $3  }
0x3a: {  	_ = 	snop  }
0x3b: {  	_ = 	snop  }
0x3c: {  	p2 =	seq.s32 s10, $0x1;
	s10 =	sld [smem:$0x3FB8]  }
0x3d: {  	_ =	shalt  }
0x3e: {  	_ =	shalt  }
0x3f: {  	_ =	shalt  }
0x40: {  	_ =	shalt  }
0x41: {  	_ =	shalt  }
0x42: {  	_ =	shalt  }
0x43: {  	_ =	shalt  }
0x44: {  	_ =	shalt  }
0x45: {  	_ =	shalt  }
0x46: {  	_ =	shalt  }
0x47: {  	_ =	shalt  }
0x48: {  	_ =	shalt  }
0x49: {  	_ =	shalt  }
0x4a: {  	_ =	shalt  }
0x4b: {  	_ =	shalt  }
0x4c: {  	_ =	shalt  }
0x4d: {  	_ =	shalt  }
0x4e: {  	_ =	shalt  }
0x4f: {  	_ =	shalt  }
0x50: {  	_ =	shalt  }
0x51: {  	_ =	shalt  }
0x52: {  	_ =	shalt  }
0x53: {  	_ =	shalt  }
0x54: {  	_ =	shalt  }
0x55: {  	_ =	shalt  }
0x56: {  	_ =	shalt  }
0x57: {  	_ =	shalt  }
0x58: {  	_ =	shalt  }
0x59: {  	_ =	shalt  }
0x5a: {  	_ =	shalt  }
0x5b: {  	_ =	shalt  }
0x5c: {  	_ =	shalt  }
0x5d: {  	_ =	shalt  }
0x5e: {  	_ =	shalt  }
0x5f: {  	_ =	shalt  }
0x60: {  	_ =	shalt  }
0x61: {  	_ =	shalt  }
0x62: {  	_ =	shalt  }
0x63: {  	_ =	shalt  }
0x64: {  	_ =	shalt  }
0x65: {  	_ =	shalt  }
0x66: {  	_ =	shalt  }
0x67: {  	_ =	shalt  }
0x68: {  	_ =	shalt  }
0x69: {  	_ =	shalt  }
0x6a: {  	_ =	shalt  }
0x6b: {  	_ =	shalt  }
0x6c: {  	_ =	shalt  }
0x6d: {  	_ =	shalt  }
0x6e: {  	_ =	shalt  }
0x6f: {  	_ =	shalt  }
0x70: {  	_ =	shalt  }
0x71: {  	_ =	shalt  }
0x72: {  	_ =	shalt  }
0x73: {  	_ =	shalt  }
0x74: {  	_ =	shalt  }
0x75: {  	_ =	shalt  }
0x76: {  	_ =	shalt  }
0x77: {  	_ =	shalt  }
0x78: {  	_ =	shalt  }
0x79: {  	_ =	shalt  }
0x7a: {  	_ =	shalt  }
0x7b: {  	_ =	shalt  }
0x7c: {  	_ =	shalt  }
0x7d: {  	_ =	shalt  }
0x7e: {  	_ =	shalt  }
0x7f: {  	_ =	shalt  }
0x80: {  	_ =	shalt  }
0x81: {  	_ =	shalt  }
0x82: {  	_ =	shalt  }
0x83: {  	_ =	shalt  }
0x84: {  	_ =	shalt  }
0x85: {  	_ =	shalt  }
0x86: {  	_ =	shalt  }
0x87: {  	_ =	shalt  }
.Lfunc_end0:
.L_simem_size_0:
called_computation_lowered:
.L_overlay_start_0:
0x88: {  	s2 =	sld [smem:$0x3FD9]  }
0x89: {  	s3 =	sld [smem:$0x3FFE];
	_ =	sdelay $0x1  }
0x8a: {  	s1 =	srdreg.scid  }
0x8b: {  	s0 =	sand.u32 $0x1, s1  }
0x8c: {  	s17 =	sshll.u32 s0, $0xA;
	s2 =	sadd.s32 s3, s2  }
0x8d: {  	s2 =	sadd.s32 s2, s17  }
0x8e: {  	[smem:$0x3FC4] =	sst s2  }
0x8f: {  	_ = 	snop  }
0x90: {  	s2 =	sld [smem:$0x3FC8];
	(tm) =	ssettm $0x1  }
0x91: {  	s18 =	sld [smem:$0x3FFB];
	_ =	sdelay $0x3  }
0x92: {  	_ =	strace s18  }
0x93: {  	s3 =	sld [smem:$0x3FFC];
	_ =	sdelay $0x3  }
0x94: {  	_ =	strace s3  }
0x95: {  	s3 =	sld [smem:$0x3FFD];
	_ =	sdelay $0x3  }
0x96: {  	_ =	strace s3  }
0x97: {  	_ =	strace $0x8FFFFFFF  }
0x98: {  	s19 =	sld [smem:$0x3FDB];
	_ =	sdelay $0x1  }
0x99: {  	s4 =	simm.s32 $_scs_section_size  }
0x9a: {  	s5 =	simm.s32 $_size__tile_overlayer_lowered;
	s6 =	simm.s32 $_tile_overlayer_lowered  }
0x9b: {  	s22 =	simm.s32 $0x1BFF;
	s21 =	sshll.u32 s6, $0x1;
	s3 =	sadd.s32 s4, s19  }
0x9c: {  	s7 =	simm.s32 $0x0;
	s20 =	sshll.u32 s5, $0x1;
	s5 =	sadd.s32 s21, s3  }
0x9d: {  	[timem:s7], [sflag:s22] =	dma.local [hbm:s5], s20  }
0x9e: {  	_ =	swait.ge [sflag:s22], s20  }
0x9f: {  	s4 =	ssub.s32 $0x0, s20;
	[sflag:s22] =	ssyncset.done $0x0  }
0xa0: {  	[sflag:s22] =	ssyncadd.s32 s4;
	_ =	sdelay $0x1  }
0xa1: {  	s23 =	simm.s32 $0x1B8B  }
0xa2: {  	_ =	swait.ge [sflag:s23], $0x1  }
0xa3: {  	[sflag:s23] =	ssyncset.done $0x0  }
0xa4: {  	s25 =	simm.s32 $0x1B8E;
	s24 =	sld [smem:$0x3FFE];
	[sflag:s23] =	ssyncadd.s32 $0xFFFFFFFF  }
0xa5: {  	s26 =	simm.s32 $execute0_lowered;
	[smem:$0x3FD2] =	sst s25  }
0xa6: {  	s5 =	sshll.u32 s26, $0x1;
	_ =	strace $0x80000046;
	[dreg:$0x1] =	wrdreg $0xFFFFFFFF  }
0xa7: {  	s28 =	simm.s32 $_size_execute0_lowered;
	s3 =	sadd.s32 s3, s5;
	[dreg:$0x0] =	wrdreg $0x0  }
0xa8: {  	s5 =	sshll.u32 s28, $0x1;
	[dreg:$0x2] =	wrdreg s3  }
0xa9: {  	[dreg:$0x3] =	wrdreg s5  }
0xaa: {  	[dreg:$0x4] =	wrdreg $0xC0  }
0xab: {  	_ =	task [dreg:s7], $0x5FFFF  }
0xac: {  	[dreg:$0x1] =	wrdreg $0xFFFFFFFF  }
0xad: {  	[dreg:$0x0] =	wrdreg $0x60  }
0xae: {  	[dreg:$0x2] =	wrdreg s24  }
0xaf: {  	[dreg:$0x3] =	wrdreg s2  }
0xb0: {  	[dreg:$0x4] =	wrdreg $0x9  }
0xb1: {  	_ =	task.clear_ibuf [dreg:s7], $0x5FFFF;
	_ =	strace $0x90000046  }
0xb2: {  	s29 =	simm.s32 $0x9;
	_ =	strace $0x80000048  }
0xb3: {  	_ =	swait.ge [sflag:s29], $0x1  }
0xb4: {  	[sflag:s29] =	ssyncadd.s32 $0xFFFFFFFF  }
0xb5: {  	_ =	strace $0x90000048  }
0xb6: {  	_ =	sfence  }
0xb7: {  	s30 =	sld [smem:$0x0];
	_ =	sdelay $0x2  }
0xb8: {  	s31 =	sshll.u32 s1, $0xD;
	s1 =	sshrl.u32 s1, $0x2  }
0xb9: {  	s3 =	sand.u32 $0x4000, s31;
	s1 =	sadd.s32 s1, s30  }
0xba: {  	s0 =	sor.u32 s3, s0;
	s1 =	sshll.u32 s1, $0x11  }
0xbb: {  	s0 =	sor.u32 s1, s0  }
0xbc: {  	s0 =	sadd.s32 $0x8F2B, s0  }
0xbd: {  	[sflag:s0] =	ssyncadd.remote.s32 $0x1  }
0xbe: {  	_ =	sfence.sel $0xFFFF  }
0xbf: {  	[dreg:$0x0] =	wrdreg $0xFFFFFFFF;
	(pc) =	sbr.abs _section_cstart, $3  }
0xc0: {  	[dreg:$0x1] =	wrdreg $0xFFFFFFFF  }
0xc1: {  	_ =	task.clear_ibuf [dreg:s7], $0x2FFFF;
	_ =	strace $0x9FFFFFFF  }
0xc2: {  	(tm) =	ssettm $0x7FFFFFFF  }
0xc3: {  	_ =	shalt  }
tec
execute0_lowered:
.L_overlay_start_1:
0x0: {  	(tag) =	ssettag $0x1  }
0x1: {  	s0 =	rddreg [dreg:$0x0]  }
0x2: {  	s1 =	srdreg.scid;
	s2 =	stileid.u32  }
0x3: {  	s4 =	rddreg [dreg:$0x1];
	s29 =	simm.s32 $0x200;
	s31 =	simm.s32 $0x20  }
0x4: {  	s1 =	sand.u32 $0x1, s1;
	s3 =	sshll.u32 s2, $0x1;
	s2 =	simm.s32 $0x0  }
0x5: {  	s18 =	sadd.s32 $0x1A00, s0;
	s19 =	sadd.s32 $0x32800, s0;
	s22 =	sadd.s32 $0x4AD4, s0  }
0x6: {  	s23 =	sadd.s32 $0x358D4, s0;
	s9 =	sadd.s32 $0x7BA8, s0;
	s24 =	sadd.s32 $0x389A8, s0  }
0x7: {  	s11 =	sadd.s32 $0xAC7C, s0;
	s25 =	sadd.s32 $0x3BA7C, s0;
	[smem:$0x7FF] =	sst s2  }
0x8: {  	s13 =	sadd.s32 $0xDD50, s0;
	_ =	strace $0x80000047;
	[dreg:$0x3] =	wrdreg s18  }
0x9: {  	s26 =	sadd.s32 $0x3EB50, s0;
	s15 =	sadd.s32 $0x10E24, s0;
	[dreg:$0x4] =	wrdreg s19  }
0xa: {  	s17 =	sadd.s32 $0x13EF8, s0;
	s12 =	sadd.s32 $0x51048, s0;
	[dreg:$0x7] =	wrdreg s22  }
0xb: {  	s28 =	sadd.s32 $0x2331C, s0;
	s14 =	sadd.s32 $0x5411C, s0;
	[dreg:$0x8] =	wrdreg s23  }
0xc: {  	s30 =	sadd.s32 $0x263F0, s0;
	s16 =	sadd.s32 $0x571F0, s0;
	[dreg:$0x9] =	wrdreg s24  }
0xd: {  	s5 =	sor.u32 s1, s3;
	s1 =	ssub.s32 $0x2, s1;
	[dreg:$0xa] =	wrdreg s25  }
0xe: {  	s3 =	smul.u32 $0x50, s5;
	s7 =	sshll.u32 s5, $0x8;
	[dreg:$0xb] =	wrdreg s26  }
0xf: {  	s8 =	sshrl.u32 s1, $0x1;
	s20 =	sshll.u32 s5, $0x2;
	[dreg:$0x11] =	wrdreg s12  }
0x10: {  	s19 =	sadd.s32 $0x16FCC, s0;
	s5 =	sadd.s32 $0x47DCC, s0;
	[dreg:$0x12] =	wrdreg s14  }
0x11: {  	s23 =	sadd.s32 $0x1D174, s0;
	s25 =	sadd.s32 $0x20248, s0;
	[dreg:$0x13] =	wrdreg s16  }
0x12: {  	s18 =	sadd.s32 $0x5A2C4, s0;
	s16 =	simm.s32 $0x2;
	s10 =	sadd.s32 s7, s0  }
0x13: {  	s8 =	ssub.s32 s1, s8;
	s1 =	sadd.s32 s4, s20;
	[dreg:$0xe] =	wrdreg s5  }
0x14: {  	s4 =	sadd.s32 $0x44CF8, s0;
	s7 =	sadd.s32 $0x4DF74, s0;
	[dreg:$0x14] =	wrdreg s18  }
0x15: {  	s20 =	sadd.s32 $0x5D398, s0;
	s18 =	simm.s32 $0x280;
	[dreg:$0x6] =	wrdreg s1  }
0x16: {  	v0 =	vlaneseq.u32;
	s5 =	simm.s32 $0x3300;
	s6 =	sadd.s32 s3, s0;
	[dreg:$0xd] =	wrdreg s4  }
0x17: {  	v1 =	vmul.u32 $0x14, v0;
	s3 =	sadd.s32 $0x41C24, s0;
	[dreg:$0x10] =	wrdreg s7;
	s1 =	sadd.s32 $0x294C4, s0  }
0x18: {  	s4 =	sadd.s32 $0x2C598, s0;
	[dreg:$0x15] =	wrdreg s20;
	s22 =	sadd.s32 $0x63600, s10  }
0x19: {  	v2 =	vor.u32 $0x1, v1;
	s24 =	sadd.s32 $0x65600, s10;
	s26 =	smax.u32 s8, $0x1;
	[dreg:$0xc] =	wrdreg s3  }
0x1a: {  	v3 =	vor.u32 $0x2, v1;
	v4 =	vor.u32 $0x3, v1;
	v5 =	vadd.s32 $0x4, v1;
	s20 =	simm.s32 $0x80;
	s10 =	simm.s32 $0x2B00;
	[dreg:$0x17] =	wrdreg s22  }
0x1b: {  	v6 =	vadd.s32 $0x5, v1;
	v7 =	vadd.s32 $0x6, v1;
	v8 =	vadd.s32 $0x7, v1;
	s8 =	simm.s32 $0x0;
	s21 =	sadd.s32 $0x1000, s6;
	[dreg:$0x18] =	wrdreg s24  }
0x1c: {  	v9 =	vadd.s32 $0x8, v1;
	v10 =	vadd.s32 $0x9, v1;
	v11 =	vadd.s32 $0xA, v1;
	s6 =	sadd.s32 $0x4AEA0, s0;
	[dreg:$0x19] =	wrdreg s26;
	s22 =	simm.s32 $0x300  }
0x1d: {  	v12 =	vadd.s32 $0xB, v1;
	v13 =	vadd.s32 $0xC, v1;
	v14 =	vadd.s32 $0xD, v1;
	s24 =	simm.s32 $0x100;
	[dreg:$0x5] =	wrdreg s21;
	s21 =	sadd.s32 $0x1A0A0, s0  }
0x1e: {  	v15 =	vadd.s32 $0xE, v1;
	v16 =	vadd.s32 $0xF, v1;
	v17 =	vadd.s32 $0x10, v1;
	[dreg:$0xf] =	wrdreg s6;
	s6 =	sadd.s32 $0x2F66C, s0;
	s0 =	sadd.s32 $0x6046C, s0  }
0x1f: {  	v18 =	vadd.s32 $0x11, v1;
	v19 =	vadd.s32 $0x12, v1;
	v20 =	vadd.s32 $0x13, v1;
	s26 =	simm.s32 $0x180;
	[dreg:$0x16] =	wrdreg s0;
	s0 =	simm.s32 $0x1  }
.LBB2_1:
0x20: {  	s3 =	rddreg [dreg:$0x5]  }
0x21: {  	[tilespmem:s2], [sflag:$0x2] =	stream.linear.gather [hbm4b:s3+s2], $0x280, $0x38;
	[tilespmem:$0x3B00] =	vst v63  }
0x22: {  	_ =	swait.ge [sflag:s16], $0x280  }
0x23: {  	[sflag:s16] =	ssyncset.done $0x0  }
0x24: {  	s12 =	rddreg [dreg:$0x6];
	[sflag:s16] =	ssyncadd.s32 $0xFFFFFD80  }
0x25: {  	[tilespmem:s18], [sflag:$0x2] =	stream.linear.gather [hbm4b:s12+s2], $0x20, $0x38;
	[tilespmem:$0x3B00] =	vst v63  }
0x26: {  	_ =	swait.ge [sflag:s16], $0x20  }
0x27: {  	[sflag:s16] =	ssyncset.done $0x0  }
0x28: {  	s3 =	rddreg [dreg:$0x3];
	[sflag:s16] =	ssyncadd.s32 $0xFFFFFFE0  }
0x29: {  	[tilespmem:s22], [sflag:$0x1] =	stream.indirect.gather [hbm4b:s3+s20], $0x1, s2, s20, $0xb8;
	[tilespmem:$0x3B00] =	vst v63  }
0x2a: {  	s7 =	simm.s32 $0x700  }
0x2b: {  	[tilespmem:s7], [sflag:$0x1] =	stream.indirect.gather [hbm4b:s3+s20], $0x1, s20, s20, $0xb8;
	[tilespmem:$0x3B00] =	vst v63  }
0x2c: {  	s14 =	simm.s32 $0xB00  }
0x2d: {  	[tilespmem:s14], [sflag:$0x1] =	stream.indirect.gather [hbm4b:s3+s20], $0x1, s24, s20, $0xb8;
	[tilespmem:$0x3B00] =	vst v63  }
0x2e: {  	s12 =	simm.s32 $0xF00  }
0x2f: {  	[tilespmem:s12], [sflag:$0x1] =	stream.indirect.gather [hbm4b:s3+s20], $0x1, s26, s20, $0xb8;
	[tilespmem:$0x3B00] =	vst v63  }
0x30: {  	s14 =	simm.s32 $0x1300  }
0x31: {  	[tilespmem:s14], [sflag:$0x1] =	stream.indirect.gather [hbm4b:s3+s20], $0x1, s29, s20, $0xb8;
	[tilespmem:$0x3B00] =	vst v63  }
0x32: {  	s12 =	rddreg [dreg:$0x4]  }
0x33: {  	[tilespmem:s10], [sflag:$0x1] =	stream.indirect.gather [hbm4b:s12+s31], $0x1, s18, s31, $0xb8;
	[tilespmem:$0x3B00] =	vst v63  }
0x34: {  	s3 =	rddreg [dreg:$0x7];
	s14 =	simm.s32 $0x380  }
0x35: {  	[tilespmem:s14], [sflag:$0x1] =	stream.indirect.gather [hbm4b:s3+s20], $0x1, s2, s20, $0xb8;
	[tilespmem:$0x3B00] =	vst v63  }
0x36: {  	s10 =	simm.s32 $0x780  }
0x37: {  	[tilespmem:s10], [sflag:$0x1] =	stream.indirect.gather [hbm4b:s3+s20], $0x1, s20, s20, $0xb8;
	[tilespmem:$0x3B00] =	vst v63  }
0x38: {  	s12 =	simm.s32 $0xB80  }
0x39: {  	[tilespmem:s12], [sflag:$0x1] =	stream.indirect.gather [hbm4b:s3+s20], $0x1, s24, s20, $0xb8;
	[tilespmem:$0x3B00] =	vst v63  }
0x3a: {  	s14 =	simm.s32 $0xF80  }
0x3b: {  	[tilespmem:s14], [sflag:$0x1] =	stream.indirect.gather [hbm4b:s3+s20], $0x1, s26, s20, $0xb8;
	[tilespmem:$0x3B00] =	vst v63  }
0x3c: {  	s10 =	simm.s32 $0x1380  }
0x3d: {  	[tilespmem:s10], [sflag:$0x1] =	stream.indirect.gather [hbm4b:s3+s20], $0x1, s29, s20, $0xb8;
	[tilespmem:$0x3B00] =	vst v63  }
0x3e: {  	s12 =	rddreg [dreg:$0x8];
	s14 =	simm.s32 $0x2B80  }
0x3f: {  	[tilespmem:s14], [sflag:$0x1] =	stream.indirect.gather [hbm4b:s12+s31], $0x1, s18, s31, $0xb8;
	[tilespmem:$0x3B00] =	vst v63  }
0x40: {  	s10 =	simm.s32 $0x400  }
0x41: {  	[tilespmem:s10], [sflag:$0x1] =	stream.indirect.gather [hbm4b:s9+s20], $0x1, s2, s20, $0xb8;
	[tilespmem:$0x3B00] =	vst v63  }
0x42: {  	s12 =	simm.s32 $0x800  }
0x43: {  	[tilespmem:s12], [sflag:$0x1] =	stream.indirect.gather [hbm4b:s9+s20], $0x1, s20, s20, $0xb8;
	[tilespmem:$0x3B00] =	vst v63  }
0x44: {  	s14 =	simm.s32 $0xC00  }
0x45: {  	[tilespmem:s14], [sflag:$0x1] =	stream.indirect.gather [hbm4b:s9+s20], $0x1, s24, s20, $0xb8;
	[tilespmem:$0x3B00] =	vst v63  }
0x46: {  	s7 =	simm.s32 $0x1000  }
0x47: {  	[tilespmem:s7], [sflag:$0x1] =	stream.indirect.gather [hbm4b:s9+s20], $0x1, s26, s20, $0xb8;
	[tilespmem:$0x3B00] =	vst v63  }
0x48: {  	s10 =	simm.s32 $0x1400  }
0x49: {  	[tilespmem:s10], [sflag:$0x1] =	stream.indirect.gather [hbm4b:s9+s20], $0x1, s29, s20, $0xb8;
	[tilespmem:$0x3B00] =	vst v63  }
0x4a: {  	s12 =	rddreg [dreg:$0x9];
	s14 =	simm.s32 $0x2C00  }
0x4b: {  	[tilespmem:s14], [sflag:$0x1] =	stream.indirect.gather [hbm4b:s12+s31], $0x1, s18, s31, $0xb8;
	[tilespmem:$0x3B00] =	vst v63  }
0x4c: {  	s10 =	simm.s32 $0x480  }
0x4d: {  	[tilespmem:s10], [sflag:$0x1] =	stream.indirect.gather [hbm4b:s11+s20], $0x1, s2, s20, $0xb8;
	[tilespmem:$0x3B00] =	vst v63  }
0x4e: {  	s12 =	simm.s32 $0x880  }
0x4f: {  	[tilespmem:s12], [sflag:$0x1] =	stream.indirect.gather [hbm4b:s11+s20], $0x1, s20, s20, $0xb8;
	[tilespmem:$0x3B00] =	vst v63  }
0x50: {  	s14 =	simm.s32 $0xC80  }
0x51: {  	[tilespmem:s14], [sflag:$0x1] =	stream.indirect.gather [hbm4b:s11+s20], $0x1, s24, s20, $0xb8;
	[tilespmem:$0x3B00] =	vst v63  }
0x52: {  	s7 =	simm.s32 $0x1080  }
0x53: {  	[tilespmem:s7], [sflag:$0x1] =	stream.indirect.gather [hbm4b:s11+s20], $0x1, s26, s20, $0xb8;
	[tilespmem:$0x3B00] =	vst v63  }
0x54: {  	s10 =	simm.s32 $0x1480  }
0x55: {  	[tilespmem:s10], [sflag:$0x1] =	stream.indirect.gather [hbm4b:s11+s20], $0x1, s29, s20, $0xb8;
	[tilespmem:$0x3B00] =	vst v63  }
0x56: {  	s12 =	rddreg [dreg:$0xa];
	s14 =	simm.s32 $0x2C80  }
0x57: {  	[tilespmem:s14], [sflag:$0x1] =	stream.indirect.gather [hbm4b:s12+s31], $0x1, s18, s31, $0xb8;
	[tilespmem:$0x3B00] =	vst v63  }
0x58: {  	s10 =	simm.s32 $0x500  }
0x59: {  	[tilespmem:s10], [sflag:$0x1] =	stream.indirect.gather [hbm4b:s13+s20], $0x1, s2, s20, $0xb8;
	[tilespmem:$0x3B00] =	vst v63  }
0x5a: {  	s12 =	simm.s32 $0x900  }
0x5b: {  	[tilespmem:s12], [sflag:$0x1] =	stream.indirect.gather [hbm4b:s13+s20], $0x1, s20, s20, $0xb8;
	[tilespmem:$0x3B00] =	vst v63  }
0x5c: {  	s14 =	simm.s32 $0xD00  }
0x5d: {  	[tilespmem:s14], [sflag:$0x1] =	stream.indirect.gather [hbm4b:s13+s20], $0x1, s24, s20, $0xb8;
	[tilespmem:$0x3B00] =	vst v63  }
0x5e: {  	s7 =	simm.s32 $0x1100  }
0x5f: {  	[tilespmem:s7], [sflag:$0x1] =	stream.indirect.gather [hbm4b:s13+s20], $0x1, s26, s20, $0xb8;
	[tilespmem:$0x3B00] =	vst v63  }
0x60: {  	s10 =	simm.s32 $0x1500  }
0x61: {  	[tilespmem:s10], [sflag:$0x1] =	stream.indirect.gather [hbm4b:s13+s20], $0x1, s29, s20, $0xb8;
	[tilespmem:$0x3B00] =	vst v63  }
0x62: {  	s12 =	rddreg [dreg:$0xb];
	s14 =	simm.s32 $0x2D00  }
0x63: {  	[tilespmem:s14], [sflag:$0x1] =	stream.indirect.gather [hbm4b:s12+s31], $0x1, s18, s31, $0xb8;
	[tilespmem:$0x3B00] =	vst v63  }
0x64: {  	s10 =	simm.s32 $0x580  }
0x65: {  	[tilespmem:s10], [sflag:$0x1] =	stream.indirect.gather [hbm4b:s15+s20], $0x1, s2, s20, $0xb8;
	[tilespmem:$0x3B00] =	vst v63  }
0x66: {  	s12 =	simm.s32 $0x980  }
0x67: {  	[tilespmem:s12], [sflag:$0x1] =	stream.indirect.gather [hbm4b:s15+s20], $0x1, s20, s20, $0xb8;
	[tilespmem:$0x3B00] =	vst v63  }
0x68: {  	s14 =	simm.s32 $0xD80  }
0x69: {  	[tilespmem:s14], [sflag:$0x1] =	stream.indirect.gather [hbm4b:s15+s20], $0x1, s24, s20, $0xb8;
	[tilespmem:$0x3B00] =	vst v63  }
0x6a: {  	s7 =	simm.s32 $0x1180  }
0x6b: {  	[tilespmem:s7], [sflag:$0x1] =	stream.indirect.gather [hbm4b:s15+s20], $0x1, s26, s20, $0xb8;
	[tilespmem:$0x3B00] =	vst v63  }
0x6c: {  	s10 =	simm.s32 $0x1580  }
0x6d: {  	[tilespmem:s10], [sflag:$0x1] =	stream.indirect.gather [hbm4b:s15+s20], $0x1, s29, s20, $0xb8;
	[tilespmem:$0x3B00] =	vst v63  }
0x6e: {  	s12 =	rddreg [dreg:$0xc];
	s14 =	simm.s32 $0x2D80  }
0x6f: {  	[tilespmem:s14], [sflag:$0x1] =	stream.indirect.gather [hbm4b:s12+s31], $0x1, s18, s31, $0xb8;
	[tilespmem:$0x3B00] =	vst v63  }
0x70: {  	s10 =	simm.s32 $0x600  }
0x71: {  	[tilespmem:s10], [sflag:$0x1] =	stream.indirect.gather [hbm4b:s17+s20], $0x1, s2, s20, $0xb8;
	[tilespmem:$0x3B00] =	vst v63  }
0x72: {  	s12 =	simm.s32 $0xA00  }
0x73: {  	[tilespmem:s12], [sflag:$0x1] =	stream.indirect.gather [hbm4b:s17+s20], $0x1, s20, s20, $0xb8;
	[tilespmem:$0x3B00] =	vst v63  }
0x74: {  	s14 =	simm.s32 $0xE00  }
0x75: {  	[tilespmem:s14], [sflag:$0x1] =	stream.indirect.gather [hbm4b:s17+s20], $0x1, s24, s20, $0xb8;
	[tilespmem:$0x3B00] =	vst v63  }
0x76: {  	s7 =	simm.s32 $0x1200  }
0x77: {  	[tilespmem:s7], [sflag:$0x1] =	stream.indirect.gather [hbm4b:s17+s20], $0x1, s26, s20, $0xb8;
	[tilespmem:$0x3B00] =	vst v63  }
0x78: {  	s10 =	simm.s32 $0x1600  }
0x79: {  	[tilespmem:s10], [sflag:$0x1] =	stream.indirect.gather [hbm4b:s17+s20], $0x1, s29, s20, $0xb8;
	[tilespmem:$0x3B00] =	vst v63  }
0x7a: {  	s12 =	rddreg [dreg:$0xd];
	s14 =	simm.s32 $0x2E00  }
0x7b: {  	[tilespmem:s14], [sflag:$0x1] =	stream.indirect.gather [hbm4b:s12+s31], $0x1, s18, s31, $0xb8;
	[tilespmem:$0x3B00] =	vst v63  }
0x7c: {  	s10 =	simm.s32 $0x680  }
0x7d: {  	[tilespmem:s10], [sflag:$0x1] =	stream.indirect.gather [hbm4b:s19+s20], $0x1, s2, s20, $0xb8;
	[tilespmem:$0x3B00] =	vst v63  }
0x7e: {  	s12 =	simm.s32 $0xA80  }
0x7f: {  	[tilespmem:s12], [sflag:$0x1] =	stream.indirect.gather [hbm4b:s19+s20], $0x1, s20, s20, $0xb8;
	[tilespmem:$0x3B00] =	vst v63  }
0x80: {  	s14 =	simm.s32 $0xE80  }
0x81: {  	[tilespmem:s14], [sflag:$0x1] =	stream.indirect.gather [hbm4b:s19+s20], $0x1, s24, s20, $0xb8;
	[tilespmem:$0x3B00] =	vst v63  }
0x82: {  	s7 =	simm.s32 $0x1280  }
0x83: {  	[tilespmem:s7], [sflag:$0x1] =	stream.indirect.gather [hbm4b:s19+s20], $0x1, s26, s20, $0xb8;
	[tilespmem:$0x3B00] =	vst v63  }
0x84: {  	s10 =	simm.s32 $0x1680  }
0x85: {  	[tilespmem:s10], [sflag:$0x1] =	stream.indirect.gather [hbm4b:s19+s20], $0x1, s29, s20, $0xb8;
	[tilespmem:$0x3B00] =	vst v63  }
0x86: {  	s12 =	rddreg [dreg:$0xe];
	s14 =	simm.s32 $0x2E80  }
0x87: {  	[tilespmem:s14], [sflag:$0x1] =	stream.indirect.gather [hbm4b:s12+s31], $0x1, s18, s31, $0xb8;
	[tilespmem:$0x3B00] =	vst v63  }
0x88: {  	s10 =	simm.s32 $0x1700  }
0x89: {  	[tilespmem:s10], [sflag:$0x1] =	stream.indirect.gather [hbm4b:s21+s20], $0x1, s2, s20, $0xb8;
	[tilespmem:$0x3B00] =	vst v63  }
0x8a: {  	s12 =	simm.s32 $0x1B00  }
0x8b: {  	[tilespmem:s12], [sflag:$0x1] =	stream.indirect.gather [hbm4b:s21+s20], $0x1, s20, s20, $0xb8;
	[tilespmem:$0x3B00] =	vst v63  }
0x8c: {  	s14 =	simm.s32 $0x1F00  }
0x8d: {  	[tilespmem:s14], [sflag:$0x1] =	stream.indirect.gather [hbm4b:s21+s20], $0x1, s24, s20, $0xb8;
	[tilespmem:$0x3B00] =	vst v63  }
0x8e: {  	s7 =	simm.s32 $0x2300  }
0x8f: {  	[tilespmem:s7], [sflag:$0x1] =	stream.indirect.gather [hbm4b:s21+s20], $0x1, s26, s20, $0xb8;
	[tilespmem:$0x3B00] =	vst v63  }
0x90: {  	s10 =	simm.s32 $0x2700  }
0x91: {  	[tilespmem:s10], [sflag:$0x1] =	stream.indirect.gather [hbm4b:s21+s20], $0x1, s29, s20, $0xb8;
	[tilespmem:$0x3B00] =	vst v63  }
0x92: {  	s12 =	rddreg [dreg:$0xf];
	s14 =	simm.s32 $0x2F00  }
0x93: {  	[tilespmem:s14], [sflag:$0x1] =	stream.indirect.gather [hbm4b:s12+s31], $0x1, s18, s31, $0xb8;
	[tilespmem:$0x3B00] =	vst v63  }
0x94: {  	s10 =	simm.s32 $0x1780  }
0x95: {  	[tilespmem:s10], [sflag:$0x1] =	stream.indirect.gather [hbm4b:s23+s20], $0x1, s2, s20, $0xb8;
	[tilespmem:$0x3B00] =	vst v63  }
0x96: {  	s12 =	simm.s32 $0x1B80  }
0x97: {  	[tilespmem:s12], [sflag:$0x1] =	stream.indirect.gather [hbm4b:s23+s20], $0x1, s20, s20, $0xb8;
	[tilespmem:$0x3B00] =	vst v63  }
0x98: {  	s14 =	simm.s32 $0x1F80  }
0x99: {  	[tilespmem:s14], [sflag:$0x1] =	stream.indirect.gather [hbm4b:s23+s20], $0x1, s24, s20, $0xb8;
	[tilespmem:$0x3B00] =	vst v63  }
0x9a: {  	s7 =	simm.s32 $0x2380  }
0x9b: {  	[tilespmem:s7], [sflag:$0x1] =	stream.indirect.gather [hbm4b:s23+s20], $0x1, s26, s20, $0xb8;
	[tilespmem:$0x3B00] =	vst v63  }
0x9c: {  	s10 =	simm.s32 $0x2780  }
0x9d: {  	[tilespmem:s10], [sflag:$0x1] =	stream.indirect.gather [hbm4b:s23+s20], $0x1, s29, s20, $0xb8;
	[tilespmem:$0x3B00] =	vst v63  }
0x9e: {  	s12 =	rddreg [dreg:$0x10];
	s14 =	simm.s32 $0x2F80  }
0x9f: {  	[tilespmem:s14], [sflag:$0x1] =	stream.indirect.gather [hbm4b:s12+s31], $0x1, s18, s31, $0xb8;
	[tilespmem:$0x3B00] =	vst v63  }
0xa0: {  	s10 =	simm.s32 $0x1800  }
0xa1: {  	[tilespmem:s10], [sflag:$0x1] =	stream.indirect.gather [hbm4b:s25+s20], $0x1, s2, s20, $0xb8;
	[tilespmem:$0x3B00] =	vst v63  }
0xa2: {  	s12 =	simm.s32 $0x1C00  }
0xa3: {  	[tilespmem:s12], [sflag:$0x1] =	stream.indirect.gather [hbm4b:s25+s20], $0x1, s20, s20, $0xb8;
	[tilespmem:$0x3B00] =	vst v63  }
0xa4: {  	s14 =	simm.s32 $0x2000  }
0xa5: {  	[tilespmem:s14], [sflag:$0x1] =	stream.indirect.gather [hbm4b:s25+s20], $0x1, s24, s20, $0xb8;
	[tilespmem:$0x3B00] =	vst v63  }
0xa6: {  	s7 =	simm.s32 $0x2400  }
0xa7: {  	[tilespmem:s7], [sflag:$0x1] =	stream.indirect.gather [hbm4b:s25+s20], $0x1, s26, s20, $0xb8;
	[tilespmem:$0x3B00] =	vst v63  }
0xa8: {  	s10 =	simm.s32 $0x2800  }
0xa9: {  	[tilespmem:s10], [sflag:$0x1] =	stream.indirect.gather [hbm4b:s25+s20], $0x1, s29, s20, $0xb8;
	[tilespmem:$0x3B00] =	vst v63  }
0xaa: {  	s12 =	rddreg [dreg:$0x11];
	s14 =	simm.s32 $0x3000  }
0xab: {  	[tilespmem:s14], [sflag:$0x1] =	stream.indirect.gather [hbm4b:s12+s31], $0x1, s18, s31, $0xb8;
	[tilespmem:$0x3B00] =	vst v63  }
0xac: {  	s10 =	simm.s32 $0x1880  }
0xad: {  	[tilespmem:s10], [sflag:$0x1] =	stream.indirect.gather [hbm4b:s28+s20], $0x1, s2, s20, $0xb8;
	[tilespmem:$0x3B00] =	vst v63  }
0xae: {  	s12 =	simm.s32 $0x1C80  }
0xaf: {  	[tilespmem:s12], [sflag:$0x1] =	stream.indirect.gather [hbm4b:s28+s20], $0x1, s20, s20, $0xb8;
	[tilespmem:$0x3B00] =	vst v63  }
0xb0: {  	s14 =	simm.s32 $0x2080  }
0xb1: {  	[tilespmem:s14], [sflag:$0x1] =	stream.indirect.gather [hbm4b:s28+s20], $0x1, s24, s20, $0xb8;
	[tilespmem:$0x3B00] =	vst v63  }
0xb2: {  	s7 =	simm.s32 $0x2480  }
0xb3: {  	[tilespmem:s7], [sflag:$0x1] =	stream.indirect.gather [hbm4b:s28+s20], $0x1, s26, s20, $0xb8;
	[tilespmem:$0x3B00] =	vst v63  }
0xb4: {  	s10 =	simm.s32 $0x2880  }
0xb5: {  	[tilespmem:s10], [sflag:$0x1] =	stream.indirect.gather [hbm4b:s28+s20], $0x1, s29, s20, $0xb8;
	[tilespmem:$0x3B00] =	vst v63  }
0xb6: {  	s12 =	rddreg [dreg:$0x12];
	s14 =	simm.s32 $0x3080  }
0xb7: {  	[tilespmem:s14], [sflag:$0x1] =	stream.indirect.gather [hbm4b:s12+s31], $0x1, s18, s31, $0xb8;
	[tilespmem:$0x3B00] =	vst v63  }
0xb8: {  	s10 =	simm.s32 $0x1900  }
0xb9: {  	[tilespmem:s10], [sflag:$0x1] =	stream.indirect.gather [hbm4b:s30+s20], $0x1, s2, s20, $0xb8;
	[tilespmem:$0x3B00] =	vst v63  }
0xba: {  	s12 =	simm.s32 $0x1D00  }
0xbb: {  	[tilespmem:s12], [sflag:$0x1] =	stream.indirect.gather [hbm4b:s30+s20], $0x1, s20, s20, $0xb8;
	[tilespmem:$0x3B00] =	vst v63  }
0xbc: {  	s14 =	simm.s32 $0x2100  }
0xbd: {  	[tilespmem:s14], [sflag:$0x1] =	stream.indirect.gather [hbm4b:s30+s20], $0x1, s24, s20, $0xb8;
	[tilespmem:$0x3B00] =	vst v63  }
0xbe: {  	s7 =	simm.s32 $0x2500  }
0xbf: {  	[tilespmem:s7], [sflag:$0x1] =	stream.indirect.gather [hbm4b:s30+s20], $0x1, s26, s20, $0xb8;
	[tilespmem:$0x3B00] =	vst v63  }
0xc0: {  	s10 =	simm.s32 $0x2900  }
0xc1: {  	[tilespmem:s10], [sflag:$0x1] =	stream.indirect.gather [hbm4b:s30+s20], $0x1, s29, s20, $0xb8;
	[tilespmem:$0x3B00] =	vst v63  }
0xc2: {  	s12 =	rddreg [dreg:$0x13];
	s14 =	simm.s32 $0x3100  }
0xc3: {  	[tilespmem:s14], [sflag:$0x1] =	stream.indirect.gather [hbm4b:s12+s31], $0x1, s18, s31, $0xb8;
	[tilespmem:$0x3B00] =	vst v63  }
0xc4: {  	s10 =	simm.s32 $0x1980  }
0xc5: {  	[tilespmem:s10], [sflag:$0x1] =	stream.indirect.gather [hbm4b:s1+s20], $0x1, s2, s20, $0xb8;
	[tilespmem:$0x3B00] =	vst v63  }
0xc6: {  	s12 =	simm.s32 $0x1D80  }
0xc7: {  	[tilespmem:s12], [sflag:$0x1] =	stream.indirect.gather [hbm4b:s1+s20], $0x1, s20, s20, $0xb8;
	[tilespmem:$0x3B00] =	vst v63  }
0xc8: {  	s14 =	simm.s32 $0x2180  }
0xc9: {  	[tilespmem:s14], [sflag:$0x1] =	stream.indirect.gather [hbm4b:s1+s20], $0x1, s24, s20, $0xb8;
	[tilespmem:$0x3B00] =	vst v63  }
0xca: {  	s7 =	simm.s32 $0x2580  }
0xcb: {  	[tilespmem:s7], [sflag:$0x1] =	stream.indirect.gather [hbm4b:s1+s20], $0x1, s26, s20, $0xb8;
	[tilespmem:$0x3B00] =	vst v63  }
0xcc: {  	s10 =	simm.s32 $0x2980  }
0xcd: {  	[tilespmem:s10], [sflag:$0x1] =	stream.indirect.gather [hbm4b:s1+s20], $0x1, s29, s20, $0xb8;
	[tilespmem:$0x3B00] =	vst v63  }
0xce: {  	s12 =	rddreg [dreg:$0x14];
	s14 =	simm.s32 $0x3180  }
0xcf: {  	[tilespmem:s14], [sflag:$0x1] =	stream.indirect.gather [hbm4b:s12+s31], $0x1, s18, s31, $0xb8;
	[tilespmem:$0x3B00] =	vst v63  }
0xd0: {  	s10 =	simm.s32 $0x1A00  }
0xd1: {  	[tilespmem:s10], [sflag:$0x1] =	stream.indirect.gather [hbm4b:s4+s20], $0x1, s2, s20, $0xb8;
	[tilespmem:$0x3B00] =	vst v63  }
0xd2: {  	s12 =	simm.s32 $0x1E00  }
0xd3: {  	[tilespmem:s12], [sflag:$0x1] =	stream.indirect.gather [hbm4b:s4+s20], $0x1, s20, s20, $0xb8;
	[tilespmem:$0x3B00] =	vst v63  }
0xd4: {  	s14 =	simm.s32 $0x2200  }
0xd5: {  	[tilespmem:s14], [sflag:$0x1] =	stream.indirect.gather [hbm4b:s4+s20], $0x1, s24, s20, $0xb8;
	[tilespmem:$0x3B00] =	vst v63  }
0xd6: {  	s7 =	simm.s32 $0x2600  }
0xd7: {  	[tilespmem:s7], [sflag:$0x1] =	stream.indirect.gather [hbm4b:s4+s20], $0x1, s26, s20, $0xb8;
	[tilespmem:$0x3B00] =	vst v63  }
0xd8: {  	s10 =	simm.s32 $0x2A00  }
0xd9: {  	[tilespmem:s10], [sflag:$0x1] =	stream.indirect.gather [hbm4b:s4+s20], $0x1, s29, s20, $0xb8;
	[tilespmem:$0x3B00] =	vst v63  }
0xda: {  	s12 =	rddreg [dreg:$0x15];
	s14 =	simm.s32 $0x3200  }
0xdb: {  	[tilespmem:s14], [sflag:$0x1] =	stream.indirect.gather [hbm4b:s12+s31], $0x1, s18, s31, $0xb8;
	[tilespmem:$0x3B00] =	vst v63  }
0xdc: {  	s10 =	simm.s32 $0x1A80  }
0xdd: {  	[tilespmem:s10], [sflag:$0x1] =	stream.indirect.gather [hbm4b:s6+s20], $0x1, s2, s20, $0xb8;
	[tilespmem:$0x3B00] =	vst v63  }
0xde: {  	s12 =	simm.s32 $0x1E80  }
0xdf: {  	[tilespmem:s12], [sflag:$0x1] =	stream.indirect.gather [hbm4b:s6+s20], $0x1, s20, s20, $0xb8;
	[tilespmem:$0x3B00] =	vst v63  }
0xe0: {  	s14 =	simm.s32 $0x2280  }
0xe1: {  	[tilespmem:s14], [sflag:$0x1] =	stream.indirect.gather [hbm4b:s6+s20], $0x1, s24, s20, $0xb8;
	[tilespmem:$0x3B00] =	vst v63  }
0xe2: {  	s7 =	simm.s32 $0x2680  }
0xe3: {  	[tilespmem:s7], [sflag:$0x1] =	stream.indirect.gather [hbm4b:s6+s20], $0x1, s26, s20, $0xb8;
	[tilespmem:$0x3B00] =	vst v63  }
0xe4: {  	s10 =	simm.s32 $0x2A80  }
0xe5: {  	[tilespmem:s10], [sflag:$0x1] =	stream.indirect.gather [hbm4b:s6+s20], $0x1, s29, s20, $0xb8;
	[tilespmem:$0x3B00] =	vst v63  }
0xe6: {  	s12 =	rddreg [dreg:$0x16];
	s14 =	simm.s32 $0x3280  }
0xe7: {  	[tilespmem:s14], [sflag:$0x1] =	stream.indirect.gather [hbm4b:s12+s31], $0x1, s18, s31, $0xb8;
	[tilespmem:$0x3B00] =	vst v63  }
0xe8: {  	_ =	swait.ge [sflag:s0], $0x80  }
0xe9: {  	[sflag:s0] =	ssyncset.done $0x0  }
0xea: {  	[sflag:s0] =	ssyncadd.s32 $0xFFFFFF80  }
0xeb: {  	_ =	swait.ge [sflag:s0], $0x80  }
0xec: {  	[sflag:s0] =	ssyncset.done $0x0  }
0xed: {  	[sflag:s0] =	ssyncadd.s32 $0xFFFFFF80  }
0xee: {  	_ =	swait.ge [sflag:s0], $0x80  }
0xef: {  	[sflag:s0] =	ssyncset.done $0x0  }
0xf0: {  	[sflag:s0] =	ssyncadd.s32 $0xFFFFFF80  }
0xf1: {  	_ =	swait.ge [sflag:s0], $0x80  }
0xf2: {  	[sflag:s0] =	ssyncset.done $0x0  }
0xf3: {  	[sflag:s0] =	ssyncadd.s32 $0xFFFFFF80  }
0xf4: {  	_ =	swait.ge [sflag:s0], $0x80  }
0xf5: {  	[sflag:s0] =	ssyncset.done $0x0  }
0xf6: {  	[sflag:s0] =	ssyncadd.s32 $0xFFFFFF80  }
0xf7: {  	_ =	swait.ge [sflag:s0], $0x20  }
0xf8: {  	[sflag:s0] =	ssyncset.done $0x0  }
0xf9: {  	[sflag:s0] =	ssyncadd.s32 $0xFFFFFFE0  }
0xfa: {  	_ =	swait.ge [sflag:s0], $0x80  }
0xfb: {  	[sflag:s0] =	ssyncset.done $0x0  }
0xfc: {  	[sflag:s0] =	ssyncadd.s32 $0xFFFFFF80  }
0xfd: {  	_ =	swait.ge [sflag:s0], $0x80  }
0xfe: {  	[sflag:s0] =	ssyncset.done $0x0  }
0xff: {  	[sflag:s0] =	ssyncadd.s32 $0xFFFFFF80  }
0x100: {  	_ =	swait.ge [sflag:s0], $0x80  }
0x101: {  	[sflag:s0] =	ssyncset.done $0x0  }
0x102: {  	[sflag:s0] =	ssyncadd.s32 $0xFFFFFF80  }
0x103: {  	_ =	swait.ge [sflag:s0], $0x80  }
0x104: {  	[sflag:s0] =	ssyncset.done $0x0  }
0x105: {  	[sflag:s0] =	ssyncadd.s32 $0xFFFFFF80  }
0x106: {  	_ =	swait.ge [sflag:s0], $0x80  }
0x107: {  	[sflag:s0] =	ssyncset.done $0x0  }
0x108: {  	[sflag:s0] =	ssyncadd.s32 $0xFFFFFF80  }
0x109: {  	_ =	swait.ge [sflag:s0], $0x20  }
0x10a: {  	[sflag:s0] =	ssyncset.done $0x0  }
0x10b: {  	[sflag:s0] =	ssyncadd.s32 $0xFFFFFFE0  }
0x10c: {  	_ =	swait.ge [sflag:s0], $0x80  }
0x10d: {  	[sflag:s0] =	ssyncset.done $0x0  }
0x10e: {  	[sflag:s0] =	ssyncadd.s32 $0xFFFFFF80  }
0x10f: {  	_ =	swait.ge [sflag:s0], $0x80  }
0x110: {  	[sflag:s0] =	ssyncset.done $0x0  }
0x111: {  	[sflag:s0] =	ssyncadd.s32 $0xFFFFFF80  }
0x112: {  	_ =	swait.ge [sflag:s0], $0x80  }
0x113: {  	[sflag:s0] =	ssyncset.done $0x0  }
0x114: {  	[sflag:s0] =	ssyncadd.s32 $0xFFFFFF80  }
0x115: {  	_ =	swait.ge [sflag:s0], $0x80  }
0x116: {  	[sflag:s0] =	ssyncset.done $0x0  }
0x117: {  	[sflag:s0] =	ssyncadd.s32 $0xFFFFFF80  }
0x118: {  	_ =	swait.ge [sflag:s0], $0x80  }
0x119: {  	[sflag:s0] =	ssyncset.done $0x0  }
0x11a: {  	[sflag:s0] =	ssyncadd.s32 $0xFFFFFF80  }
0x11b: {  	_ =	swait.ge [sflag:s0], $0x20  }
0x11c: {  	[sflag:s0] =	ssyncset.done $0x0  }
0x11d: {  	[sflag:s0] =	ssyncadd.s32 $0xFFFFFFE0  }
0x11e: {  	_ =	swait.ge [sflag:s0], $0x80  }
0x11f: {  	[sflag:s0] =	ssyncset.done $0x0  }
0x120: {  	[sflag:s0] =	ssyncadd.s32 $0xFFFFFF80  }
0x121: {  	_ =	swait.ge [sflag:s0], $0x80  }
0x122: {  	[sflag:s0] =	ssyncset.done $0x0  }
0x123: {  	[sflag:s0] =	ssyncadd.s32 $0xFFFFFF80  }
0x124: {  	_ =	swait.ge [sflag:s0], $0x80  }
0x125: {  	[sflag:s0] =	ssyncset.done $0x0  }
0x126: {  	[sflag:s0] =	ssyncadd.s32 $0xFFFFFF80  }
0x127: {  	_ =	swait.ge [sflag:s0], $0x80  }
0x128: {  	[sflag:s0] =	ssyncset.done $0x0  }
0x129: {  	[sflag:s0] =	ssyncadd.s32 $0xFFFFFF80  }
0x12a: {  	_ =	swait.ge [sflag:s0], $0x80  }
0x12b: {  	[sflag:s0] =	ssyncset.done $0x0  }
0x12c: {  	[sflag:s0] =	ssyncadd.s32 $0xFFFFFF80  }
0x12d: {  	_ =	swait.ge [sflag:s0], $0x20  }
0x12e: {  	[sflag:s0] =	ssyncset.done $0x0  }
0x12f: {  	[sflag:s0] =	ssyncadd.s32 $0xFFFFFFE0  }
0x130: {  	_ =	swait.ge [sflag:s0], $0x80  }
0x131: {  	[sflag:s0] =	ssyncset.done $0x0  }
0x132: {  	[sflag:s0] =	ssyncadd.s32 $0xFFFFFF80  }
0x133: {  	_ =	swait.ge [sflag:s0], $0x80  }
0x134: {  	[sflag:s0] =	ssyncset.done $0x0  }
0x135: {  	[sflag:s0] =	ssyncadd.s32 $0xFFFFFF80  }
0x136: {  	_ =	swait.ge [sflag:s0], $0x80  }
0x137: {  	[sflag:s0] =	ssyncset.done $0x0  }
0x138: {  	[sflag:s0] =	ssyncadd.s32 $0xFFFFFF80  }
0x139: {  	_ =	swait.ge [sflag:s0], $0x80  }
0x13a: {  	[sflag:s0] =	ssyncset.done $0x0  }
0x13b: {  	[sflag:s0] =	ssyncadd.s32 $0xFFFFFF80  }
0x13c: {  	_ =	swait.ge [sflag:s0], $0x80  }
0x13d: {  	[sflag:s0] =	ssyncset.done $0x0  }
0x13e: {  	[sflag:s0] =	ssyncadd.s32 $0xFFFFFF80  }
0x13f: {  	_ =	swait.ge [sflag:s0], $0x20  }
0x140: {  	[sflag:s0] =	ssyncset.done $0x0  }
0x141: {  	[sflag:s0] =	ssyncadd.s32 $0xFFFFFFE0  }
0x142: {  	_ =	swait.ge [sflag:s0], $0x80  }
0x143: {  	[sflag:s0] =	ssyncset.done $0x0  }
0x144: {  	[sflag:s0] =	ssyncadd.s32 $0xFFFFFF80  }
0x145: {  	_ =	swait.ge [sflag:s0], $0x80  }
0x146: {  	[sflag:s0] =	ssyncset.done $0x0  }
0x147: {  	[sflag:s0] =	ssyncadd.s32 $0xFFFFFF80  }
0x148: {  	_ =	swait.ge [sflag:s0], $0x80  }
0x149: {  	[sflag:s0] =	ssyncset.done $0x0  }
0x14a: {  	[sflag:s0] =	ssyncadd.s32 $0xFFFFFF80  }
0x14b: {  	_ =	swait.ge [sflag:s0], $0x80  }
0x14c: {  	[sflag:s0] =	ssyncset.done $0x0  }
0x14d: {  	[sflag:s0] =	ssyncadd.s32 $0xFFFFFF80  }
0x14e: {  	_ =	swait.ge [sflag:s0], $0x80  }
0x14f: {  	[sflag:s0] =	ssyncset.done $0x0  }
0x150: {  	[sflag:s0] =	ssyncadd.s32 $0xFFFFFF80  }
0x151: {  	_ =	swait.ge [sflag:s0], $0x20  }
0x152: {  	[sflag:s0] =	ssyncset.done $0x0  }
0x153: {  	[sflag:s0] =	ssyncadd.s32 $0xFFFFFFE0  }
0x154: {  	_ =	swait.ge [sflag:s0], $0x80  }
0x155: {  	[sflag:s0] =	ssyncset.done $0x0  }
0x156: {  	[sflag:s0] =	ssyncadd.s32 $0xFFFFFF80  }
0x157: {  	_ =	swait.ge [sflag:s0], $0x80  }
0x158: {  	[sflag:s0] =	ssyncset.done $0x0  }
0x159: {  	[sflag:s0] =	ssyncadd.s32 $0xFFFFFF80  }
0x15a: {  	_ =	swait.ge [sflag:s0], $0x80  }
0x15b: {  	[sflag:s0] =	ssyncset.done $0x0  }
0x15c: {  	[sflag:s0] =	ssyncadd.s32 $0xFFFFFF80  }
0x15d: {  	_ =	swait.ge [sflag:s0], $0x80  }
0x15e: {  	[sflag:s0] =	ssyncset.done $0x0  }
0x15f: {  	[sflag:s0] =	ssyncadd.s32 $0xFFFFFF80  }
0x160: {  	_ =	swait.ge [sflag:s0], $0x80  }
0x161: {  	[sflag:s0] =	ssyncset.done $0x0  }
0x162: {  	[sflag:s0] =	ssyncadd.s32 $0xFFFFFF80  }
0x163: {  	_ =	swait.ge [sflag:s0], $0x20  }
0x164: {  	[sflag:s0] =	ssyncset.done $0x0  }
0x165: {  	[sflag:s0] =	ssyncadd.s32 $0xFFFFFFE0  }
0x166: {  	_ =	swait.ge [sflag:s0], $0x80  }
0x167: {  	[sflag:s0] =	ssyncset.done $0x0  }
0x168: {  	[sflag:s0] =	ssyncadd.s32 $0xFFFFFF80  }
0x169: {  	_ =	swait.ge [sflag:s0], $0x80  }
0x16a: {  	[sflag:s0] =	ssyncset.done $0x0  }
0x16b: {  	[sflag:s0] =	ssyncadd.s32 $0xFFFFFF80  }
0x16c: {  	_ =	swait.ge [sflag:s0], $0x80  }
0x16d: {  	[sflag:s0] =	ssyncset.done $0x0  }
0x16e: {  	[sflag:s0] =	ssyncadd.s32 $0xFFFFFF80  }
0x16f: {  	_ =	swait.ge [sflag:s0], $0x80  }
0x170: {  	[sflag:s0] =	ssyncset.done $0x0  }
0x171: {  	[sflag:s0] =	ssyncadd.s32 $0xFFFFFF80  }
0x172: {  	_ =	swait.ge [sflag:s0], $0x80  }
0x173: {  	[sflag:s0] =	ssyncset.done $0x0  }
0x174: {  	[sflag:s0] =	ssyncadd.s32 $0xFFFFFF80  }
0x175: {  	_ =	swait.ge [sflag:s0], $0x20  }
0x176: {  	[sflag:s0] =	ssyncset.done $0x0  }
0x177: {  	[sflag:s0] =	ssyncadd.s32 $0xFFFFFFE0  }
0x178: {  	_ =	swait.ge [sflag:s0], $0x80  }
0x179: {  	[sflag:s0] =	ssyncset.done $0x0  }
0x17a: {  	[sflag:s0] =	ssyncadd.s32 $0xFFFFFF80  }
0x17b: {  	_ =	swait.ge [sflag:s0], $0x80  }
0x17c: {  	[sflag:s0] =	ssyncset.done $0x0  }
0x17d: {  	[sflag:s0] =	ssyncadd.s32 $0xFFFFFF80  }
0x17e: {  	_ =	swait.ge [sflag:s0], $0x80  }
0x17f: {  	[sflag:s0] =	ssyncset.done $0x0  }
0x180: {  	[sflag:s0] =	ssyncadd.s32 $0xFFFFFF80  }
0x181: {  	_ =	swait.ge [sflag:s0], $0x80  }
0x182: {  	[sflag:s0] =	ssyncset.done $0x0  }
0x183: {  	[sflag:s0] =	ssyncadd.s32 $0xFFFFFF80  }
0x184: {  	_ =	swait.ge [sflag:s0], $0x80  }
0x185: {  	[sflag:s0] =	ssyncset.done $0x0  }
0x186: {  	[sflag:s0] =	ssyncadd.s32 $0xFFFFFF80  }
0x187: {  	_ =	swait.ge [sflag:s0], $0x20  }
0x188: {  	[sflag:s0] =	ssyncset.done $0x0  }
0x189: {  	[sflag:s0] =	ssyncadd.s32 $0xFFFFFFE0  }
0x18a: {  	_ =	swait.ge [sflag:s0], $0x80  }
0x18b: {  	[sflag:s0] =	ssyncset.done $0x0  }
0x18c: {  	[sflag:s0] =	ssyncadd.s32 $0xFFFFFF80  }
0x18d: {  	_ =	swait.ge [sflag:s0], $0x80  }
0x18e: {  	[sflag:s0] =	ssyncset.done $0x0  }
0x18f: {  	[sflag:s0] =	ssyncadd.s32 $0xFFFFFF80  }
0x190: {  	_ =	swait.ge [sflag:s0], $0x80  }
0x191: {  	[sflag:s0] =	ssyncset.done $0x0  }
0x192: {  	[sflag:s0] =	ssyncadd.s32 $0xFFFFFF80  }
0x193: {  	_ =	swait.ge [sflag:s0], $0x80  }
0x194: {  	[sflag:s0] =	ssyncset.done $0x0  }
0x195: {  	[sflag:s0] =	ssyncadd.s32 $0xFFFFFF80  }
0x196: {  	_ =	swait.ge [sflag:s0], $0x80  }
0x197: {  	[sflag:s0] =	ssyncset.done $0x0  }
0x198: {  	[sflag:s0] =	ssyncadd.s32 $0xFFFFFF80  }
0x199: {  	_ =	swait.ge [sflag:s0], $0x20  }
0x19a: {  	[sflag:s0] =	ssyncset.done $0x0  }
0x19b: {  	[sflag:s0] =	ssyncadd.s32 $0xFFFFFFE0  }
0x19c: {  	_ =	swait.ge [sflag:s0], $0x80  }
0x19d: {  	[sflag:s0] =	ssyncset.done $0x0  }
0x19e: {  	[sflag:s0] =	ssyncadd.s32 $0xFFFFFF80  }
0x19f: {  	_ =	swait.ge [sflag:s0], $0x80  }
0x1a0: {  	[sflag:s0] =	ssyncset.done $0x0  }
0x1a1: {  	[sflag:s0] =	ssyncadd.s32 $0xFFFFFF80  }
0x1a2: {  	_ =	swait.ge [sflag:s0], $0x80  }
0x1a3: {  	[sflag:s0] =	ssyncset.done $0x0  }
0x1a4: {  	[sflag:s0] =	ssyncadd.s32 $0xFFFFFF80  }
0x1a5: {  	_ =	swait.ge [sflag:s0], $0x80  }
0x1a6: {  	[sflag:s0] =	ssyncset.done $0x0  }
0x1a7: {  	[sflag:s0] =	ssyncadd.s32 $0xFFFFFF80  }
0x1a8: {  	_ =	swait.ge [sflag:s0], $0x80  }
0x1a9: {  	[sflag:s0] =	ssyncset.done $0x0  }
0x1aa: {  	[sflag:s0] =	ssyncadd.s32 $0xFFFFFF80  }
0x1ab: {  	_ =	swait.ge [sflag:s0], $0x20  }
0x1ac: {  	[sflag:s0] =	ssyncset.done $0x0  }
0x1ad: {  	[sflag:s0] =	ssyncadd.s32 $0xFFFFFFE0  }
0x1ae: {  	_ =	swait.ge [sflag:s0], $0x80  }
0x1af: {  	[sflag:s0] =	ssyncset.done $0x0  }
0x1b0: {  	[sflag:s0] =	ssyncadd.s32 $0xFFFFFF80  }
0x1b1: {  	_ =	swait.ge [sflag:s0], $0x80  }
0x1b2: {  	[sflag:s0] =	ssyncset.done $0x0  }
0x1b3: {  	[sflag:s0] =	ssyncadd.s32 $0xFFFFFF80  }
0x1b4: {  	_ =	swait.ge [sflag:s0], $0x80  }
0x1b5: {  	[sflag:s0] =	ssyncset.done $0x0  }
0x1b6: {  	[sflag:s0] =	ssyncadd.s32 $0xFFFFFF80  }
0x1b7: {  	_ =	swait.ge [sflag:s0], $0x80  }
0x1b8: {  	[sflag:s0] =	ssyncset.done $0x0  }
0x1b9: {  	[sflag:s0] =	ssyncadd.s32 $0xFFFFFF80  }
0x1ba: {  	_ =	swait.ge [sflag:s0], $0x80  }
0x1bb: {  	[sflag:s0] =	ssyncset.done $0x0  }
0x1bc: {  	[sflag:s0] =	ssyncadd.s32 $0xFFFFFF80  }
0x1bd: {  	_ =	swait.ge [sflag:s0], $0x20  }
0x1be: {  	[sflag:s0] =	ssyncset.done $0x0  }
0x1bf: {  	[sflag:s0] =	ssyncadd.s32 $0xFFFFFFE0  }
0x1c0: {  	_ =	swait.ge [sflag:s0], $0x80  }
0x1c1: {  	[sflag:s0] =	ssyncset.done $0x0  }
0x1c2: {  	[sflag:s0] =	ssyncadd.s32 $0xFFFFFF80  }
0x1c3: {  	_ =	swait.ge [sflag:s0], $0x80  }
0x1c4: {  	[sflag:s0] =	ssyncset.done $0x0  }
0x1c5: {  	[sflag:s0] =	ssyncadd.s32 $0xFFFFFF80  }
0x1c6: {  	_ =	swait.ge [sflag:s0], $0x80  }
0x1c7: {  	[sflag:s0] =	ssyncset.done $0x0  }
0x1c8: {  	[sflag:s0] =	ssyncadd.s32 $0xFFFFFF80  }
0x1c9: {  	_ =	swait.ge [sflag:s0], $0x80  }
0x1ca: {  	[sflag:s0] =	ssyncset.done $0x0  }
0x1cb: {  	[sflag:s0] =	ssyncadd.s32 $0xFFFFFF80  }
0x1cc: {  	_ =	swait.ge [sflag:s0], $0x80  }
0x1cd: {  	[sflag:s0] =	ssyncset.done $0x0  }
0x1ce: {  	[sflag:s0] =	ssyncadd.s32 $0xFFFFFF80  }
0x1cf: {  	_ =	swait.ge [sflag:s0], $0x20  }
0x1d0: {  	[sflag:s0] =	ssyncset.done $0x0  }
0x1d1: {  	[sflag:s0] =	ssyncadd.s32 $0xFFFFFFE0  }
0x1d2: {  	_ =	swait.ge [sflag:s0], $0x80  }
0x1d3: {  	[sflag:s0] =	ssyncset.done $0x0  }
0x1d4: {  	[sflag:s0] =	ssyncadd.s32 $0xFFFFFF80  }
0x1d5: {  	_ =	swait.ge [sflag:s0], $0x80  }
0x1d6: {  	[sflag:s0] =	ssyncset.done $0x0  }
0x1d7: {  	[sflag:s0] =	ssyncadd.s32 $0xFFFFFF80  }
0x1d8: {  	_ =	swait.ge [sflag:s0], $0x80  }
0x1d9: {  	[sflag:s0] =	ssyncset.done $0x0  }
0x1da: {  	[sflag:s0] =	ssyncadd.s32 $0xFFFFFF80  }
0x1db: {  	_ =	swait.ge [sflag:s0], $0x80  }
0x1dc: {  	[sflag:s0] =	ssyncset.done $0x0  }
0x1dd: {  	[sflag:s0] =	ssyncadd.s32 $0xFFFFFF80  }
0x1de: {  	_ =	swait.ge [sflag:s0], $0x80  }
0x1df: {  	[sflag:s0] =	ssyncset.done $0x0  }
0x1e0: {  	[sflag:s0] =	ssyncadd.s32 $0xFFFFFF80  }
0x1e1: {  	_ =	swait.ge [sflag:s0], $0x20  }
0x1e2: {  	[sflag:s0] =	ssyncset.done $0x0  }
0x1e3: {  	[sflag:s0] =	ssyncadd.s32 $0xFFFFFFE0  }
0x1e4: {  	_ =	swait.ge [sflag:s0], $0x80  }
0x1e5: {  	[sflag:s0] =	ssyncset.done $0x0  }
0x1e6: {  	[sflag:s0] =	ssyncadd.s32 $0xFFFFFF80  }
0x1e7: {  	_ =	swait.ge [sflag:s0], $0x80  }
0x1e8: {  	[sflag:s0] =	ssyncset.done $0x0  }
0x1e9: {  	[sflag:s0] =	ssyncadd.s32 $0xFFFFFF80  }
0x1ea: {  	_ =	swait.ge [sflag:s0], $0x80  }
0x1eb: {  	[sflag:s0] =	ssyncset.done $0x0  }
0x1ec: {  	[sflag:s0] =	ssyncadd.s32 $0xFFFFFF80  }
0x1ed: {  	_ =	swait.ge [sflag:s0], $0x80  }
0x1ee: {  	[sflag:s0] =	ssyncset.done $0x0  }
0x1ef: {  	[sflag:s0] =	ssyncadd.s32 $0xFFFFFF80  }
0x1f0: {  	_ =	swait.ge [sflag:s0], $0x80  }
0x1f1: {  	s7 =	simm.s32 $0x0;
	s12 =	sand.u32 $0x1, s2;
	[sflag:s0] =	ssyncset.done $0x0  }
0x1f2: {  	v21 =	vmov s7;
	s14 =	smul.u32 $0x140, s12;
	[sflag:s0] =	ssyncadd.s32 $0xFFFFFF80  }
0x1f3: {  	v25 =	vshrl.u32 v21, $0x3;
	v21 =	vshll.u32 v21, $0x7;
	_ =	swait.ge [sflag:s0], $0x20  }
0x1f4: {  	v24 =	vand.u32 $0x380, v21;
	v25 =	vmul.u32 $0x1400, v25;
	v23 =	vadd.s32 s14, v19;
	[sflag:s0] =	ssyncset.done $0x0  }
0x1f5: {  	v27 =	vadd.s32 s14, v17;
	v26 =	vadd.s32 s14, v18;
	v32 =	vadd.s32 s14, v14;
	[sflag:s0] =	ssyncadd.s32 $0xFFFFFFE0  }
0x1f6: {  	v30 =	vadd.s32 s14, v15;
	v28 =	vadd.s32 s14, v16;
	v34 =	vadd.s32 s14, v12;
	_ =	swait.ge [sflag:s0], $0x80  }
0x1f7: {  	v35 =	vadd.s32 s14, v13;
	v36 =	vadd.s32 s14, v9;
	v37 =	vadd.s32 s14, v10;
	[sflag:s0] =	ssyncset.done $0x0  }
0x1f8: {  	v38 =	vadd.s32 s14, v11;
	v39 =	vadd.s32 s14, v7;
	v40 =	vadd.s32 s14, v8;
	[sflag:s0] =	ssyncadd.s32 $0xFFFFFF80  }
0x1f9: {  	v41 =	vadd.s32 s14, v5;
	v42 =	vadd.s32 s14, v6;
	v43 =	vadd.s32 s14, v4;
	_ =	swait.ge [sflag:s0], $0x80  }
0x1fa: {  	v44 =	vadd.s32 s14, v1;
	v45 =	vadd.s32 s14, v3;
	v46 =	vadd.s32 s14, v2;
	[sflag:s0] =	ssyncset.done $0x0  }
0x1fb: {  	v33 =	vand.u32 $0x7F, v28;
	v31 =	vand.u32 $0x7C, v27;
	v29 =	vand.u32 $0x7D, v26;
	[sflag:s0] =	ssyncadd.s32 $0xFFFFFF80  }
0x1fc: {  	v47 =	vand.u32 $0x7C, v35;
	v48 =	vand.u32 $0x7D, v32;
	v49 =	vand.u32 $0x7E, v30;
	_ =	swait.ge [sflag:s0], $0x80  }
0x1fd: {  	v50 =	vand.u32 $0x7D, v37;
	v51 =	vand.u32 $0x7E, v38;
	v52 =	vand.u32 $0x7F, v34;
	[sflag:s0] =	ssyncset.done $0x0  }
0x1fe: {  	v53 =	vshll.u32 v46, $0x3;
	v54 =	vand.u32 $0x7E, v45;
	v55 =	vand.u32 $0x7C, v36;
	[sflag:s0] =	ssyncadd.s32 $0xFFFFFF80  }
0x1ff: {  	v56 =	vand.u32 $0x7C, v44;
	v44 =	vshll.u32 v44, $0x3;
	v46 =	vand.u32 $0x7D, v46;
	_ =	swait.ge [sflag:s0], $0x80  }
0x200: {  	v45 =	vshll.u32 v45, $0x3;
	v62 =	vshll.u32 v43, $0x3;
	v53 =	vand.u32 $0x1C00, v53;
	[sflag:s0] =	ssyncset.done $0x0  }
0x201: {  	v43 =	vand.u32 $0x7F, v43;
	v44 =	vand.u32 $0x1C00, v44;
	v53 =	vadd.s32 v25, v53;
	[sflag:s0] =	ssyncadd.s32 $0xFFFFFF80  }
0x202: {  	v63 =	vshll.u32 v41, $0x3;
	v44 =	vadd.s32 v25, v44;
	v46 =	vor.u32 v46, v53;
	_ =	swait.ge [sflag:s0], $0x80  }
0x203: {  	v45 =	vand.u32 $0x1C00, v45;
	v44 =	vor.u32 v56, v44;
	v46 =	vor.u32 v24, v46;
	[sflag:s0] =	ssyncset.done $0x0  }
0x204: {  	v41 =	vand.u32 $0x7C, v41;
	v45 =	vadd.s32 v25, v45;
	v44 =	vor.u32 v24, v44;
	[sflag:s0] =	ssyncadd.s32 $0xFFFFFF80  }
0x205: {  	v58 =	vshll.u32 v42, $0x3;
	v45 =	vor.u32 v54, v45;
	v53 =	vand.u32 $0x1C00, v62;
	_ =	swait.ge [sflag:s0], $0x20  }
0x206: {  	v42 =	vand.u32 $0x7D, v42;
	v45 =	vor.u32 v24, v45;
	v53 =	vadd.s32 v25, v53;
	[sflag:s0] =	ssyncset.done $0x0  }
0x207: {  	v60 =	vshll.u32 v39, $0x3;
	v57 =	vand.u32 $0x1C00, v63;
	v43 =	vor.u32 v43, v53;
	[sflag:s0] =	ssyncadd.s32 $0xFFFFFFE0  }
0x208: {  	v39 =	vand.u32 $0x7E, v39;
	v53 =	vadd.s32 v25, v57;
	v43 =	vor.u32 v24, v43;
	v46 =	vld.idx.msk [tilespmem:v46+s22+$0x0], $0xffff  }
0x209: {  	v36 =	vshll.u32 v36, $0x3;
	v59 =	vand.u32 $0x1C00, v58;
	v41 =	vor.u32 v41, v53;
	v44 =	vld.idx.msk [tilespmem:v44+s22+$0x0], $0xffff  }
0x20a: {  	v37 =	vshll.u32 v37, $0x3;
	v53 =	vadd.s32 v25, v59;
	v41 =	vor.u32 v24, v41  }
0x20b: {  	v38 =	vshll.u32 v38, $0x3;
	v61 =	vand.u32 $0x1C00, v60;
	v42 =	vor.u32 v42, v53;
	v45 =	vld.idx.msk [tilespmem:v45+s22+$0x0], $0xffff  }
0x20c: {  	v62 =	vshll.u32 v40, $0x3;
	v53 =	vadd.s32 v25, v61;
	v42 =	vor.u32 v24, v42  }
0x20d: {  	v40 =	vand.u32 $0x7F, v40;
	v63 =	vand.u32 $0x1C00, v62;
	v39 =	vor.u32 v39, v53;
	v43 =	vld.idx.msk [tilespmem:v43+s22+$0x0], $0xffff  }
0x20e: {  	v53 =	vadd.s32 v25, v63;
	v39 =	vor.u32 v24, v39;
	v44 =	vadd.f32 v46, v44  }
0x20f: {  	v34 =	vshll.u32 v34, $0x3;
	v36 =	vand.u32 $0x1C00, v36;
	v40 =	vor.u32 v40, v53;
	v41 =	vld.idx.msk [tilespmem:v41+s22+$0x0], $0xffff  }
0x210: {  	v36 =	vadd.s32 v25, v36;
	v40 =	vor.u32 v24, v40;
	v44 =	vadd.f32 v45, v44  }
0x211: {  	v35 =	vshll.u32 v35, $0x3;
	v37 =	vand.u32 $0x1C00, v37;
	v36 =	vor.u32 v55, v36;
	v42 =	vld.idx.msk [tilespmem:v42+s22+$0x0], $0xffff  }
0x212: {  	v37 =	vadd.s32 v25, v37;
	v36 =	vor.u32 v24, v36;
	v43 =	vadd.f32 v43, v44  }
0x213: {  	v32 =	vshll.u32 v32, $0x3;
	v38 =	vand.u32 $0x1C00, v38;
	v37 =	vor.u32 v50, v37;
	v39 =	vld.idx.msk [tilespmem:v39+s22+$0x0], $0xffff  }
0x214: {  	v38 =	vadd.s32 v25, v38;
	v37 =	vor.u32 v24, v37;
	v41 =	vadd.f32 v41, v43  }
0x215: {  	v30 =	vshll.u32 v30, $0x3;
	v34 =	vand.u32 $0x1C00, v34;
	v38 =	vor.u32 v51, v38;
	v40 =	vld.idx.msk [tilespmem:v40+s22+$0x0], $0xffff  }
0x216: {  	v34 =	vadd.s32 v25, v34;
	v38 =	vor.u32 v24, v38;
	v41 =	vadd.f32 v42, v41  }
0x217: {  	v28 =	vshll.u32 v28, $0x3;
	v35 =	vand.u32 $0x1C00, v35;
	v34 =	vor.u32 v52, v34;
	v36 =	vld.idx.msk [tilespmem:v36+s22+$0x0], $0xffff  }
0x218: {  	v35 =	vadd.s32 v25, v35;
	v34 =	vor.u32 v24, v34;
	v39 =	vadd.f32 v39, v41  }
0x219: {  	v27 =	vshll.u32 v27, $0x3;
	v32 =	vand.u32 $0x1C00, v32;
	v35 =	vor.u32 v47, v35;
	v37 =	vld.idx.msk [tilespmem:v37+s22+$0x0], $0xffff  }
0x21a: {  	v32 =	vadd.s32 v25, v32;
	v35 =	vor.u32 v24, v35;
	v39 =	vadd.f32 v40, v39  }
0x21b: {  	v26 =	vshll.u32 v26, $0x3;
	v30 =	vand.u32 $0x1C00, v30;
	v32 =	vor.u32 v48, v32;
	v38 =	vld.idx.msk [tilespmem:v38+s22+$0x0], $0xffff  }
0x21c: {  	v30 =	vadd.s32 v25, v30;
	v32 =	vor.u32 v24, v32;
	v36 =	vadd.f32 v36, v39  }
0x21d: {  	v28 =	vand.u32 $0x1C00, v28;
	v27 =	vand.u32 $0x1C00, v27;
	v30 =	vor.u32 v49, v30;
	v34 =	vld.idx.msk [tilespmem:v34+s22+$0x0], $0xffff  }
0x21e: {  	v28 =	vadd.s32 v25, v28;
	v30 =	vor.u32 v24, v30;
	v36 =	vadd.f32 v37, v36  }
0x21f: {  	v26 =	vand.u32 $0x1C00, v26;
	v27 =	vadd.s32 v25, v27;
	v28 =	vor.u32 v33, v28;
	v55 =	vld.idx.msk [tilespmem:v35+s22+$0x0], $0xffff  }
0x220: {  	v26 =	vadd.s32 v25, v26;
	v28 =	vor.u32 v24, v28;
	v56 =	vadd.f32 v38, v36  }
0x221: {  	v22 =	vadd.s32 s14, v20;
	v27 =	vor.u32 v31, v27;
	v26 =	vor.u32 v29, v26;
	v31 =	vld.idx.msk [tilespmem:v32+s22+$0x0], $0xffff  }
0x222: {  	v27 =	vor.u32 v24, v27;
	v57 =	vshll.u32 v23, $0x3;
	v34 =	vadd.f32 v34, v56  }
0x223: {  	s3 =	simm.s32 $0x1;
	v58 =	vshll.u32 v22, $0x3;
	v26 =	vor.u32 v24, v26;
	v29 =	vand.u32 $0x1C00, v57;
	v30 =	vld.idx.msk [tilespmem:v30+s22+$0x0], $0xffff  }
0x224: {  	s10 =	sand.u32 $0x1, s3;
	v23 =	vand.u32 $0x7E, v23;
	v29 =	vadd.s32 v25, v29;
	v33 =	vadd.f32 v55, v34  }
0x225: {  	s14 =	smul.u32 $0x140, s10;
	v22 =	vand.u32 $0x7F, v22;
	v23 =	vor.u32 v23, v29;
	v29 =	vand.u32 $0x1C00, v58;
	v28 =	vld.idx.msk [tilespmem:v28+s22+$0x0], $0xffff  }
0x226: {  	v59 =	vor.u32 v24, v23;
	v23 =	vadd.s32 v25, v29;
	v25 =	vadd.f32 v31, v33  }
0x227: {  	s12 =	sshll.u32 s12, $0x4;
	v49 =	vadd.s32 s14, v1;
	v48 =	vadd.s32 s14, v3;
	v22 =	vor.u32 v22, v23;
	v60 =	vld.idx.msk [tilespmem:v27+s22+$0x0], $0xffff  }
0x228: {  	s7 =	simm.s32 $0x0;
	v61 =	vor.u32 s12, v21;
	v24 =	vor.u32 v24, v22;
	v30 =	vadd.f32 v30, v25  }
0x229: {  	v51 =	vadd.s32 s14, v2;
	v47 =	vor.u32 v0, v61;
	v29 =	vmov s7;
	v26 =	vld.idx.msk [tilespmem:v26+s22+$0x0], $0xffff  }
0x22a: {  	v62 =	vshrl.u32 v29, $0x3;
	v21 =	vshll.u32 v29, $0x7;
	v28 =	vadd.f32 v28, v30  }
0x22b: {  	v23 =	vadd.s32 s14, v19;
	v29 =	vadd.s32 s14, v16;
	v22 =	vadd.s32 s14, v20;
	v30 =	vld.idx.msk [tilespmem:v59+s22+$0x0], $0xffff  }
0x22c: {  	v27 =	vadd.s32 s14, v17;
	v35 =	vadd.s32 s14, v13;
	v28 =	vadd.f32 v60, v28  }
0x22d: {  	v63 =	vld.idx.msk [tilespmem:v24+s22+$0x0], $0xffff;
	v24 =	vand.u32 $0x380, v21;
	v32 =	vand.u32 $0x7C, v27;
	v46 =	vadd.s32 s14, v4  }
0x22e: {  	v45 =	vadd.s32 s14, v5;
	v44 =	vadd.s32 s14, v6;
	v26 =	vadd.f32 v26, v28  }
0x22f: {  	v41 =	vadd.s32 s14, v7;
	v40 =	vadd.s32 s14, v8;
	v39 =	vadd.s32 s14, v9  }
0x230: {  	v37 =	vadd.s32 s14, v11;
	v36 =	vadd.s32 s14, v12;
	v30 =	vadd.f32 v30, v26  }
0x231: {  	v38 =	vadd.s32 s14, v10;
	v34 =	vand.u32 $0x7F, v29;
	v33 =	vadd.s32 s14, v14  }
0x232: {  	v31 =	vadd.s32 s14, v15;
	v25 =	vadd.s32 s14, v18;
	v50 =	vadd.f32 v63, v30  }
0x233: {  	s12 =	simm.s32 $0x2;
	v28 =	vand.u32 $0x7E, v23;
	v26 =	vmul.u32 $0x1400, v62;
	v30 =	vand.u32 $0x7D, v25  }
.LBB2_2:
0x234: {  	p0 =	sne.s32 s12, $0x1F;
	v52 =	vand.u32 $0x7C, v35;
	v43 =	vand.u32 $0x7D, v33;
	v42 =	vand.u32 $0x7E, v31;
	[tilespmem:v47+s5+$0x0] =	vst.idx.msk $0xffff, v50  }
0x235: {  	v47 =	vand.u32 $0x7D, v38;
	v50 =	vand.u32 $0x7E, v37;
	v53 =	vand.u32 $0x7F, v36  }
0x236: {  	v54 =	vshll.u32 v51, $0x3;
	v55 =	vand.u32 $0x7E, v48;
	v56 =	vand.u32 $0x7C, v39  }
0x237: {  	v57 =	vand.u32 $0x7C, v49;
	v49 =	vshll.u32 v49, $0x3;
	v54 =	vand.u32 $0x1C00, v54  }
0x238: {  	v51 =	vand.u32 $0x7D, v51;
	v49 =	vand.u32 $0x1C00, v49;
	v54 =	vadd.s32 v26, v54  }
0x239: {  	v48 =	vshll.u32 v48, $0x3;
	v49 =	vadd.s32 v26, v49;
	v51 =	vor.u32 v51, v54  }
0x23a: {  	v48 =	vand.u32 $0x1C00, v48;
	v49 =	vor.u32 v57, v49;
	v51 =	vor.u32 v24, v51  }
0x23b: {  	v48 =	vadd.s32 v26, v48;
	v54 =	vshll.u32 v46, $0x3;
	v49 =	vor.u32 v24, v49  }
0x23c: {  	v48 =	vor.u32 v55, v48;
	v46 =	vand.u32 $0x7F, v46;
	v54 =	vand.u32 $0x1C00, v54  }
0x23d: {  	v55 =	vshll.u32 v45, $0x3;
	v48 =	vor.u32 v24, v48;
	v54 =	vadd.s32 v26, v54  }
0x23e: {  	v45 =	vand.u32 $0x7C, v45;
	v46 =	vor.u32 v46, v54;
	v54 =	vand.u32 $0x1C00, v55  }
0x23f: {  	v55 =	vshll.u32 v44, $0x3;
	v46 =	vor.u32 v24, v46;
	v54 =	vadd.s32 v26, v54;
	v51 =	vld.idx.msk [tilespmem:v51+s22+$0x0], $0xffff  }
0x240: {  	v44 =	vand.u32 $0x7D, v44;
	v45 =	vor.u32 v45, v54;
	v54 =	vand.u32 $0x1C00, v55;
	v49 =	vld.idx.msk [tilespmem:v49+s22+$0x0], $0xffff  }
0x241: {  	v55 =	vshll.u32 v41, $0x3;
	v45 =	vor.u32 v24, v45;
	v54 =	vadd.s32 v26, v54  }
0x242: {  	v41 =	vand.u32 $0x7E, v41;
	v44 =	vor.u32 v44, v54;
	v54 =	vand.u32 $0x1C00, v55;
	v48 =	vld.idx.msk [tilespmem:v48+s22+$0x0], $0xffff  }
0x243: {  	v55 =	vshll.u32 v40, $0x3;
	v44 =	vor.u32 v24, v44;
	v54 =	vadd.s32 v26, v54  }
0x244: {  	v40 =	vand.u32 $0x7F, v40;
	v41 =	vor.u32 v41, v54;
	v54 =	vand.u32 $0x1C00, v55;
	v46 =	vld.idx.msk [tilespmem:v46+s22+$0x0], $0xffff  }
0x245: {  	v39 =	vshll.u32 v39, $0x3;
	v41 =	vor.u32 v24, v41;
	v54 =	vadd.s32 v26, v54  }
0x246: {  	v39 =	vand.u32 $0x1C00, v39;
	v40 =	vor.u32 v40, v54;
	v49 =	vadd.f32 v51, v49;
	v45 =	vld.idx.msk [tilespmem:v45+s22+$0x0], $0xffff  }
0x247: {  	v38 =	vshll.u32 v38, $0x3;
	v39 =	vadd.s32 v26, v39;
	v40 =	vor.u32 v24, v40  }
0x248: {  	v38 =	vand.u32 $0x1C00, v38;
	v39 =	vor.u32 v56, v39;
	v48 =	vadd.f32 v48, v49;
	v44 =	vld.idx.msk [tilespmem:v44+s22+$0x0], $0xffff  }
0x249: {  	v37 =	vshll.u32 v37, $0x3;
	v38 =	vadd.s32 v26, v38;
	v39 =	vor.u32 v24, v39  }
0x24a: {  	v37 =	vand.u32 $0x1C00, v37;
	v38 =	vor.u32 v47, v38;
	v46 =	vadd.f32 v46, v48;
	v41 =	vld.idx.msk [tilespmem:v41+s22+$0x0], $0xffff  }
0x24b: {  	v36 =	vshll.u32 v36, $0x3;
	v37 =	vadd.s32 v26, v37;
	v38 =	vor.u32 v24, v38  }
0x24c: {  	v36 =	vand.u32 $0x1C00, v36;
	v37 =	vor.u32 v50, v37;
	v45 =	vadd.f32 v45, v46;
	v40 =	vld.idx.msk [tilespmem:v40+s22+$0x0], $0xffff  }
0x24d: {  	v35 =	vshll.u32 v35, $0x3;
	v36 =	vadd.s32 v26, v36;
	v37 =	vor.u32 v24, v37  }
0x24e: {  	v35 =	vand.u32 $0x1C00, v35;
	v36 =	vor.u32 v53, v36;
	v44 =	vadd.f32 v44, v45;
	v39 =	vld.idx.msk [tilespmem:v39+s22+$0x0], $0xffff  }
0x24f: {  	v33 =	vshll.u32 v33, $0x3;
	v35 =	vadd.s32 v26, v35;
	v36 =	vor.u32 v24, v36  }
0x250: {  	v33 =	vand.u32 $0x1C00, v33;
	v35 =	vor.u32 v52, v35;
	v41 =	vadd.f32 v41, v44;
	v38 =	vld.idx.msk [tilespmem:v38+s22+$0x0], $0xffff  }
0x251: {  	v31 =	vshll.u32 v31, $0x3;
	v33 =	vadd.s32 v26, v33;
	v35 =	vor.u32 v24, v35  }
0x252: {  	v31 =	vand.u32 $0x1C00, v31;
	v33 =	vor.u32 v43, v33;
	v40 =	vadd.f32 v40, v41;
	v37 =	vld.idx.msk [tilespmem:v37+s22+$0x0], $0xffff  }
0x253: {  	v29 =	vshll.u32 v29, $0x3;
	v31 =	vadd.s32 v26, v31;
	v33 =	vor.u32 v24, v33  }
0x254: {  	v29 =	vand.u32 $0x1C00, v29;
	v31 =	vor.u32 v42, v31;
	v39 =	vadd.f32 v39, v40;
	v36 =	vld.idx.msk [tilespmem:v36+s22+$0x0], $0xffff  }
0x255: {  	v27 =	vshll.u32 v27, $0x3;
	v29 =	vadd.s32 v26, v29;
	v31 =	vor.u32 v24, v31  }
0x256: {  	v27 =	vand.u32 $0x1C00, v27;
	v29 =	vor.u32 v34, v29;
	v38 =	vadd.f32 v38, v39;
	v35 =	vld.idx.msk [tilespmem:v35+s22+$0x0], $0xffff  }
0x257: {  	v25 =	vshll.u32 v25, $0x3;
	v27 =	vadd.s32 v26, v27;
	v29 =	vor.u32 v24, v29  }
0x258: {  	v25 =	vand.u32 $0x1C00, v25;
	v27 =	vor.u32 v32, v27;
	v34 =	vadd.f32 v37, v38;
	v33 =	vld.idx.msk [tilespmem:v33+s22+$0x0], $0xffff  }
0x259: {  	v23 =	vshll.u32 v23, $0x3;
	v25 =	vadd.s32 v26, v25;
	v27 =	vor.u32 v24, v27  }
0x25a: {  	v23 =	vand.u32 $0x1C00, v23;
	v25 =	vor.u32 v30, v25;
	v32 =	vadd.f32 v36, v34;
	v31 =	vld.idx.msk [tilespmem:v31+s22+$0x0], $0xffff  }
0x25b: {  	v23 =	vadd.s32 v26, v23;
	v30 =	vshll.u32 v22, $0x3;
	v25 =	vor.u32 v24, v25  }
0x25c: {  	v23 =	vor.u32 v28, v23;
	v28 =	vand.u32 $0x1C00, v30;
	v32 =	vadd.f32 v35, v32;
	v29 =	vld.idx.msk [tilespmem:v29+s22+$0x0], $0xffff  }
0x25d: {  	v22 =	vand.u32 $0x7F, v22;
	v30 =	vor.u32 v24, v23;
	v23 =	vadd.s32 v26, v28  }
0x25e: {  	s14 =	sand.u32 $0x1, s12;
	s3 =	sshrl.u32 s12, $0x1;
	v22 =	vor.u32 v22, v23;
	v26 =	vadd.f32 v33, v32;
	v28 =	vld.idx.msk [tilespmem:v27+s22+$0x0], $0xffff  }
0x25f: {  	s7 =	smul.u32 $0x140, s14;
	v23 =	vmov s3;
	v24 =	vor.u32 v24, v22  }
0x260: {  	s3 =	sshll.u32 s10, $0x4;
	s10 =	smov.u32 s14;
	v32 =	vshrl.u32 v23, $0x3;
	v27 =	vshll.u32 v23, $0x7;
	v26 =	vadd.f32 v31, v26;
	v34 =	vld.idx.msk [tilespmem:v25+s22+$0x0], $0xffff  }
0x261: {  	v42 =	vor.u32 s3, v21;
	v22 =	vadd.s32 s7, v20;
	v23 =	vadd.s32 s7, v19;
	v21 =	vmovc v27  }
0x262: {  	v27 =	vadd.s32 s7, v17;
	v25 =	vadd.s32 s7, v18;
	v26 =	vadd.f32 v29, v26;
	v30 =	vld.idx.msk [tilespmem:v30+s22+$0x0], $0xffff  }
0x263: {  	v33 =	vadd.s32 s7, v14;
	v31 =	vadd.s32 s7, v15;
	v29 =	vadd.s32 s7, v16  }
0x264: {  	v36 =	vadd.s32 s7, v12;
	v35 =	vadd.s32 s7, v13;
	v26 =	vadd.f32 v28, v26;
	v43 =	vld.idx.msk [tilespmem:v24+s22+$0x0], $0xffff  }
0x265: {  	v39 =	vadd.s32 s7, v9;
	v38 =	vadd.s32 s7, v10;
	v37 =	vadd.s32 s7, v11  }
0x266: {  	v41 =	vadd.s32 s7, v7;
	v40 =	vadd.s32 s7, v8;
	v26 =	vadd.f32 v34, v26  }
.Ltmp0:
0x267: {  	v47 =	vor.u32 v0, v42;
	v45 =	vadd.s32 s7, v5;
	v44 =	vadd.s32 s7, v6;
	(pc) =	sbr.rel @p0 .LBB2_2-.Ltmp0, $4  }
0x268: {  	v46 =	vadd.s32 s7, v4;
	v24 =	vand.u32 $0x380, v21;
	v30 =	vadd.f32 v30, v26  }
0x269: {  	v49 =	vadd.s32 s7, v1;
	v48 =	vadd.s32 s7, v3;
	v26 =	vmul.u32 $0x1400, v32  }
0x26a: {  	v51 =	vadd.s32 s7, v2;
	v28 =	vand.u32 $0x7E, v23;
	v50 =	vadd.f32 v43, v30  }
0x26b: {  	s12 =	sadd.s32 $0x1, s12;
	v34 =	vand.u32 $0x7F, v29;
	v32 =	vand.u32 $0x7C, v27;
	v30 =	vand.u32 $0x7D, v25  }
0x26c: {  	v42 =	vand.u32 $0x7C, v35;
	v43 =	vand.u32 $0x7D, v33;
	v52 =	vand.u32 $0x7E, v31  }
0x26d: {  	v53 =	vand.u32 $0x7D, v38;
	v54 =	vand.u32 $0x7E, v37;
	v55 =	vshll.u32 v51, $0x3  }
0x26e: {  	v56 =	vand.u32 $0x7F, v36;
	v57 =	vshll.u32 v49, $0x3;
	v63 =	vand.u32 $0x7D, v51  }
0x26f: {  	v60 =	vand.u32 $0x7C, v49;
	v61 =	vand.u32 $0x7E, v48;
	v62 =	vshll.u32 v48, $0x3  }
0x270: {  	v58 =	vshll.u32 v44, $0x3;
	v59 =	vand.u32 $0x7D, v44;
	v55 =	vand.u32 $0x1C00, v55  }
0x271: {  	v57 =	vand.u32 $0x1C00, v57;
	v48 =	vand.u32 $0x1C00, v62;
	v55 =	vadd.s32 v26, v55  }
0x272: {  	v62 =	vshll.u32 v45, $0x3;
	v57 =	vadd.s32 v26, v57;
	v51 =	vor.u32 v63, v55  }
0x273: {  	v48 =	vadd.s32 v26, v48;
	v49 =	vor.u32 v60, v57;
	v51 =	vor.u32 v24, v51  }
0x274: {  	v63 =	vshll.u32 v46, $0x3;
	v48 =	vor.u32 v61, v48;
	v49 =	vor.u32 v24, v49  }
0x275: {  	v60 =	vand.u32 $0x7F, v46;
	v55 =	vand.u32 $0x1C00, v62;
	v57 =	vand.u32 $0x1C00, v63  }
0x276: {  	v62 =	vand.u32 $0x7E, v41;
	v48 =	vor.u32 v24, v48;
	v61 =	vadd.s32 v26, v57  }
0x277: {  	[tilespmem:v47+s5+$0x0] =	vst.idx.msk $0xffff, v50;
	v63 =	vand.u32 $0x7C, v45;
	v55 =	vadd.s32 v26, v55;
	v46 =	vor.u32 v60, v61  }
0x278: {  	v57 =	vand.u32 $0x7C, v39;
	v45 =	vor.u32 v63, v55;
	v46 =	vor.u32 v24, v46;
	v51 =	vld.idx.msk [tilespmem:v51+s22+$0x0], $0xffff  }
0x279: {  	v55 =	vshll.u32 v40, $0x3;
	v60 =	vand.u32 $0x1C00, v58;
	v45 =	vor.u32 v24, v45;
	v49 =	vld.idx.msk [tilespmem:v49+s22+$0x0], $0xffff  }
0x27a: {  	v61 =	vshll.u32 v41, $0x3;
	v58 =	vand.u32 $0x7F, v40;
	v47 =	vadd.s32 v26, v60  }
0x27b: {  	v63 =	vand.u32 $0x1C00, v61;
	v60 =	vshll.u32 v39, $0x3;
	v44 =	vor.u32 v59, v47;
	v48 =	vld.idx.msk [tilespmem:v48+s22+$0x0], $0xffff  }
0x27c: {  	v61 =	vshll.u32 v38, $0x3;
	v47 =	vadd.s32 v26, v63;
	v44 =	vor.u32 v24, v44  }
0x27d: {  	v59 =	vand.u32 $0x1C00, v55;
	v39 =	vand.u32 $0x1C00, v60;
	v41 =	vor.u32 v62, v47;
	v46 =	vld.idx.msk [tilespmem:v46+s22+$0x0], $0xffff  }
0x27e: {  	v47 =	vadd.s32 v26, v59;
	v41 =	vor.u32 v24, v41;
	v49 =	vadd.f32 v51, v49  }
0x27f: {  	v38 =	vand.u32 $0x1C00, v61;
	v63 =	vshll.u32 v37, $0x3;
	v40 =	vor.u32 v58, v47;
	v45 =	vld.idx.msk [tilespmem:v45+s22+$0x0], $0xffff  }
0x280: {  	v39 =	vadd.s32 v26, v39;
	v40 =	vor.u32 v24, v40;
	v62 =	vadd.f32 v48, v49  }
0x281: {  	v38 =	vadd.s32 v26, v38;
	v37 =	vand.u32 $0x1C00, v63;
	v39 =	vor.u32 v57, v39;
	v44 =	vld.idx.msk [tilespmem:v44+s22+$0x0], $0xffff  }
0x282: {  	v38 =	vor.u32 v53, v38;
	v39 =	vor.u32 v24, v39;
	v46 =	vadd.f32 v46, v62  }
0x283: {  	v50 =	vshll.u32 v33, $0x3;
	v37 =	vadd.s32 v26, v37;
	v38 =	vor.u32 v24, v38;
	v41 =	vld.idx.msk [tilespmem:v41+s22+$0x0], $0xffff  }
0x284: {  	v37 =	vor.u32 v54, v37;
	v48 =	vshll.u32 v36, $0x3;
	v45 =	vadd.f32 v45, v46  }
0x285: {  	v29 =	vshll.u32 v29, $0x3;
	v37 =	vor.u32 v24, v37;
	v40 =	vld.idx.msk [tilespmem:v40+s22+$0x0], $0xffff;
	v36 =	vand.u32 $0x1C00, v48  }
0x286: {  	v49 =	vshll.u32 v35, $0x3;
	v36 =	vadd.s32 v26, v36;
	v44 =	vadd.f32 v44, v45  }
0x287: {  	v33 =	vand.u32 $0x1C00, v50;
	v39 =	vld.idx.msk [tilespmem:v39+s22+$0x0], $0xffff;
	v35 =	vand.u32 $0x1C00, v49;
	v36 =	vor.u32 v56, v36  }
0x288: {  	v35 =	vadd.s32 v26, v35;
	v36 =	vor.u32 v24, v36;
	v41 =	vadd.f32 v41, v44  }
0x289: {  	v27 =	vshll.u32 v27, $0x3;
	v33 =	vadd.s32 v26, v33;
	v38 =	vld.idx.msk [tilespmem:v38+s22+$0x0], $0xffff;
	v35 =	vor.u32 v42, v35  }
0x28a: {  	v51 =	vshll.u32 v31, $0x3;
	v35 =	vor.u32 v24, v35;
	v40 =	vadd.f32 v40, v41  }
0x28b: {  	v25 =	vshll.u32 v25, $0x3;
	v33 =	vor.u32 v43, v33;
	v31 =	vand.u32 $0x1C00, v51;
	v37 =	vld.idx.msk [tilespmem:v37+s22+$0x0], $0xffff  }
0x28c: {  	v33 =	vor.u32 v24, v33;
	v31 =	vadd.s32 v26, v31;
	v39 =	vadd.f32 v39, v40  }
0x28d: {  	v23 =	vshll.u32 v23, $0x3;
	v29 =	vand.u32 $0x1C00, v29;
	v31 =	vor.u32 v52, v31;
	v36 =	vld.idx.msk [tilespmem:v36+s22+$0x0], $0xffff  }
0x28e: {  	v29 =	vadd.s32 v26, v29;
	v31 =	vor.u32 v24, v31;
	v38 =	vadd.f32 v38, v39  }
0x28f: {  	v27 =	vand.u32 $0x1C00, v27;
	v25 =	vand.u32 $0x1C00, v25;
	v29 =	vor.u32 v34, v29;
	v53 =	vld.idx.msk [tilespmem:v35+s22+$0x0], $0xffff  }
0x290: {  	v27 =	vadd.s32 v26, v27;
	v29 =	vor.u32 v24, v29;
	v54 =	vadd.f32 v37, v38  }
0x291: {  	v23 =	vand.u32 $0x1C00, v23;
	v25 =	vadd.s32 v26, v25;
	v27 =	vor.u32 v32, v27;
	v55 =	vld.idx.msk [tilespmem:v33+s22+$0x0], $0xffff  }
0x292: {  	v23 =	vadd.s32 v26, v23;
	v27 =	vor.u32 v24, v27;
	v56 =	vadd.f32 v36, v54  }
0x293: {  	v25 =	vor.u32 v30, v25;
	v23 =	vor.u32 v28, v23;
	v57 =	vld.idx.msk [tilespmem:v31+s22+$0x0], $0xffff  }
0x294: {  	v25 =	vor.u32 v24, v25;
	v58 =	vshll.u32 v22, $0x3;
	v33 =	vadd.f32 v53, v56  }
0x295: {  	v23 =	vor.u32 v24, v23;
	v59 =	vld.idx.msk [tilespmem:v29+s22+$0x0], $0xffff;
	v60 =	vand.u32 $0x1C00, v58  }
0x296: {  	v22 =	vand.u32 $0x7F, v22;
	v61 =	vadd.s32 v26, v60;
	v62 =	vadd.f32 v55, v33  }
0x297: {  	v27 =	vld.idx.msk [tilespmem:v27+s22+$0x0], $0xffff;
	v22 =	vor.u32 v22, v61  }
0x298: {  	v22 =	vor.u32 v24, v22;
	v63 =	vadd.f32 v57, v62  }
0x299: {  	v25 =	vld.idx.msk [tilespmem:v25+s22+$0x0], $0xffff  }
0x29a: {  	v24 =	vadd.f32 v59, v63  }
0x29b: {  	v23 =	vld.idx.msk [tilespmem:v23+s22+$0x0], $0xffff  }
0x29c: {  	v24 =	vadd.f32 v27, v24  }
0x29d: {  	s3 =	sshll.u32 s10, $0x4;
	v22 =	vld.idx.msk [tilespmem:v22+s22+$0x0], $0xffff  }
0x29e: {  	v21 =	vor.u32 s3, v21;
	v24 =	vadd.f32 v25, v24  }
0x29f: {  	v21 =	vor.u32 v0, v21  }
0x2a0: {  	v23 =	vadd.f32 v23, v24;
	_ =	sdelay $0x1  }
0x2a1: {  	v22 =	vadd.f32 v22, v23;
	_ =	sdelay $0x1  }
0x2a2: {  	s10 =	rddreg [dreg:$0x17];
	[tilespmem:v21+s5+$0x0] =	vst.idx.msk $0xffff, v22  }
0x2a3: {  	[hbm4b:s10+s2] =	stream.linear.scatter [tilespmem:s5], [sflag:$0x2], $0x800, $0x38;
	[tilespmem:$0x3B00] =	vst v63  }
0x2a4: {  	_ =	swait.ge [sflag:s16], $0x800  }
0x2a5: {  	[sflag:s16] =	ssyncset.done $0x0  }
0x2a6: {  	s10 =	simm.s32 $0x2B00;
	s12 =	rddreg [dreg:$0x18];
	[sflag:s16] =	ssyncadd.s32 $0xFFFFF800  }
0x2a7: {  	[hbm4b:s12+s2] =	stream.linear.scatter [tilespmem:s10], [sflag:$0x2], $0x800, $0x38;
	[tilespmem:$0x3B00] =	vst v63  }
0x2a8: {  	_ =	swait.ge [sflag:s16], $0x800  }
0x2a9: {  	s8 =	sadd.s32 $0x1, s8;
	s14 =	rddreg [dreg:$0x19]  }
0x2aa: {  	p0 =	sne.s32 s8, s14  }
.Ltmp1:
0x2ab: {  	_ = 	snop;
	(pc) =	sbr.rel @p0 .LBB2_1-.Ltmp1, $3  }
0x2ac: {  	_ =	sdelay $0x1  }
0x2ad: {  	[sflag:s16] =	ssyncset.done $0x0  }
0x2ae: {  	[sflag:s16] =	ssyncadd.s32 $0xFFFFF800  }
0x2af: {  	_ =	sfence.sel $0x180000  }
0x2b0: {  	[bflag:$0x0] =	sbarrier.arrive $0xFFFF  }
0x2b1: {  	_ =	strace $0x90000047  }
0x2b2: {  	s0 =	stileid.u32;
	[bflag:$0x2] =	sbarrier.arrive $0xFFFF  }
0x2b3: {  	p0 =	sne.s32 s0, $0x0;
	s0 =	rddreg [dreg:$0x2]  }
0x2b4: {  	s0 =	sadd.s32 @!p0 $0x100000, s0  }
0x2b5: {  	[sflag:s0] =	ssyncadd.tile.s32 @!p0 $0x1;
	_ =	shalt  }
.Lfunc_end2:
_tile_overlayer_lowered:
.L_overlay_start_2:
0x2b6: {  	(tag) =	ssettag $0x2  }
0x2b7: {  	s0 =	rddreg [dreg:$0x0];
	s2 =	stileid.u32  }
0x2b8: {  	s1 =	rddreg [dreg:$0x1];
	p0 =	sne.s32 s2, $0x0  }
0x2b9: {  	s3 =	rddreg [dreg:$0x2];
	[bflag:$0x3] =	sbarrier.arrive $0xFFFF;
	s2 =	simm.s32 @!p0 $0x1C02  }
0x2ba: {  	[timem:s3], [sflag:s2] =	dma.local @!p0 [hbm:s0], s1  }
0x2bb: {  	s0 =	simm.s32 @!p0 $0x2  }
0x2bc: {  	_ =	swait.ge @!p0 [sflag:s0], s1  }
0x2bd: {  	s1 =	ssub.s32 @!p0 $0x0, s1;
	[sflag:s0] =	ssyncset.done @!p0 $0x0  }
0x2be: {  	[sflag:s0] =	ssyncadd.s32 @!p0 s1  }
0x2bf: {  	[bflag:$0x3] =	sbarrier.arrive $0xFFFF  }
0x2c0: {  	_ =	shalt  }

</sc_bundles>
